<compile_context>
chip_gen: v7x
topology: tpu7x:2x2x1
jax: 0.10.2.dev20260603
libtpu: 0.0.44.dev20260713+nightly
codegen_flags: <defaults>
</compile_context>

<pallas_src>
import functools

import jax
import jax.numpy as jnp
from jax.experimental import pallas as pl
from jax.experimental.pallas import tpu as pltpu
from jax.experimental.pallas import tpu_sc as plsc

_B, _N, _OBS = 64, 512, 128
_H, _OUT, _K = 256, 64, 16
_NC, _NS, _L = 2, 16, 16
_NW = _NC * _NS
_BIGF = 3.4e38


_GTR_DNUMS = jax.lax.GatherDimensionNumbers(
    offset_dims=(), collapsed_slice_dims=(0,), start_index_map=(0,))


def _vsplat(v, idx):
    return jax.lax.gather(
        v, idx[:, None], _GTR_DNUMS, slice_sizes=(1,),
        mode=jax.lax.GatherScatterMode.PROMISE_IN_BOUNDS)


def _merge16(ak, av, bk, bv):
    rbk = jax.lax.rev(bk, (0,))
    rbv = jax.lax.rev(bv, (0,))
    take_a = ak <= rbk
    lk = jnp.minimum(ak, rbk)
    lv = jnp.where(take_a, av, rbv)
    return plsc.sort_key_val(lk, lv)


def _sc_body(posx_hbm, posy_hbm, out_hbm, posx_v, posy_v, mask_v):
    wid = jax.lax.axis_index("s") * _NC + jax.lax.axis_index("c")
    lane = jax.lax.iota(jnp.int32, _L)
    zero_v = jnp.zeros((_L,), jnp.int32)

    for bb in range(2):
        b = wid * 2 + bb
        pltpu.sync_copy(posx_hbm.at[b], posx_v)
        pltpu.sync_copy(posy_hbm.at[b], posy_v)

        def _zero(i, c):
            mask_v[pl.ds(i * _L, _L)] = zero_v
            return c

        jax.lax.fori_loop(0, 16 * _N // _L, _zero, None)

        @plsc.parallel_loop(0, _N, unroll=4)
        def _column(r):
            rsplat = jnp.full((_L,), r, jnp.int32)
            j0 = r // _L
            lsplat = jnp.full((_L,), r - j0 * _L, jnp.int32)
            vx = posx_v[pl.ds(j0 * _L, _L)]
            vy = posy_v[pl.ds(j0 * _L, _L)]
            pxr = _vsplat(vx, lsplat)
            pyr = _vsplat(vy, lsplat)

            def _leaf(j):
                cx = posx_v[pl.ds(j * _L, _L)]
                cy = posy_v[pl.ds(j * _L, _L)]
                dx = cx - pxr
                dy = cy - pyr
                cind = lane + j * _L
                d = jnp.where(cind == rsplat, _BIGF, dx * dx + dy * dy)
                return plsc.sort_key_val(d, cind)

            def _tree(lo, hi):
                if hi - lo == 1:
                    return _leaf(lo)
                mid = (lo + hi) // 2
                ak, av = _tree(lo, mid)
                bk, bv = _tree(mid, hi)
                return _merge16(ak, av, bk, bv)

            _, tv = _tree(0, _N // _L)
            bits = jnp.int32(1) << (tv & 31)
            addr = (tv >> 5) * _N + rsplat
            plsc.addupdate_scatter(mask_v, [addr], bits)
            sbits = jnp.int32(1) << (rsplat & 31)
            saddr = (rsplat >> 5) * _N + rsplat
            plsc.addupdate_scatter(mask_v, [saddr], sbits, mask=lane == 0)

        pltpu.sync_copy(mask_v, out_hbm.at[b])


_sc_knn = functools.partial(
    pl.kernel,
    mesh=plsc.VectorSubcoreMesh(core_axis_name="c", subcore_axis_name="s"),
    out_type=jax.ShapeDtypeStruct((_B, 16 * _N), jnp.int32),
    scratch_types=[
        pltpu.VMEM((_N,), jnp.float32),
        pltpu.VMEM((_N,), jnp.float32),
        pltpu.VMEM((16 * _N,), jnp.int32),
    ],
    compiler_params=pltpu.CompilerParams(needs_layout_passes=False),
)(_sc_body)


def _gnn_body(obs_ref, m_ref, w1_ref, b1_ref, w2_ref, b2_ref, wo_ref,
              bo_ref, out_ref):
    x = obs_ref[0]
    shifts = jax.lax.broadcasted_iota(jnp.int32, (32, 1), 0)
    rows = []
    for w in range(16):
        wrow = m_ref[0, w:w + 1, :]
        rows.append((wrow >> shifts) & 1)
    s = jnp.concatenate(rows, axis=0).astype(jnp.float32)
    deg = jnp.sum(s, axis=1, keepdims=True)
    dinv = jax.lax.rsqrt(deg)

    h1 = jnp.dot(x, w1_ref[...], preferred_element_type=jnp.float32)
    g1 = dinv * jnp.dot(s, dinv * h1,
                        preferred_element_type=jnp.float32) + b1_ref[...]
    x1 = jnp.tanh(g1)
    h2 = jnp.dot(x1, w2_ref[...], preferred_element_type=jnp.float32)
    g2 = dinv * jnp.dot(s, dinv * h2,
                        preferred_element_type=jnp.float32) + b2_ref[...]
    x2 = jnp.tanh(g2)
    out_ref[0] = jnp.dot(x2, wo_ref[...],
                         preferred_element_type=jnp.float32) + bo_ref[...]


@jax.jit
def kernel(agent_observations, W1, b1, W2, b2, W_out, b_out):
    obs = agent_observations.astype(jnp.float32)
    batch, n, obs_dim = obs.shape
    hidden = W1.shape[1]
    out_dim = W_out.shape[1]

    posx = obs[:, :, 0]
    posy = obs[:, :, 1]
    mask = _sc_knn(posx, posy).reshape(batch, 16, n)

    const = lambda b: (0, 0)
    return pl.pallas_call(
        _gnn_body,
        grid=(batch,),
        in_specs=[
            pl.BlockSpec((1, n, obs_dim), lambda b: (b, 0, 0)),
            pl.BlockSpec((1, 16, n), lambda b: (b, 0, 0)),
            pl.BlockSpec((obs_dim, hidden), const),
            pl.BlockSpec((1, hidden), const),
            pl.BlockSpec((hidden, hidden), const),
            pl.BlockSpec((1, hidden), const),
            pl.BlockSpec((hidden, out_dim), const),
            pl.BlockSpec((1, out_dim), const),
        ],
        out_specs=pl.BlockSpec((1, n, out_dim), lambda b: (b, 0, 0)),
        out_shape=jax.ShapeDtypeStruct((batch, n, out_dim), jnp.float32),
        compiler_params=pltpu.CompilerParams(
            dimension_semantics=("arbitrary",),
        ),
    )(obs, mask, W1, b1.reshape(1, hidden), W2, b2.reshape(1, hidden),
      W_out, b_out.reshape(1, out_dim))

# --- scband reference (transcript-rebuilt; emitter-appended) ---
"""Pipeline reference for scband-gnnactor-29661044146778 (READ-ONLY COPY).

The authoritative reference and input builder live on the scoring server;
editing this copy changes nothing except your own understanding.
"""

import jax, jax.numpy as jnp
import numpy as np

B, N_AGENTS, OBS_DIM = 64, 512, 128
HIDDEN, OUT_DIM, K = 256, 64, 16


def setup_inputs(seed: int = 0) -> dict:
    key = jax.random.key(seed)
    ks = jax.random.split(key, 8)
    obs = jax.random.normal(ks[0], (B, N_AGENTS, OBS_DIM), dtype=jnp.float32)
    W1 = jax.random.normal(ks[1], (OBS_DIM, HIDDEN), dtype=jnp.float32) * (1.0 / np.sqrt(OBS_DIM))
    b1 = jnp.zeros((HIDDEN,), jnp.float32)
    W2 = jax.random.normal(ks[2], (HIDDEN, HIDDEN), dtype=jnp.float32) * (1.0 / np.sqrt(HIDDEN))
    b2 = jnp.zeros((HIDDEN,), jnp.float32)
    W_out = jax.random.normal(ks[3], (HIDDEN, OUT_DIM), dtype=jnp.float32) * (1.0 / np.sqrt(HIDDEN))
    b_out = jnp.zeros((OUT_DIM,), jnp.float32)
    return {"agent_observations": obs, "W1": W1, "b1": b1, "W2": W2, "b2": b2, "W_out": W_out, "b_out": b_out}


def _build_edges(obs):
    # pos_indices = slice(0, 2)
    batch, n_agents, _ = obs.shape
    pos = obs[:, :, 0:2]
    diff = pos[:, :, None, :] - pos[:, None, :, :]
    dist = jnp.sqrt(jnp.sum(diff * diff, axis=-1) + 0.0)  # cdist p=2
    # topk smallest (k+1, sorted) == top_k of negated distances
    _, knn_idx = jax.lax.top_k(-dist, K + 1)
    neighbor_idx = knn_idx[..., 1:]  # drop self, [B, n, K]
    source_idx = jnp.broadcast_to(jnp.arange(n_agents)[None, :, None], (batch, n_agents, K))
    offset = (jnp.arange(batch) * n_agents)[:, None]
    row_edge = (source_idx.reshape(batch, -1) + offset).reshape(-1)
    col_edge = (neighbor_idx.reshape(batch, -1) + offset).reshape(-1)
    return row_edge.astype(jnp.int32), col_edge.astype(jnp.int32)


def _gcn_conv(x, row, col, W, b, num_nodes):
    # PyG GCNConv: add self-loops, symmetric normalization, x@W, scatter-add, + bias
    loop = jnp.arange(num_nodes, dtype=row.dtype)
    r = jnp.concatenate([row, loop])
    c = jnp.concatenate([col, loop])
    ew = jnp.ones(r.shape[0], jnp.float32)
    deg = jnp.zeros((num_nodes,), jnp.float32).at[c].add(ew)
    deg_inv_sqrt = jnp.where(deg > 0, deg ** -0.5, 0.0)
    norm = deg_inv_sqrt[r] * deg_inv_sqrt[c]
    h = x @ W
    msg = jnp.take(h, r, axis=0) * norm[:, None]
    out = jnp.zeros((num_nodes, h.shape[1]), jnp.float32).at[c].add(msg)
    return out + b


def reference(agent_observations, W1, b1, W2, b2, W_out, b_out):
    obs = agent_observations.astype(jnp.float32)
    batch, n_agents, obs_dim = obs.shape
    x = obs.reshape(batch * n_agents, obs_dim)
    row, col = _build_edges(obs)
    num_nodes = batch * n_agents
    x = jnp.tanh(_gcn_conv(x, row, col, W1, b1, num_nodes))
    x = jnp.tanh(_gcn_conv(x, row, col, W2, b2, num_nodes))
    agent_outputs = x @ W_out + b_out
    return agent_outputs.reshape(batch, n_agents, -1)

if __name__ == "__main__":
    import jax
    _d = setup_inputs()
    print(jax.jit(kernel)(*tuple(_d.values())))

</pallas_src>

<mosaic_0001>
#map = affine_map<(d0, d1) -> (0, 0)>
module attributes {stable_mosaic.version = 14 : i64} {
  func.func @_sc_body(%arg0: i32, %arg1: i32, %arg2: memref<64x512xf32, #tpu.memory_space<hbm>>, %arg3: memref<64x512xf32, #tpu.memory_space<hbm>>, %arg4: memref<64x8192xi32, #tpu.memory_space<hbm>>, %arg5: memref<512xf32, #tpu.memory_space<vmem>>, %arg6: memref<512xf32, #tpu.memory_space<vmem>>, %arg7: memref<8192xi32, #tpu.memory_space<vmem>>) attributes {dimension_semantics = [#tpu.dimension_semantics<core_parallel>, #tpu.dimension_semantics<subcore_parallel>], iteration_bounds = array<i64: 2, 16>, scalar_prefetch = 0 : i64, scratch_operands = 3 : i64, tpu.core_type = #tpu.core_type<sc_vector_subcore>, window_params = [{transform_indices = #map}, {transform_indices = #map}, {transform_indices = #map}]} {
    %mul3A = arith.constant 2 : i32
    %mul3A_0 = arith.muli %arg1, %mul3A : i32
    %add3A = arith.addi %mul3A_0, %arg0 : i32
    %iota3A = tpu.iota {dimensions = array<i32: 0>} : vector<16xi32>
    %broadcast_in_dim3A = arith.constant 0 : i32
    %broadcast_in_dim3A_1 = vector.broadcast %broadcast_in_dim3A : i32 to vector<16xi32>
    %mul3A_2 = arith.constant 2 : i32
    %mul3A_3 = arith.muli %add3A, %mul3A_2 : i32
    %add3A_4 = arith.constant 0 : i32
    %add3A_5 = arith.addi %mul3A_3, %add3A_4 : i32
    "tpu.region"() ({
      %run_scoped3A = tpu.sem_alloc : memref<!tpu.dma_semaphore, #tpu.memory_space<semaphore_mem>>
      %dma_start3A = arith.constant 0 : i32
      %dma_start3A_24 = tpu.memref_slice %arg2[%add3A_5, %dma_start3A] : memref<64x512xf32, #tpu.memory_space<hbm>> -> memref<1x512xf32, #tpu.memory_space<hbm>>
      %dma_start3A_25 = tpu.memref_squeeze %dma_start3A_24 : memref<1x512xf32, #tpu.memory_space<hbm>> -> memref<512xf32, #tpu.memory_space<hbm>>
      %dma_start3A_26 = arith.constant 0 : i32
      %dma_start3A_27 = tpu.memref_slice %arg2[%add3A_5, %dma_start3A_26] : memref<64x512xf32, #tpu.memory_space<hbm>> -> memref<1x512xf32, #tpu.memory_space<hbm>>
      %dma_start3A_28 = tpu.memref_squeeze %dma_start3A_27 : memref<1x512xf32, #tpu.memory_space<hbm>> -> memref<512xf32, #tpu.memory_space<hbm>>
      tpu.enqueue_dma source(%dma_start3A_28 : memref<512xf32, #tpu.memory_space<hbm>>) target(%arg5 : memref<512xf32, #tpu.memory_space<vmem>>) target_semaphore(%run_scoped3A : memref<!tpu.dma_semaphore, #tpu.memory_space<semaphore_mem>>)
      %dma_wait3A = arith.constant 0 : i32
      %dma_wait3A_29 = tpu.memref_slice %arg2[%add3A_5, %dma_wait3A] : memref<64x512xf32, #tpu.memory_space<hbm>> -> memref<1x512xf32, #tpu.memory_space<hbm>>
      %dma_wait3A_30 = tpu.memref_squeeze %dma_wait3A_29 : memref<1x512xf32, #tpu.memory_space<hbm>> -> memref<512xf32, #tpu.memory_space<hbm>>
      %dma_wait3A_31 = arith.constant 0 : i32
      %dma_wait3A_32 = tpu.memref_slice %arg2[%add3A_5, %dma_wait3A_31] : memref<64x512xf32, #tpu.memory_space<hbm>> -> memref<1x512xf32, #tpu.memory_space<hbm>>
      %dma_wait3A_33 = tpu.memref_squeeze %dma_wait3A_32 : memref<1x512xf32, #tpu.memory_space<hbm>> -> memref<512xf32, #tpu.memory_space<hbm>>
      tpu.wait_dma2 semaphore(%run_scoped3A : memref<!tpu.dma_semaphore, #tpu.memory_space<semaphore_mem>>) src(%dma_wait3A_33 : memref<512xf32, #tpu.memory_space<hbm>>) dst(%arg5 : memref<512xf32, #tpu.memory_space<vmem>>)
      tpu.yield
    }) : () -> ()
    "tpu.region"() ({
      %run_scoped3A = tpu.sem_alloc : memref<!tpu.dma_semaphore, #tpu.memory_space<semaphore_mem>>
      %dma_start3A = arith.constant 0 : i32
      %dma_start3A_24 = tpu.memref_slice %arg3[%add3A_5, %dma_start3A] : memref<64x512xf32, #tpu.memory_space<hbm>> -> memref<1x512xf32, #tpu.memory_space<hbm>>
      %dma_start3A_25 = tpu.memref_squeeze %dma_start3A_24 : memref<1x512xf32, #tpu.memory_space<hbm>> -> memref<512xf32, #tpu.memory_space<hbm>>
      %dma_start3A_26 = arith.constant 0 : i32
      %dma_start3A_27 = tpu.memref_slice %arg3[%add3A_5, %dma_start3A_26] : memref<64x512xf32, #tpu.memory_space<hbm>> -> memref<1x512xf32, #tpu.memory_space<hbm>>
      %dma_start3A_28 = tpu.memref_squeeze %dma_start3A_27 : memref<1x512xf32, #tpu.memory_space<hbm>> -> memref<512xf32, #tpu.memory_space<hbm>>
      tpu.enqueue_dma source(%dma_start3A_28 : memref<512xf32, #tpu.memory_space<hbm>>) target(%arg6 : memref<512xf32, #tpu.memory_space<vmem>>) target_semaphore(%run_scoped3A : memref<!tpu.dma_semaphore, #tpu.memory_space<semaphore_mem>>)
      %dma_wait3A = arith.constant 0 : i32
      %dma_wait3A_29 = tpu.memref_slice %arg3[%add3A_5, %dma_wait3A] : memref<64x512xf32, #tpu.memory_space<hbm>> -> memref<1x512xf32, #tpu.memory_space<hbm>>
      %dma_wait3A_30 = tpu.memref_squeeze %dma_wait3A_29 : memref<1x512xf32, #tpu.memory_space<hbm>> -> memref<512xf32, #tpu.memory_space<hbm>>
      %dma_wait3A_31 = arith.constant 0 : i32
      %dma_wait3A_32 = tpu.memref_slice %arg3[%add3A_5, %dma_wait3A_31] : memref<64x512xf32, #tpu.memory_space<hbm>> -> memref<1x512xf32, #tpu.memory_space<hbm>>
      %dma_wait3A_33 = tpu.memref_squeeze %dma_wait3A_32 : memref<1x512xf32, #tpu.memory_space<hbm>> -> memref<512xf32, #tpu.memory_space<hbm>>
      tpu.wait_dma2 semaphore(%run_scoped3A : memref<!tpu.dma_semaphore, #tpu.memory_space<semaphore_mem>>) src(%dma_wait3A_33 : memref<512xf32, #tpu.memory_space<hbm>>) dst(%arg6 : memref<512xf32, #tpu.memory_space<vmem>>)
      tpu.yield
    }) : () -> ()
    %scan3A = arith.constant 0 : i32
    %scan3A_6 = arith.constant 512 : i32
    %scan3A_7 = arith.addi %scan3A, %scan3A_6 : i32
    %scan3A_8 = arith.constant 1 : i32
    scf.for %scan3A_24 = %scan3A to %scan3A_7 step %scan3A_8  : i32 {
      %mul3A_25 = arith.constant 16 : i32
      %mul3A_26 = arith.muli %scan3A_24, %mul3A_25 : i32
      %swap3A = arith.index_cast %mul3A_26 : i32 to index
      %swap3A_27 = tpu.vector_load %arg7[%swap3A] {strides = array<i32>} : memref<8192xi32, #tpu.memory_space<vmem>>, vector<16xi32>,
      tpu.vector_store %arg7[%swap3A], %broadcast_in_dim3A_1 {strides = array<i32>} : memref<8192xi32, #tpu.memory_space<vmem>>, vector<16xi32>,
    }
    %scan3A_9 = arith.constant 512 : i32
    %parallel_loop3A = arith.constant 0 : i32
    %parallel_loop3A_10 = arith.constant 512 : i32
    %parallel_loop3A_11 = arith.constant 1 : i32
    scf.for %parallel_loop3A_24 = %parallel_loop3A to %parallel_loop3A_10 step %parallel_loop3A_11  : i32 {
      %parallel_loop3A_25 = vector.broadcast %parallel_loop3A_24 : i32 to vector<16xi32>
      %parallel_loop3A_26 = arith.constant 16 : i32
      %parallel_loop3A_27 = arith.divsi %parallel_loop3A_24, %parallel_loop3A_26 : i32
      %parallel_loop3A_28 = arith.constant 0 : i32
      %parallel_loop3A_29 = arith.cmpi sgt, %parallel_loop3A_24, %parallel_loop3A_28 : i32
      %parallel_loop3A_30 = arith.extui %parallel_loop3A_29 : i1 to i32
      %parallel_loop3A_31 = arith.constant 0 : i32
      %parallel_loop3A_32 = arith.cmpi slt, %parallel_loop3A_24, %parallel_loop3A_31 : i32
      %parallel_loop3A_33 = arith.extui %parallel_loop3A_32 : i1 to i32
      %parallel_loop3A_34 = arith.subi %parallel_loop3A_30, %parallel_loop3A_33 : i32
      %parallel_loop3A_35 = arith.constant 0 : i32
      %parallel_loop3A_36 = arith.cmpi sgt, %parallel_loop3A_26, %parallel_loop3A_35 : i32
      %parallel_loop3A_37 = arith.extui %parallel_loop3A_36 : i1 to i32
      %parallel_loop3A_38 = arith.constant 0 : i32
      %parallel_loop3A_39 = arith.cmpi slt, %parallel_loop3A_26, %parallel_loop3A_38 : i32
      %parallel_loop3A_40 = arith.extui %parallel_loop3A_39 : i1 to i32
      %parallel_loop3A_41 = arith.subi %parallel_loop3A_37, %parallel_loop3A_40 : i32
      %parallel_loop3A_42 = arith.cmpi ne, %parallel_loop3A_34, %parallel_loop3A_41 : i32
      %parallel_loop3A_43 = arith.remsi %parallel_loop3A_24, %parallel_loop3A_26 : i32
      %parallel_loop3A_44 = arith.constant 0 : i32
      %parallel_loop3A_45 = arith.cmpi ne, %parallel_loop3A_43, %parallel_loop3A_44 : i32
      %parallel_loop3A_46 = arith.andi %parallel_loop3A_42, %parallel_loop3A_45 : i1
      %parallel_loop3A_47 = arith.constant 1 : i32
      %parallel_loop3A_48 = arith.subi %parallel_loop3A_27, %parallel_loop3A_47 : i32
      %parallel_loop3A_49 = arith.select %parallel_loop3A_46, %parallel_loop3A_48, %parallel_loop3A_27 : i32
      %parallel_loop3A_50 = arith.constant 16 : i32
      %parallel_loop3A_51 = arith.muli %parallel_loop3A_49, %parallel_loop3A_50 : i32
      %parallel_loop3A_52 = arith.subi %parallel_loop3A_24, %parallel_loop3A_51 : i32
      %parallel_loop3A_53 = vector.broadcast %parallel_loop3A_52 : i32 to vector<16xi32>
      %parallel_loop3A_54 = arith.constant 16 : i32
      %parallel_loop3A_55 = arith.muli %parallel_loop3A_49, %parallel_loop3A_54 : i32
      %parallel_loop3A_56 = arith.index_cast %parallel_loop3A_55 : i32 to index
      %parallel_loop3A_57 = tpu.vector_load %arg5[%parallel_loop3A_56] {strides = array<i32>} : memref<512xf32, #tpu.memory_space<vmem>>, vector<16xf32>,
      %parallel_loop3A_58 = arith.constant 16 : i32
      %parallel_loop3A_59 = arith.muli %parallel_loop3A_49, %parallel_loop3A_58 : i32
      %parallel_loop3A_60 = arith.index_cast %parallel_loop3A_59 : i32 to index
      %parallel_loop3A_61 = tpu.vector_load %arg6[%parallel_loop3A_60] {strides = array<i32>} : memref<512xf32, #tpu.memory_space<vmem>>, vector<16xf32>,
      %parallel_loop3A_62 = vector.shape_cast %parallel_loop3A_53 : vector<16xi32> to vector<16x1xi32>
      %parallel_loop3A_63 = vector.shape_cast %parallel_loop3A_62 : vector<16x1xi32> to vector<16xi32>
      %parallel_loop3A_64 = tpu.dynamic_gather %parallel_loop3A_57[%parallel_loop3A_63] in [0] : vector<16xf32>, vector<16xi32> -> vector<16xf32>
      %parallel_loop3A_65 = vector.shape_cast %parallel_loop3A_53 : vector<16xi32> to vector<16x1xi32>
      %parallel_loop3A_66 = vector.shape_cast %parallel_loop3A_65 : vector<16x1xi32> to vector<16xi32>
      %parallel_loop3A_67 = tpu.dynamic_gather %parallel_loop3A_61[%parallel_loop3A_66] in [0] : vector<16xf32>, vector<16xi32> -> vector<16xf32>
      %parallel_loop3A_68 = arith.constant 0 : index
      %parallel_loop3A_69 = tpu.vector_load %arg5[%parallel_loop3A_68] {strides = array<i32>} : memref<512xf32, #tpu.memory_space<vmem>>, vector<16xf32>,
      %parallel_loop3A_70 = arith.constant 0 : index
      %parallel_loop3A_71 = tpu.vector_load %arg6[%parallel_loop3A_70] {strides = array<i32>} : memref<512xf32, #tpu.memory_space<vmem>>, vector<16xf32>,
      %parallel_loop3A_72 = arith.subf %parallel_loop3A_69, %parallel_loop3A_64 : vector<16xf32>
      %parallel_loop3A_73 = arith.subf %parallel_loop3A_71, %parallel_loop3A_67 : vector<16xf32>
      %parallel_loop3A_74 = arith.constant 0 : i32
      %parallel_loop3A_75 = vector.broadcast %parallel_loop3A_74 : i32 to vector<16xi32>
      %parallel_loop3A_76 = arith.addi %iota3A, %parallel_loop3A_75 : vector<16xi32>
      %parallel_loop3A_77 = arith.cmpi eq, %parallel_loop3A_76, %parallel_loop3A_25 : vector<16xi32>
      %parallel_loop3A_78 = arith.mulf %parallel_loop3A_72, %parallel_loop3A_72 : vector<16xf32>
      %parallel_loop3A_79 = arith.mulf %parallel_loop3A_73, %parallel_loop3A_73 : vector<16xf32>
      %parallel_loop3A_80 = arith.addf %parallel_loop3A_78, %parallel_loop3A_79 : vector<16xf32>
      %parallel_loop3A_81 = arith.constant 3.400000e+38 : f32
      %parallel_loop3A_82 = vector.broadcast %parallel_loop3A_81 : f32 to vector<16xf32>
      %parallel_loop3A_83 = arith.select %parallel_loop3A_77, %parallel_loop3A_82, %parallel_loop3A_80 : vector<16xi1>, vector<16xf32>
      %parallel_loop3A_84 = arith.constant dense<true> : vector<16xi1>
      %parallel_loop3A_85, %parallel_loop3A_86, %parallel_loop3A_87 = tpu.sort %parallel_loop3A_83, %parallel_loop3A_76 masked %parallel_loop3A_84 : (vector<16xf32>, vector<16xi32>, vector<16xi1>) -> (vector<16xi1>, vector<16xf32>, vector<16xi32>)
      %parallel_loop3A_88 = arith.constant 16 : index
      %parallel_loop3A_89 = tpu.vector_load %arg5[%parallel_loop3A_88] {strides = array<i32>} : memref<512xf32, #tpu.memory_space<vmem>>, vector<16xf32>,
      %parallel_loop3A_90 = arith.constant 16 : index
      %parallel_loop3A_91 = tpu.vector_load %arg6[%parallel_loop3A_90] {strides = array<i32>} : memref<512xf32, #tpu.memory_space<vmem>>, vector<16xf32>,
      %parallel_loop3A_92 = arith.subf %parallel_loop3A_89, %parallel_loop3A_64 : vector<16xf32>
      %parallel_loop3A_93 = arith.subf %parallel_loop3A_91, %parallel_loop3A_67 : vector<16xf32>
      %parallel_loop3A_94 = arith.constant 16 : i32
      %parallel_loop3A_95 = vector.broadcast %parallel_loop3A_94 : i32 to vector<16xi32>
      %parallel_loop3A_96 = arith.addi %iota3A, %parallel_loop3A_95 : vector<16xi32>
      %parallel_loop3A_97 = arith.cmpi eq, %parallel_loop3A_96, %parallel_loop3A_25 : vector<16xi32>
      %parallel_loop3A_98 = arith.mulf %parallel_loop3A_92, %parallel_loop3A_92 : vector<16xf32>
      %parallel_loop3A_99 = arith.mulf %parallel_loop3A_93, %parallel_loop3A_93 : vector<16xf32>
      %parallel_loop3A_100 = arith.addf %parallel_loop3A_98, %parallel_loop3A_99 : vector<16xf32>
      %parallel_loop3A_101 = arith.constant 3.400000e+38 : f32
      %parallel_loop3A_102 = vector.broadcast %parallel_loop3A_101 : f32 to vector<16xf32>
      %parallel_loop3A_103 = arith.select %parallel_loop3A_97, %parallel_loop3A_102, %parallel_loop3A_100 : vector<16xi1>, vector<16xf32>
      %parallel_loop3A_104 = arith.constant dense<true> : vector<16xi1>
      %parallel_loop3A_105, %parallel_loop3A_106, %parallel_loop3A_107 = tpu.sort %parallel_loop3A_103, %parallel_loop3A_96 masked %parallel_loop3A_104 : (vector<16xf32>, vector<16xi32>, vector<16xi1>) -> (vector<16xi1>, vector<16xf32>, vector<16xi32>)
      %parallel_loop3A_108 = arith.constant 15 : i32
      %parallel_loop3A_109 = vector.broadcast %parallel_loop3A_108 : i32 to vector<16xi32>
      %parallel_loop3A_110 = tpu.iota {dimensions = array<i32: 0>} : vector<16xi32>
      %parallel_loop3A_111 = arith.subi %parallel_loop3A_109, %parallel_loop3A_110 : vector<16xi32>
      %parallel_loop3A_112 = tpu.dynamic_gather %parallel_loop3A_106[%parallel_loop3A_111] in [0] : vector<16xf32>, vector<16xi32> -> vector<16xf32>
      %parallel_loop3A_113 = arith.constant 15 : i32
      %parallel_loop3A_114 = vector.broadcast %parallel_loop3A_113 : i32 to vector<16xi32>
      %parallel_loop3A_115 = tpu.iota {dimensions = array<i32: 0>} : vector<16xi32>
      %parallel_loop3A_116 = arith.subi %parallel_loop3A_114, %parallel_loop3A_115 : vector<16xi32>
      %parallel_loop3A_117 = tpu.dynamic_gather %parallel_loop3A_107[%parallel_loop3A_116] in [0] : vector<16xi32>, vector<16xi32> -> vector<16xi32>
      %parallel_loop3A_118 = arith.cmpf ole, %parallel_loop3A_86, %parallel_loop3A_112 : vector<16xf32>
      %parallel_loop3A_119 = arith.minimumf %parallel_loop3A_86, %parallel_loop3A_112 : vector<16xf32>
      %parallel_loop3A_120 = arith.select %parallel_loop3A_118, %parallel_loop3A_87, %parallel_loop3A_117 : vector<16xi1>, vector<16xi32>
      %parallel_loop3A_121 = arith.constant dense<true> : vector<16xi1>
      %parallel_loop3A_122, %parallel_loop3A_123, %parallel_loop3A_124 = tpu.sort %parallel_loop3A_119, %parallel_loop3A_120 masked %parallel_loop3A_121 : (vector<16xf32>, vector<16xi32>, vector<16xi1>) -> (vector<16xi1>, vector<16xf32>, vector<16xi32>)
      %parallel_loop3A_125 = arith.constant 32 : index
      %parallel_loop3A_126 = tpu.vector_load %arg5[%parallel_loop3A_125] {strides = array<i32>} : memref<512xf32, #tpu.memory_space<vmem>>, vector<16xf32>,
      %parallel_loop3A_127 = arith.constant 32 : index
      %parallel_loop3A_128 = tpu.vector_load %arg6[%parallel_loop3A_127] {strides = array<i32>} : memref<512xf32, #tpu.memory_space<vmem>>, vector<16xf32>,
      %parallel_loop3A_129 = arith.subf %parallel_loop3A_126, %parallel_loop3A_64 : vector<16xf32>
      %parallel_loop3A_130 = arith.subf %parallel_loop3A_128, %parallel_loop3A_67 : vector<16xf32>
      %parallel_loop3A_131 = arith.constant 32 : i32
      %parallel_loop3A_132 = vector.broadcast %parallel_loop3A_131 : i32 to vector<16xi32>
      %parallel_loop3A_133 = arith.addi %iota3A, %parallel_loop3A_132 : vector<16xi32>
      %parallel_loop3A_134 = arith.cmpi eq, %parallel_loop3A_133, %parallel_loop3A_25 : vector<16xi32>
      %parallel_loop3A_135 = arith.mulf %parallel_loop3A_129, %parallel_loop3A_129 : vector<16xf32>
      %parallel_loop3A_136 = arith.mulf %parallel_loop3A_130, %parallel_loop3A_130 : vector<16xf32>
      %parallel_loop3A_137 = arith.addf %parallel_loop3A_135, %parallel_loop3A_136 : vector<16xf32>
      %parallel_loop3A_138 = arith.constant 3.400000e+38 : f32
      %parallel_loop3A_139 = vector.broadcast %parallel_loop3A_138 : f32 to vector<16xf32>
      %parallel_loop3A_140 = arith.select %parallel_loop3A_134, %parallel_loop3A_139, %parallel_loop3A_137 : vector<16xi1>, vector<16xf32>
      %parallel_loop3A_141 = arith.constant dense<true> : vector<16xi1>
      %parallel_loop3A_142, %parallel_loop3A_143, %parallel_loop3A_144 = tpu.sort %parallel_loop3A_140, %parallel_loop3A_133 masked %parallel_loop3A_141 : (vector<16xf32>, vector<16xi32>, vector<16xi1>) -> (vector<16xi1>, vector<16xf32>, vector<16xi32>)
      %parallel_loop3A_145 = arith.constant 48 : index
      %parallel_loop3A_146 = tpu.vector_load %arg5[%parallel_loop3A_145] {strides = array<i32>} : memref<512xf32, #tpu.memory_space<vmem>>, vector<16xf32>,
      %parallel_loop3A_147 = arith.constant 48 : index
      %parallel_loop3A_148 = tpu.vector_load %arg6[%parallel_loop3A_147] {strides = array<i32>} : memref<512xf32, #tpu.memory_space<vmem>>, vector<16xf32>,
      %parallel_loop3A_149 = arith.subf %parallel_loop3A_146, %parallel_loop3A_64 : vector<16xf32>
      %parallel_loop3A_150 = arith.subf %parallel_loop3A_148, %parallel_loop3A_67 : vector<16xf32>
      %parallel_loop3A_151 = arith.constant 48 : i32
      %parallel_loop3A_152 = vector.broadcast %parallel_loop3A_151 : i32 to vector<16xi32>
      %parallel_loop3A_153 = arith.addi %iota3A, %parallel_loop3A_152 : vector<16xi32>
      %parallel_loop3A_154 = arith.cmpi eq, %parallel_loop3A_153, %parallel_loop3A_25 : vector<16xi32>
      %parallel_loop3A_155 = arith.mulf %parallel_loop3A_149, %parallel_loop3A_149 : vector<16xf32>
      %parallel_loop3A_156 = arith.mulf %parallel_loop3A_150, %parallel_loop3A_150 : vector<16xf32>
      %parallel_loop3A_157 = arith.addf %parallel_loop3A_155, %parallel_loop3A_156 : vector<16xf32>
      %parallel_loop3A_158 = arith.constant 3.400000e+38 : f32
      %parallel_loop3A_159 = vector.broadcast %parallel_loop3A_158 : f32 to vector<16xf32>
      %parallel_loop3A_160 = arith.select %parallel_loop3A_154, %parallel_loop3A_159, %parallel_loop3A_157 : vector<16xi1>, vector<16xf32>
      %parallel_loop3A_161 = arith.constant dense<true> : vector<16xi1>
      %parallel_loop3A_162, %parallel_loop3A_163, %parallel_loop3A_164 = tpu.sort %parallel_loop3A_160, %parallel_loop3A_153 masked %parallel_loop3A_161 : (vector<16xf32>, vector<16xi32>, vector<16xi1>) -> (vector<16xi1>, vector<16xf32>, vector<16xi32>)
      %parallel_loop3A_165 = arith.constant 15 : i32
      %parallel_loop3A_166 = vector.broadcast %parallel_loop3A_165 : i32 to vector<16xi32>
      %parallel_loop3A_167 = tpu.iota {dimensions = array<i32: 0>} : vector<16xi32>
      %parallel_loop3A_168 = arith.subi %parallel_loop3A_166, %parallel_loop3A_167 : vector<16xi32>
      %parallel_loop3A_169 = tpu.dynamic_gather %parallel_loop3A_163[%parallel_loop3A_168] in [0] : vector<16xf32>, vector<16xi32> -> vector<16xf32>
      %parallel_loop3A_170 = arith.constant 15 : i32
      %parallel_loop3A_171 = vector.broadcast %parallel_loop3A_170 : i32 to vector<16xi32>
      %parallel_loop3A_172 = tpu.iota {dimensions = array<i32: 0>} : vector<16xi32>
      %parallel_loop3A_173 = arith.subi %parallel_loop3A_171, %parallel_loop3A_172 : vector<16xi32>
      %parallel_loop3A_174 = tpu.dynamic_gather %parallel_loop3A_164[%parallel_loop3A_173] in [0] : vector<16xi32>, vector<16xi32> -> vector<16xi32>
      %parallel_loop3A_175 = arith.cmpf ole, %parallel_loop3A_143, %parallel_loop3A_169 : vector<16xf32>
      %parallel_loop3A_176 = arith.minimumf %parallel_loop3A_143, %parallel_loop3A_169 : vector<16xf32>
      %parallel_loop3A_177 = arith.select %parallel_loop3A_175, %parallel_loop3A_144, %parallel_loop3A_174 : vector<16xi1>, vector<16xi32>
      %parallel_loop3A_178 = arith.constant dense<true> : vector<16xi1>
      %parallel_loop3A_179, %parallel_loop3A_180, %parallel_loop3A_181 = tpu.sort %parallel_loop3A_176, %parallel_loop3A_177 masked %parallel_loop3A_178 : (vector<16xf32>, vector<16xi32>, vector<16xi1>) -> (vector<16xi1>, vector<16xf32>, vector<16xi32>)
      %parallel_loop3A_182 = arith.constant 15 : i32
      %parallel_loop3A_183 = vector.broadcast %parallel_loop3A_182 : i32 to vector<16xi32>
      %parallel_loop3A_184 = tpu.iota {dimensions = array<i32: 0>} : vector<16xi32>
      %parallel_loop3A_185 = arith.subi %parallel_loop3A_183, %parallel_loop3A_184 : vector<16xi32>
      %parallel_loop3A_186 = tpu.dynamic_gather %parallel_loop3A_180[%parallel_loop3A_185] in [0] : vector<16xf32>, vector<16xi32> -> vector<16xf32>
      %parallel_loop3A_187 = arith.constant 15 : i32
      %parallel_loop3A_188 = vector.broadcast %parallel_loop3A_187 : i32 to vector<16xi32>
      %parallel_loop3A_189 = tpu.iota {dimensions = array<i32: 0>} : vector<16xi32>
      %parallel_loop3A_190 = arith.subi %parallel_loop3A_188, %parallel_loop3A_189 : vector<16xi32>
      %parallel_loop3A_191 = tpu.dynamic_gather %parallel_loop3A_181[%parallel_loop3A_190] in [0] : vector<16xi32>, vector<16xi32> -> vector<16xi32>
      %parallel_loop3A_192 = arith.cmpf ole, %parallel_loop3A_123, %parallel_loop3A_186 : vector<16xf32>
      %parallel_loop3A_193 = arith.minimumf %parallel_loop3A_123, %parallel_loop3A_186 : vector<16xf32>
      %parallel_loop3A_194 = arith.select %parallel_loop3A_192, %parallel_loop3A_124, %parallel_loop3A_191 : vector<16xi1>, vector<16xi32>
      %parallel_loop3A_195 = arith.constant dense<true> : vector<16xi1>
      %parallel_loop3A_196, %parallel_loop3A_197, %parallel_loop3A_198 = tpu.sort %parallel_loop3A_193, %parallel_loop3A_194 masked %parallel_loop3A_195 : (vector<16xf32>, vector<16xi32>, vector<16xi1>) -> (vector<16xi1>, vector<16xf32>, vector<16xi32>)
      %parallel_loop3A_199 = arith.constant 64 : index
      %parallel_loop3A_200 = tpu.vector_load %arg5[%parallel_loop3A_199] {strides = array<i32>} : memref<512xf32, #tpu.memory_space<vmem>>, vector<16xf32>,
      %parallel_loop3A_201 = arith.constant 64 : index
      %parallel_loop3A_202 = tpu.vector_load %arg6[%parallel_loop3A_201] {strides = array<i32>} : memref<512xf32, #tpu.memory_space<vmem>>, vector<16xf32>,
      %parallel_loop3A_203 = arith.subf %parallel_loop3A_200, %parallel_loop3A_64 : vector<16xf32>
      %parallel_loop3A_204 = arith.subf %parallel_loop3A_202, %parallel_loop3A_67 : vector<16xf32>
      %parallel_loop3A_205 = arith.constant 64 : i32
      %parallel_loop3A_206 = vector.broadcast %parallel_loop3A_205 : i32 to vector<16xi32>
      %parallel_loop3A_207 = arith.addi %iota3A, %parallel_loop3A_206 : vector<16xi32>
      %parallel_loop3A_208 = arith.cmpi eq, %parallel_loop3A_207, %parallel_loop3A_25 : vector<16xi32>
      %parallel_loop3A_209 = arith.mulf %parallel_loop3A_203, %parallel_loop3A_203 : vector<16xf32>
      %parallel_loop3A_210 = arith.mulf %parallel_loop3A_204, %parallel_loop3A_204 : vector<16xf32>
      %parallel_loop3A_211 = arith.addf %parallel_loop3A_209, %parallel_loop3A_210 : vector<16xf32>
      %parallel_loop3A_212 = arith.constant 3.400000e+38 : f32
      %parallel_loop3A_213 = vector.broadcast %parallel_loop3A_212 : f32 to vector<16xf32>
      %parallel_loop3A_214 = arith.select %parallel_loop3A_208, %parallel_loop3A_213, %parallel_loop3A_211 : vector<16xi1>, vector<16xf32>
      %parallel_loop3A_215 = arith.constant dense<true> : vector<16xi1>
      %parallel_loop3A_216, %parallel_loop3A_217, %parallel_loop3A_218 = tpu.sort %parallel_loop3A_214, %parallel_loop3A_207 masked %parallel_loop3A_215 : (vector<16xf32>, vector<16xi32>, vector<16xi1>) -> (vector<16xi1>, vector<16xf32>, vector<16xi32>)
      %parallel_loop3A_219 = arith.constant 80 : index
      %parallel_loop3A_220 = tpu.vector_load %arg5[%parallel_loop3A_219] {strides = array<i32>} : memref<512xf32, #tpu.memory_space<vmem>>, vector<16xf32>,
      %parallel_loop3A_221 = arith.constant 80 : index
      %parallel_loop3A_222 = tpu.vector_load %arg6[%parallel_loop3A_221] {strides = array<i32>} : memref<512xf32, #tpu.memory_space<vmem>>, vector<16xf32>,
      %parallel_loop3A_223 = arith.subf %parallel_loop3A_220, %parallel_loop3A_64 : vector<16xf32>
      %parallel_loop3A_224 = arith.subf %parallel_loop3A_222, %parallel_loop3A_67 : vector<16xf32>
      %parallel_loop3A_225 = arith.constant 80 : i32
      %parallel_loop3A_226 = vector.broadcast %parallel_loop3A_225 : i32 to vector<16xi32>
      %parallel_loop3A_227 = arith.addi %iota3A, %parallel_loop3A_226 : vector<16xi32>
      %parallel_loop3A_228 = arith.cmpi eq, %parallel_loop3A_227, %parallel_loop3A_25 : vector<16xi32>
      %parallel_loop3A_229 = arith.mulf %parallel_loop3A_223, %parallel_loop3A_223 : vector<16xf32>
      %parallel_loop3A_230 = arith.mulf %parallel_loop3A_224, %parallel_loop3A_224 : vector<16xf32>
      %parallel_loop3A_231 = arith.addf %parallel_loop3A_229, %parallel_loop3A_230 : vector<16xf32>
      %parallel_loop3A_232 = arith.constant 3.400000e+38 : f32
      %parallel_loop3A_233 = vector.broadcast %parallel_loop3A_232 : f32 to vector<16xf32>
      %parallel_loop3A_234 = arith.select %parallel_loop3A_228, %parallel_loop3A_233, %parallel_loop3A_231 : vector<16xi1>, vector<16xf32>
      %parallel_loop3A_235 = arith.constant dense<true> : vector<16xi1>
      %parallel_loop3A_236, %parallel_loop3A_237, %parallel_loop3A_238 = tpu.sort %parallel_loop3A_234, %parallel_loop3A_227 masked %parallel_loop3A_235 : (vector<16xf32>, vector<16xi32>, vector<16xi1>) -> (vector<16xi1>, vector<16xf32>, vector<16xi32>)
      %parallel_loop3A_239 = arith.constant 15 : i32
      %parallel_loop3A_240 = vector.broadcast %parallel_loop3A_239 : i32 to vector<16xi32>
      %parallel_loop3A_241 = tpu.iota {dimensions = array<i32: 0>} : vector<16xi32>
      %parallel_loop3A_242 = arith.subi %parallel_loop3A_240, %parallel_loop3A_241 : vector<16xi32>
      %parallel_loop3A_243 = tpu.dynamic_gather %parallel_loop3A_237[%parallel_loop3A_242] in [0] : vector<16xf32>, vector<16xi32> -> vector<16xf32>
      %parallel_loop3A_244 = arith.constant 15 : i32
      %parallel_loop3A_245 = vector.broadcast %parallel_loop3A_244 : i32 to vector<16xi32>
      %parallel_loop3A_246 = tpu.iota {dimensions = array<i32: 0>} : vector<16xi32>
      %parallel_loop3A_247 = arith.subi %parallel_loop3A_245, %parallel_loop3A_246 : vector<16xi32>
      %parallel_loop3A_248 = tpu.dynamic_gather %parallel_loop3A_238[%parallel_loop3A_247] in [0] : vector<16xi32>, vector<16xi32> -> vector<16xi32>
      %parallel_loop3A_249 = arith.cmpf ole, %parallel_loop3A_217, %parallel_loop3A_243 : vector<16xf32>
      %parallel_loop3A_250 = arith.minimumf %parallel_loop3A_217, %parallel_loop3A_243 : vector<16xf32>
      %parallel_loop3A_251 = arith.select %parallel_loop3A_249, %parallel_loop3A_218, %parallel_loop3A_248 : vector<16xi1>, vector<16xi32>
      %parallel_loop3A_252 = arith.constant dense<true> : vector<16xi1>
      %parallel_loop3A_253, %parallel_loop3A_254, %parallel_loop3A_255 = tpu.sort %parallel_loop3A_250, %parallel_loop3A_251 masked %parallel_loop3A_252 : (vector<16xf32>, vector<16xi32>, vector<16xi1>) -> (vector<16xi1>, vector<16xf32>, vector<16xi32>)
      %parallel_loop3A_256 = arith.constant 96 : index
      %parallel_loop3A_257 = tpu.vector_load %arg5[%parallel_loop3A_256] {strides = array<i32>} : memref<512xf32, #tpu.memory_space<vmem>>, vector<16xf32>,
      %parallel_loop3A_258 = arith.constant 96 : index
      %parallel_loop3A_259 = tpu.vector_load %arg6[%parallel_loop3A_258] {strides = array<i32>} : memref<512xf32, #tpu.memory_space<vmem>>, vector<16xf32>,
      %parallel_loop3A_260 = arith.subf %parallel_loop3A_257, %parallel_loop3A_64 : vector<16xf32>
      %parallel_loop3A_261 = arith.subf %parallel_loop3A_259, %parallel_loop3A_67 : vector<16xf32>
      %parallel_loop3A_262 = arith.constant 96 : i32
      %parallel_loop3A_263 = vector.broadcast %parallel_loop3A_262 : i32 to vector<16xi32>
      %parallel_loop3A_264 = arith.addi %iota3A, %parallel_loop3A_263 : vector<16xi32>
      %parallel_loop3A_265 = arith.cmpi eq, %parallel_loop3A_264, %parallel_loop3A_25 : vector<16xi32>
      %parallel_loop3A_266 = arith.mulf %parallel_loop3A_260, %parallel_loop3A_260 : vector<16xf32>
      %parallel_loop3A_267 = arith.mulf %parallel_loop3A_261, %parallel_loop3A_261 : vector<16xf32>
      %parallel_loop3A_268 = arith.addf %parallel_loop3A_266, %parallel_loop3A_267 : vector<16xf32>
      %parallel_loop3A_269 = arith.constant 3.400000e+38 : f32
      %parallel_loop3A_270 = vector.broadcast %parallel_loop3A_269 : f32 to vector<16xf32>
      %parallel_loop3A_271 = arith.select %parallel_loop3A_265, %parallel_loop3A_270, %parallel_loop3A_268 : vector<16xi1>, vector<16xf32>
      %parallel_loop3A_272 = arith.constant dense<true> : vector<16xi1>
      %parallel_loop3A_273, %parallel_loop3A_274, %parallel_loop3A_275 = tpu.sort %parallel_loop3A_271, %parallel_loop3A_264 masked %parallel_loop3A_272 : (vector<16xf32>, vector<16xi32>, vector<16xi1>) -> (vector<16xi1>, vector<16xf32>, vector<16xi32>)
      %parallel_loop3A_276 = arith.constant 112 : index
      %parallel_loop3A_277 = tpu.vector_load %arg5[%parallel_loop3A_276] {strides = array<i32>} : memref<512xf32, #tpu.memory_space<vmem>>, vector<16xf32>,
      %parallel_loop3A_278 = arith.constant 112 : index
      %parallel_loop3A_279 = tpu.vector_load %arg6[%parallel_loop3A_278] {strides = array<i32>} : memref<512xf32, #tpu.memory_space<vmem>>, vector<16xf32>,
      %parallel_loop3A_280 = arith.subf %parallel_loop3A_277, %parallel_loop3A_64 : vector<16xf32>
      %parallel_loop3A_281 = arith.subf %parallel_loop3A_279, %parallel_loop3A_67 : vector<16xf32>
      %parallel_loop3A_282 = arith.constant 112 : i32
      %parallel_loop3A_283 = vector.broadcast %parallel_loop3A_282 : i32 to vector<16xi32>
      %parallel_loop3A_284 = arith.addi %iota3A, %parallel_loop3A_283 : vector<16xi32>
      %parallel_loop3A_285 = arith.cmpi eq, %parallel_loop3A_284, %parallel_loop3A_25 : vector<16xi32>
      %parallel_loop3A_286 = arith.mulf %parallel_loop3A_280, %parallel_loop3A_280 : vector<16xf32>
      %parallel_loop3A_287 = arith.mulf %parallel_loop3A_281, %parallel_loop3A_281 : vector<16xf32>
      %parallel_loop3A_288 = arith.addf %parallel_loop3A_286, %parallel_loop3A_287 : vector<16xf32>
      %parallel_loop3A_289 = arith.constant 3.400000e+38 : f32
      %parallel_loop3A_290 = vector.broadcast %parallel_loop3A_289 : f32 to vector<16xf32>
      %parallel_loop3A_291 = arith.select %parallel_loop3A_285, %parallel_loop3A_290, %parallel_loop3A_288 : vector<16xi1>, vector<16xf32>
      %parallel_loop3A_292 = arith.constant dense<true> : vector<16xi1>
      %parallel_loop3A_293, %parallel_loop3A_294, %parallel_loop3A_295 = tpu.sort %parallel_loop3A_291, %parallel_loop3A_284 masked %parallel_loop3A_292 : (vector<16xf32>, vector<16xi32>, vector<16xi1>) -> (vector<16xi1>, vector<16xf32>, vector<16xi32>)
      %parallel_loop3A_296 = arith.constant 15 : i32
      %parallel_loop3A_297 = vector.broadcast %parallel_loop3A_296 : i32 to vector<16xi32>
      %parallel_loop3A_298 = tpu.iota {dimensions = array<i32: 0>} : vector<16xi32>
      %parallel_loop3A_299 = arith.subi %parallel_loop3A_297, %parallel_loop3A_298 : vector<16xi32>
      %parallel_loop3A_300 = tpu.dynamic_gather %parallel_loop3A_294[%parallel_loop3A_299] in [0] : vector<16xf32>, vector<16xi32> -> vector<16xf32>
      %parallel_loop3A_301 = arith.constant 15 : i32
      %parallel_loop3A_302 = vector.broadcast %parallel_loop3A_301 : i32 to vector<16xi32>
      %parallel_loop3A_303 = tpu.iota {dimensions = array<i32: 0>} : vector<16xi32>
      %parallel_loop3A_304 = arith.subi %parallel_loop3A_302, %parallel_loop3A_303 : vector<16xi32>
      %parallel_loop3A_305 = tpu.dynamic_gather %parallel_loop3A_295[%parallel_loop3A_304] in [0] : vector<16xi32>, vector<16xi32> -> vector<16xi32>
      %parallel_loop3A_306 = arith.cmpf ole, %parallel_loop3A_274, %parallel_loop3A_300 : vector<16xf32>
      %parallel_loop3A_307 = arith.minimumf %parallel_loop3A_274, %parallel_loop3A_300 : vector<16xf32>
      %parallel_loop3A_308 = arith.select %parallel_loop3A_306, %parallel_loop3A_275, %parallel_loop3A_305 : vector<16xi1>, vector<16xi32>
      %parallel_loop3A_309 = arith.constant dense<true> : vector<16xi1>
      %parallel_loop3A_310, %parallel_loop3A_311, %parallel_loop3A_312 = tpu.sort %parallel_loop3A_307, %parallel_loop3A_308 masked %parallel_loop3A_309 : (vector<16xf32>, vector<16xi32>, vector<16xi1>) -> (vector<16xi1>, vector<16xf32>, vector<16xi32>)
      %parallel_loop3A_313 = arith.constant 15 : i32
      %parallel_loop3A_314 = vector.broadcast %parallel_loop3A_313 : i32 to vector<16xi32>
      %parallel_loop3A_315 = tpu.iota {dimensions = array<i32: 0>} : vector<16xi32>
      %parallel_loop3A_316 = arith.subi %parallel_loop3A_314, %parallel_loop3A_315 : vector<16xi32>
      %parallel_loop3A_317 = tpu.dynamic_gather %parallel_loop3A_311[%parallel_loop3A_316] in [0] : vector<16xf32>, vector<16xi32> -> vector<16xf32>
      %parallel_loop3A_318 = arith.constant 15 : i32
      %parallel_loop3A_319 = vector.broadcast %parallel_loop3A_318 : i32 to vector<16xi32>
      %parallel_loop3A_320 = tpu.iota {dimensions = array<i32: 0>} : vector<16xi32>
      %parallel_loop3A_321 = arith.subi %parallel_loop3A_319, %parallel_loop3A_320 : vector<16xi32>
      %parallel_loop3A_322 = tpu.dynamic_gather %parallel_loop3A_312[%parallel_loop3A_321] in [0] : vector<16xi32>, vector<16xi32> -> vector<16xi32>
      %parallel_loop3A_323 = arith.cmpf ole, %parallel_loop3A_254, %parallel_loop3A_317 : vector<16xf32>
      %parallel_loop3A_324 = arith.minimumf %parallel_loop3A_254, %parallel_loop3A_317 : vector<16xf32>
      %parallel_loop3A_325 = arith.select %parallel_loop3A_323, %parallel_loop3A_255, %parallel_loop3A_322 : vector<16xi1>, vector<16xi32>
      %parallel_loop3A_326 = arith.constant dense<true> : vector<16xi1>
      %parallel_loop3A_327, %parallel_loop3A_328, %parallel_loop3A_329 = tpu.sort %parallel_loop3A_324, %parallel_loop3A_325 masked %parallel_loop3A_326 : (vector<16xf32>, vector<16xi32>, vector<16xi1>) -> (vector<16xi1>, vector<16xf32>, vector<16xi32>)
      %parallel_loop3A_330 = arith.constant 15 : i32
      %parallel_loop3A_331 = vector.broadcast %parallel_loop3A_330 : i32 to vector<16xi32>
      %parallel_loop3A_332 = tpu.iota {dimensions = array<i32: 0>} : vector<16xi32>
      %parallel_loop3A_333 = arith.subi %parallel_loop3A_331, %parallel_loop3A_332 : vector<16xi32>
      %parallel_loop3A_334 = tpu.dynamic_gather %parallel_loop3A_328[%parallel_loop3A_333] in [0] : vector<16xf32>, vector<16xi32> -> vector<16xf32>
      %parallel_loop3A_335 = arith.constant 15 : i32
      %parallel_loop3A_336 = vector.broadcast %parallel_loop3A_335 : i32 to vector<16xi32>
      %parallel_loop3A_337 = tpu.iota {dimensions = array<i32: 0>} : vector<16xi32>
      %parallel_loop3A_338 = arith.subi %parallel_loop3A_336, %parallel_loop3A_337 : vector<16xi32>
      %parallel_loop3A_339 = tpu.dynamic_gather %parallel_loop3A_329[%parallel_loop3A_338] in [0] : vector<16xi32>, vector<16xi32> -> vector<16xi32>
      %parallel_loop3A_340 = arith.cmpf ole, %parallel_loop3A_197, %parallel_loop3A_334 : vector<16xf32>
      %parallel_loop3A_341 = arith.minimumf %parallel_loop3A_197, %parallel_loop3A_334 : vector<16xf32>
      %parallel_loop3A_342 = arith.select %parallel_loop3A_340, %parallel_loop3A_198, %parallel_loop3A_339 : vector<16xi1>, vector<16xi32>
      %parallel_loop3A_343 = arith.constant dense<true> : vector<16xi1>
      %parallel_loop3A_344, %parallel_loop3A_345, %parallel_loop3A_346 = tpu.sort %parallel_loop3A_341, %parallel_loop3A_342 masked %parallel_loop3A_343 : (vector<16xf32>, vector<16xi32>, vector<16xi1>) -> (vector<16xi1>, vector<16xf32>, vector<16xi32>)
      %parallel_loop3A_347 = arith.constant 128 : index
      %parallel_loop3A_348 = tpu.vector_load %arg5[%parallel_loop3A_347] {strides = array<i32>} : memref<512xf32, #tpu.memory_space<vmem>>, vector<16xf32>,
      %parallel_loop3A_349 = arith.constant 128 : index
      %parallel_loop3A_350 = tpu.vector_load %arg6[%parallel_loop3A_349] {strides = array<i32>} : memref<512xf32, #tpu.memory_space<vmem>>, vector<16xf32>,
      %parallel_loop3A_351 = arith.subf %parallel_loop3A_348, %parallel_loop3A_64 : vector<16xf32>
      %parallel_loop3A_352 = arith.subf %parallel_loop3A_350, %parallel_loop3A_67 : vector<16xf32>
      %parallel_loop3A_353 = arith.constant 128 : i32
      %parallel_loop3A_354 = vector.broadcast %parallel_loop3A_353 : i32 to vector<16xi32>
      %parallel_loop3A_355 = arith.addi %iota3A, %parallel_loop3A_354 : vector<16xi32>
      %parallel_loop3A_356 = arith.cmpi eq, %parallel_loop3A_355, %parallel_loop3A_25 : vector<16xi32>
      %parallel_loop3A_357 = arith.mulf %parallel_loop3A_351, %parallel_loop3A_351 : vector<16xf32>
      %parallel_loop3A_358 = arith.mulf %parallel_loop3A_352, %parallel_loop3A_352 : vector<16xf32>
      %parallel_loop3A_359 = arith.addf %parallel_loop3A_357, %parallel_loop3A_358 : vector<16xf32>
      %parallel_loop3A_360 = arith.constant 3.400000e+38 : f32
      %parallel_loop3A_361 = vector.broadcast %parallel_loop3A_360 : f32 to vector<16xf32>
      %parallel_loop3A_362 = arith.select %parallel_loop3A_356, %parallel_loop3A_361, %parallel_loop3A_359 : vector<16xi1>, vector<16xf32>
      %parallel_loop3A_363 = arith.constant dense<true> : vector<16xi1>
      %parallel_loop3A_364, %parallel_loop3A_365, %parallel_loop3A_366 = tpu.sort %parallel_loop3A_362, %parallel_loop3A_355 masked %parallel_loop3A_363 : (vector<16xf32>, vector<16xi32>, vector<16xi1>) -> (vector<16xi1>, vector<16xf32>, vector<16xi32>)
      %parallel_loop3A_367 = arith.constant 144 : index
      %parallel_loop3A_368 = tpu.vector_load %arg5[%parallel_loop3A_367] {strides = array<i32>} : memref<512xf32, #tpu.memory_space<vmem>>, vector<16xf32>,
      %parallel_loop3A_369 = arith.constant 144 : index
      %parallel_loop3A_370 = tpu.vector_load %arg6[%parallel_loop3A_369] {strides = array<i32>} : memref<512xf32, #tpu.memory_space<vmem>>, vector<16xf32>,
      %parallel_loop3A_371 = arith.subf %parallel_loop3A_368, %parallel_loop3A_64 : vector<16xf32>
      %parallel_loop3A_372 = arith.subf %parallel_loop3A_370, %parallel_loop3A_67 : vector<16xf32>
      %parallel_loop3A_373 = arith.constant 144 : i32
      %parallel_loop3A_374 = vector.broadcast %parallel_loop3A_373 : i32 to vector<16xi32>
      %parallel_loop3A_375 = arith.addi %iota3A, %parallel_loop3A_374 : vector<16xi32>
      %parallel_loop3A_376 = arith.cmpi eq, %parallel_loop3A_375, %parallel_loop3A_25 : vector<16xi32>
      %parallel_loop3A_377 = arith.mulf %parallel_loop3A_371, %parallel_loop3A_371 : vector<16xf32>
      %parallel_loop3A_378 = arith.mulf %parallel_loop3A_372, %parallel_loop3A_372 : vector<16xf32>
      %parallel_loop3A_379 = arith.addf %parallel_loop3A_377, %parallel_loop3A_378 : vector<16xf32>
      %parallel_loop3A_380 = arith.constant 3.400000e+38 : f32
      %parallel_loop3A_381 = vector.broadcast %parallel_loop3A_380 : f32 to vector<16xf32>
      %parallel_loop3A_382 = arith.select %parallel_loop3A_376, %parallel_loop3A_381, %parallel_loop3A_379 : vector<16xi1>, vector<16xf32>
      %parallel_loop3A_383 = arith.constant dense<true> : vector<16xi1>
      %parallel_loop3A_384, %parallel_loop3A_385, %parallel_loop3A_386 = tpu.sort %parallel_loop3A_382, %parallel_loop3A_375 masked %parallel_loop3A_383 : (vector<16xf32>, vector<16xi32>, vector<16xi1>) -> (vector<16xi1>, vector<16xf32>, vector<16xi32>)
      %parallel_loop3A_387 = arith.constant 15 : i32
      %parallel_loop3A_388 = vector.broadcast %parallel_loop3A_387 : i32 to vector<16xi32>
      %parallel_loop3A_389 = tpu.iota {dimensions = array<i32: 0>} : vector<16xi32>
      %parallel_loop3A_390 = arith.subi %parallel_loop3A_388, %parallel_loop3A_389 : vector<16xi32>
      %parallel_loop3A_391 = tpu.dynamic_gather %parallel_loop3A_385[%parallel_loop3A_390] in [0] : vector<16xf32>, vector<16xi32> -> vector<16xf32>
      %parallel_loop3A_392 = arith.constant 15 : i32
      %parallel_loop3A_393 = vector.broadcast %parallel_loop3A_392 : i32 to vector<16xi32>
      %parallel_loop3A_394 = tpu.iota {dimensions = array<i32: 0>} : vector<16xi32>
      %parallel_loop3A_395 = arith.subi %parallel_loop3A_393, %parallel_loop3A_394 : vector<16xi32>
      %parallel_loop3A_396 = tpu.dynamic_gather %parallel_loop3A_386[%parallel_loop3A_395] in [0] : vector<16xi32>, vector<16xi32> -> vector<16xi32>
      %parallel_loop3A_397 = arith.cmpf ole, %parallel_loop3A_365, %parallel_loop3A_391 : vector<16xf32>
      %parallel_loop3A_398 = arith.minimumf %parallel_loop3A_365, %parallel_loop3A_391 : vector<16xf32>
      %parallel_loop3A_399 = arith.select %parallel_loop3A_397, %parallel_loop3A_366, %parallel_loop3A_396 : vector<16xi1>, vector<16xi32>
      %parallel_loop3A_400 = arith.constant dense<true> : vector<16xi1>
      %parallel_loop3A_401, %parallel_loop3A_402, %parallel_loop3A_403 = tpu.sort %parallel_loop3A_398, %parallel_loop3A_399 masked %parallel_loop3A_400 : (vector<16xf32>, vector<16xi32>, vector<16xi1>) -> (vector<16xi1>, vector<16xf32>, vector<16xi32>)
      %parallel_loop3A_404 = arith.constant 160 : index
      %parallel_loop3A_405 = tpu.vector_load %arg5[%parallel_loop3A_404] {strides = array<i32>} : memref<512xf32, #tpu.memory_space<vmem>>, vector<16xf32>,
      %parallel_loop3A_406 = arith.constant 160 : index
      %parallel_loop3A_407 = tpu.vector_load %arg6[%parallel_loop3A_406] {strides = array<i32>} : memref<512xf32, #tpu.memory_space<vmem>>, vector<16xf32>,
      %parallel_loop3A_408 = arith.subf %parallel_loop3A_405, %parallel_loop3A_64 : vector<16xf32>
      %parallel_loop3A_409 = arith.subf %parallel_loop3A_407, %parallel_loop3A_67 : vector<16xf32>
      %parallel_loop3A_410 = arith.constant 160 : i32
      %parallel_loop3A_411 = vector.broadcast %parallel_loop3A_410 : i32 to vector<16xi32>
      %parallel_loop3A_412 = arith.addi %iota3A, %parallel_loop3A_411 : vector<16xi32>
      %parallel_loop3A_413 = arith.cmpi eq, %parallel_loop3A_412, %parallel_loop3A_25 : vector<16xi32>
      %parallel_loop3A_414 = arith.mulf %parallel_loop3A_408, %parallel_loop3A_408 : vector<16xf32>
      %parallel_loop3A_415 = arith.mulf %parallel_loop3A_409, %parallel_loop3A_409 : vector<16xf32>
      %parallel_loop3A_416 = arith.addf %parallel_loop3A_414, %parallel_loop3A_415 : vector<16xf32>
      %parallel_loop3A_417 = arith.constant 3.400000e+38 : f32
      %parallel_loop3A_418 = vector.broadcast %parallel_loop3A_417 : f32 to vector<16xf32>
      %parallel_loop3A_419 = arith.select %parallel_loop3A_413, %parallel_loop3A_418, %parallel_loop3A_416 : vector<16xi1>, vector<16xf32>
      %parallel_loop3A_420 = arith.constant dense<true> : vector<16xi1>
      %parallel_loop3A_421, %parallel_loop3A_422, %parallel_loop3A_423 = tpu.sort %parallel_loop3A_419, %parallel_loop3A_412 masked %parallel_loop3A_420 : (vector<16xf32>, vector<16xi32>, vector<16xi1>) -> (vector<16xi1>, vector<16xf32>, vector<16xi32>)
      %parallel_loop3A_424 = arith.constant 176 : index
      %parallel_loop3A_425 = tpu.vector_load %arg5[%parallel_loop3A_424] {strides = array<i32>} : memref<512xf32, #tpu.memory_space<vmem>>, vector<16xf32>,
      %parallel_loop3A_426 = arith.constant 176 : index
      %parallel_loop3A_427 = tpu.vector_load %arg6[%parallel_loop3A_426] {strides = array<i32>} : memref<512xf32, #tpu.memory_space<vmem>>, vector<16xf32>,
      %parallel_loop3A_428 = arith.subf %parallel_loop3A_425, %parallel_loop3A_64 : vector<16xf32>
      %parallel_loop3A_429 = arith.subf %parallel_loop3A_427, %parallel_loop3A_67 : vector<16xf32>
      %parallel_loop3A_430 = arith.constant 176 : i32
      %parallel_loop3A_431 = vector.broadcast %parallel_loop3A_430 : i32 to vector<16xi32>
      %parallel_loop3A_432 = arith.addi %iota3A, %parallel_loop3A_431 : vector<16xi32>
      %parallel_loop3A_433 = arith.cmpi eq, %parallel_loop3A_432, %parallel_loop3A_25 : vector<16xi32>
      %parallel_loop3A_434 = arith.mulf %parallel_loop3A_428, %parallel_loop3A_428 : vector<16xf32>
      %parallel_loop3A_435 = arith.mulf %parallel_loop3A_429, %parallel_loop3A_429 : vector<16xf32>
      %parallel_loop3A_436 = arith.addf %parallel_loop3A_434, %parallel_loop3A_435 : vector<16xf32>
      %parallel_loop3A_437 = arith.constant 3.400000e+38 : f32
      %parallel_loop3A_438 = vector.broadcast %parallel_loop3A_437 : f32 to vector<16xf32>
      %parallel_loop3A_439 = arith.select %parallel_loop3A_433, %parallel_loop3A_438, %parallel_loop3A_436 : vector<16xi1>, vector<16xf32>
      %parallel_loop3A_440 = arith.constant dense<true> : vector<16xi1>
      %parallel_loop3A_441, %parallel_loop3A_442, %parallel_loop3A_443 = tpu.sort %parallel_loop3A_439, %parallel_loop3A_432 masked %parallel_loop3A_440 : (vector<16xf32>, vector<16xi32>, vector<16xi1>) -> (vector<16xi1>, vector<16xf32>, vector<16xi32>)
      %parallel_loop3A_444 = arith.constant 15 : i32
      %parallel_loop3A_445 = vector.broadcast %parallel_loop3A_444 : i32 to vector<16xi32>
      %parallel_loop3A_446 = tpu.iota {dimensions = array<i32: 0>} : vector<16xi32>
      %parallel_loop3A_447 = arith.subi %parallel_loop3A_445, %parallel_loop3A_446 : vector<16xi32>
      %parallel_loop3A_448 = tpu.dynamic_gather %parallel_loop3A_442[%parallel_loop3A_447] in [0] : vector<16xf32>, vector<16xi32> -> vector<16xf32>
      %parallel_loop3A_449 = arith.constant 15 : i32
      %parallel_loop3A_450 = vector.broadcast %parallel_loop3A_449 : i32 to vector<16xi32>
      %parallel_loop3A_451 = tpu.iota {dimensions = array<i32: 0>} : vector<16xi32>
      %parallel_loop3A_452 = arith.subi %parallel_loop3A_450, %parallel_loop3A_451 : vector<16xi32>
      %parallel_loop3A_453 = tpu.dynamic_gather %parallel_loop3A_443[%parallel_loop3A_452] in [0] : vector<16xi32>, vector<16xi32> -> vector<16xi32>
      %parallel_loop3A_454 = arith.cmpf ole, %parallel_loop3A_422, %parallel_loop3A_448 : vector<16xf32>
      %parallel_loop3A_455 = arith.minimumf %parallel_loop3A_422, %parallel_loop3A_448 : vector<16xf32>
      %parallel_loop3A_456 = arith.select %parallel_loop3A_454, %parallel_loop3A_423, %parallel_loop3A_453 : vector<16xi1>, vector<16xi32>
      %parallel_loop3A_457 = arith.constant dense<true> : vector<16xi1>
      %parallel_loop3A_458, %parallel_loop3A_459, %parallel_loop3A_460 = tpu.sort %parallel_loop3A_455, %parallel_loop3A_456 masked %parallel_loop3A_457 : (vector<16xf32>, vector<16xi32>, vector<16xi1>) -> (vector<16xi1>, vector<16xf32>, vector<16xi32>)
      %parallel_loop3A_461 = arith.constant 15 : i32
      %parallel_loop3A_462 = vector.broadcast %parallel_loop3A_461 : i32 to vector<16xi32>
      %parallel_loop3A_463 = tpu.iota {dimensions = array<i32: 0>} : vector<16xi32>
      %parallel_loop3A_464 = arith.subi %parallel_loop3A_462, %parallel_loop3A_463 : vector<16xi32>
      %parallel_loop3A_465 = tpu.dynamic_gather %parallel_loop3A_459[%parallel_loop3A_464] in [0] : vector<16xf32>, vector<16xi32> -> vector<16xf32>
      %parallel_loop3A_466 = arith.constant 15 : i32
      %parallel_loop3A_467 = vector.broadcast %parallel_loop3A_466 : i32 to vector<16xi32>
      %parallel_loop3A_468 = tpu.iota {dimensions = array<i32: 0>} : vector<16xi32>
      %parallel_loop3A_469 = arith.subi %parallel_loop3A_467, %parallel_loop3A_468 : vector<16xi32>
      %parallel_loop3A_470 = tpu.dynamic_gather %parallel_loop3A_460[%parallel_loop3A_469] in [0] : vector<16xi32>, vector<16xi32> -> vector<16xi32>
      %parallel_loop3A_471 = arith.cmpf ole, %parallel_loop3A_402, %parallel_loop3A_465 : vector<16xf32>
      %parallel_loop3A_472 = arith.minimumf %parallel_loop3A_402, %parallel_loop3A_465 : vector<16xf32>
      %parallel_loop3A_473 = arith.select %parallel_loop3A_471, %parallel_loop3A_403, %parallel_loop3A_470 : vector<16xi1>, vector<16xi32>
      %parallel_loop3A_474 = arith.constant dense<true> : vector<16xi1>
      %parallel_loop3A_475, %parallel_loop3A_476, %parallel_loop3A_477 = tpu.sort %parallel_loop3A_472, %parallel_loop3A_473 masked %parallel_loop3A_474 : (vector<16xf32>, vector<16xi32>, vector<16xi1>) -> (vector<16xi1>, vector<16xf32>, vector<16xi32>)
      %parallel_loop3A_478 = arith.constant 192 : index
      %parallel_loop3A_479 = tpu.vector_load %arg5[%parallel_loop3A_478] {strides = array<i32>} : memref<512xf32, #tpu.memory_space<vmem>>, vector<16xf32>,
      %parallel_loop3A_480 = arith.constant 192 : index
      %parallel_loop3A_481 = tpu.vector_load %arg6[%parallel_loop3A_480] {strides = array<i32>} : memref<512xf32, #tpu.memory_space<vmem>>, vector<16xf32>,
      %parallel_loop3A_482 = arith.subf %parallel_loop3A_479, %parallel_loop3A_64 : vector<16xf32>
      %parallel_loop3A_483 = arith.subf %parallel_loop3A_481, %parallel_loop3A_67 : vector<16xf32>
      %parallel_loop3A_484 = arith.constant 192 : i32
      %parallel_loop3A_485 = vector.broadcast %parallel_loop3A_484 : i32 to vector<16xi32>
      %parallel_loop3A_486 = arith.addi %iota3A, %parallel_loop3A_485 : vector<16xi32>
      %parallel_loop3A_487 = arith.cmpi eq, %parallel_loop3A_486, %parallel_loop3A_25 : vector<16xi32>
      %parallel_loop3A_488 = arith.mulf %parallel_loop3A_482, %parallel_loop3A_482 : vector<16xf32>
      %parallel_loop3A_489 = arith.mulf %parallel_loop3A_483, %parallel_loop3A_483 : vector<16xf32>
      %parallel_loop3A_490 = arith.addf %parallel_loop3A_488, %parallel_loop3A_489 : vector<16xf32>
      %parallel_loop3A_491 = arith.constant 3.400000e+38 : f32
      %parallel_loop3A_492 = vector.broadcast %parallel_loop3A_491 : f32 to vector<16xf32>
      %parallel_loop3A_493 = arith.select %parallel_loop3A_487, %parallel_loop3A_492, %parallel_loop3A_490 : vector<16xi1>, vector<16xf32>
      %parallel_loop3A_494 = arith.constant dense<true> : vector<16xi1>
      %parallel_loop3A_495, %parallel_loop3A_496, %parallel_loop3A_497 = tpu.sort %parallel_loop3A_493, %parallel_loop3A_486 masked %parallel_loop3A_494 : (vector<16xf32>, vector<16xi32>, vector<16xi1>) -> (vector<16xi1>, vector<16xf32>, vector<16xi32>)
      %parallel_loop3A_498 = arith.constant 208 : index
      %parallel_loop3A_499 = tpu.vector_load %arg5[%parallel_loop3A_498] {strides = array<i32>} : memref<512xf32, #tpu.memory_space<vmem>>, vector<16xf32>,
      %parallel_loop3A_500 = arith.constant 208 : index
      %parallel_loop3A_501 = tpu.vector_load %arg6[%parallel_loop3A_500] {strides = array<i32>} : memref<512xf32, #tpu.memory_space<vmem>>, vector<16xf32>,
      %parallel_loop3A_502 = arith.subf %parallel_loop3A_499, %parallel_loop3A_64 : vector<16xf32>
      %parallel_loop3A_503 = arith.subf %parallel_loop3A_501, %parallel_loop3A_67 : vector<16xf32>
      %parallel_loop3A_504 = arith.constant 208 : i32
      %parallel_loop3A_505 = vector.broadcast %parallel_loop3A_504 : i32 to vector<16xi32>
      %parallel_loop3A_506 = arith.addi %iota3A, %parallel_loop3A_505 : vector<16xi32>
      %parallel_loop3A_507 = arith.cmpi eq, %parallel_loop3A_506, %parallel_loop3A_25 : vector<16xi32>
      %parallel_loop3A_508 = arith.mulf %parallel_loop3A_502, %parallel_loop3A_502 : vector<16xf32>
      %parallel_loop3A_509 = arith.mulf %parallel_loop3A_503, %parallel_loop3A_503 : vector<16xf32>
      %parallel_loop3A_510 = arith.addf %parallel_loop3A_508, %parallel_loop3A_509 : vector<16xf32>
      %parallel_loop3A_511 = arith.constant 3.400000e+38 : f32
      %parallel_loop3A_512 = vector.broadcast %parallel_loop3A_511 : f32 to vector<16xf32>
      %parallel_loop3A_513 = arith.select %parallel_loop3A_507, %parallel_loop3A_512, %parallel_loop3A_510 : vector<16xi1>, vector<16xf32>
      %parallel_loop3A_514 = arith.constant dense<true> : vector<16xi1>
      %parallel_loop3A_515, %parallel_loop3A_516, %parallel_loop3A_517 = tpu.sort %parallel_loop3A_513, %parallel_loop3A_506 masked %parallel_loop3A_514 : (vector<16xf32>, vector<16xi32>, vector<16xi1>) -> (vector<16xi1>, vector<16xf32>, vector<16xi32>)
      %parallel_loop3A_518 = arith.constant 15 : i32
      %parallel_loop3A_519 = vector.broadcast %parallel_loop3A_518 : i32 to vector<16xi32>
      %parallel_loop3A_520 = tpu.iota {dimensions = array<i32: 0>} : vector<16xi32>
      %parallel_loop3A_521 = arith.subi %parallel_loop3A_519, %parallel_loop3A_520 : vector<16xi32>
      %parallel_loop3A_522 = tpu.dynamic_gather %parallel_loop3A_516[%parallel_loop3A_521] in [0] : vector<16xf32>, vector<16xi32> -> vector<16xf32>
      %parallel_loop3A_523 = arith.constant 15 : i32
      %parallel_loop3A_524 = vector.broadcast %parallel_loop3A_523 : i32 to vector<16xi32>
      %parallel_loop3A_525 = tpu.iota {dimensions = array<i32: 0>} : vector<16xi32>
      %parallel_loop3A_526 = arith.subi %parallel_loop3A_524, %parallel_loop3A_525 : vector<16xi32>
      %parallel_loop3A_527 = tpu.dynamic_gather %parallel_loop3A_517[%parallel_loop3A_526] in [0] : vector<16xi32>, vector<16xi32> -> vector<16xi32>
      %parallel_loop3A_528 = arith.cmpf ole, %parallel_loop3A_496, %parallel_loop3A_522 : vector<16xf32>
      %parallel_loop3A_529 = arith.minimumf %parallel_loop3A_496, %parallel_loop3A_522 : vector<16xf32>
      %parallel_loop3A_530 = arith.select %parallel_loop3A_528, %parallel_loop3A_497, %parallel_loop3A_527 : vector<16xi1>, vector<16xi32>
      %parallel_loop3A_531 = arith.constant dense<true> : vector<16xi1>
      %parallel_loop3A_532, %parallel_loop3A_533, %parallel_loop3A_534 = tpu.sort %parallel_loop3A_529, %parallel_loop3A_530 masked %parallel_loop3A_531 : (vector<16xf32>, vector<16xi32>, vector<16xi1>) -> (vector<16xi1>, vector<16xf32>, vector<16xi32>)
      %parallel_loop3A_535 = arith.constant 224 : index
      %parallel_loop3A_536 = tpu.vector_load %arg5[%parallel_loop3A_535] {strides = array<i32>} : memref<512xf32, #tpu.memory_space<vmem>>, vector<16xf32>,
      %parallel_loop3A_537 = arith.constant 224 : index
      %parallel_loop3A_538 = tpu.vector_load %arg6[%parallel_loop3A_537] {strides = array<i32>} : memref<512xf32, #tpu.memory_space<vmem>>, vector<16xf32>,
      %parallel_loop3A_539 = arith.subf %parallel_loop3A_536, %parallel_loop3A_64 : vector<16xf32>
      %parallel_loop3A_540 = arith.subf %parallel_loop3A_538, %parallel_loop3A_67 : vector<16xf32>
      %parallel_loop3A_541 = arith.constant 224 : i32
      %parallel_loop3A_542 = vector.broadcast %parallel_loop3A_541 : i32 to vector<16xi32>
      %parallel_loop3A_543 = arith.addi %iota3A, %parallel_loop3A_542 : vector<16xi32>
      %parallel_loop3A_544 = arith.cmpi eq, %parallel_loop3A_543, %parallel_loop3A_25 : vector<16xi32>
      %parallel_loop3A_545 = arith.mulf %parallel_loop3A_539, %parallel_loop3A_539 : vector<16xf32>
      %parallel_loop3A_546 = arith.mulf %parallel_loop3A_540, %parallel_loop3A_540 : vector<16xf32>
      %parallel_loop3A_547 = arith.addf %parallel_loop3A_545, %parallel_loop3A_546 : vector<16xf32>
      %parallel_loop3A_548 = arith.constant 3.400000e+38 : f32
      %parallel_loop3A_549 = vector.broadcast %parallel_loop3A_548 : f32 to vector<16xf32>
      %parallel_loop3A_550 = arith.select %parallel_loop3A_544, %parallel_loop3A_549, %parallel_loop3A_547 : vector<16xi1>, vector<16xf32>
      %parallel_loop3A_551 = arith.constant dense<true> : vector<16xi1>
      %parallel_loop3A_552, %parallel_loop3A_553, %parallel_loop3A_554 = tpu.sort %parallel_loop3A_550, %parallel_loop3A_543 masked %parallel_loop3A_551 : (vector<16xf32>, vector<16xi32>, vector<16xi1>) -> (vector<16xi1>, vector<16xf32>, vector<16xi32>)
      %parallel_loop3A_555 = arith.constant 240 : index
      %parallel_loop3A_556 = tpu.vector_load %arg5[%parallel_loop3A_555] {strides = array<i32>} : memref<512xf32, #tpu.memory_space<vmem>>, vector<16xf32>,
      %parallel_loop3A_557 = arith.constant 240 : index
      %parallel_loop3A_558 = tpu.vector_load %arg6[%parallel_loop3A_557] {strides = array<i32>} : memref<512xf32, #tpu.memory_space<vmem>>, vector<16xf32>,
      %parallel_loop3A_559 = arith.subf %parallel_loop3A_556, %parallel_loop3A_64 : vector<16xf32>
      %parallel_loop3A_560 = arith.subf %parallel_loop3A_558, %parallel_loop3A_67 : vector<16xf32>
      %parallel_loop3A_561 = arith.constant 240 : i32
      %parallel_loop3A_562 = vector.broadcast %parallel_loop3A_561 : i32 to vector<16xi32>
      %parallel_loop3A_563 = arith.addi %iota3A, %parallel_loop3A_562 : vector<16xi32>
      %parallel_loop3A_564 = arith.cmpi eq, %parallel_loop3A_563, %parallel_loop3A_25 : vector<16xi32>
      %parallel_loop3A_565 = arith.mulf %parallel_loop3A_559, %parallel_loop3A_559 : vector<16xf32>
      %parallel_loop3A_566 = arith.mulf %parallel_loop3A_560, %parallel_loop3A_560 : vector<16xf32>
      %parallel_loop3A_567 = arith.addf %parallel_loop3A_565, %parallel_loop3A_566 : vector<16xf32>
      %parallel_loop3A_568 = arith.constant 3.400000e+38 : f32
      %parallel_loop3A_569 = vector.broadcast %parallel_loop3A_568 : f32 to vector<16xf32>
      %parallel_loop3A_570 = arith.select %parallel_loop3A_564, %parallel_loop3A_569, %parallel_loop3A_567 : vector<16xi1>, vector<16xf32>
      %parallel_loop3A_571 = arith.constant dense<true> : vector<16xi1>
      %parallel_loop3A_572, %parallel_loop3A_573, %parallel_loop3A_574 = tpu.sort %parallel_loop3A_570, %parallel_loop3A_563 masked %parallel_loop3A_571 : (vector<16xf32>, vector<16xi32>, vector<16xi1>) -> (vector<16xi1>, vector<16xf32>, vector<16xi32>)
      %parallel_loop3A_575 = arith.constant 15 : i32
      %parallel_loop3A_576 = vector.broadcast %parallel_loop3A_575 : i32 to vector<16xi32>
      %parallel_loop3A_577 = tpu.iota {dimensions = array<i32: 0>} : vector<16xi32>
      %parallel_loop3A_578 = arith.subi %parallel_loop3A_576, %parallel_loop3A_577 : vector<16xi32>
      %parallel_loop3A_579 = tpu.dynamic_gather %parallel_loop3A_573[%parallel_loop3A_578] in [0] : vector<16xf32>, vector<16xi32> -> vector<16xf32>
      %parallel_loop3A_580 = arith.constant 15 : i32
      %parallel_loop3A_581 = vector.broadcast %parallel_loop3A_580 : i32 to vector<16xi32>
      %parallel_loop3A_582 = tpu.iota {dimensions = array<i32: 0>} : vector<16xi32>
      %parallel_loop3A_583 = arith.subi %parallel_loop3A_581, %parallel_loop3A_582 : vector<16xi32>
      %parallel_loop3A_584 = tpu.dynamic_gather %parallel_loop3A_574[%parallel_loop3A_583] in [0] : vector<16xi32>, vector<16xi32> -> vector<16xi32>
      %parallel_loop3A_585 = arith.cmpf ole, %parallel_loop3A_553, %parallel_loop3A_579 : vector<16xf32>
      %parallel_loop3A_586 = arith.minimumf %parallel_loop3A_553, %parallel_loop3A_579 : vector<16xf32>
      %parallel_loop3A_587 = arith.select %parallel_loop3A_585, %parallel_loop3A_554, %parallel_loop3A_584 : vector<16xi1>, vector<16xi32>
      %parallel_loop3A_588 = arith.constant dense<true> : vector<16xi1>
      %parallel_loop3A_589, %parallel_loop3A_590, %parallel_loop3A_591 = tpu.sort %parallel_loop3A_586, %parallel_loop3A_587 masked %parallel_loop3A_588 : (vector<16xf32>, vector<16xi32>, vector<16xi1>) -> (vector<16xi1>, vector<16xf32>, vector<16xi32>)
      %parallel_loop3A_592 = arith.constant 15 : i32
      %parallel_loop3A_593 = vector.broadcast %parallel_loop3A_592 : i32 to vector<16xi32>
      %parallel_loop3A_594 = tpu.iota {dimensions = array<i32: 0>} : vector<16xi32>
      %parallel_loop3A_595 = arith.subi %parallel_loop3A_593, %parallel_loop3A_594 : vector<16xi32>
      %parallel_loop3A_596 = tpu.dynamic_gather %parallel_loop3A_590[%parallel_loop3A_595] in [0] : vector<16xf32>, vector<16xi32> -> vector<16xf32>
      %parallel_loop3A_597 = arith.constant 15 : i32
      %parallel_loop3A_598 = vector.broadcast %parallel_loop3A_597 : i32 to vector<16xi32>
      %parallel_loop3A_599 = tpu.iota {dimensions = array<i32: 0>} : vector<16xi32>
      %parallel_loop3A_600 = arith.subi %parallel_loop3A_598, %parallel_loop3A_599 : vector<16xi32>
      %parallel_loop3A_601 = tpu.dynamic_gather %parallel_loop3A_591[%parallel_loop3A_600] in [0] : vector<16xi32>, vector<16xi32> -> vector<16xi32>
      %parallel_loop3A_602 = arith.cmpf ole, %parallel_loop3A_533, %parallel_loop3A_596 : vector<16xf32>
      %parallel_loop3A_603 = arith.minimumf %parallel_loop3A_533, %parallel_loop3A_596 : vector<16xf32>
      %parallel_loop3A_604 = arith.select %parallel_loop3A_602, %parallel_loop3A_534, %parallel_loop3A_601 : vector<16xi1>, vector<16xi32>
      %parallel_loop3A_605 = arith.constant dense<true> : vector<16xi1>
      %parallel_loop3A_606, %parallel_loop3A_607, %parallel_loop3A_608 = tpu.sort %parallel_loop3A_603, %parallel_loop3A_604 masked %parallel_loop3A_605 : (vector<16xf32>, vector<16xi32>, vector<16xi1>) -> (vector<16xi1>, vector<16xf32>, vector<16xi32>)
      %parallel_loop3A_609 = arith.constant 15 : i32
      %parallel_loop3A_610 = vector.broadcast %parallel_loop3A_609 : i32 to vector<16xi32>
      %parallel_loop3A_611 = tpu.iota {dimensions = array<i32: 0>} : vector<16xi32>
      %parallel_loop3A_612 = arith.subi %parallel_loop3A_610, %parallel_loop3A_611 : vector<16xi32>
      %parallel_loop3A_613 = tpu.dynamic_gather %parallel_loop3A_607[%parallel_loop3A_612] in [0] : vector<16xf32>, vector<16xi32> -> vector<16xf32>
      %parallel_loop3A_614 = arith.constant 15 : i32
      %parallel_loop3A_615 = vector.broadcast %parallel_loop3A_614 : i32 to vector<16xi32>
      %parallel_loop3A_616 = tpu.iota {dimensions = array<i32: 0>} : vector<16xi32>
      %parallel_loop3A_617 = arith.subi %parallel_loop3A_615, %parallel_loop3A_616 : vector<16xi32>
      %parallel_loop3A_618 = tpu.dynamic_gather %parallel_loop3A_608[%parallel_loop3A_617] in [0] : vector<16xi32>, vector<16xi32> -> vector<16xi32>
      %parallel_loop3A_619 = arith.cmpf ole, %parallel_loop3A_476, %parallel_loop3A_613 : vector<16xf32>
      %parallel_loop3A_620 = arith.minimumf %parallel_loop3A_476, %parallel_loop3A_613 : vector<16xf32>
      %parallel_loop3A_621 = arith.select %parallel_loop3A_619, %parallel_loop3A_477, %parallel_loop3A_618 : vector<16xi1>, vector<16xi32>
      %parallel_loop3A_622 = arith.constant dense<true> : vector<16xi1>
      %parallel_loop3A_623, %parallel_loop3A_624, %parallel_loop3A_625 = tpu.sort %parallel_loop3A_620, %parallel_loop3A_621 masked %parallel_loop3A_622 : (vector<16xf32>, vector<16xi32>, vector<16xi1>) -> (vector<16xi1>, vector<16xf32>, vector<16xi32>)
      %parallel_loop3A_626 = arith.constant 15 : i32
      %parallel_loop3A_627 = vector.broadcast %parallel_loop3A_626 : i32 to vector<16xi32>
      %parallel_loop3A_628 = tpu.iota {dimensions = array<i32: 0>} : vector<16xi32>
      %parallel_loop3A_629 = arith.subi %parallel_loop3A_627, %parallel_loop3A_628 : vector<16xi32>
      %parallel_loop3A_630 = tpu.dynamic_gather %parallel_loop3A_624[%parallel_loop3A_629] in [0] : vector<16xf32>, vector<16xi32> -> vector<16xf32>
      %parallel_loop3A_631 = arith.constant 15 : i32
      %parallel_loop3A_632 = vector.broadcast %parallel_loop3A_631 : i32 to vector<16xi32>
      %parallel_loop3A_633 = tpu.iota {dimensions = array<i32: 0>} : vector<16xi32>
      %parallel_loop3A_634 = arith.subi %parallel_loop3A_632, %parallel_loop3A_633 : vector<16xi32>
      %parallel_loop3A_635 = tpu.dynamic_gather %parallel_loop3A_625[%parallel_loop3A_634] in [0] : vector<16xi32>, vector<16xi32> -> vector<16xi32>
      %parallel_loop3A_636 = arith.cmpf ole, %parallel_loop3A_345, %parallel_loop3A_630 : vector<16xf32>
      %parallel_loop3A_637 = arith.minimumf %parallel_loop3A_345, %parallel_loop3A_630 : vector<16xf32>
      %parallel_loop3A_638 = arith.select %parallel_loop3A_636, %parallel_loop3A_346, %parallel_loop3A_635 : vector<16xi1>, vector<16xi32>
      %parallel_loop3A_639 = arith.constant dense<true> : vector<16xi1>
      %parallel_loop3A_640, %parallel_loop3A_641, %parallel_loop3A_642 = tpu.sort %parallel_loop3A_637, %parallel_loop3A_638 masked %parallel_loop3A_639 : (vector<16xf32>, vector<16xi32>, vector<16xi1>) -> (vector<16xi1>, vector<16xf32>, vector<16xi32>)
      %parallel_loop3A_643 = arith.constant 256 : index
      %parallel_loop3A_644 = tpu.vector_load %arg5[%parallel_loop3A_643] {strides = array<i32>} : memref<512xf32, #tpu.memory_space<vmem>>, vector<16xf32>,
      %parallel_loop3A_645 = arith.constant 256 : index
      %parallel_loop3A_646 = tpu.vector_load %arg6[%parallel_loop3A_645] {strides = array<i32>} : memref<512xf32, #tpu.memory_space<vmem>>, vector<16xf32>,
      %parallel_loop3A_647 = arith.subf %parallel_loop3A_644, %parallel_loop3A_64 : vector<16xf32>
      %parallel_loop3A_648 = arith.subf %parallel_loop3A_646, %parallel_loop3A_67 : vector<16xf32>
      %parallel_loop3A_649 = arith.constant 256 : i32
      %parallel_loop3A_650 = vector.broadcast %parallel_loop3A_649 : i32 to vector<16xi32>
      %parallel_loop3A_651 = arith.addi %iota3A, %parallel_loop3A_650 : vector<16xi32>
      %parallel_loop3A_652 = arith.cmpi eq, %parallel_loop3A_651, %parallel_loop3A_25 : vector<16xi32>
      %parallel_loop3A_653 = arith.mulf %parallel_loop3A_647, %parallel_loop3A_647 : vector<16xf32>
      %parallel_loop3A_654 = arith.mulf %parallel_loop3A_648, %parallel_loop3A_648 : vector<16xf32>
      %parallel_loop3A_655 = arith.addf %parallel_loop3A_653, %parallel_loop3A_654 : vector<16xf32>
      %parallel_loop3A_656 = arith.constant 3.400000e+38 : f32
      %parallel_loop3A_657 = vector.broadcast %parallel_loop3A_656 : f32 to vector<16xf32>
      %parallel_loop3A_658 = arith.select %parallel_loop3A_652, %parallel_loop3A_657, %parallel_loop3A_655 : vector<16xi1>, vector<16xf32>
      %parallel_loop3A_659 = arith.constant dense<true> : vector<16xi1>
      %parallel_loop3A_660, %parallel_loop3A_661, %parallel_loop3A_662 = tpu.sort %parallel_loop3A_658, %parallel_loop3A_651 masked %parallel_loop3A_659 : (vector<16xf32>, vector<16xi32>, vector<16xi1>) -> (vector<16xi1>, vector<16xf32>, vector<16xi32>)
      %parallel_loop3A_663 = arith.constant 272 : index
      %parallel_loop3A_664 = tpu.vector_load %arg5[%parallel_loop3A_663] {strides = array<i32>} : memref<512xf32, #tpu.memory_space<vmem>>, vector<16xf32>,
      %parallel_loop3A_665 = arith.constant 272 : index
      %parallel_loop3A_666 = tpu.vector_load %arg6[%parallel_loop3A_665] {strides = array<i32>} : memref<512xf32, #tpu.memory_space<vmem>>, vector<16xf32>,
      %parallel_loop3A_667 = arith.subf %parallel_loop3A_664, %parallel_loop3A_64 : vector<16xf32>
      %parallel_loop3A_668 = arith.subf %parallel_loop3A_666, %parallel_loop3A_67 : vector<16xf32>
      %parallel_loop3A_669 = arith.constant 272 : i32
      %parallel_loop3A_670 = vector.broadcast %parallel_loop3A_669 : i32 to vector<16xi32>
      %parallel_loop3A_671 = arith.addi %iota3A, %parallel_loop3A_670 : vector<16xi32>
      %parallel_loop3A_672 = arith.cmpi eq, %parallel_loop3A_671, %parallel_loop3A_25 : vector<16xi32>
      %parallel_loop3A_673 = arith.mulf %parallel_loop3A_667, %parallel_loop3A_667 : vector<16xf32>
      %parallel_loop3A_674 = arith.mulf %parallel_loop3A_668, %parallel_loop3A_668 : vector<16xf32>
      %parallel_loop3A_675 = arith.addf %parallel_loop3A_673, %parallel_loop3A_674 : vector<16xf32>
      %parallel_loop3A_676 = arith.constant 3.400000e+38 : f32
      %parallel_loop3A_677 = vector.broadcast %parallel_loop3A_676 : f32 to vector<16xf32>
      %parallel_loop3A_678 = arith.select %parallel_loop3A_672, %parallel_loop3A_677, %parallel_loop3A_675 : vector<16xi1>, vector<16xf32>
      %parallel_loop3A_679 = arith.constant dense<true> : vector<16xi1>
      %parallel_loop3A_680, %parallel_loop3A_681, %parallel_loop3A_682 = tpu.sort %parallel_loop3A_678, %parallel_loop3A_671 masked %parallel_loop3A_679 : (vector<16xf32>, vector<16xi32>, vector<16xi1>) -> (vector<16xi1>, vector<16xf32>, vector<16xi32>)
      %parallel_loop3A_683 = arith.constant 15 : i32
      %parallel_loop3A_684 = vector.broadcast %parallel_loop3A_683 : i32 to vector<16xi32>
      %parallel_loop3A_685 = tpu.iota {dimensions = array<i32: 0>} : vector<16xi32>
      %parallel_loop3A_686 = arith.subi %parallel_loop3A_684, %parallel_loop3A_685 : vector<16xi32>
      %parallel_loop3A_687 = tpu.dynamic_gather %parallel_loop3A_681[%parallel_loop3A_686] in [0] : vector<16xf32>, vector<16xi32> -> vector<16xf32>
      %parallel_loop3A_688 = arith.constant 15 : i32
      %parallel_loop3A_689 = vector.broadcast %parallel_loop3A_688 : i32 to vector<16xi32>
      %parallel_loop3A_690 = tpu.iota {dimensions = array<i32: 0>} : vector<16xi32>
      %parallel_loop3A_691 = arith.subi %parallel_loop3A_689, %parallel_loop3A_690 : vector<16xi32>
      %parallel_loop3A_692 = tpu.dynamic_gather %parallel_loop3A_682[%parallel_loop3A_691] in [0] : vector<16xi32>, vector<16xi32> -> vector<16xi32>
      %parallel_loop3A_693 = arith.cmpf ole, %parallel_loop3A_661, %parallel_loop3A_687 : vector<16xf32>
      %parallel_loop3A_694 = arith.minimumf %parallel_loop3A_661, %parallel_loop3A_687 : vector<16xf32>
      %parallel_loop3A_695 = arith.select %parallel_loop3A_693, %parallel_loop3A_662, %parallel_loop3A_692 : vector<16xi1>, vector<16xi32>
      %parallel_loop3A_696 = arith.constant dense<true> : vector<16xi1>
      %parallel_loop3A_697, %parallel_loop3A_698, %parallel_loop3A_699 = tpu.sort %parallel_loop3A_694, %parallel_loop3A_695 masked %parallel_loop3A_696 : (vector<16xf32>, vector<16xi32>, vector<16xi1>) -> (vector<16xi1>, vector<16xf32>, vector<16xi32>)
      %parallel_loop3A_700 = arith.constant 288 : index
      %parallel_loop3A_701 = tpu.vector_load %arg5[%parallel_loop3A_700] {strides = array<i32>} : memref<512xf32, #tpu.memory_space<vmem>>, vector<16xf32>,
      %parallel_loop3A_702 = arith.constant 288 : index
      %parallel_loop3A_703 = tpu.vector_load %arg6[%parallel_loop3A_702] {strides = array<i32>} : memref<512xf32, #tpu.memory_space<vmem>>, vector<16xf32>,
      %parallel_loop3A_704 = arith.subf %parallel_loop3A_701, %parallel_loop3A_64 : vector<16xf32>
      %parallel_loop3A_705 = arith.subf %parallel_loop3A_703, %parallel_loop3A_67 : vector<16xf32>
      %parallel_loop3A_706 = arith.constant 288 : i32
      %parallel_loop3A_707 = vector.broadcast %parallel_loop3A_706 : i32 to vector<16xi32>
      %parallel_loop3A_708 = arith.addi %iota3A, %parallel_loop3A_707 : vector<16xi32>
      %parallel_loop3A_709 = arith.cmpi eq, %parallel_loop3A_708, %parallel_loop3A_25 : vector<16xi32>
      %parallel_loop3A_710 = arith.mulf %parallel_loop3A_704, %parallel_loop3A_704 : vector<16xf32>
      %parallel_loop3A_711 = arith.mulf %parallel_loop3A_705, %parallel_loop3A_705 : vector<16xf32>
      %parallel_loop3A_712 = arith.addf %parallel_loop3A_710, %parallel_loop3A_711 : vector<16xf32>
      %parallel_loop3A_713 = arith.constant 3.400000e+38 : f32
      %parallel_loop3A_714 = vector.broadcast %parallel_loop3A_713 : f32 to vector<16xf32>
      %parallel_loop3A_715 = arith.select %parallel_loop3A_709, %parallel_loop3A_714, %parallel_loop3A_712 : vector<16xi1>, vector<16xf32>
      %parallel_loop3A_716 = arith.constant dense<true> : vector<16xi1>
      %parallel_loop3A_717, %parallel_loop3A_718, %parallel_loop3A_719 = tpu.sort %parallel_loop3A_715, %parallel_loop3A_708 masked %parallel_loop3A_716 : (vector<16xf32>, vector<16xi32>, vector<16xi1>) -> (vector<16xi1>, vector<16xf32>, vector<16xi32>)
      %parallel_loop3A_720 = arith.constant 304 : index
      %parallel_loop3A_721 = tpu.vector_load %arg5[%parallel_loop3A_720] {strides = array<i32>} : memref<512xf32, #tpu.memory_space<vmem>>, vector<16xf32>,
      %parallel_loop3A_722 = arith.constant 304 : index
      %parallel_loop3A_723 = tpu.vector_load %arg6[%parallel_loop3A_722] {strides = array<i32>} : memref<512xf32, #tpu.memory_space<vmem>>, vector<16xf32>,
      %parallel_loop3A_724 = arith.subf %parallel_loop3A_721, %parallel_loop3A_64 : vector<16xf32>
      %parallel_loop3A_725 = arith.subf %parallel_loop3A_723, %parallel_loop3A_67 : vector<16xf32>
      %parallel_loop3A_726 = arith.constant 304 : i32
      %parallel_loop3A_727 = vector.broadcast %parallel_loop3A_726 : i32 to vector<16xi32>
      %parallel_loop3A_728 = arith.addi %iota3A, %parallel_loop3A_727 : vector<16xi32>
      %parallel_loop3A_729 = arith.cmpi eq, %parallel_loop3A_728, %parallel_loop3A_25 : vector<16xi32>
      %parallel_loop3A_730 = arith.mulf %parallel_loop3A_724, %parallel_loop3A_724 : vector<16xf32>
      %parallel_loop3A_731 = arith.mulf %parallel_loop3A_725, %parallel_loop3A_725 : vector<16xf32>
      %parallel_loop3A_732 = arith.addf %parallel_loop3A_730, %parallel_loop3A_731 : vector<16xf32>
      %parallel_loop3A_733 = arith.constant 3.400000e+38 : f32
      %parallel_loop3A_734 = vector.broadcast %parallel_loop3A_733 : f32 to vector<16xf32>
      %parallel_loop3A_735 = arith.select %parallel_loop3A_729, %parallel_loop3A_734, %parallel_loop3A_732 : vector<16xi1>, vector<16xf32>
      %parallel_loop3A_736 = arith.constant dense<true> : vector<16xi1>
      %parallel_loop3A_737, %parallel_loop3A_738, %parallel_loop3A_739 = tpu.sort %parallel_loop3A_735, %parallel_loop3A_728 masked %parallel_loop3A_736 : (vector<16xf32>, vector<16xi32>, vector<16xi1>) -> (vector<16xi1>, vector<16xf32>, vector<16xi32>)
      %parallel_loop3A_740 = arith.constant 15 : i32
      %parallel_loop3A_741 = vector.broadcast %parallel_loop3A_740 : i32 to vector<16xi32>
      %parallel_loop3A_742 = tpu.iota {dimensions = array<i32: 0>} : vector<16xi32>
      %parallel_loop3A_743 = arith.subi %parallel_loop3A_741, %parallel_loop3A_742 : vector<16xi32>
      %parallel_loop3A_744 = tpu.dynamic_gather %parallel_loop3A_738[%parallel_loop3A_743] in [0] : vector<16xf32>, vector<16xi32> -> vector<16xf32>
      %parallel_loop3A_745 = arith.constant 15 : i32
      %parallel_loop3A_746 = vector.broadcast %parallel_loop3A_745 : i32 to vector<16xi32>
      %parallel_loop3A_747 = tpu.iota {dimensions = array<i32: 0>} : vector<16xi32>
      %parallel_loop3A_748 = arith.subi %parallel_loop3A_746, %parallel_loop3A_747 : vector<16xi32>
      %parallel_loop3A_749 = tpu.dynamic_gather %parallel_loop3A_739[%parallel_loop3A_748] in [0] : vector<16xi32>, vector<16xi32> -> vector<16xi32>
      %parallel_loop3A_750 = arith.cmpf ole, %parallel_loop3A_718, %parallel_loop3A_744 : vector<16xf32>
      %parallel_loop3A_751 = arith.minimumf %parallel_loop3A_718, %parallel_loop3A_744 : vector<16xf32>
      %parallel_loop3A_752 = arith.select %parallel_loop3A_750, %parallel_loop3A_719, %parallel_loop3A_749 : vector<16xi1>, vector<16xi32>
      %parallel_loop3A_753 = arith.constant dense<true> : vector<16xi1>
      %parallel_loop3A_754, %parallel_loop3A_755, %parallel_loop3A_756 = tpu.sort %parallel_loop3A_751, %parallel_loop3A_752 masked %parallel_loop3A_753 : (vector<16xf32>, vector<16xi32>, vector<16xi1>) -> (vector<16xi1>, vector<16xf32>, vector<16xi32>)
      %parallel_loop3A_757 = arith.constant 15 : i32
      %parallel_loop3A_758 = vector.broadcast %parallel_loop3A_757 : i32 to vector<16xi32>
      %parallel_loop3A_759 = tpu.iota {dimensions = array<i32: 0>} : vector<16xi32>
      %parallel_loop3A_760 = arith.subi %parallel_loop3A_758, %parallel_loop3A_759 : vector<16xi32>
      %parallel_loop3A_761 = tpu.dynamic_gather %parallel_loop3A_755[%parallel_loop3A_760] in [0] : vector<16xf32>, vector<16xi32> -> vector<16xf32>
      %parallel_loop3A_762 = arith.constant 15 : i32
      %parallel_loop3A_763 = vector.broadcast %parallel_loop3A_762 : i32 to vector<16xi32>
      %parallel_loop3A_764 = tpu.iota {dimensions = array<i32: 0>} : vector<16xi32>
      %parallel_loop3A_765 = arith.subi %parallel_loop3A_763, %parallel_loop3A_764 : vector<16xi32>
      %parallel_loop3A_766 = tpu.dynamic_gather %parallel_loop3A_756[%parallel_loop3A_765] in [0] : vector<16xi32>, vector<16xi32> -> vector<16xi32>
      %parallel_loop3A_767 = arith.cmpf ole, %parallel_loop3A_698, %parallel_loop3A_761 : vector<16xf32>
      %parallel_loop3A_768 = arith.minimumf %parallel_loop3A_698, %parallel_loop3A_761 : vector<16xf32>
      %parallel_loop3A_769 = arith.select %parallel_loop3A_767, %parallel_loop3A_699, %parallel_loop3A_766 : vector<16xi1>, vector<16xi32>
      %parallel_loop3A_770 = arith.constant dense<true> : vector<16xi1>
      %parallel_loop3A_771, %parallel_loop3A_772, %parallel_loop3A_773 = tpu.sort %parallel_loop3A_768, %parallel_loop3A_769 masked %parallel_loop3A_770 : (vector<16xf32>, vector<16xi32>, vector<16xi1>) -> (vector<16xi1>, vector<16xf32>, vector<16xi32>)
      %parallel_loop3A_774 = arith.constant 320 : index
      %parallel_loop3A_775 = tpu.vector_load %arg5[%parallel_loop3A_774] {strides = array<i32>} : memref<512xf32, #tpu.memory_space<vmem>>, vector<16xf32>,
      %parallel_loop3A_776 = arith.constant 320 : index
      %parallel_loop3A_777 = tpu.vector_load %arg6[%parallel_loop3A_776] {strides = array<i32>} : memref<512xf32, #tpu.memory_space<vmem>>, vector<16xf32>,
      %parallel_loop3A_778 = arith.subf %parallel_loop3A_775, %parallel_loop3A_64 : vector<16xf32>
      %parallel_loop3A_779 = arith.subf %parallel_loop3A_777, %parallel_loop3A_67 : vector<16xf32>
      %parallel_loop3A_780 = arith.constant 320 : i32
      %parallel_loop3A_781 = vector.broadcast %parallel_loop3A_780 : i32 to vector<16xi32>
      %parallel_loop3A_782 = arith.addi %iota3A, %parallel_loop3A_781 : vector<16xi32>
      %parallel_loop3A_783 = arith.cmpi eq, %parallel_loop3A_782, %parallel_loop3A_25 : vector<16xi32>
      %parallel_loop3A_784 = arith.mulf %parallel_loop3A_778, %parallel_loop3A_778 : vector<16xf32>
      %parallel_loop3A_785 = arith.mulf %parallel_loop3A_779, %parallel_loop3A_779 : vector<16xf32>
      %parallel_loop3A_786 = arith.addf %parallel_loop3A_784, %parallel_loop3A_785 : vector<16xf32>
      %parallel_loop3A_787 = arith.constant 3.400000e+38 : f32
      %parallel_loop3A_788 = vector.broadcast %parallel_loop3A_787 : f32 to vector<16xf32>
      %parallel_loop3A_789 = arith.select %parallel_loop3A_783, %parallel_loop3A_788, %parallel_loop3A_786 : vector<16xi1>, vector<16xf32>
      %parallel_loop3A_790 = arith.constant dense<true> : vector<16xi1>
      %parallel_loop3A_791, %parallel_loop3A_792, %parallel_loop3A_793 = tpu.sort %parallel_loop3A_789, %parallel_loop3A_782 masked %parallel_loop3A_790 : (vector<16xf32>, vector<16xi32>, vector<16xi1>) -> (vector<16xi1>, vector<16xf32>, vector<16xi32>)
      %parallel_loop3A_794 = arith.constant 336 : index
      %parallel_loop3A_795 = tpu.vector_load %arg5[%parallel_loop3A_794] {strides = array<i32>} : memref<512xf32, #tpu.memory_space<vmem>>, vector<16xf32>,
      %parallel_loop3A_796 = arith.constant 336 : index
      %parallel_loop3A_797 = tpu.vector_load %arg6[%parallel_loop3A_796] {strides = array<i32>} : memref<512xf32, #tpu.memory_space<vmem>>, vector<16xf32>,
      %parallel_loop3A_798 = arith.subf %parallel_loop3A_795, %parallel_loop3A_64 : vector<16xf32>
      %parallel_loop3A_799 = arith.subf %parallel_loop3A_797, %parallel_loop3A_67 : vector<16xf32>
      %parallel_loop3A_800 = arith.constant 336 : i32
      %parallel_loop3A_801 = vector.broadcast %parallel_loop3A_800 : i32 to vector<16xi32>
      %parallel_loop3A_802 = arith.addi %iota3A, %parallel_loop3A_801 : vector<16xi32>
      %parallel_loop3A_803 = arith.cmpi eq, %parallel_loop3A_802, %parallel_loop3A_25 : vector<16xi32>
      %parallel_loop3A_804 = arith.mulf %parallel_loop3A_798, %parallel_loop3A_798 : vector<16xf32>
      %parallel_loop3A_805 = arith.mulf %parallel_loop3A_799, %parallel_loop3A_799 : vector<16xf32>
      %parallel_loop3A_806 = arith.addf %parallel_loop3A_804, %parallel_loop3A_805 : vector<16xf32>
      %parallel_loop3A_807 = arith.constant 3.400000e+38 : f32
      %parallel_loop3A_808 = vector.broadcast %parallel_loop3A_807 : f32 to vector<16xf32>
      %parallel_loop3A_809 = arith.select %parallel_loop3A_803, %parallel_loop3A_808, %parallel_loop3A_806 : vector<16xi1>, vector<16xf32>
      %parallel_loop3A_810 = arith.constant dense<true> : vector<16xi1>
      %parallel_loop3A_811, %parallel_loop3A_812, %parallel_loop3A_813 = tpu.sort %parallel_loop3A_809, %parallel_loop3A_802 masked %parallel_loop3A_810 : (vector<16xf32>, vector<16xi32>, vector<16xi1>) -> (vector<16xi1>, vector<16xf32>, vector<16xi32>)
      %parallel_loop3A_814 = arith.constant 15 : i32
      %parallel_loop3A_815 = vector.broadcast %parallel_loop3A_814 : i32 to vector<16xi32>
      %parallel_loop3A_816 = tpu.iota {dimensions = array<i32: 0>} : vector<16xi32>
      %parallel_loop3A_817 = arith.subi %parallel_loop3A_815, %parallel_loop3A_816 : vector<16xi32>
      %parallel_loop3A_818 = tpu.dynamic_gather %parallel_loop3A_812[%parallel_loop3A_817] in [0] : vector<16xf32>, vector<16xi32> -> vector<16xf32>
      %parallel_loop3A_819 = arith.constant 15 : i32
      %parallel_loop3A_820 = vector.broadcast %parallel_loop3A_819 : i32 to vector<16xi32>
      %parallel_loop3A_821 = tpu.iota {dimensions = array<i32: 0>} : vector<16xi32>
      %parallel_loop3A_822 = arith.subi %parallel_loop3A_820, %parallel_loop3A_821 : vector<16xi32>
      %parallel_loop3A_823 = tpu.dynamic_gather %parallel_loop3A_813[%parallel_loop3A_822] in [0] : vector<16xi32>, vector<16xi32> -> vector<16xi32>
      %parallel_loop3A_824 = arith.cmpf ole, %parallel_loop3A_792, %parallel_loop3A_818 : vector<16xf32>
      %parallel_loop3A_825 = arith.minimumf %parallel_loop3A_792, %parallel_loop3A_818 : vector<16xf32>
      %parallel_loop3A_826 = arith.select %parallel_loop3A_824, %parallel_loop3A_793, %parallel_loop3A_823 : vector<16xi1>, vector<16xi32>
      %parallel_loop3A_827 = arith.constant dense<true> : vector<16xi1>
      %parallel_loop3A_828, %parallel_loop3A_829, %parallel_loop3A_830 = tpu.sort %parallel_loop3A_825, %parallel_loop3A_826 masked %parallel_loop3A_827 : (vector<16xf32>, vector<16xi32>, vector<16xi1>) -> (vector<16xi1>, vector<16xf32>, vector<16xi32>)
      %parallel_loop3A_831 = arith.constant 352 : index
      %parallel_loop3A_832 = tpu.vector_load %arg5[%parallel_loop3A_831] {strides = array<i32>} : memref<512xf32, #tpu.memory_space<vmem>>, vector<16xf32>,
      %parallel_loop3A_833 = arith.constant 352 : index
      %parallel_loop3A_834 = tpu.vector_load %arg6[%parallel_loop3A_833] {strides = array<i32>} : memref<512xf32, #tpu.memory_space<vmem>>, vector<16xf32>,
      %parallel_loop3A_835 = arith.subf %parallel_loop3A_832, %parallel_loop3A_64 : vector<16xf32>
      %parallel_loop3A_836 = arith.subf %parallel_loop3A_834, %parallel_loop3A_67 : vector<16xf32>
      %parallel_loop3A_837 = arith.constant 352 : i32
      %parallel_loop3A_838 = vector.broadcast %parallel_loop3A_837 : i32 to vector<16xi32>
      %parallel_loop3A_839 = arith.addi %iota3A, %parallel_loop3A_838 : vector<16xi32>
      %parallel_loop3A_840 = arith.cmpi eq, %parallel_loop3A_839, %parallel_loop3A_25 : vector<16xi32>
      %parallel_loop3A_841 = arith.mulf %parallel_loop3A_835, %parallel_loop3A_835 : vector<16xf32>
      %parallel_loop3A_842 = arith.mulf %parallel_loop3A_836, %parallel_loop3A_836 : vector<16xf32>
      %parallel_loop3A_843 = arith.addf %parallel_loop3A_841, %parallel_loop3A_842 : vector<16xf32>
      %parallel_loop3A_844 = arith.constant 3.400000e+38 : f32
      %parallel_loop3A_845 = vector.broadcast %parallel_loop3A_844 : f32 to vector<16xf32>
      %parallel_loop3A_846 = arith.select %parallel_loop3A_840, %parallel_loop3A_845, %parallel_loop3A_843 : vector<16xi1>, vector<16xf32>
      %parallel_loop3A_847 = arith.constant dense<true> : vector<16xi1>
      %parallel_loop3A_848, %parallel_loop3A_849, %parallel_loop3A_850 = tpu.sort %parallel_loop3A_846, %parallel_loop3A_839 masked %parallel_loop3A_847 : (vector<16xf32>, vector<16xi32>, vector<16xi1>) -> (vector<16xi1>, vector<16xf32>, vector<16xi32>)
      %parallel_loop3A_851 = arith.constant 368 : index
      %parallel_loop3A_852 = tpu.vector_load %arg5[%parallel_loop3A_851] {strides = array<i32>} : memref<512xf32, #tpu.memory_space<vmem>>, vector<16xf32>,
      %parallel_loop3A_853 = arith.constant 368 : index
      %parallel_loop3A_854 = tpu.vector_load %arg6[%parallel_loop3A_853] {strides = array<i32>} : memref<512xf32, #tpu.memory_space<vmem>>, vector<16xf32>,
      %parallel_loop3A_855 = arith.subf %parallel_loop3A_852, %parallel_loop3A_64 : vector<16xf32>
      %parallel_loop3A_856 = arith.subf %parallel_loop3A_854, %parallel_loop3A_67 : vector<16xf32>
      %parallel_loop3A_857 = arith.constant 368 : i32
      %parallel_loop3A_858 = vector.broadcast %parallel_loop3A_857 : i32 to vector<16xi32>
      %parallel_loop3A_859 = arith.addi %iota3A, %parallel_loop3A_858 : vector<16xi32>
      %parallel_loop3A_860 = arith.cmpi eq, %parallel_loop3A_859, %parallel_loop3A_25 : vector<16xi32>
      %parallel_loop3A_861 = arith.mulf %parallel_loop3A_855, %parallel_loop3A_855 : vector<16xf32>
      %parallel_loop3A_862 = arith.mulf %parallel_loop3A_856, %parallel_loop3A_856 : vector<16xf32>
      %parallel_loop3A_863 = arith.addf %parallel_loop3A_861, %parallel_loop3A_862 : vector<16xf32>
      %parallel_loop3A_864 = arith.constant 3.400000e+38 : f32
      %parallel_loop3A_865 = vector.broadcast %parallel_loop3A_864 : f32 to vector<16xf32>
      %parallel_loop3A_866 = arith.select %parallel_loop3A_860, %parallel_loop3A_865, %parallel_loop3A_863 : vector<16xi1>, vector<16xf32>
      %parallel_loop3A_867 = arith.constant dense<true> : vector<16xi1>
      %parallel_loop3A_868, %parallel_loop3A_869, %parallel_loop3A_870 = tpu.sort %parallel_loop3A_866, %parallel_loop3A_859 masked %parallel_loop3A_867 : (vector<16xf32>, vector<16xi32>, vector<16xi1>) -> (vector<16xi1>, vector<16xf32>, vector<16xi32>)
      %parallel_loop3A_871 = arith.constant 15 : i32
      %parallel_loop3A_872 = vector.broadcast %parallel_loop3A_871 : i32 to vector<16xi32>
      %parallel_loop3A_873 = tpu.iota {dimensions = array<i32: 0>} : vector<16xi32>
      %parallel_loop3A_874 = arith.subi %parallel_loop3A_872, %parallel_loop3A_873 : vector<16xi32>
      %parallel_loop3A_875 = tpu.dynamic_gather %parallel_loop3A_869[%parallel_loop3A_874] in [0] : vector<16xf32>, vector<16xi32> -> vector<16xf32>
      %parallel_loop3A_876 = arith.constant 15 : i32
      %parallel_loop3A_877 = vector.broadcast %parallel_loop3A_876 : i32 to vector<16xi32>
      %parallel_loop3A_878 = tpu.iota {dimensions = array<i32: 0>} : vector<16xi32>
      %parallel_loop3A_879 = arith.subi %parallel_loop3A_877, %parallel_loop3A_878 : vector<16xi32>
      %parallel_loop3A_880 = tpu.dynamic_gather %parallel_loop3A_870[%parallel_loop3A_879] in [0] : vector<16xi32>, vector<16xi32> -> vector<16xi32>
      %parallel_loop3A_881 = arith.cmpf ole, %parallel_loop3A_849, %parallel_loop3A_875 : vector<16xf32>
      %parallel_loop3A_882 = arith.minimumf %parallel_loop3A_849, %parallel_loop3A_875 : vector<16xf32>
      %parallel_loop3A_883 = arith.select %parallel_loop3A_881, %parallel_loop3A_850, %parallel_loop3A_880 : vector<16xi1>, vector<16xi32>
      %parallel_loop3A_884 = arith.constant dense<true> : vector<16xi1>
      %parallel_loop3A_885, %parallel_loop3A_886, %parallel_loop3A_887 = tpu.sort %parallel_loop3A_882, %parallel_loop3A_883 masked %parallel_loop3A_884 : (vector<16xf32>, vector<16xi32>, vector<16xi1>) -> (vector<16xi1>, vector<16xf32>, vector<16xi32>)
      %parallel_loop3A_888 = arith.constant 15 : i32
      %parallel_loop3A_889 = vector.broadcast %parallel_loop3A_888 : i32 to vector<16xi32>
      %parallel_loop3A_890 = tpu.iota {dimensions = array<i32: 0>} : vector<16xi32>
      %parallel_loop3A_891 = arith.subi %parallel_loop3A_889, %parallel_loop3A_890 : vector<16xi32>
      %parallel_loop3A_892 = tpu.dynamic_gather %parallel_loop3A_886[%parallel_loop3A_891] in [0] : vector<16xf32>, vector<16xi32> -> vector<16xf32>
      %parallel_loop3A_893 = arith.constant 15 : i32
      %parallel_loop3A_894 = vector.broadcast %parallel_loop3A_893 : i32 to vector<16xi32>
      %parallel_loop3A_895 = tpu.iota {dimensions = array<i32: 0>} : vector<16xi32>
      %parallel_loop3A_896 = arith.subi %parallel_loop3A_894, %parallel_loop3A_895 : vector<16xi32>
      %parallel_loop3A_897 = tpu.dynamic_gather %parallel_loop3A_887[%parallel_loop3A_896] in [0] : vector<16xi32>, vector<16xi32> -> vector<16xi32>
      %parallel_loop3A_898 = arith.cmpf ole, %parallel_loop3A_829, %parallel_loop3A_892 : vector<16xf32>
      %parallel_loop3A_899 = arith.minimumf %parallel_loop3A_829, %parallel_loop3A_892 : vector<16xf32>
      %parallel_loop3A_900 = arith.select %parallel_loop3A_898, %parallel_loop3A_830, %parallel_loop3A_897 : vector<16xi1>, vector<16xi32>
      %parallel_loop3A_901 = arith.constant dense<true> : vector<16xi1>
      %parallel_loop3A_902, %parallel_loop3A_903, %parallel_loop3A_904 = tpu.sort %parallel_loop3A_899, %parallel_loop3A_900 masked %parallel_loop3A_901 : (vector<16xf32>, vector<16xi32>, vector<16xi1>) -> (vector<16xi1>, vector<16xf32>, vector<16xi32>)
      %parallel_loop3A_905 = arith.constant 15 : i32
      %parallel_loop3A_906 = vector.broadcast %parallel_loop3A_905 : i32 to vector<16xi32>
      %parallel_loop3A_907 = tpu.iota {dimensions = array<i32: 0>} : vector<16xi32>
      %parallel_loop3A_908 = arith.subi %parallel_loop3A_906, %parallel_loop3A_907 : vector<16xi32>
      %parallel_loop3A_909 = tpu.dynamic_gather %parallel_loop3A_903[%parallel_loop3A_908] in [0] : vector<16xf32>, vector<16xi32> -> vector<16xf32>
      %parallel_loop3A_910 = arith.constant 15 : i32
      %parallel_loop3A_911 = vector.broadcast %parallel_loop3A_910 : i32 to vector<16xi32>
      %parallel_loop3A_912 = tpu.iota {dimensions = array<i32: 0>} : vector<16xi32>
      %parallel_loop3A_913 = arith.subi %parallel_loop3A_911, %parallel_loop3A_912 : vector<16xi32>
      %parallel_loop3A_914 = tpu.dynamic_gather %parallel_loop3A_904[%parallel_loop3A_913] in [0] : vector<16xi32>, vector<16xi32> -> vector<16xi32>
      %parallel_loop3A_915 = arith.cmpf ole, %parallel_loop3A_772, %parallel_loop3A_909 : vector<16xf32>
      %parallel_loop3A_916 = arith.minimumf %parallel_loop3A_772, %parallel_loop3A_909 : vector<16xf32>
      %parallel_loop3A_917 = arith.select %parallel_loop3A_915, %parallel_loop3A_773, %parallel_loop3A_914 : vector<16xi1>, vector<16xi32>
      %parallel_loop3A_918 = arith.constant dense<true> : vector<16xi1>
      %parallel_loop3A_919, %parallel_loop3A_920, %parallel_loop3A_921 = tpu.sort %parallel_loop3A_916, %parallel_loop3A_917 masked %parallel_loop3A_918 : (vector<16xf32>, vector<16xi32>, vector<16xi1>) -> (vector<16xi1>, vector<16xf32>, vector<16xi32>)
      %parallel_loop3A_922 = arith.constant 384 : index
      %parallel_loop3A_923 = tpu.vector_load %arg5[%parallel_loop3A_922] {strides = array<i32>} : memref<512xf32, #tpu.memory_space<vmem>>, vector<16xf32>,
      %parallel_loop3A_924 = arith.constant 384 : index
      %parallel_loop3A_925 = tpu.vector_load %arg6[%parallel_loop3A_924] {strides = array<i32>} : memref<512xf32, #tpu.memory_space<vmem>>, vector<16xf32>,
      %parallel_loop3A_926 = arith.subf %parallel_loop3A_923, %parallel_loop3A_64 : vector<16xf32>
      %parallel_loop3A_927 = arith.subf %parallel_loop3A_925, %parallel_loop3A_67 : vector<16xf32>
      %parallel_loop3A_928 = arith.constant 384 : i32
      %parallel_loop3A_929 = vector.broadcast %parallel_loop3A_928 : i32 to vector<16xi32>
      %parallel_loop3A_930 = arith.addi %iota3A, %parallel_loop3A_929 : vector<16xi32>
      %parallel_loop3A_931 = arith.cmpi eq, %parallel_loop3A_930, %parallel_loop3A_25 : vector<16xi32>
      %parallel_loop3A_932 = arith.mulf %parallel_loop3A_926, %parallel_loop3A_926 : vector<16xf32>
      %parallel_loop3A_933 = arith.mulf %parallel_loop3A_927, %parallel_loop3A_927 : vector<16xf32>
      %parallel_loop3A_934 = arith.addf %parallel_loop3A_932, %parallel_loop3A_933 : vector<16xf32>
      %parallel_loop3A_935 = arith.constant 3.400000e+38 : f32
      %parallel_loop3A_936 = vector.broadcast %parallel_loop3A_935 : f32 to vector<16xf32>
      %parallel_loop3A_937 = arith.select %parallel_loop3A_931, %parallel_loop3A_936, %parallel_loop3A_934 : vector<16xi1>, vector<16xf32>
      %parallel_loop3A_938 = arith.constant dense<true> : vector<16xi1>
      %parallel_loop3A_939, %parallel_loop3A_940, %parallel_loop3A_941 = tpu.sort %parallel_loop3A_937, %parallel_loop3A_930 masked %parallel_loop3A_938 : (vector<16xf32>, vector<16xi32>, vector<16xi1>) -> (vector<16xi1>, vector<16xf32>, vector<16xi32>)
      %parallel_loop3A_942 = arith.constant 400 : index
      %parallel_loop3A_943 = tpu.vector_load %arg5[%parallel_loop3A_942] {strides = array<i32>} : memref<512xf32, #tpu.memory_space<vmem>>, vector<16xf32>,
      %parallel_loop3A_944 = arith.constant 400 : index
      %parallel_loop3A_945 = tpu.vector_load %arg6[%parallel_loop3A_944] {strides = array<i32>} : memref<512xf32, #tpu.memory_space<vmem>>, vector<16xf32>,
      %parallel_loop3A_946 = arith.subf %parallel_loop3A_943, %parallel_loop3A_64 : vector<16xf32>
      %parallel_loop3A_947 = arith.subf %parallel_loop3A_945, %parallel_loop3A_67 : vector<16xf32>
      %parallel_loop3A_948 = arith.constant 400 : i32
      %parallel_loop3A_949 = vector.broadcast %parallel_loop3A_948 : i32 to vector<16xi32>
      %parallel_loop3A_950 = arith.addi %iota3A, %parallel_loop3A_949 : vector<16xi32>
      %parallel_loop3A_951 = arith.cmpi eq, %parallel_loop3A_950, %parallel_loop3A_25 : vector<16xi32>
      %parallel_loop3A_952 = arith.mulf %parallel_loop3A_946, %parallel_loop3A_946 : vector<16xf32>
      %parallel_loop3A_953 = arith.mulf %parallel_loop3A_947, %parallel_loop3A_947 : vector<16xf32>
      %parallel_loop3A_954 = arith.addf %parallel_loop3A_952, %parallel_loop3A_953 : vector<16xf32>
      %parallel_loop3A_955 = arith.constant 3.400000e+38 : f32
      %parallel_loop3A_956 = vector.broadcast %parallel_loop3A_955 : f32 to vector<16xf32>
      %parallel_loop3A_957 = arith.select %parallel_loop3A_951, %parallel_loop3A_956, %parallel_loop3A_954 : vector<16xi1>, vector<16xf32>
      %parallel_loop3A_958 = arith.constant dense<true> : vector<16xi1>
      %parallel_loop3A_959, %parallel_loop3A_960, %parallel_loop3A_961 = tpu.sort %parallel_loop3A_957, %parallel_loop3A_950 masked %parallel_loop3A_958 : (vector<16xf32>, vector<16xi32>, vector<16xi1>) -> (vector<16xi1>, vector<16xf32>, vector<16xi32>)
      %parallel_loop3A_962 = arith.constant 15 : i32
      %parallel_loop3A_963 = vector.broadcast %parallel_loop3A_962 : i32 to vector<16xi32>
      %parallel_loop3A_964 = tpu.iota {dimensions = array<i32: 0>} : vector<16xi32>
      %parallel_loop3A_965 = arith.subi %parallel_loop3A_963, %parallel_loop3A_964 : vector<16xi32>
      %parallel_loop3A_966 = tpu.dynamic_gather %parallel_loop3A_960[%parallel_loop3A_965] in [0] : vector<16xf32>, vector<16xi32> -> vector<16xf32>
      %parallel_loop3A_967 = arith.constant 15 : i32
      %parallel_loop3A_968 = vector.broadcast %parallel_loop3A_967 : i32 to vector<16xi32>
      %parallel_loop3A_969 = tpu.iota {dimensions = array<i32: 0>} : vector<16xi32>
      %parallel_loop3A_970 = arith.subi %parallel_loop3A_968, %parallel_loop3A_969 : vector<16xi32>
      %parallel_loop3A_971 = tpu.dynamic_gather %parallel_loop3A_961[%parallel_loop3A_970] in [0] : vector<16xi32>, vector<16xi32> -> vector<16xi32>
      %parallel_loop3A_972 = arith.cmpf ole, %parallel_loop3A_940, %parallel_loop3A_966 : vector<16xf32>
      %parallel_loop3A_973 = arith.minimumf %parallel_loop3A_940, %parallel_loop3A_966 : vector<16xf32>
      %parallel_loop3A_974 = arith.select %parallel_loop3A_972, %parallel_loop3A_941, %parallel_loop3A_971 : vector<16xi1>, vector<16xi32>
      %parallel_loop3A_975 = arith.constant dense<true> : vector<16xi1>
      %parallel_loop3A_976, %parallel_loop3A_977, %parallel_loop3A_978 = tpu.sort %parallel_loop3A_973, %parallel_loop3A_974 masked %parallel_loop3A_975 : (vector<16xf32>, vector<16xi32>, vector<16xi1>) -> (vector<16xi1>, vector<16xf32>, vector<16xi32>)
      %parallel_loop3A_979 = arith.constant 416 : index
      %parallel_loop3A_980 = tpu.vector_load %arg5[%parallel_loop3A_979] {strides = array<i32>} : memref<512xf32, #tpu.memory_space<vmem>>, vector<16xf32>,
      %parallel_loop3A_981 = arith.constant 416 : index
      %parallel_loop3A_982 = tpu.vector_load %arg6[%parallel_loop3A_981] {strides = array<i32>} : memref<512xf32, #tpu.memory_space<vmem>>, vector<16xf32>,
      %parallel_loop3A_983 = arith.subf %parallel_loop3A_980, %parallel_loop3A_64 : vector<16xf32>
      %parallel_loop3A_984 = arith.subf %parallel_loop3A_982, %parallel_loop3A_67 : vector<16xf32>
      %parallel_loop3A_985 = arith.constant 416 : i32
      %parallel_loop3A_986 = vector.broadcast %parallel_loop3A_985 : i32 to vector<16xi32>
      %parallel_loop3A_987 = arith.addi %iota3A, %parallel_loop3A_986 : vector<16xi32>
      %parallel_loop3A_988 = arith.cmpi eq, %parallel_loop3A_987, %parallel_loop3A_25 : vector<16xi32>
      %parallel_loop3A_989 = arith.mulf %parallel_loop3A_983, %parallel_loop3A_983 : vector<16xf32>
      %parallel_loop3A_990 = arith.mulf %parallel_loop3A_984, %parallel_loop3A_984 : vector<16xf32>
      %parallel_loop3A_991 = arith.addf %parallel_loop3A_989, %parallel_loop3A_990 : vector<16xf32>
      %parallel_loop3A_992 = arith.constant 3.400000e+38 : f32
      %parallel_loop3A_993 = vector.broadcast %parallel_loop3A_992 : f32 to vector<16xf32>
      %parallel_loop3A_994 = arith.select %parallel_loop3A_988, %parallel_loop3A_993, %parallel_loop3A_991 : vector<16xi1>, vector<16xf32>
      %parallel_loop3A_995 = arith.constant dense<true> : vector<16xi1>
      %parallel_loop3A_996, %parallel_loop3A_997, %parallel_loop3A_998 = tpu.sort %parallel_loop3A_994, %parallel_loop3A_987 masked %parallel_loop3A_995 : (vector<16xf32>, vector<16xi32>, vector<16xi1>) -> (vector<16xi1>, vector<16xf32>, vector<16xi32>)
      %parallel_loop3A_999 = arith.constant 432 : index
      %parallel_loop3A_1000 = tpu.vector_load %arg5[%parallel_loop3A_999] {strides = array<i32>} : memref<512xf32, #tpu.memory_space<vmem>>, vector<16xf32>,
      %parallel_loop3A_1001 = arith.constant 432 : index
      %parallel_loop3A_1002 = tpu.vector_load %arg6[%parallel_loop3A_1001] {strides = array<i32>} : memref<512xf32, #tpu.memory_space<vmem>>, vector<16xf32>,
      %parallel_loop3A_1003 = arith.subf %parallel_loop3A_1000, %parallel_loop3A_64 : vector<16xf32>
      %parallel_loop3A_1004 = arith.subf %parallel_loop3A_1002, %parallel_loop3A_67 : vector<16xf32>
      %parallel_loop3A_1005 = arith.constant 432 : i32
      %parallel_loop3A_1006 = vector.broadcast %parallel_loop3A_1005 : i32 to vector<16xi32>
      %parallel_loop3A_1007 = arith.addi %iota3A, %parallel_loop3A_1006 : vector<16xi32>
      %parallel_loop3A_1008 = arith.cmpi eq, %parallel_loop3A_1007, %parallel_loop3A_25 : vector<16xi32>
      %parallel_loop3A_1009 = arith.mulf %parallel_loop3A_1003, %parallel_loop3A_1003 : vector<16xf32>
      %parallel_loop3A_1010 = arith.mulf %parallel_loop3A_1004, %parallel_loop3A_1004 : vector<16xf32>
      %parallel_loop3A_1011 = arith.addf %parallel_loop3A_1009, %parallel_loop3A_1010 : vector<16xf32>
      %parallel_loop3A_1012 = arith.constant 3.400000e+38 : f32
      %parallel_loop3A_1013 = vector.broadcast %parallel_loop3A_1012 : f32 to vector<16xf32>
      %parallel_loop3A_1014 = arith.select %parallel_loop3A_1008, %parallel_loop3A_1013, %parallel_loop3A_1011 : vector<16xi1>, vector<16xf32>
      %parallel_loop3A_1015 = arith.constant dense<true> : vector<16xi1>
      %parallel_loop3A_1016, %parallel_loop3A_1017, %parallel_loop3A_1018 = tpu.sort %parallel_loop3A_1014, %parallel_loop3A_1007 masked %parallel_loop3A_1015 : (vector<16xf32>, vector<16xi32>, vector<16xi1>) -> (vector<16xi1>, vector<16xf32>, vector<16xi32>)
      %parallel_loop3A_1019 = arith.constant 15 : i32
      %parallel_loop3A_1020 = vector.broadcast %parallel_loop3A_1019 : i32 to vector<16xi32>
      %parallel_loop3A_1021 = tpu.iota {dimensions = array<i32: 0>} : vector<16xi32>
      %parallel_loop3A_1022 = arith.subi %parallel_loop3A_1020, %parallel_loop3A_1021 : vector<16xi32>
      %parallel_loop3A_1023 = tpu.dynamic_gather %parallel_loop3A_1017[%parallel_loop3A_1022] in [0] : vector<16xf32>, vector<16xi32> -> vector<16xf32>
      %parallel_loop3A_1024 = arith.constant 15 : i32
      %parallel_loop3A_1025 = vector.broadcast %parallel_loop3A_1024 : i32 to vector<16xi32>
      %parallel_loop3A_1026 = tpu.iota {dimensions = array<i32: 0>} : vector<16xi32>
      %parallel_loop3A_1027 = arith.subi %parallel_loop3A_1025, %parallel_loop3A_1026 : vector<16xi32>
      %parallel_loop3A_1028 = tpu.dynamic_gather %parallel_loop3A_1018[%parallel_loop3A_1027] in [0] : vector<16xi32>, vector<16xi32> -> vector<16xi32>
      %parallel_loop3A_1029 = arith.cmpf ole, %parallel_loop3A_997, %parallel_loop3A_1023 : vector<16xf32>
      %parallel_loop3A_1030 = arith.minimumf %parallel_loop3A_997, %parallel_loop3A_1023 : vector<16xf32>
      %parallel_loop3A_1031 = arith.select %parallel_loop3A_1029, %parallel_loop3A_998, %parallel_loop3A_1028 : vector<16xi1>, vector<16xi32>
      %parallel_loop3A_1032 = arith.constant dense<true> : vector<16xi1>
      %parallel_loop3A_1033, %parallel_loop3A_1034, %parallel_loop3A_1035 = tpu.sort %parallel_loop3A_1030, %parallel_loop3A_1031 masked %parallel_loop3A_1032 : (vector<16xf32>, vector<16xi32>, vector<16xi1>) -> (vector<16xi1>, vector<16xf32>, vector<16xi32>)
      %parallel_loop3A_1036 = arith.constant 15 : i32
      %parallel_loop3A_1037 = vector.broadcast %parallel_loop3A_1036 : i32 to vector<16xi32>
      %parallel_loop3A_1038 = tpu.iota {dimensions = array<i32: 0>} : vector<16xi32>
      %parallel_loop3A_1039 = arith.subi %parallel_loop3A_1037, %parallel_loop3A_1038 : vector<16xi32>
      %parallel_loop3A_1040 = tpu.dynamic_gather %parallel_loop3A_1034[%parallel_loop3A_1039] in [0] : vector<16xf32>, vector<16xi32> -> vector<16xf32>
      %parallel_loop3A_1041 = arith.constant 15 : i32
      %parallel_loop3A_1042 = vector.broadcast %parallel_loop3A_1041 : i32 to vector<16xi32>
      %parallel_loop3A_1043 = tpu.iota {dimensions = array<i32: 0>} : vector<16xi32>
      %parallel_loop3A_1044 = arith.subi %parallel_loop3A_1042, %parallel_loop3A_1043 : vector<16xi32>
      %parallel_loop3A_1045 = tpu.dynamic_gather %parallel_loop3A_1035[%parallel_loop3A_1044] in [0] : vector<16xi32>, vector<16xi32> -> vector<16xi32>
      %parallel_loop3A_1046 = arith.cmpf ole, %parallel_loop3A_977, %parallel_loop3A_1040 : vector<16xf32>
      %parallel_loop3A_1047 = arith.minimumf %parallel_loop3A_977, %parallel_loop3A_1040 : vector<16xf32>
      %parallel_loop3A_1048 = arith.select %parallel_loop3A_1046, %parallel_loop3A_978, %parallel_loop3A_1045 : vector<16xi1>, vector<16xi32>
      %parallel_loop3A_1049 = arith.constant dense<true> : vector<16xi1>
      %parallel_loop3A_1050, %parallel_loop3A_1051, %parallel_loop3A_1052 = tpu.sort %parallel_loop3A_1047, %parallel_loop3A_1048 masked %parallel_loop3A_1049 : (vector<16xf32>, vector<16xi32>, vector<16xi1>) -> (vector<16xi1>, vector<16xf32>, vector<16xi32>)
      %parallel_loop3A_1053 = arith.constant 448 : index
      %parallel_loop3A_1054 = tpu.vector_load %arg5[%parallel_loop3A_1053] {strides = array<i32>} : memref<512xf32, #tpu.memory_space<vmem>>, vector<16xf32>,
      %parallel_loop3A_1055 = arith.constant 448 : index
      %parallel_loop3A_1056 = tpu.vector_load %arg6[%parallel_loop3A_1055] {strides = array<i32>} : memref<512xf32, #tpu.memory_space<vmem>>, vector<16xf32>,
      %parallel_loop3A_1057 = arith.subf %parallel_loop3A_1054, %parallel_loop3A_64 : vector<16xf32>
      %parallel_loop3A_1058 = arith.subf %parallel_loop3A_1056, %parallel_loop3A_67 : vector<16xf32>
      %parallel_loop3A_1059 = arith.constant 448 : i32
      %parallel_loop3A_1060 = vector.broadcast %parallel_loop3A_1059 : i32 to vector<16xi32>
      %parallel_loop3A_1061 = arith.addi %iota3A, %parallel_loop3A_1060 : vector<16xi32>
      %parallel_loop3A_1062 = arith.cmpi eq, %parallel_loop3A_1061, %parallel_loop3A_25 : vector<16xi32>
      %parallel_loop3A_1063 = arith.mulf %parallel_loop3A_1057, %parallel_loop3A_1057 : vector<16xf32>
      %parallel_loop3A_1064 = arith.mulf %parallel_loop3A_1058, %parallel_loop3A_1058 : vector<16xf32>
      %parallel_loop3A_1065 = arith.addf %parallel_loop3A_1063, %parallel_loop3A_1064 : vector<16xf32>
      %parallel_loop3A_1066 = arith.constant 3.400000e+38 : f32
      %parallel_loop3A_1067 = vector.broadcast %parallel_loop3A_1066 : f32 to vector<16xf32>
      %parallel_loop3A_1068 = arith.select %parallel_loop3A_1062, %parallel_loop3A_1067, %parallel_loop3A_1065 : vector<16xi1>, vector<16xf32>
      %parallel_loop3A_1069 = arith.constant dense<true> : vector<16xi1>
      %parallel_loop3A_1070, %parallel_loop3A_1071, %parallel_loop3A_1072 = tpu.sort %parallel_loop3A_1068, %parallel_loop3A_1061 masked %parallel_loop3A_1069 : (vector<16xf32>, vector<16xi32>, vector<16xi1>) -> (vector<16xi1>, vector<16xf32>, vector<16xi32>)
      %parallel_loop3A_1073 = arith.constant 464 : index
      %parallel_loop3A_1074 = tpu.vector_load %arg5[%parallel_loop3A_1073] {strides = array<i32>} : memref<512xf32, #tpu.memory_space<vmem>>, vector<16xf32>,
      %parallel_loop3A_1075 = arith.constant 464 : index
      %parallel_loop3A_1076 = tpu.vector_load %arg6[%parallel_loop3A_1075] {strides = array<i32>} : memref<512xf32, #tpu.memory_space<vmem>>, vector<16xf32>,
      %parallel_loop3A_1077 = arith.subf %parallel_loop3A_1074, %parallel_loop3A_64 : vector<16xf32>
      %parallel_loop3A_1078 = arith.subf %parallel_loop3A_1076, %parallel_loop3A_67 : vector<16xf32>
      %parallel_loop3A_1079 = arith.constant 464 : i32
      %parallel_loop3A_1080 = vector.broadcast %parallel_loop3A_1079 : i32 to vector<16xi32>
      %parallel_loop3A_1081 = arith.addi %iota3A, %parallel_loop3A_1080 : vector<16xi32>
      %parallel_loop3A_1082 = arith.cmpi eq, %parallel_loop3A_1081, %parallel_loop3A_25 : vector<16xi32>
      %parallel_loop3A_1083 = arith.mulf %parallel_loop3A_1077, %parallel_loop3A_1077 : vector<16xf32>
      %parallel_loop3A_1084 = arith.mulf %parallel_loop3A_1078, %parallel_loop3A_1078 : vector<16xf32>
      %parallel_loop3A_1085 = arith.addf %parallel_loop3A_1083, %parallel_loop3A_1084 : vector<16xf32>
      %parallel_loop3A_1086 = arith.constant 3.400000e+38 : f32
      %parallel_loop3A_1087 = vector.broadcast %parallel_loop3A_1086 : f32 to vector<16xf32>
      %parallel_loop3A_1088 = arith.select %parallel_loop3A_1082, %parallel_loop3A_1087, %parallel_loop3A_1085 : vector<16xi1>, vector<16xf32>
      %parallel_loop3A_1089 = arith.constant dense<true> : vector<16xi1>
      %parallel_loop3A_1090, %parallel_loop3A_1091, %parallel_loop3A_1092 = tpu.sort %parallel_loop3A_1088, %parallel_loop3A_1081 masked %parallel_loop3A_1089 : (vector<16xf32>, vector<16xi32>, vector<16xi1>) -> (vector<16xi1>, vector<16xf32>, vector<16xi32>)
      %parallel_loop3A_1093 = arith.constant 15 : i32
      %parallel_loop3A_1094 = vector.broadcast %parallel_loop3A_1093 : i32 to vector<16xi32>
      %parallel_loop3A_1095 = tpu.iota {dimensions = array<i32: 0>} : vector<16xi32>
      %parallel_loop3A_1096 = arith.subi %parallel_loop3A_1094, %parallel_loop3A_1095 : vector<16xi32>
      %parallel_loop3A_1097 = tpu.dynamic_gather %parallel_loop3A_1091[%parallel_loop3A_1096] in [0] : vector<16xf32>, vector<16xi32> -> vector<16xf32>
      %parallel_loop3A_1098 = arith.constant 15 : i32
      %parallel_loop3A_1099 = vector.broadcast %parallel_loop3A_1098 : i32 to vector<16xi32>
      %parallel_loop3A_1100 = tpu.iota {dimensions = array<i32: 0>} : vector<16xi32>
      %parallel_loop3A_1101 = arith.subi %parallel_loop3A_1099, %parallel_loop3A_1100 : vector<16xi32>
      %parallel_loop3A_1102 = tpu.dynamic_gather %parallel_loop3A_1092[%parallel_loop3A_1101] in [0] : vector<16xi32>, vector<16xi32> -> vector<16xi32>
      %parallel_loop3A_1103 = arith.cmpf ole, %parallel_loop3A_1071, %parallel_loop3A_1097 : vector<16xf32>
      %parallel_loop3A_1104 = arith.minimumf %parallel_loop3A_1071, %parallel_loop3A_1097 : vector<16xf32>
      %parallel_loop3A_1105 = arith.select %parallel_loop3A_1103, %parallel_loop3A_1072, %parallel_loop3A_1102 : vector<16xi1>, vector<16xi32>
      %parallel_loop3A_1106 = arith.constant dense<true> : vector<16xi1>
      %parallel_loop3A_1107, %parallel_loop3A_1108, %parallel_loop3A_1109 = tpu.sort %parallel_loop3A_1104, %parallel_loop3A_1105 masked %parallel_loop3A_1106 : (vector<16xf32>, vector<16xi32>, vector<16xi1>) -> (vector<16xi1>, vector<16xf32>, vector<16xi32>)
      %parallel_loop3A_1110 = arith.constant 480 : index
      %parallel_loop3A_1111 = tpu.vector_load %arg5[%parallel_loop3A_1110] {strides = array<i32>} : memref<512xf32, #tpu.memory_space<vmem>>, vector<16xf32>,
      %parallel_loop3A_1112 = arith.constant 480 : index
      %parallel_loop3A_1113 = tpu.vector_load %arg6[%parallel_loop3A_1112] {strides = array<i32>} : memref<512xf32, #tpu.memory_space<vmem>>, vector<16xf32>,
      %parallel_loop3A_1114 = arith.subf %parallel_loop3A_1111, %parallel_loop3A_64 : vector<16xf32>
      %parallel_loop3A_1115 = arith.subf %parallel_loop3A_1113, %parallel_loop3A_67 : vector<16xf32>
      %parallel_loop3A_1116 = arith.constant 480 : i32
      %parallel_loop3A_1117 = vector.broadcast %parallel_loop3A_1116 : i32 to vector<16xi32>
      %parallel_loop3A_1118 = arith.addi %iota3A, %parallel_loop3A_1117 : vector<16xi32>
      %parallel_loop3A_1119 = arith.cmpi eq, %parallel_loop3A_1118, %parallel_loop3A_25 : vector<16xi32>
      %parallel_loop3A_1120 = arith.mulf %parallel_loop3A_1114, %parallel_loop3A_1114 : vector<16xf32>
      %parallel_loop3A_1121 = arith.mulf %parallel_loop3A_1115, %parallel_loop3A_1115 : vector<16xf32>
      %parallel_loop3A_1122 = arith.addf %parallel_loop3A_1120, %parallel_loop3A_1121 : vector<16xf32>
      %parallel_loop3A_1123 = arith.constant 3.400000e+38 : f32
      %parallel_loop3A_1124 = vector.broadcast %parallel_loop3A_1123 : f32 to vector<16xf32>
      %parallel_loop3A_1125 = arith.select %parallel_loop3A_1119, %parallel_loop3A_1124, %parallel_loop3A_1122 : vector<16xi1>, vector<16xf32>
      %parallel_loop3A_1126 = arith.constant dense<true> : vector<16xi1>
      %parallel_loop3A_1127, %parallel_loop3A_1128, %parallel_loop3A_1129 = tpu.sort %parallel_loop3A_1125, %parallel_loop3A_1118 masked %parallel_loop3A_1126 : (vector<16xf32>, vector<16xi32>, vector<16xi1>) -> (vector<16xi1>, vector<16xf32>, vector<16xi32>)
      %parallel_loop3A_1130 = arith.constant 496 : index
      %parallel_loop3A_1131 = tpu.vector_load %arg5[%parallel_loop3A_1130] {strides = array<i32>} : memref<512xf32, #tpu.memory_space<vmem>>, vector<16xf32>,
      %parallel_loop3A_1132 = arith.constant 496 : index
      %parallel_loop3A_1133 = tpu.vector_load %arg6[%parallel_loop3A_1132] {strides = array<i32>} : memref<512xf32, #tpu.memory_space<vmem>>, vector<16xf32>,
      %parallel_loop3A_1134 = arith.subf %parallel_loop3A_1131, %parallel_loop3A_64 : vector<16xf32>
      %parallel_loop3A_1135 = arith.subf %parallel_loop3A_1133, %parallel_loop3A_67 : vector<16xf32>
      %parallel_loop3A_1136 = arith.constant 496 : i32
      %parallel_loop3A_1137 = vector.broadcast %parallel_loop3A_1136 : i32 to vector<16xi32>
      %parallel_loop3A_1138 = arith.addi %iota3A, %parallel_loop3A_1137 : vector<16xi32>
      %parallel_loop3A_1139 = arith.cmpi eq, %parallel_loop3A_1138, %parallel_loop3A_25 : vector<16xi32>
      %parallel_loop3A_1140 = arith.mulf %parallel_loop3A_1134, %parallel_loop3A_1134 : vector<16xf32>
      %parallel_loop3A_1141 = arith.mulf %parallel_loop3A_1135, %parallel_loop3A_1135 : vector<16xf32>
      %parallel_loop3A_1142 = arith.addf %parallel_loop3A_1140, %parallel_loop3A_1141 : vector<16xf32>
      %parallel_loop3A_1143 = arith.constant 3.400000e+38 : f32
      %parallel_loop3A_1144 = vector.broadcast %parallel_loop3A_1143 : f32 to vector<16xf32>
      %parallel_loop3A_1145 = arith.select %parallel_loop3A_1139, %parallel_loop3A_1144, %parallel_loop3A_1142 : vector<16xi1>, vector<16xf32>
      %parallel_loop3A_1146 = arith.constant dense<true> : vector<16xi1>
      %parallel_loop3A_1147, %parallel_loop3A_1148, %parallel_loop3A_1149 = tpu.sort %parallel_loop3A_1145, %parallel_loop3A_1138 masked %parallel_loop3A_1146 : (vector<16xf32>, vector<16xi32>, vector<16xi1>) -> (vector<16xi1>, vector<16xf32>, vector<16xi32>)
      %parallel_loop3A_1150 = arith.constant 15 : i32
      %parallel_loop3A_1151 = vector.broadcast %parallel_loop3A_1150 : i32 to vector<16xi32>
      %parallel_loop3A_1152 = tpu.iota {dimensions = array<i32: 0>} : vector<16xi32>
      %parallel_loop3A_1153 = arith.subi %parallel_loop3A_1151, %parallel_loop3A_1152 : vector<16xi32>
      %parallel_loop3A_1154 = tpu.dynamic_gather %parallel_loop3A_1148[%parallel_loop3A_1153] in [0] : vector<16xf32>, vector<16xi32> -> vector<16xf32>
      %parallel_loop3A_1155 = arith.constant 15 : i32
      %parallel_loop3A_1156 = vector.broadcast %parallel_loop3A_1155 : i32 to vector<16xi32>
      %parallel_loop3A_1157 = tpu.iota {dimensions = array<i32: 0>} : vector<16xi32>
      %parallel_loop3A_1158 = arith.subi %parallel_loop3A_1156, %parallel_loop3A_1157 : vector<16xi32>
      %parallel_loop3A_1159 = tpu.dynamic_gather %parallel_loop3A_1149[%parallel_loop3A_1158] in [0] : vector<16xi32>, vector<16xi32> -> vector<16xi32>
      %parallel_loop3A_1160 = arith.cmpf ole, %parallel_loop3A_1128, %parallel_loop3A_1154 : vector<16xf32>
      %parallel_loop3A_1161 = arith.minimumf %parallel_loop3A_1128, %parallel_loop3A_1154 : vector<16xf32>
      %parallel_loop3A_1162 = arith.select %parallel_loop3A_1160, %parallel_loop3A_1129, %parallel_loop3A_1159 : vector<16xi1>, vector<16xi32>
      %parallel_loop3A_1163 = arith.constant dense<true> : vector<16xi1>
      %parallel_loop3A_1164, %parallel_loop3A_1165, %parallel_loop3A_1166 = tpu.sort %parallel_loop3A_1161, %parallel_loop3A_1162 masked %parallel_loop3A_1163 : (vector<16xf32>, vector<16xi32>, vector<16xi1>) -> (vector<16xi1>, vector<16xf32>, vector<16xi32>)
      %parallel_loop3A_1167 = arith.constant 15 : i32
      %parallel_loop3A_1168 = vector.broadcast %parallel_loop3A_1167 : i32 to vector<16xi32>
      %parallel_loop3A_1169 = tpu.iota {dimensions = array<i32: 0>} : vector<16xi32>
      %parallel_loop3A_1170 = arith.subi %parallel_loop3A_1168, %parallel_loop3A_1169 : vector<16xi32>
      %parallel_loop3A_1171 = tpu.dynamic_gather %parallel_loop3A_1165[%parallel_loop3A_1170] in [0] : vector<16xf32>, vector<16xi32> -> vector<16xf32>
      %parallel_loop3A_1172 = arith.constant 15 : i32
      %parallel_loop3A_1173 = vector.broadcast %parallel_loop3A_1172 : i32 to vector<16xi32>
      %parallel_loop3A_1174 = tpu.iota {dimensions = array<i32: 0>} : vector<16xi32>
      %parallel_loop3A_1175 = arith.subi %parallel_loop3A_1173, %parallel_loop3A_1174 : vector<16xi32>
      %parallel_loop3A_1176 = tpu.dynamic_gather %parallel_loop3A_1166[%parallel_loop3A_1175] in [0] : vector<16xi32>, vector<16xi32> -> vector<16xi32>
      %parallel_loop3A_1177 = arith.cmpf ole, %parallel_loop3A_1108, %parallel_loop3A_1171 : vector<16xf32>
      %parallel_loop3A_1178 = arith.minimumf %parallel_loop3A_1108, %parallel_loop3A_1171 : vector<16xf32>
      %parallel_loop3A_1179 = arith.select %parallel_loop3A_1177, %parallel_loop3A_1109, %parallel_loop3A_1176 : vector<16xi1>, vector<16xi32>
      %parallel_loop3A_1180 = arith.constant dense<true> : vector<16xi1>
      %parallel_loop3A_1181, %parallel_loop3A_1182, %parallel_loop3A_1183 = tpu.sort %parallel_loop3A_1178, %parallel_loop3A_1179 masked %parallel_loop3A_1180 : (vector<16xf32>, vector<16xi32>, vector<16xi1>) -> (vector<16xi1>, vector<16xf32>, vector<16xi32>)
      %parallel_loop3A_1184 = arith.constant 15 : i32
      %parallel_loop3A_1185 = vector.broadcast %parallel_loop3A_1184 : i32 to vector<16xi32>
      %parallel_loop3A_1186 = tpu.iota {dimensions = array<i32: 0>} : vector<16xi32>
      %parallel_loop3A_1187 = arith.subi %parallel_loop3A_1185, %parallel_loop3A_1186 : vector<16xi32>
      %parallel_loop3A_1188 = tpu.dynamic_gather %parallel_loop3A_1182[%parallel_loop3A_1187] in [0] : vector<16xf32>, vector<16xi32> -> vector<16xf32>
      %parallel_loop3A_1189 = arith.constant 15 : i32
      %parallel_loop3A_1190 = vector.broadcast %parallel_loop3A_1189 : i32 to vector<16xi32>
      %parallel_loop3A_1191 = tpu.iota {dimensions = array<i32: 0>} : vector<16xi32>
      %parallel_loop3A_1192 = arith.subi %parallel_loop3A_1190, %parallel_loop3A_1191 : vector<16xi32>
      %parallel_loop3A_1193 = tpu.dynamic_gather %parallel_loop3A_1183[%parallel_loop3A_1192] in [0] : vector<16xi32>, vector<16xi32> -> vector<16xi32>
      %parallel_loop3A_1194 = arith.cmpf ole, %parallel_loop3A_1051, %parallel_loop3A_1188 : vector<16xf32>
      %parallel_loop3A_1195 = arith.minimumf %parallel_loop3A_1051, %parallel_loop3A_1188 : vector<16xf32>
      %parallel_loop3A_1196 = arith.select %parallel_loop3A_1194, %parallel_loop3A_1052, %parallel_loop3A_1193 : vector<16xi1>, vector<16xi32>
      %parallel_loop3A_1197 = arith.constant dense<true> : vector<16xi1>
      %parallel_loop3A_1198, %parallel_loop3A_1199, %parallel_loop3A_1200 = tpu.sort %parallel_loop3A_1195, %parallel_loop3A_1196 masked %parallel_loop3A_1197 : (vector<16xf32>, vector<16xi32>, vector<16xi1>) -> (vector<16xi1>, vector<16xf32>, vector<16xi32>)
      %parallel_loop3A_1201 = arith.constant 15 : i32
      %parallel_loop3A_1202 = vector.broadcast %parallel_loop3A_1201 : i32 to vector<16xi32>
      %parallel_loop3A_1203 = tpu.iota {dimensions = array<i32: 0>} : vector<16xi32>
      %parallel_loop3A_1204 = arith.subi %parallel_loop3A_1202, %parallel_loop3A_1203 : vector<16xi32>
      %parallel_loop3A_1205 = tpu.dynamic_gather %parallel_loop3A_1199[%parallel_loop3A_1204] in [0] : vector<16xf32>, vector<16xi32> -> vector<16xf32>
      %parallel_loop3A_1206 = arith.constant 15 : i32
      %parallel_loop3A_1207 = vector.broadcast %parallel_loop3A_1206 : i32 to vector<16xi32>
      %parallel_loop3A_1208 = tpu.iota {dimensions = array<i32: 0>} : vector<16xi32>
      %parallel_loop3A_1209 = arith.subi %parallel_loop3A_1207, %parallel_loop3A_1208 : vector<16xi32>
      %parallel_loop3A_1210 = tpu.dynamic_gather %parallel_loop3A_1200[%parallel_loop3A_1209] in [0] : vector<16xi32>, vector<16xi32> -> vector<16xi32>
      %parallel_loop3A_1211 = arith.cmpf ole, %parallel_loop3A_920, %parallel_loop3A_1205 : vector<16xf32>
      %parallel_loop3A_1212 = arith.minimumf %parallel_loop3A_920, %parallel_loop3A_1205 : vector<16xf32>
      %parallel_loop3A_1213 = arith.select %parallel_loop3A_1211, %parallel_loop3A_921, %parallel_loop3A_1210 : vector<16xi1>, vector<16xi32>
      %parallel_loop3A_1214 = arith.constant dense<true> : vector<16xi1>
      %parallel_loop3A_1215, %parallel_loop3A_1216, %parallel_loop3A_1217 = tpu.sort %parallel_loop3A_1212, %parallel_loop3A_1213 masked %parallel_loop3A_1214 : (vector<16xf32>, vector<16xi32>, vector<16xi1>) -> (vector<16xi1>, vector<16xf32>, vector<16xi32>)
      %parallel_loop3A_1218 = arith.constant 15 : i32
      %parallel_loop3A_1219 = vector.broadcast %parallel_loop3A_1218 : i32 to vector<16xi32>
      %parallel_loop3A_1220 = tpu.iota {dimensions = array<i32: 0>} : vector<16xi32>
      %parallel_loop3A_1221 = arith.subi %parallel_loop3A_1219, %parallel_loop3A_1220 : vector<16xi32>
      %parallel_loop3A_1222 = tpu.dynamic_gather %parallel_loop3A_1216[%parallel_loop3A_1221] in [0] : vector<16xf32>, vector<16xi32> -> vector<16xf32>
      %parallel_loop3A_1223 = arith.constant 15 : i32
      %parallel_loop3A_1224 = vector.broadcast %parallel_loop3A_1223 : i32 to vector<16xi32>
      %parallel_loop3A_1225 = tpu.iota {dimensions = array<i32: 0>} : vector<16xi32>
      %parallel_loop3A_1226 = arith.subi %parallel_loop3A_1224, %parallel_loop3A_1225 : vector<16xi32>
      %parallel_loop3A_1227 = tpu.dynamic_gather %parallel_loop3A_1217[%parallel_loop3A_1226] in [0] : vector<16xi32>, vector<16xi32> -> vector<16xi32>
      %parallel_loop3A_1228 = arith.cmpf ole, %parallel_loop3A_641, %parallel_loop3A_1222 : vector<16xf32>
      %parallel_loop3A_1229 = arith.minimumf %parallel_loop3A_641, %parallel_loop3A_1222 : vector<16xf32>
      %parallel_loop3A_1230 = arith.select %parallel_loop3A_1228, %parallel_loop3A_642, %parallel_loop3A_1227 : vector<16xi1>, vector<16xi32>
      %parallel_loop3A_1231 = arith.constant dense<true> : vector<16xi1>
      %parallel_loop3A_1232, %parallel_loop3A_1233, %parallel_loop3A_1234 = tpu.sort %parallel_loop3A_1229, %parallel_loop3A_1230 masked %parallel_loop3A_1231 : (vector<16xf32>, vector<16xi32>, vector<16xi1>) -> (vector<16xi1>, vector<16xf32>, vector<16xi32>)
      %parallel_loop3A_1235 = arith.constant 31 : i32
      %parallel_loop3A_1236 = vector.broadcast %parallel_loop3A_1235 : i32 to vector<16xi32>
      %parallel_loop3A_1237 = arith.andi %parallel_loop3A_1234, %parallel_loop3A_1236 : vector<16xi32>
      %parallel_loop3A_1238 = arith.constant 1 : i32
      %parallel_loop3A_1239 = vector.broadcast %parallel_loop3A_1238 : i32 to vector<16xi32>
      %parallel_loop3A_1240 = arith.shli %parallel_loop3A_1239, %parallel_loop3A_1237 : vector<16xi32>
      %parallel_loop3A_1241 = arith.constant 5 : i32
      %parallel_loop3A_1242 = vector.broadcast %parallel_loop3A_1241 : i32 to vector<16xi32>
      %parallel_loop3A_1243 = arith.shrsi %parallel_loop3A_1234, %parallel_loop3A_1242 : vector<16xi32>
      %parallel_loop3A_1244 = arith.constant 512 : i32
      %parallel_loop3A_1245 = vector.broadcast %parallel_loop3A_1244 : i32 to vector<16xi32>
      %parallel_loop3A_1246 = arith.muli %parallel_loop3A_1243, %parallel_loop3A_1245 : vector<16xi32>
      %parallel_loop3A_1247 = arith.addi %parallel_loop3A_1246, %parallel_loop3A_25 : vector<16xi32>
      tpu.vector_store_idx %arg7[%parallel_loop3A_1247], %parallel_loop3A_1240 {add = true} : memref<8192xi32, #tpu.memory_space<vmem>>[vector<16xi32>], vector<16xi32>,
      %parallel_loop3A_1248 = arith.constant 31 : i32
      %parallel_loop3A_1249 = vector.broadcast %parallel_loop3A_1248 : i32 to vector<16xi32>
      %parallel_loop3A_1250 = arith.andi %parallel_loop3A_25, %parallel_loop3A_1249 : vector<16xi32>
      %parallel_loop3A_1251 = arith.constant 1 : i32
      %parallel_loop3A_1252 = vector.broadcast %parallel_loop3A_1251 : i32 to vector<16xi32>
      %parallel_loop3A_1253 = arith.shli %parallel_loop3A_1252, %parallel_loop3A_1250 : vector<16xi32>
      %parallel_loop3A_1254 = arith.constant 5 : i32
      %parallel_loop3A_1255 = vector.broadcast %parallel_loop3A_1254 : i32 to vector<16xi32>
      %parallel_loop3A_1256 = arith.shrsi %parallel_loop3A_25, %parallel_loop3A_1255 : vector<16xi32>
      %parallel_loop3A_1257 = arith.constant 512 : i32
      %parallel_loop3A_1258 = vector.broadcast %parallel_loop3A_1257 : i32 to vector<16xi32>
      %parallel_loop3A_1259 = arith.muli %parallel_loop3A_1256, %parallel_loop3A_1258 : vector<16xi32>
      %parallel_loop3A_1260 = arith.addi %parallel_loop3A_1259, %parallel_loop3A_25 : vector<16xi32>
      %parallel_loop3A_1261 = arith.constant 0 : i32
      %parallel_loop3A_1262 = vector.broadcast %parallel_loop3A_1261 : i32 to vector<16xi32>
      %parallel_loop3A_1263 = arith.cmpi eq, %iota3A, %parallel_loop3A_1262 : vector<16xi32>
      tpu.vector_store_idx %arg7[%parallel_loop3A_1260], %parallel_loop3A_1253 masked %parallel_loop3A_1263 {add = true} : memref<8192xi32, #tpu.memory_space<vmem>>[vector<16xi32>], vector<16xi32>, vector<16xi1>
    } {sc.loop_unroll_factor = 4 : i64, sc.parallel_access}
    "tpu.region"() ({
      %run_scoped3A = tpu.sem_alloc : memref<!tpu.dma_semaphore, #tpu.memory_space<semaphore_mem>>
      %dma_start3A = arith.constant 0 : i32
      %dma_start3A_24 = tpu.memref_slice %arg4[%add3A_5, %dma_start3A] : memref<64x8192xi32, #tpu.memory_space<hbm>> -> memref<1x8192xi32, #tpu.memory_space<hbm>>
      %dma_start3A_25 = tpu.memref_squeeze %dma_start3A_24 : memref<1x8192xi32, #tpu.memory_space<hbm>> -> memref<8192xi32, #tpu.memory_space<hbm>>
      %dma_start3A_26 = arith.constant 0 : i32
      %dma_start3A_27 = tpu.memref_slice %arg4[%add3A_5, %dma_start3A_26] : memref<64x8192xi32, #tpu.memory_space<hbm>> -> memref<1x8192xi32, #tpu.memory_space<hbm>>
      %dma_start3A_28 = tpu.memref_squeeze %dma_start3A_27 : memref<1x8192xi32, #tpu.memory_space<hbm>> -> memref<8192xi32, #tpu.memory_space<hbm>>
      tpu.enqueue_dma source(%arg7 : memref<8192xi32, #tpu.memory_space<vmem>>) target(%dma_start3A_28 : memref<8192xi32, #tpu.memory_space<hbm>>) target_semaphore(%run_scoped3A : memref<!tpu.dma_semaphore, #tpu.memory_space<semaphore_mem>>)
      %dma_wait3A = arith.constant 0 : i32
      %dma_wait3A_29 = tpu.memref_slice %arg4[%add3A_5, %dma_wait3A] : memref<64x8192xi32, #tpu.memory_space<hbm>> -> memref<1x8192xi32, #tpu.memory_space<hbm>>
      %dma_wait3A_30 = tpu.memref_squeeze %dma_wait3A_29 : memref<1x8192xi32, #tpu.memory_space<hbm>> -> memref<8192xi32, #tpu.memory_space<hbm>>
      %dma_wait3A_31 = arith.constant 0 : i32
      %dma_wait3A_32 = tpu.memref_slice %arg4[%add3A_5, %dma_wait3A_31] : memref<64x8192xi32, #tpu.memory_space<hbm>> -> memref<1x8192xi32, #tpu.memory_space<hbm>>
      %dma_wait3A_33 = tpu.memref_squeeze %dma_wait3A_32 : memref<1x8192xi32, #tpu.memory_space<hbm>> -> memref<8192xi32, #tpu.memory_space<hbm>>
      tpu.wait_dma2 semaphore(%run_scoped3A : memref<!tpu.dma_semaphore, #tpu.memory_space<semaphore_mem>>) src(%arg7 : memref<8192xi32, #tpu.memory_space<vmem>>) dst(%dma_wait3A_33 : memref<8192xi32, #tpu.memory_space<hbm>>)
      tpu.yield
    }) : () -> ()
    %mul3A_12 = arith.constant 2 : i32
    %mul3A_13 = arith.muli %add3A, %mul3A_12 : i32
    %add3A_14 = arith.constant 1 : i32
    %add3A_15 = arith.addi %mul3A_13, %add3A_14 : i32
    "tpu.region"() ({
      %run_scoped3A = tpu.sem_alloc : memref<!tpu.dma_semaphore, #tpu.memory_space<semaphore_mem>>
      %dma_start3A = arith.constant 0 : i32
      %dma_start3A_24 = tpu.memref_slice %arg2[%add3A_15, %dma_start3A] : memref<64x512xf32, #tpu.memory_space<hbm>> -> memref<1x512xf32, #tpu.memory_space<hbm>>
      %dma_start3A_25 = tpu.memref_squeeze %dma_start3A_24 : memref<1x512xf32, #tpu.memory_space<hbm>> -> memref<512xf32, #tpu.memory_space<hbm>>
      %dma_start3A_26 = arith.constant 0 : i32
      %dma_start3A_27 = tpu.memref_slice %arg2[%add3A_15, %dma_start3A_26] : memref<64x512xf32, #tpu.memory_space<hbm>> -> memref<1x512xf32, #tpu.memory_space<hbm>>
      %dma_start3A_28 = tpu.memref_squeeze %dma_start3A_27 : memref<1x512xf32, #tpu.memory_space<hbm>> -> memref<512xf32, #tpu.memory_space<hbm>>
      tpu.enqueue_dma source(%dma_start3A_28 : memref<512xf32, #tpu.memory_space<hbm>>) target(%arg5 : memref<512xf32, #tpu.memory_space<vmem>>) target_semaphore(%run_scoped3A : memref<!tpu.dma_semaphore, #tpu.memory_space<semaphore_mem>>)
      %dma_wait3A = arith.constant 0 : i32
      %dma_wait3A_29 = tpu.memref_slice %arg2[%add3A_15, %dma_wait3A] : memref<64x512xf32, #tpu.memory_space<hbm>> -> memref<1x512xf32, #tpu.memory_space<hbm>>
      %dma_wait3A_30 = tpu.memref_squeeze %dma_wait3A_29 : memref<1x512xf32, #tpu.memory_space<hbm>> -> memref<512xf32, #tpu.memory_space<hbm>>
      %dma_wait3A_31 = arith.constant 0 : i32
      %dma_wait3A_32 = tpu.memref_slice %arg2[%add3A_15, %dma_wait3A_31] : memref<64x512xf32, #tpu.memory_space<hbm>> -> memref<1x512xf32, #tpu.memory_space<hbm>>
      %dma_wait3A_33 = tpu.memref_squeeze %dma_wait3A_32 : memref<1x512xf32, #tpu.memory_space<hbm>> -> memref<512xf32, #tpu.memory_space<hbm>>
      tpu.wait_dma2 semaphore(%run_scoped3A : memref<!tpu.dma_semaphore, #tpu.memory_space<semaphore_mem>>) src(%dma_wait3A_33 : memref<512xf32, #tpu.memory_space<hbm>>) dst(%arg5 : memref<512xf32, #tpu.memory_space<vmem>>)
      tpu.yield
    }) : () -> ()
    "tpu.region"() ({
      %run_scoped3A = tpu.sem_alloc : memref<!tpu.dma_semaphore, #tpu.memory_space<semaphore_mem>>
      %dma_start3A = arith.constant 0 : i32
      %dma_start3A_24 = tpu.memref_slice %arg3[%add3A_15, %dma_start3A] : memref<64x512xf32, #tpu.memory_space<hbm>> -> memref<1x512xf32, #tpu.memory_space<hbm>>
      %dma_start3A_25 = tpu.memref_squeeze %dma_start3A_24 : memref<1x512xf32, #tpu.memory_space<hbm>> -> memref<512xf32, #tpu.memory_space<hbm>>
      %dma_start3A_26 = arith.constant 0 : i32
      %dma_start3A_27 = tpu.memref_slice %arg3[%add3A_15, %dma_start3A_26] : memref<64x512xf32, #tpu.memory_space<hbm>> -> memref<1x512xf32, #tpu.memory_space<hbm>>
      %dma_start3A_28 = tpu.memref_squeeze %dma_start3A_27 : memref<1x512xf32, #tpu.memory_space<hbm>> -> memref<512xf32, #tpu.memory_space<hbm>>
      tpu.enqueue_dma source(%dma_start3A_28 : memref<512xf32, #tpu.memory_space<hbm>>) target(%arg6 : memref<512xf32, #tpu.memory_space<vmem>>) target_semaphore(%run_scoped3A : memref<!tpu.dma_semaphore, #tpu.memory_space<semaphore_mem>>)
      %dma_wait3A = arith.constant 0 : i32
      %dma_wait3A_29 = tpu.memref_slice %arg3[%add3A_15, %dma_wait3A] : memref<64x512xf32, #tpu.memory_space<hbm>> -> memref<1x512xf32, #tpu.memory_space<hbm>>
      %dma_wait3A_30 = tpu.memref_squeeze %dma_wait3A_29 : memref<1x512xf32, #tpu.memory_space<hbm>> -> memref<512xf32, #tpu.memory_space<hbm>>
      %dma_wait3A_31 = arith.constant 0 : i32
      %dma_wait3A_32 = tpu.memref_slice %arg3[%add3A_15, %dma_wait3A_31] : memref<64x512xf32, #tpu.memory_space<hbm>> -> memref<1x512xf32, #tpu.memory_space<hbm>>
      %dma_wait3A_33 = tpu.memref_squeeze %dma_wait3A_32 : memref<1x512xf32, #tpu.memory_space<hbm>> -> memref<512xf32, #tpu.memory_space<hbm>>
      tpu.wait_dma2 semaphore(%run_scoped3A : memref<!tpu.dma_semaphore, #tpu.memory_space<semaphore_mem>>) src(%dma_wait3A_33 : memref<512xf32, #tpu.memory_space<hbm>>) dst(%arg6 : memref<512xf32, #tpu.memory_space<vmem>>)
      tpu.yield
    }) : () -> ()
    %scan3A_16 = arith.constant 0 : i32
    %scan3A_17 = arith.constant 512 : i32
    %scan3A_18 = arith.addi %scan3A_16, %scan3A_17 : i32
    %scan3A_19 = arith.constant 1 : i32
    scf.for %scan3A_24 = %scan3A_16 to %scan3A_18 step %scan3A_19  : i32 {
      %mul3A_25 = arith.constant 16 : i32
      %mul3A_26 = arith.muli %scan3A_24, %mul3A_25 : i32
      %swap3A = arith.index_cast %mul3A_26 : i32 to index
      %swap3A_27 = tpu.vector_load %arg7[%swap3A] {strides = array<i32>} : memref<8192xi32, #tpu.memory_space<vmem>>, vector<16xi32>,
      tpu.vector_store %arg7[%swap3A], %broadcast_in_dim3A_1 {strides = array<i32>} : memref<8192xi32, #tpu.memory_space<vmem>>, vector<16xi32>,
    }
    %scan3A_20 = arith.constant 512 : i32
    %parallel_loop3A_21 = arith.constant 0 : i32
    %parallel_loop3A_22 = arith.constant 512 : i32
    %parallel_loop3A_23 = arith.constant 1 : i32
    scf.for %parallel_loop3A_24 = %parallel_loop3A_21 to %parallel_loop3A_22 step %parallel_loop3A_23  : i32 {
      %parallel_loop3A_25 = vector.broadcast %parallel_loop3A_24 : i32 to vector<16xi32>
      %parallel_loop3A_26 = arith.constant 16 : i32
      %parallel_loop3A_27 = arith.divsi %parallel_loop3A_24, %parallel_loop3A_26 : i32
      %parallel_loop3A_28 = arith.constant 0 : i32
      %parallel_loop3A_29 = arith.cmpi sgt, %parallel_loop3A_24, %parallel_loop3A_28 : i32
      %parallel_loop3A_30 = arith.extui %parallel_loop3A_29 : i1 to i32
      %parallel_loop3A_31 = arith.constant 0 : i32
      %parallel_loop3A_32 = arith.cmpi slt, %parallel_loop3A_24, %parallel_loop3A_31 : i32
      %parallel_loop3A_33 = arith.extui %parallel_loop3A_32 : i1 to i32
      %parallel_loop3A_34 = arith.subi %parallel_loop3A_30, %parallel_loop3A_33 : i32
      %parallel_loop3A_35 = arith.constant 0 : i32
      %parallel_loop3A_36 = arith.cmpi sgt, %parallel_loop3A_26, %parallel_loop3A_35 : i32
      %parallel_loop3A_37 = arith.extui %parallel_loop3A_36 : i1 to i32
      %parallel_loop3A_38 = arith.constant 0 : i32
      %parallel_loop3A_39 = arith.cmpi slt, %parallel_loop3A_26, %parallel_loop3A_38 : i32
      %parallel_loop3A_40 = arith.extui %parallel_loop3A_39 : i1 to i32
      %parallel_loop3A_41 = arith.subi %parallel_loop3A_37, %parallel_loop3A_40 : i32
      %parallel_loop3A_42 = arith.cmpi ne, %parallel_loop3A_34, %parallel_loop3A_41 : i32
      %parallel_loop3A_43 = arith.remsi %parallel_loop3A_24, %parallel_loop3A_26 : i32
      %parallel_loop3A_44 = arith.constant 0 : i32
      %parallel_loop3A_45 = arith.cmpi ne, %parallel_loop3A_43, %parallel_loop3A_44 : i32
      %parallel_loop3A_46 = arith.andi %parallel_loop3A_42, %parallel_loop3A_45 : i1
      %parallel_loop3A_47 = arith.constant 1 : i32
      %parallel_loop3A_48 = arith.subi %parallel_loop3A_27, %parallel_loop3A_47 : i32
      %parallel_loop3A_49 = arith.select %parallel_loop3A_46, %parallel_loop3A_48, %parallel_loop3A_27 : i32
      %parallel_loop3A_50 = arith.constant 16 : i32
      %parallel_loop3A_51 = arith.muli %parallel_loop3A_49, %parallel_loop3A_50 : i32
      %parallel_loop3A_52 = arith.subi %parallel_loop3A_24, %parallel_loop3A_51 : i32
      %parallel_loop3A_53 = vector.broadcast %parallel_loop3A_52 : i32 to vector<16xi32>
      %parallel_loop3A_54 = arith.constant 16 : i32
      %parallel_loop3A_55 = arith.muli %parallel_loop3A_49, %parallel_loop3A_54 : i32
      %parallel_loop3A_56 = arith.index_cast %parallel_loop3A_55 : i32 to index
      %parallel_loop3A_57 = tpu.vector_load %arg5[%parallel_loop3A_56] {strides = array<i32>} : memref<512xf32, #tpu.memory_space<vmem>>, vector<16xf32>,
      %parallel_loop3A_58 = arith.constant 16 : i32
      %parallel_loop3A_59 = arith.muli %parallel_loop3A_49, %parallel_loop3A_58 : i32
      %parallel_loop3A_60 = arith.index_cast %parallel_loop3A_59 : i32 to index
      %parallel_loop3A_61 = tpu.vector_load %arg6[%parallel_loop3A_60] {strides = array<i32>} : memref<512xf32, #tpu.memory_space<vmem>>, vector<16xf32>,
      %parallel_loop3A_62 = vector.shape_cast %parallel_loop3A_53 : vector<16xi32> to vector<16x1xi32>
      %parallel_loop3A_63 = vector.shape_cast %parallel_loop3A_62 : vector<16x1xi32> to vector<16xi32>
      %parallel_loop3A_64 = tpu.dynamic_gather %parallel_loop3A_57[%parallel_loop3A_63] in [0] : vector<16xf32>, vector<16xi32> -> vector<16xf32>
      %parallel_loop3A_65 = vector.shape_cast %parallel_loop3A_53 : vector<16xi32> to vector<16x1xi32>
      %parallel_loop3A_66 = vector.shape_cast %parallel_loop3A_65 : vector<16x1xi32> to vector<16xi32>
      %parallel_loop3A_67 = tpu.dynamic_gather %parallel_loop3A_61[%parallel_loop3A_66] in [0] : vector<16xf32>, vector<16xi32> -> vector<16xf32>
      %parallel_loop3A_68 = arith.constant 0 : index
      %parallel_loop3A_69 = tpu.vector_load %arg5[%parallel_loop3A_68] {strides = array<i32>} : memref<512xf32, #tpu.memory_space<vmem>>, vector<16xf32>,
      %parallel_loop3A_70 = arith.constant 0 : index
      %parallel_loop3A_71 = tpu.vector_load %arg6[%parallel_loop3A_70] {strides = array<i32>} : memref<512xf32, #tpu.memory_space<vmem>>, vector<16xf32>,
      %parallel_loop3A_72 = arith.subf %parallel_loop3A_69, %parallel_loop3A_64 : vector<16xf32>
      %parallel_loop3A_73 = arith.subf %parallel_loop3A_71, %parallel_loop3A_67 : vector<16xf32>
      %parallel_loop3A_74 = arith.constant 0 : i32
      %parallel_loop3A_75 = vector.broadcast %parallel_loop3A_74 : i32 to vector<16xi32>
      %parallel_loop3A_76 = arith.addi %iota3A, %parallel_loop3A_75 : vector<16xi32>
      %parallel_loop3A_77 = arith.cmpi eq, %parallel_loop3A_76, %parallel_loop3A_25 : vector<16xi32>
      %parallel_loop3A_78 = arith.mulf %parallel_loop3A_72, %parallel_loop3A_72 : vector<16xf32>
      %parallel_loop3A_79 = arith.mulf %parallel_loop3A_73, %parallel_loop3A_73 : vector<16xf32>
      %parallel_loop3A_80 = arith.addf %parallel_loop3A_78, %parallel_loop3A_79 : vector<16xf32>
      %parallel_loop3A_81 = arith.constant 3.400000e+38 : f32
      %parallel_loop3A_82 = vector.broadcast %parallel_loop3A_81 : f32 to vector<16xf32>
      %parallel_loop3A_83 = arith.select %parallel_loop3A_77, %parallel_loop3A_82, %parallel_loop3A_80 : vector<16xi1>, vector<16xf32>
      %parallel_loop3A_84 = arith.constant dense<true> : vector<16xi1>
      %parallel_loop3A_85, %parallel_loop3A_86, %parallel_loop3A_87 = tpu.sort %parallel_loop3A_83, %parallel_loop3A_76 masked %parallel_loop3A_84 : (vector<16xf32>, vector<16xi32>, vector<16xi1>) -> (vector<16xi1>, vector<16xf32>, vector<16xi32>)
      %parallel_loop3A_88 = arith.constant 16 : index
      %parallel_loop3A_89 = tpu.vector_load %arg5[%parallel_loop3A_88] {strides = array<i32>} : memref<512xf32, #tpu.memory_space<vmem>>, vector<16xf32>,
      %parallel_loop3A_90 = arith.constant 16 : index
      %parallel_loop3A_91 = tpu.vector_load %arg6[%parallel_loop3A_90] {strides = array<i32>} : memref<512xf32, #tpu.memory_space<vmem>>, vector<16xf32>,
      %parallel_loop3A_92 = arith.subf %parallel_loop3A_89, %parallel_loop3A_64 : vector<16xf32>
      %parallel_loop3A_93 = arith.subf %parallel_loop3A_91, %parallel_loop3A_67 : vector<16xf32>
      %parallel_loop3A_94 = arith.constant 16 : i32
      %parallel_loop3A_95 = vector.broadcast %parallel_loop3A_94 : i32 to vector<16xi32>
      %parallel_loop3A_96 = arith.addi %iota3A, %parallel_loop3A_95 : vector<16xi32>
      %parallel_loop3A_97 = arith.cmpi eq, %parallel_loop3A_96, %parallel_loop3A_25 : vector<16xi32>
      %parallel_loop3A_98 = arith.mulf %parallel_loop3A_92, %parallel_loop3A_92 : vector<16xf32>
      %parallel_loop3A_99 = arith.mulf %parallel_loop3A_93, %parallel_loop3A_93 : vector<16xf32>
      %parallel_loop3A_100 = arith.addf %parallel_loop3A_98, %parallel_loop3A_99 : vector<16xf32>
      %parallel_loop3A_101 = arith.constant 3.400000e+38 : f32
      %parallel_loop3A_102 = vector.broadcast %parallel_loop3A_101 : f32 to vector<16xf32>
      %parallel_loop3A_103 = arith.select %parallel_loop3A_97, %parallel_loop3A_102, %parallel_loop3A_100 : vector<16xi1>, vector<16xf32>
      %parallel_loop3A_104 = arith.constant dense<true> : vector<16xi1>
      %parallel_loop3A_105, %parallel_loop3A_106, %parallel_loop3A_107 = tpu.sort %parallel_loop3A_103, %parallel_loop3A_96 masked %parallel_loop3A_104 : (vector<16xf32>, vector<16xi32>, vector<16xi1>) -> (vector<16xi1>, vector<16xf32>, vector<16xi32>)
      %parallel_loop3A_108 = arith.constant 15 : i32
      %parallel_loop3A_109 = vector.broadcast %parallel_loop3A_108 : i32 to vector<16xi32>
      %parallel_loop3A_110 = tpu.iota {dimensions = array<i32: 0>} : vector<16xi32>
      %parallel_loop3A_111 = arith.subi %parallel_loop3A_109, %parallel_loop3A_110 : vector<16xi32>
      %parallel_loop3A_112 = tpu.dynamic_gather %parallel_loop3A_106[%parallel_loop3A_111] in [0] : vector<16xf32>, vector<16xi32> -> vector<16xf32>
      %parallel_loop3A_113 = arith.constant 15 : i32
      %parallel_loop3A_114 = vector.broadcast %parallel_loop3A_113 : i32 to vector<16xi32>
      %parallel_loop3A_115 = tpu.iota {dimensions = array<i32: 0>} : vector<16xi32>
      %parallel_loop3A_116 = arith.subi %parallel_loop3A_114, %parallel_loop3A_115 : vector<16xi32>
      %parallel_loop3A_117 = tpu.dynamic_gather %parallel_loop3A_107[%parallel_loop3A_116] in [0] : vector<16xi32>, vector<16xi32> -> vector<16xi32>
      %parallel_loop3A_118 = arith.cmpf ole, %parallel_loop3A_86, %parallel_loop3A_112 : vector<16xf32>
      %parallel_loop3A_119 = arith.minimumf %parallel_loop3A_86, %parallel_loop3A_112 : vector<16xf32>
      %parallel_loop3A_120 = arith.select %parallel_loop3A_118, %parallel_loop3A_87, %parallel_loop3A_117 : vector<16xi1>, vector<16xi32>
      %parallel_loop3A_121 = arith.constant dense<true> : vector<16xi1>
      %parallel_loop3A_122, %parallel_loop3A_123, %parallel_loop3A_124 = tpu.sort %parallel_loop3A_119, %parallel_loop3A_120 masked %parallel_loop3A_121 : (vector<16xf32>, vector<16xi32>, vector<16xi1>) -> (vector<16xi1>, vector<16xf32>, vector<16xi32>)
      %parallel_loop3A_125 = arith.constant 32 : index
      %parallel_loop3A_126 = tpu.vector_load %arg5[%parallel_loop3A_125] {strides = array<i32>} : memref<512xf32, #tpu.memory_space<vmem>>, vector<16xf32>,
      %parallel_loop3A_127 = arith.constant 32 : index
      %parallel_loop3A_128 = tpu.vector_load %arg6[%parallel_loop3A_127] {strides = array<i32>} : memref<512xf32, #tpu.memory_space<vmem>>, vector<16xf32>,
      %parallel_loop3A_129 = arith.subf %parallel_loop3A_126, %parallel_loop3A_64 : vector<16xf32>
      %parallel_loop3A_130 = arith.subf %parallel_loop3A_128, %parallel_loop3A_67 : vector<16xf32>
      %parallel_loop3A_131 = arith.constant 32 : i32
      %parallel_loop3A_132 = vector.broadcast %parallel_loop3A_131 : i32 to vector<16xi32>
      %parallel_loop3A_133 = arith.addi %iota3A, %parallel_loop3A_132 : vector<16xi32>
      %parallel_loop3A_134 = arith.cmpi eq, %parallel_loop3A_133, %parallel_loop3A_25 : vector<16xi32>
      %parallel_loop3A_135 = arith.mulf %parallel_loop3A_129, %parallel_loop3A_129 : vector<16xf32>
      %parallel_loop3A_136 = arith.mulf %parallel_loop3A_130, %parallel_loop3A_130 : vector<16xf32>
      %parallel_loop3A_137 = arith.addf %parallel_loop3A_135, %parallel_loop3A_136 : vector<16xf32>
      %parallel_loop3A_138 = arith.constant 3.400000e+38 : f32
      %parallel_loop3A_139 = vector.broadcast %parallel_loop3A_138 : f32 to vector<16xf32>
      %parallel_loop3A_140 = arith.select %parallel_loop3A_134, %parallel_loop3A_139, %parallel_loop3A_137 : vector<16xi1>, vector<16xf32>
      %parallel_loop3A_141 = arith.constant dense<true> : vector<16xi1>
      %parallel_loop3A_142, %parallel_loop3A_143, %parallel_loop3A_144 = tpu.sort %parallel_loop3A_140, %parallel_loop3A_133 masked %parallel_loop3A_141 : (vector<16xf32>, vector<16xi32>, vector<16xi1>) -> (vector<16xi1>, vector<16xf32>, vector<16xi32>)
      %parallel_loop3A_145 = arith.constant 48 : index
      %parallel_loop3A_146 = tpu.vector_load %arg5[%parallel_loop3A_145] {strides = array<i32>} : memref<512xf32, #tpu.memory_space<vmem>>, vector<16xf32>,
      %parallel_loop3A_147 = arith.constant 48 : index
      %parallel_loop3A_148 = tpu.vector_load %arg6[%parallel_loop3A_147] {strides = array<i32>} : memref<512xf32, #tpu.memory_space<vmem>>, vector<16xf32>,
      %parallel_loop3A_149 = arith.subf %parallel_loop3A_146, %parallel_loop3A_64 : vector<16xf32>
      %parallel_loop3A_150 = arith.subf %parallel_loop3A_148, %parallel_loop3A_67 : vector<16xf32>
      %parallel_loop3A_151 = arith.constant 48 : i32
      %parallel_loop3A_152 = vector.broadcast %parallel_loop3A_151 : i32 to vector<16xi32>
      %parallel_loop3A_153 = arith.addi %iota3A, %parallel_loop3A_152 : vector<16xi32>
      %parallel_loop3A_154 = arith.cmpi eq, %parallel_loop3A_153, %parallel_loop3A_25 : vector<16xi32>
      %parallel_loop3A_155 = arith.mulf %parallel_loop3A_149, %parallel_loop3A_149 : vector<16xf32>
      %parallel_loop3A_156 = arith.mulf %parallel_loop3A_150, %parallel_loop3A_150 : vector<16xf32>
      %parallel_loop3A_157 = arith.addf %parallel_loop3A_155, %parallel_loop3A_156 : vector<16xf32>
      %parallel_loop3A_158 = arith.constant 3.400000e+38 : f32
      %parallel_loop3A_159 = vector.broadcast %parallel_loop3A_158 : f32 to vector<16xf32>
      %parallel_loop3A_160 = arith.select %parallel_loop3A_154, %parallel_loop3A_159, %parallel_loop3A_157 : vector<16xi1>, vector<16xf32>
      %parallel_loop3A_161 = arith.constant dense<true> : vector<16xi1>
      %parallel_loop3A_162, %parallel_loop3A_163, %parallel_loop3A_164 = tpu.sort %parallel_loop3A_160, %parallel_loop3A_153 masked %parallel_loop3A_161 : (vector<16xf32>, vector<16xi32>, vector<16xi1>) -> (vector<16xi1>, vector<16xf32>, vector<16xi32>)
      %parallel_loop3A_165 = arith.constant 15 : i32
      %parallel_loop3A_166 = vector.broadcast %parallel_loop3A_165 : i32 to vector<16xi32>
      %parallel_loop3A_167 = tpu.iota {dimensions = array<i32: 0>} : vector<16xi32>
      %parallel_loop3A_168 = arith.subi %parallel_loop3A_166, %parallel_loop3A_167 : vector<16xi32>
      %parallel_loop3A_169 = tpu.dynamic_gather %parallel_loop3A_163[%parallel_loop3A_168] in [0] : vector<16xf32>, vector<16xi32> -> vector<16xf32>
      %parallel_loop3A_170 = arith.constant 15 : i32
      %parallel_loop3A_171 = vector.broadcast %parallel_loop3A_170 : i32 to vector<16xi32>
      %parallel_loop3A_172 = tpu.iota {dimensions = array<i32: 0>} : vector<16xi32>
      %parallel_loop3A_173 = arith.subi %parallel_loop3A_171, %parallel_loop3A_172 : vector<16xi32>
      %parallel_loop3A_174 = tpu.dynamic_gather %parallel_loop3A_164[%parallel_loop3A_173] in [0] : vector<16xi32>, vector<16xi32> -> vector<16xi32>
      %parallel_loop3A_175 = arith.cmpf ole, %parallel_loop3A_143, %parallel_loop3A_169 : vector<16xf32>
      %parallel_loop3A_176 = arith.minimumf %parallel_loop3A_143, %parallel_loop3A_169 : vector<16xf32>
      %parallel_loop3A_177 = arith.select %parallel_loop3A_175, %parallel_loop3A_144, %parallel_loop3A_174 : vector<16xi1>, vector<16xi32>
      %parallel_loop3A_178 = arith.constant dense<true> : vector<16xi1>
      %parallel_loop3A_179, %parallel_loop3A_180, %parallel_loop3A_181 = tpu.sort %parallel_loop3A_176, %parallel_loop3A_177 masked %parallel_loop3A_178 : (vector<16xf32>, vector<16xi32>, vector<16xi1>) -> (vector<16xi1>, vector<16xf32>, vector<16xi32>)
      %parallel_loop3A_182 = arith.constant 15 : i32
      %parallel_loop3A_183 = vector.broadcast %parallel_loop3A_182 : i32 to vector<16xi32>
      %parallel_loop3A_184 = tpu.iota {dimensions = array<i32: 0>} : vector<16xi32>
      %parallel_loop3A_185 = arith.subi %parallel_loop3A_183, %parallel_loop3A_184 : vector<16xi32>
      %parallel_loop3A_186 = tpu.dynamic_gather %parallel_loop3A_180[%parallel_loop3A_185] in [0] : vector<16xf32>, vector<16xi32> -> vector<16xf32>
      %parallel_loop3A_187 = arith.constant 15 : i32
      %parallel_loop3A_188 = vector.broadcast %parallel_loop3A_187 : i32 to vector<16xi32>
      %parallel_loop3A_189 = tpu.iota {dimensions = array<i32: 0>} : vector<16xi32>
      %parallel_loop3A_190 = arith.subi %parallel_loop3A_188, %parallel_loop3A_189 : vector<16xi32>
      %parallel_loop3A_191 = tpu.dynamic_gather %parallel_loop3A_181[%parallel_loop3A_190] in [0] : vector<16xi32>, vector<16xi32> -> vector<16xi32>
      %parallel_loop3A_192 = arith.cmpf ole, %parallel_loop3A_123, %parallel_loop3A_186 : vector<16xf32>
      %parallel_loop3A_193 = arith.minimumf %parallel_loop3A_123, %parallel_loop3A_186 : vector<16xf32>
      %parallel_loop3A_194 = arith.select %parallel_loop3A_192, %parallel_loop3A_124, %parallel_loop3A_191 : vector<16xi1>, vector<16xi32>
      %parallel_loop3A_195 = arith.constant dense<true> : vector<16xi1>
      %parallel_loop3A_196, %parallel_loop3A_197, %parallel_loop3A_198 = tpu.sort %parallel_loop3A_193, %parallel_loop3A_194 masked %parallel_loop3A_195 : (vector<16xf32>, vector<16xi32>, vector<16xi1>) -> (vector<16xi1>, vector<16xf32>, vector<16xi32>)
      %parallel_loop3A_199 = arith.constant 64 : index
      %parallel_loop3A_200 = tpu.vector_load %arg5[%parallel_loop3A_199] {strides = array<i32>} : memref<512xf32, #tpu.memory_space<vmem>>, vector<16xf32>,
      %parallel_loop3A_201 = arith.constant 64 : index
      %parallel_loop3A_202 = tpu.vector_load %arg6[%parallel_loop3A_201] {strides = array<i32>} : memref<512xf32, #tpu.memory_space<vmem>>, vector<16xf32>,
      %parallel_loop3A_203 = arith.subf %parallel_loop3A_200, %parallel_loop3A_64 : vector<16xf32>
      %parallel_loop3A_204 = arith.subf %parallel_loop3A_202, %parallel_loop3A_67 : vector<16xf32>
      %parallel_loop3A_205 = arith.constant 64 : i32
      %parallel_loop3A_206 = vector.broadcast %parallel_loop3A_205 : i32 to vector<16xi32>
      %parallel_loop3A_207 = arith.addi %iota3A, %parallel_loop3A_206 : vector<16xi32>
      %parallel_loop3A_208 = arith.cmpi eq, %parallel_loop3A_207, %parallel_loop3A_25 : vector<16xi32>
      %parallel_loop3A_209 = arith.mulf %parallel_loop3A_203, %parallel_loop3A_203 : vector<16xf32>
      %parallel_loop3A_210 = arith.mulf %parallel_loop3A_204, %parallel_loop3A_204 : vector<16xf32>
      %parallel_loop3A_211 = arith.addf %parallel_loop3A_209, %parallel_loop3A_210 : vector<16xf32>
      %parallel_loop3A_212 = arith.constant 3.400000e+38 : f32
      %parallel_loop3A_213 = vector.broadcast %parallel_loop3A_212 : f32 to vector<16xf32>
      %parallel_loop3A_214 = arith.select %parallel_loop3A_208, %parallel_loop3A_213, %parallel_loop3A_211 : vector<16xi1>, vector<16xf32>
      %parallel_loop3A_215 = arith.constant dense<true> : vector<16xi1>
      %parallel_loop3A_216, %parallel_loop3A_217, %parallel_loop3A_218 = tpu.sort %parallel_loop3A_214, %parallel_loop3A_207 masked %parallel_loop3A_215 : (vector<16xf32>, vector<16xi32>, vector<16xi1>) -> (vector<16xi1>, vector<16xf32>, vector<16xi32>)
      %parallel_loop3A_219 = arith.constant 80 : index
      %parallel_loop3A_220 = tpu.vector_load %arg5[%parallel_loop3A_219] {strides = array<i32>} : memref<512xf32, #tpu.memory_space<vmem>>, vector<16xf32>,
      %parallel_loop3A_221 = arith.constant 80 : index
      %parallel_loop3A_222 = tpu.vector_load %arg6[%parallel_loop3A_221] {strides = array<i32>} : memref<512xf32, #tpu.memory_space<vmem>>, vector<16xf32>,
      %parallel_loop3A_223 = arith.subf %parallel_loop3A_220, %parallel_loop3A_64 : vector<16xf32>
      %parallel_loop3A_224 = arith.subf %parallel_loop3A_222, %parallel_loop3A_67 : vector<16xf32>
      %parallel_loop3A_225 = arith.constant 80 : i32
      %parallel_loop3A_226 = vector.broadcast %parallel_loop3A_225 : i32 to vector<16xi32>
      %parallel_loop3A_227 = arith.addi %iota3A, %parallel_loop3A_226 : vector<16xi32>
      %parallel_loop3A_228 = arith.cmpi eq, %parallel_loop3A_227, %parallel_loop3A_25 : vector<16xi32>
      %parallel_loop3A_229 = arith.mulf %parallel_loop3A_223, %parallel_loop3A_223 : vector<16xf32>
      %parallel_loop3A_230 = arith.mulf %parallel_loop3A_224, %parallel_loop3A_224 : vector<16xf32>
      %parallel_loop3A_231 = arith.addf %parallel_loop3A_229, %parallel_loop3A_230 : vector<16xf32>
      %parallel_loop3A_232 = arith.constant 3.400000e+38 : f32
      %parallel_loop3A_233 = vector.broadcast %parallel_loop3A_232 : f32 to vector<16xf32>
      %parallel_loop3A_234 = arith.select %parallel_loop3A_228, %parallel_loop3A_233, %parallel_loop3A_231 : vector<16xi1>, vector<16xf32>
      %parallel_loop3A_235 = arith.constant dense<true> : vector<16xi1>
      %parallel_loop3A_236, %parallel_loop3A_237, %parallel_loop3A_238 = tpu.sort %parallel_loop3A_234, %parallel_loop3A_227 masked %parallel_loop3A_235 : (vector<16xf32>, vector<16xi32>, vector<16xi1>) -> (vector<16xi1>, vector<16xf32>, vector<16xi32>)
      %parallel_loop3A_239 = arith.constant 15 : i32
      %parallel_loop3A_240 = vector.broadcast %parallel_loop3A_239 : i32 to vector<16xi32>
      %parallel_loop3A_241 = tpu.iota {dimensions = array<i32: 0>} : vector<16xi32>
      %parallel_loop3A_242 = arith.subi %parallel_loop3A_240, %parallel_loop3A_241 : vector<16xi32>
      %parallel_loop3A_243 = tpu.dynamic_gather %parallel_loop3A_237[%parallel_loop3A_242] in [0] : vector<16xf32>, vector<16xi32> -> vector<16xf32>
      %parallel_loop3A_244 = arith.constant 15 : i32
      %parallel_loop3A_245 = vector.broadcast %parallel_loop3A_244 : i32 to vector<16xi32>
      %parallel_loop3A_246 = tpu.iota {dimensions = array<i32: 0>} : vector<16xi32>
      %parallel_loop3A_247 = arith.subi %parallel_loop3A_245, %parallel_loop3A_246 : vector<16xi32>
      %parallel_loop3A_248 = tpu.dynamic_gather %parallel_loop3A_238[%parallel_loop3A_247] in [0] : vector<16xi32>, vector<16xi32> -> vector<16xi32>
      %parallel_loop3A_249 = arith.cmpf ole, %parallel_loop3A_217, %parallel_loop3A_243 : vector<16xf32>
      %parallel_loop3A_250 = arith.minimumf %parallel_loop3A_217, %parallel_loop3A_243 : vector<16xf32>
      %parallel_loop3A_251 = arith.select %parallel_loop3A_249, %parallel_loop3A_218, %parallel_loop3A_248 : vector<16xi1>, vector<16xi32>
      %parallel_loop3A_252 = arith.constant dense<true> : vector<16xi1>
      %parallel_loop3A_253, %parallel_loop3A_254, %parallel_loop3A_255 = tpu.sort %parallel_loop3A_250, %parallel_loop3A_251 masked %parallel_loop3A_252 : (vector<16xf32>, vector<16xi32>, vector<16xi1>) -> (vector<16xi1>, vector<16xf32>, vector<16xi32>)
      %parallel_loop3A_256 = arith.constant 96 : index
      %parallel_loop3A_257 = tpu.vector_load %arg5[%parallel_loop3A_256] {strides = array<i32>} : memref<512xf32, #tpu.memory_space<vmem>>, vector<16xf32>,
      %parallel_loop3A_258 = arith.constant 96 : index
      %parallel_loop3A_259 = tpu.vector_load %arg6[%parallel_loop3A_258] {strides = array<i32>} : memref<512xf32, #tpu.memory_space<vmem>>, vector<16xf32>,
      %parallel_loop3A_260 = arith.subf %parallel_loop3A_257, %parallel_loop3A_64 : vector<16xf32>
      %parallel_loop3A_261 = arith.subf %parallel_loop3A_259, %parallel_loop3A_67 : vector<16xf32>
      %parallel_loop3A_262 = arith.constant 96 : i32
      %parallel_loop3A_263 = vector.broadcast %parallel_loop3A_262 : i32 to vector<16xi32>
      %parallel_loop3A_264 = arith.addi %iota3A, %parallel_loop3A_263 : vector<16xi32>
      %parallel_loop3A_265 = arith.cmpi eq, %parallel_loop3A_264, %parallel_loop3A_25 : vector<16xi32>
      %parallel_loop3A_266 = arith.mulf %parallel_loop3A_260, %parallel_loop3A_260 : vector<16xf32>
      %parallel_loop3A_267 = arith.mulf %parallel_loop3A_261, %parallel_loop3A_261 : vector<16xf32>
      %parallel_loop3A_268 = arith.addf %parallel_loop3A_266, %parallel_loop3A_267 : vector<16xf32>
      %parallel_loop3A_269 = arith.constant 3.400000e+38 : f32
      %parallel_loop3A_270 = vector.broadcast %parallel_loop3A_269 : f32 to vector<16xf32>
      %parallel_loop3A_271 = arith.select %parallel_loop3A_265, %parallel_loop3A_270, %parallel_loop3A_268 : vector<16xi1>, vector<16xf32>
      %parallel_loop3A_272 = arith.constant dense<true> : vector<16xi1>
      %parallel_loop3A_273, %parallel_loop3A_274, %parallel_loop3A_275 = tpu.sort %parallel_loop3A_271, %parallel_loop3A_264 masked %parallel_loop3A_272 : (vector<16xf32>, vector<16xi32>, vector<16xi1>) -> (vector<16xi1>, vector<16xf32>, vector<16xi32>)
      %parallel_loop3A_276 = arith.constant 112 : index
      %parallel_loop3A_277 = tpu.vector_load %arg5[%parallel_loop3A_276] {strides = array<i32>} : memref<512xf32, #tpu.memory_space<vmem>>, vector<16xf32>,
      %parallel_loop3A_278 = arith.constant 112 : index
      %parallel_loop3A_279 = tpu.vector_load %arg6[%parallel_loop3A_278] {strides = array<i32>} : memref<512xf32, #tpu.memory_space<vmem>>, vector<16xf32>,
      %parallel_loop3A_280 = arith.subf %parallel_loop3A_277, %parallel_loop3A_64 : vector<16xf32>
      %parallel_loop3A_281 = arith.subf %parallel_loop3A_279, %parallel_loop3A_67 : vector<16xf32>
      %parallel_loop3A_282 = arith.constant 112 : i32
      %parallel_loop3A_283 = vector.broadcast %parallel_loop3A_282 : i32 to vector<16xi32>
      %parallel_loop3A_284 = arith.addi %iota3A, %parallel_loop3A_283 : vector<16xi32>
      %parallel_loop3A_285 = arith.cmpi eq, %parallel_loop3A_284, %parallel_loop3A_25 : vector<16xi32>
      %parallel_loop3A_286 = arith.mulf %parallel_loop3A_280, %parallel_loop3A_280 : vector<16xf32>
      %parallel_loop3A_287 = arith.mulf %parallel_loop3A_281, %parallel_loop3A_281 : vector<16xf32>
      %parallel_loop3A_288 = arith.addf %parallel_loop3A_286, %parallel_loop3A_287 : vector<16xf32>
      %parallel_loop3A_289 = arith.constant 3.400000e+38 : f32
      %parallel_loop3A_290 = vector.broadcast %parallel_loop3A_289 : f32 to vector<16xf32>
      %parallel_loop3A_291 = arith.select %parallel_loop3A_285, %parallel_loop3A_290, %parallel_loop3A_288 : vector<16xi1>, vector<16xf32>
      %parallel_loop3A_292 = arith.constant dense<true> : vector<16xi1>
      %parallel_loop3A_293, %parallel_loop3A_294, %parallel_loop3A_295 = tpu.sort %parallel_loop3A_291, %parallel_loop3A_284 masked %parallel_loop3A_292 : (vector<16xf32>, vector<16xi32>, vector<16xi1>) -> (vector<16xi1>, vector<16xf32>, vector<16xi32>)
      %parallel_loop3A_296 = arith.constant 15 : i32
      %parallel_loop3A_297 = vector.broadcast %parallel_loop3A_296 : i32 to vector<16xi32>
      %parallel_loop3A_298 = tpu.iota {dimensions = array<i32: 0>} : vector<16xi32>
      %parallel_loop3A_299 = arith.subi %parallel_loop3A_297, %parallel_loop3A_298 : vector<16xi32>
      %parallel_loop3A_300 = tpu.dynamic_gather %parallel_loop3A_294[%parallel_loop3A_299] in [0] : vector<16xf32>, vector<16xi32> -> vector<16xf32>
      %parallel_loop3A_301 = arith.constant 15 : i32
      %parallel_loop3A_302 = vector.broadcast %parallel_loop3A_301 : i32 to vector<16xi32>
      %parallel_loop3A_303 = tpu.iota {dimensions = array<i32: 0>} : vector<16xi32>
      %parallel_loop3A_304 = arith.subi %parallel_loop3A_302, %parallel_loop3A_303 : vector<16xi32>
      %parallel_loop3A_305 = tpu.dynamic_gather %parallel_loop3A_295[%parallel_loop3A_304] in [0] : vector<16xi32>, vector<16xi32> -> vector<16xi32>
      %parallel_loop3A_306 = arith.cmpf ole, %parallel_loop3A_274, %parallel_loop3A_300 : vector<16xf32>
      %parallel_loop3A_307 = arith.minimumf %parallel_loop3A_274, %parallel_loop3A_300 : vector<16xf32>
      %parallel_loop3A_308 = arith.select %parallel_loop3A_306, %parallel_loop3A_275, %parallel_loop3A_305 : vector<16xi1>, vector<16xi32>
      %parallel_loop3A_309 = arith.constant dense<true> : vector<16xi1>
      %parallel_loop3A_310, %parallel_loop3A_311, %parallel_loop3A_312 = tpu.sort %parallel_loop3A_307, %parallel_loop3A_308 masked %parallel_loop3A_309 : (vector<16xf32>, vector<16xi32>, vector<16xi1>) -> (vector<16xi1>, vector<16xf32>, vector<16xi32>)
      %parallel_loop3A_313 = arith.constant 15 : i32
      %parallel_loop3A_314 = vector.broadcast %parallel_loop3A_313 : i32 to vector<16xi32>
      %parallel_loop3A_315 = tpu.iota {dimensions = array<i32: 0>} : vector<16xi32>
      %parallel_loop3A_316 = arith.subi %parallel_loop3A_314, %parallel_loop3A_315 : vector<16xi32>
      %parallel_loop3A_317 = tpu.dynamic_gather %parallel_loop3A_311[%parallel_loop3A_316] in [0] : vector<16xf32>, vector<16xi32> -> vector<16xf32>
      %parallel_loop3A_318 = arith.constant 15 : i32
      %parallel_loop3A_319 = vector.broadcast %parallel_loop3A_318 : i32 to vector<16xi32>
      %parallel_loop3A_320 = tpu.iota {dimensions = array<i32: 0>} : vector<16xi32>
      %parallel_loop3A_321 = arith.subi %parallel_loop3A_319, %parallel_loop3A_320 : vector<16xi32>
      %parallel_loop3A_322 = tpu.dynamic_gather %parallel_loop3A_312[%parallel_loop3A_321] in [0] : vector<16xi32>, vector<16xi32> -> vector<16xi32>
      %parallel_loop3A_323 = arith.cmpf ole, %parallel_loop3A_254, %parallel_loop3A_317 : vector<16xf32>
      %parallel_loop3A_324 = arith.minimumf %parallel_loop3A_254, %parallel_loop3A_317 : vector<16xf32>
      %parallel_loop3A_325 = arith.select %parallel_loop3A_323, %parallel_loop3A_255, %parallel_loop3A_322 : vector<16xi1>, vector<16xi32>
      %parallel_loop3A_326 = arith.constant dense<true> : vector<16xi1>
      %parallel_loop3A_327, %parallel_loop3A_328, %parallel_loop3A_329 = tpu.sort %parallel_loop3A_324, %parallel_loop3A_325 masked %parallel_loop3A_326 : (vector<16xf32>, vector<16xi32>, vector<16xi1>) -> (vector<16xi1>, vector<16xf32>, vector<16xi32>)
      %parallel_loop3A_330 = arith.constant 15 : i32
      %parallel_loop3A_331 = vector.broadcast %parallel_loop3A_330 : i32 to vector<16xi32>
      %parallel_loop3A_332 = tpu.iota {dimensions = array<i32: 0>} : vector<16xi32>
      %parallel_loop3A_333 = arith.subi %parallel_loop3A_331, %parallel_loop3A_332 : vector<16xi32>
      %parallel_loop3A_334 = tpu.dynamic_gather %parallel_loop3A_328[%parallel_loop3A_333] in [0] : vector<16xf32>, vector<16xi32> -> vector<16xf32>
      %parallel_loop3A_335 = arith.constant 15 : i32
      %parallel_loop3A_336 = vector.broadcast %parallel_loop3A_335 : i32 to vector<16xi32>
      %parallel_loop3A_337 = tpu.iota {dimensions = array<i32: 0>} : vector<16xi32>
      %parallel_loop3A_338 = arith.subi %parallel_loop3A_336, %parallel_loop3A_337 : vector<16xi32>
      %parallel_loop3A_339 = tpu.dynamic_gather %parallel_loop3A_329[%parallel_loop3A_338] in [0] : vector<16xi32>, vector<16xi32> -> vector<16xi32>
      %parallel_loop3A_340 = arith.cmpf ole, %parallel_loop3A_197, %parallel_loop3A_334 : vector<16xf32>
      %parallel_loop3A_341 = arith.minimumf %parallel_loop3A_197, %parallel_loop3A_334 : vector<16xf32>
      %parallel_loop3A_342 = arith.select %parallel_loop3A_340, %parallel_loop3A_198, %parallel_loop3A_339 : vector<16xi1>, vector<16xi32>
      %parallel_loop3A_343 = arith.constant dense<true> : vector<16xi1>
      %parallel_loop3A_344, %parallel_loop3A_345, %parallel_loop3A_346 = tpu.sort %parallel_loop3A_341, %parallel_loop3A_342 masked %parallel_loop3A_343 : (vector<16xf32>, vector<16xi32>, vector<16xi1>) -> (vector<16xi1>, vector<16xf32>, vector<16xi32>)
      %parallel_loop3A_347 = arith.constant 128 : index
      %parallel_loop3A_348 = tpu.vector_load %arg5[%parallel_loop3A_347] {strides = array<i32>} : memref<512xf32, #tpu.memory_space<vmem>>, vector<16xf32>,
      %parallel_loop3A_349 = arith.constant 128 : index
      %parallel_loop3A_350 = tpu.vector_load %arg6[%parallel_loop3A_349] {strides = array<i32>} : memref<512xf32, #tpu.memory_space<vmem>>, vector<16xf32>,
      %parallel_loop3A_351 = arith.subf %parallel_loop3A_348, %parallel_loop3A_64 : vector<16xf32>
      %parallel_loop3A_352 = arith.subf %parallel_loop3A_350, %parallel_loop3A_67 : vector<16xf32>
      %parallel_loop3A_353 = arith.constant 128 : i32
      %parallel_loop3A_354 = vector.broadcast %parallel_loop3A_353 : i32 to vector<16xi32>
      %parallel_loop3A_355 = arith.addi %iota3A, %parallel_loop3A_354 : vector<16xi32>
      %parallel_loop3A_356 = arith.cmpi eq, %parallel_loop3A_355, %parallel_loop3A_25 : vector<16xi32>
      %parallel_loop3A_357 = arith.mulf %parallel_loop3A_351, %parallel_loop3A_351 : vector<16xf32>
      %parallel_loop3A_358 = arith.mulf %parallel_loop3A_352, %parallel_loop3A_352 : vector<16xf32>
      %parallel_loop3A_359 = arith.addf %parallel_loop3A_357, %parallel_loop3A_358 : vector<16xf32>
      %parallel_loop3A_360 = arith.constant 3.400000e+38 : f32
      %parallel_loop3A_361 = vector.broadcast %parallel_loop3A_360 : f32 to vector<16xf32>
      %parallel_loop3A_362 = arith.select %parallel_loop3A_356, %parallel_loop3A_361, %parallel_loop3A_359 : vector<16xi1>, vector<16xf32>
      %parallel_loop3A_363 = arith.constant dense<true> : vector<16xi1>
      %parallel_loop3A_364, %parallel_loop3A_365, %parallel_loop3A_366 = tpu.sort %parallel_loop3A_362, %parallel_loop3A_355 masked %parallel_loop3A_363 : (vector<16xf32>, vector<16xi32>, vector<16xi1>) -> (vector<16xi1>, vector<16xf32>, vector<16xi32>)
      %parallel_loop3A_367 = arith.constant 144 : index
      %parallel_loop3A_368 = tpu.vector_load %arg5[%parallel_loop3A_367] {strides = array<i32>} : memref<512xf32, #tpu.memory_space<vmem>>, vector<16xf32>,
      %parallel_loop3A_369 = arith.constant 144 : index
      %parallel_loop3A_370 = tpu.vector_load %arg6[%parallel_loop3A_369] {strides = array<i32>} : memref<512xf32, #tpu.memory_space<vmem>>, vector<16xf32>,
      %parallel_loop3A_371 = arith.subf %parallel_loop3A_368, %parallel_loop3A_64 : vector<16xf32>
      %parallel_loop3A_372 = arith.subf %parallel_loop3A_370, %parallel_loop3A_67 : vector<16xf32>
      %parallel_loop3A_373 = arith.constant 144 : i32
      %parallel_loop3A_374 = vector.broadcast %parallel_loop3A_373 : i32 to vector<16xi32>
      %parallel_loop3A_375 = arith.addi %iota3A, %parallel_loop3A_374 : vector<16xi32>
      %parallel_loop3A_376 = arith.cmpi eq, %parallel_loop3A_375, %parallel_loop3A_25 : vector<16xi32>
      %parallel_loop3A_377 = arith.mulf %parallel_loop3A_371, %parallel_loop3A_371 : vector<16xf32>
      %parallel_loop3A_378 = arith.mulf %parallel_loop3A_372, %parallel_loop3A_372 : vector<16xf32>
      %parallel_loop3A_379 = arith.addf %parallel_loop3A_377, %parallel_loop3A_378 : vector<16xf32>
      %parallel_loop3A_380 = arith.constant 3.400000e+38 : f32
      %parallel_loop3A_381 = vector.broadcast %parallel_loop3A_380 : f32 to vector<16xf32>
      %parallel_loop3A_382 = arith.select %parallel_loop3A_376, %parallel_loop3A_381, %parallel_loop3A_379 : vector<16xi1>, vector<16xf32>
      %parallel_loop3A_383 = arith.constant dense<true> : vector<16xi1>
      %parallel_loop3A_384, %parallel_loop3A_385, %parallel_loop3A_386 = tpu.sort %parallel_loop3A_382, %parallel_loop3A_375 masked %parallel_loop3A_383 : (vector<16xf32>, vector<16xi32>, vector<16xi1>) -> (vector<16xi1>, vector<16xf32>, vector<16xi32>)
      %parallel_loop3A_387 = arith.constant 15 : i32
      %parallel_loop3A_388 = vector.broadcast %parallel_loop3A_387 : i32 to vector<16xi32>
      %parallel_loop3A_389 = tpu.iota {dimensions = array<i32: 0>} : vector<16xi32>
      %parallel_loop3A_390 = arith.subi %parallel_loop3A_388, %parallel_loop3A_389 : vector<16xi32>
      %parallel_loop3A_391 = tpu.dynamic_gather %parallel_loop3A_385[%parallel_loop3A_390] in [0] : vector<16xf32>, vector<16xi32> -> vector<16xf32>
      %parallel_loop3A_392 = arith.constant 15 : i32
      %parallel_loop3A_393 = vector.broadcast %parallel_loop3A_392 : i32 to vector<16xi32>
      %parallel_loop3A_394 = tpu.iota {dimensions = array<i32: 0>} : vector<16xi32>
      %parallel_loop3A_395 = arith.subi %parallel_loop3A_393, %parallel_loop3A_394 : vector<16xi32>
      %parallel_loop3A_396 = tpu.dynamic_gather %parallel_loop3A_386[%parallel_loop3A_395] in [0] : vector<16xi32>, vector<16xi32> -> vector<16xi32>
      %parallel_loop3A_397 = arith.cmpf ole, %parallel_loop3A_365, %parallel_loop3A_391 : vector<16xf32>
      %parallel_loop3A_398 = arith.minimumf %parallel_loop3A_365, %parallel_loop3A_391 : vector<16xf32>
      %parallel_loop3A_399 = arith.select %parallel_loop3A_397, %parallel_loop3A_366, %parallel_loop3A_396 : vector<16xi1>, vector<16xi32>
      %parallel_loop3A_400 = arith.constant dense<true> : vector<16xi1>
      %parallel_loop3A_401, %parallel_loop3A_402, %parallel_loop3A_403 = tpu.sort %parallel_loop3A_398, %parallel_loop3A_399 masked %parallel_loop3A_400 : (vector<16xf32>, vector<16xi32>, vector<16xi1>) -> (vector<16xi1>, vector<16xf32>, vector<16xi32>)
      %parallel_loop3A_404 = arith.constant 160 : index
      %parallel_loop3A_405 = tpu.vector_load %arg5[%parallel_loop3A_404] {strides = array<i32>} : memref<512xf32, #tpu.memory_space<vmem>>, vector<16xf32>,
      %parallel_loop3A_406 = arith.constant 160 : index
      %parallel_loop3A_407 = tpu.vector_load %arg6[%parallel_loop3A_406] {strides = array<i32>} : memref<512xf32, #tpu.memory_space<vmem>>, vector<16xf32>,
      %parallel_loop3A_408 = arith.subf %parallel_loop3A_405, %parallel_loop3A_64 : vector<16xf32>
      %parallel_loop3A_409 = arith.subf %parallel_loop3A_407, %parallel_loop3A_67 : vector<16xf32>
      %parallel_loop3A_410 = arith.constant 160 : i32
      %parallel_loop3A_411 = vector.broadcast %parallel_loop3A_410 : i32 to vector<16xi32>
      %parallel_loop3A_412 = arith.addi %iota3A, %parallel_loop3A_411 : vector<16xi32>
      %parallel_loop3A_413 = arith.cmpi eq, %parallel_loop3A_412, %parallel_loop3A_25 : vector<16xi32>
      %parallel_loop3A_414 = arith.mulf %parallel_loop3A_408, %parallel_loop3A_408 : vector<16xf32>
      %parallel_loop3A_415 = arith.mulf %parallel_loop3A_409, %parallel_loop3A_409 : vector<16xf32>
      %parallel_loop3A_416 = arith.addf %parallel_loop3A_414, %parallel_loop3A_415 : vector<16xf32>
      %parallel_loop3A_417 = arith.constant 3.400000e+38 : f32
      %parallel_loop3A_418 = vector.broadcast %parallel_loop3A_417 : f32 to vector<16xf32>
      %parallel_loop3A_419 = arith.select %parallel_loop3A_413, %parallel_loop3A_418, %parallel_loop3A_416 : vector<16xi1>, vector<16xf32>
      %parallel_loop3A_420 = arith.constant dense<true> : vector<16xi1>
      %parallel_loop3A_421, %parallel_loop3A_422, %parallel_loop3A_423 = tpu.sort %parallel_loop3A_419, %parallel_loop3A_412 masked %parallel_loop3A_420 : (vector<16xf32>, vector<16xi32>, vector<16xi1>) -> (vector<16xi1>, vector<16xf32>, vector<16xi32>)
      %parallel_loop3A_424 = arith.constant 176 : index
      %parallel_loop3A_425 = tpu.vector_load %arg5[%parallel_loop3A_424] {strides = array<i32>} : memref<512xf32, #tpu.memory_space<vmem>>, vector<16xf32>,
      %parallel_loop3A_426 = arith.constant 176 : index
      %parallel_loop3A_427 = tpu.vector_load %arg6[%parallel_loop3A_426] {strides = array<i32>} : memref<512xf32, #tpu.memory_space<vmem>>, vector<16xf32>,
      %parallel_loop3A_428 = arith.subf %parallel_loop3A_425, %parallel_loop3A_64 : vector<16xf32>
      %parallel_loop3A_429 = arith.subf %parallel_loop3A_427, %parallel_loop3A_67 : vector<16xf32>
      %parallel_loop3A_430 = arith.constant 176 : i32
      %parallel_loop3A_431 = vector.broadcast %parallel_loop3A_430 : i32 to vector<16xi32>
      %parallel_loop3A_432 = arith.addi %iota3A, %parallel_loop3A_431 : vector<16xi32>
      %parallel_loop3A_433 = arith.cmpi eq, %parallel_loop3A_432, %parallel_loop3A_25 : vector<16xi32>
      %parallel_loop3A_434 = arith.mulf %parallel_loop3A_428, %parallel_loop3A_428 : vector<16xf32>
      %parallel_loop3A_435 = arith.mulf %parallel_loop3A_429, %parallel_loop3A_429 : vector<16xf32>
      %parallel_loop3A_436 = arith.addf %parallel_loop3A_434, %parallel_loop3A_435 : vector<16xf32>
      %parallel_loop3A_437 = arith.constant 3.400000e+38 : f32
      %parallel_loop3A_438 = vector.broadcast %parallel_loop3A_437 : f32 to vector<16xf32>
      %parallel_loop3A_439 = arith.select %parallel_loop3A_433, %parallel_loop3A_438, %parallel_loop3A_436 : vector<16xi1>, vector<16xf32>
      %parallel_loop3A_440 = arith.constant dense<true> : vector<16xi1>
      %parallel_loop3A_441, %parallel_loop3A_442, %parallel_loop3A_443 = tpu.sort %parallel_loop3A_439, %parallel_loop3A_432 masked %parallel_loop3A_440 : (vector<16xf32>, vector<16xi32>, vector<16xi1>) -> (vector<16xi1>, vector<16xf32>, vector<16xi32>)
      %parallel_loop3A_444 = arith.constant 15 : i32
      %parallel_loop3A_445 = vector.broadcast %parallel_loop3A_444 : i32 to vector<16xi32>
      %parallel_loop3A_446 = tpu.iota {dimensions = array<i32: 0>} : vector<16xi32>
      %parallel_loop3A_447 = arith.subi %parallel_loop3A_445, %parallel_loop3A_446 : vector<16xi32>
      %parallel_loop3A_448 = tpu.dynamic_gather %parallel_loop3A_442[%parallel_loop3A_447] in [0] : vector<16xf32>, vector<16xi32> -> vector<16xf32>
      %parallel_loop3A_449 = arith.constant 15 : i32
      %parallel_loop3A_450 = vector.broadcast %parallel_loop3A_449 : i32 to vector<16xi32>
      %parallel_loop3A_451 = tpu.iota {dimensions = array<i32: 0>} : vector<16xi32>
      %parallel_loop3A_452 = arith.subi %parallel_loop3A_450, %parallel_loop3A_451 : vector<16xi32>
      %parallel_loop3A_453 = tpu.dynamic_gather %parallel_loop3A_443[%parallel_loop3A_452] in [0] : vector<16xi32>, vector<16xi32> -> vector<16xi32>
      %parallel_loop3A_454 = arith.cmpf ole, %parallel_loop3A_422, %parallel_loop3A_448 : vector<16xf32>
      %parallel_loop3A_455 = arith.minimumf %parallel_loop3A_422, %parallel_loop3A_448 : vector<16xf32>
      %parallel_loop3A_456 = arith.select %parallel_loop3A_454, %parallel_loop3A_423, %parallel_loop3A_453 : vector<16xi1>, vector<16xi32>
      %parallel_loop3A_457 = arith.constant dense<true> : vector<16xi1>
      %parallel_loop3A_458, %parallel_loop3A_459, %parallel_loop3A_460 = tpu.sort %parallel_loop3A_455, %parallel_loop3A_456 masked %parallel_loop3A_457 : (vector<16xf32>, vector<16xi32>, vector<16xi1>) -> (vector<16xi1>, vector<16xf32>, vector<16xi32>)
      %parallel_loop3A_461 = arith.constant 15 : i32
      %parallel_loop3A_462 = vector.broadcast %parallel_loop3A_461 : i32 to vector<16xi32>
      %parallel_loop3A_463 = tpu.iota {dimensions = array<i32: 0>} : vector<16xi32>
      %parallel_loop3A_464 = arith.subi %parallel_loop3A_462, %parallel_loop3A_463 : vector<16xi32>
      %parallel_loop3A_465 = tpu.dynamic_gather %parallel_loop3A_459[%parallel_loop3A_464] in [0] : vector<16xf32>, vector<16xi32> -> vector<16xf32>
      %parallel_loop3A_466 = arith.constant 15 : i32
      %parallel_loop3A_467 = vector.broadcast %parallel_loop3A_466 : i32 to vector<16xi32>
      %parallel_loop3A_468 = tpu.iota {dimensions = array<i32: 0>} : vector<16xi32>
      %parallel_loop3A_469 = arith.subi %parallel_loop3A_467, %parallel_loop3A_468 : vector<16xi32>
      %parallel_loop3A_470 = tpu.dynamic_gather %parallel_loop3A_460[%parallel_loop3A_469] in [0] : vector<16xi32>, vector<16xi32> -> vector<16xi32>
      %parallel_loop3A_471 = arith.cmpf ole, %parallel_loop3A_402, %parallel_loop3A_465 : vector<16xf32>
      %parallel_loop3A_472 = arith.minimumf %parallel_loop3A_402, %parallel_loop3A_465 : vector<16xf32>
      %parallel_loop3A_473 = arith.select %parallel_loop3A_471, %parallel_loop3A_403, %parallel_loop3A_470 : vector<16xi1>, vector<16xi32>
      %parallel_loop3A_474 = arith.constant dense<true> : vector<16xi1>
      %parallel_loop3A_475, %parallel_loop3A_476, %parallel_loop3A_477 = tpu.sort %parallel_loop3A_472, %parallel_loop3A_473 masked %parallel_loop3A_474 : (vector<16xf32>, vector<16xi32>, vector<16xi1>) -> (vector<16xi1>, vector<16xf32>, vector<16xi32>)
      %parallel_loop3A_478 = arith.constant 192 : index
      %parallel_loop3A_479 = tpu.vector_load %arg5[%parallel_loop3A_478] {strides = array<i32>} : memref<512xf32, #tpu.memory_space<vmem>>, vector<16xf32>,
      %parallel_loop3A_480 = arith.constant 192 : index
      %parallel_loop3A_481 = tpu.vector_load %arg6[%parallel_loop3A_480] {strides = array<i32>} : memref<512xf32, #tpu.memory_space<vmem>>, vector<16xf32>,
      %parallel_loop3A_482 = arith.subf %parallel_loop3A_479, %parallel_loop3A_64 : vector<16xf32>
      %parallel_loop3A_483 = arith.subf %parallel_loop3A_481, %parallel_loop3A_67 : vector<16xf32>
      %parallel_loop3A_484 = arith.constant 192 : i32
      %parallel_loop3A_485 = vector.broadcast %parallel_loop3A_484 : i32 to vector<16xi32>
      %parallel_loop3A_486 = arith.addi %iota3A, %parallel_loop3A_485 : vector<16xi32>
      %parallel_loop3A_487 = arith.cmpi eq, %parallel_loop3A_486, %parallel_loop3A_25 : vector<16xi32>
      %parallel_loop3A_488 = arith.mulf %parallel_loop3A_482, %parallel_loop3A_482 : vector<16xf32>
      %parallel_loop3A_489 = arith.mulf %parallel_loop3A_483, %parallel_loop3A_483 : vector<16xf32>
      %parallel_loop3A_490 = arith.addf %parallel_loop3A_488, %parallel_loop3A_489 : vector<16xf32>
      %parallel_loop3A_491 = arith.constant 3.400000e+38 : f32
      %parallel_loop3A_492 = vector.broadcast %parallel_loop3A_491 : f32 to vector<16xf32>
      %parallel_loop3A_493 = arith.select %parallel_loop3A_487, %parallel_loop3A_492, %parallel_loop3A_490 : vector<16xi1>, vector<16xf32>
      %parallel_loop3A_494 = arith.constant dense<true> : vector<16xi1>
      %parallel_loop3A_495, %parallel_loop3A_496, %parallel_loop3A_497 = tpu.sort %parallel_loop3A_493, %parallel_loop3A_486 masked %parallel_loop3A_494 : (vector<16xf32>, vector<16xi32>, vector<16xi1>) -> (vector<16xi1>, vector<16xf32>, vector<16xi32>)
      %parallel_loop3A_498 = arith.constant 208 : index
      %parallel_loop3A_499 = tpu.vector_load %arg5[%parallel_loop3A_498] {strides = array<i32>} : memref<512xf32, #tpu.memory_space<vmem>>, vector<16xf32>,
      %parallel_loop3A_500 = arith.constant 208 : index
      %parallel_loop3A_501 = tpu.vector_load %arg6[%parallel_loop3A_500] {strides = array<i32>} : memref<512xf32, #tpu.memory_space<vmem>>, vector<16xf32>,
      %parallel_loop3A_502 = arith.subf %parallel_loop3A_499, %parallel_loop3A_64 : vector<16xf32>
      %parallel_loop3A_503 = arith.subf %parallel_loop3A_501, %parallel_loop3A_67 : vector<16xf32>
      %parallel_loop3A_504 = arith.constant 208 : i32
      %parallel_loop3A_505 = vector.broadcast %parallel_loop3A_504 : i32 to vector<16xi32>
      %parallel_loop3A_506 = arith.addi %iota3A, %parallel_loop3A_505 : vector<16xi32>
      %parallel_loop3A_507 = arith.cmpi eq, %parallel_loop3A_506, %parallel_loop3A_25 : vector<16xi32>
      %parallel_loop3A_508 = arith.mulf %parallel_loop3A_502, %parallel_loop3A_502 : vector<16xf32>
      %parallel_loop3A_509 = arith.mulf %parallel_loop3A_503, %parallel_loop3A_503 : vector<16xf32>
      %parallel_loop3A_510 = arith.addf %parallel_loop3A_508, %parallel_loop3A_509 : vector<16xf32>
      %parallel_loop3A_511 = arith.constant 3.400000e+38 : f32
      %parallel_loop3A_512 = vector.broadcast %parallel_loop3A_511 : f32 to vector<16xf32>
      %parallel_loop3A_513 = arith.select %parallel_loop3A_507, %parallel_loop3A_512, %parallel_loop3A_510 : vector<16xi1>, vector<16xf32>
      %parallel_loop3A_514 = arith.constant dense<true> : vector<16xi1>
      %parallel_loop3A_515, %parallel_loop3A_516, %parallel_loop3A_517 = tpu.sort %parallel_loop3A_513, %parallel_loop3A_506 masked %parallel_loop3A_514 : (vector<16xf32>, vector<16xi32>, vector<16xi1>) -> (vector<16xi1>, vector<16xf32>, vector<16xi32>)
      %parallel_loop3A_518 = arith.constant 15 : i32
      %parallel_loop3A_519 = vector.broadcast %parallel_loop3A_518 : i32 to vector<16xi32>
      %parallel_loop3A_520 = tpu.iota {dimensions = array<i32: 0>} : vector<16xi32>
      %parallel_loop3A_521 = arith.subi %parallel_loop3A_519, %parallel_loop3A_520 : vector<16xi32>
      %parallel_loop3A_522 = tpu.dynamic_gather %parallel_loop3A_516[%parallel_loop3A_521] in [0] : vector<16xf32>, vector<16xi32> -> vector<16xf32>
      %parallel_loop3A_523 = arith.constant 15 : i32
      %parallel_loop3A_524 = vector.broadcast %parallel_loop3A_523 : i32 to vector<16xi32>
      %parallel_loop3A_525 = tpu.iota {dimensions = array<i32: 0>} : vector<16xi32>
      %parallel_loop3A_526 = arith.subi %parallel_loop3A_524, %parallel_loop3A_525 : vector<16xi32>
      %parallel_loop3A_527 = tpu.dynamic_gather %parallel_loop3A_517[%parallel_loop3A_526] in [0] : vector<16xi32>, vector<16xi32> -> vector<16xi32>
      %parallel_loop3A_528 = arith.cmpf ole, %parallel_loop3A_496, %parallel_loop3A_522 : vector<16xf32>
      %parallel_loop3A_529 = arith.minimumf %parallel_loop3A_496, %parallel_loop3A_522 : vector<16xf32>
      %parallel_loop3A_530 = arith.select %parallel_loop3A_528, %parallel_loop3A_497, %parallel_loop3A_527 : vector<16xi1>, vector<16xi32>
      %parallel_loop3A_531 = arith.constant dense<true> : vector<16xi1>
      %parallel_loop3A_532, %parallel_loop3A_533, %parallel_loop3A_534 = tpu.sort %parallel_loop3A_529, %parallel_loop3A_530 masked %parallel_loop3A_531 : (vector<16xf32>, vector<16xi32>, vector<16xi1>) -> (vector<16xi1>, vector<16xf32>, vector<16xi32>)
      %parallel_loop3A_535 = arith.constant 224 : index
      %parallel_loop3A_536 = tpu.vector_load %arg5[%parallel_loop3A_535] {strides = array<i32>} : memref<512xf32, #tpu.memory_space<vmem>>, vector<16xf32>,
      %parallel_loop3A_537 = arith.constant 224 : index
      %parallel_loop3A_538 = tpu.vector_load %arg6[%parallel_loop3A_537] {strides = array<i32>} : memref<512xf32, #tpu.memory_space<vmem>>, vector<16xf32>,
      %parallel_loop3A_539 = arith.subf %parallel_loop3A_536, %parallel_loop3A_64 : vector<16xf32>
      %parallel_loop3A_540 = arith.subf %parallel_loop3A_538, %parallel_loop3A_67 : vector<16xf32>
      %parallel_loop3A_541 = arith.constant 224 : i32
      %parallel_loop3A_542 = vector.broadcast %parallel_loop3A_541 : i32 to vector<16xi32>
      %parallel_loop3A_543 = arith.addi %iota3A, %parallel_loop3A_542 : vector<16xi32>
      %parallel_loop3A_544 = arith.cmpi eq, %parallel_loop3A_543, %parallel_loop3A_25 : vector<16xi32>
      %parallel_loop3A_545 = arith.mulf %parallel_loop3A_539, %parallel_loop3A_539 : vector<16xf32>
      %parallel_loop3A_546 = arith.mulf %parallel_loop3A_540, %parallel_loop3A_540 : vector<16xf32>
      %parallel_loop3A_547 = arith.addf %parallel_loop3A_545, %parallel_loop3A_546 : vector<16xf32>
      %parallel_loop3A_548 = arith.constant 3.400000e+38 : f32
      %parallel_loop3A_549 = vector.broadcast %parallel_loop3A_548 : f32 to vector<16xf32>
      %parallel_loop3A_550 = arith.select %parallel_loop3A_544, %parallel_loop3A_549, %parallel_loop3A_547 : vector<16xi1>, vector<16xf32>
      %parallel_loop3A_551 = arith.constant dense<true> : vector<16xi1>
      %parallel_loop3A_552, %parallel_loop3A_553, %parallel_loop3A_554 = tpu.sort %parallel_loop3A_550, %parallel_loop3A_543 masked %parallel_loop3A_551 : (vector<16xf32>, vector<16xi32>, vector<16xi1>) -> (vector<16xi1>, vector<16xf32>, vector<16xi32>)
      %parallel_loop3A_555 = arith.constant 240 : index
      %parallel_loop3A_556 = tpu.vector_load %arg5[%parallel_loop3A_555] {strides = array<i32>} : memref<512xf32, #tpu.memory_space<vmem>>, vector<16xf32>,
      %parallel_loop3A_557 = arith.constant 240 : index
      %parallel_loop3A_558 = tpu.vector_load %arg6[%parallel_loop3A_557] {strides = array<i32>} : memref<512xf32, #tpu.memory_space<vmem>>, vector<16xf32>,
      %parallel_loop3A_559 = arith.subf %parallel_loop3A_556, %parallel_loop3A_64 : vector<16xf32>
      %parallel_loop3A_560 = arith.subf %parallel_loop3A_558, %parallel_loop3A_67 : vector<16xf32>
      %parallel_loop3A_561 = arith.constant 240 : i32
      %parallel_loop3A_562 = vector.broadcast %parallel_loop3A_561 : i32 to vector<16xi32>
      %parallel_loop3A_563 = arith.addi %iota3A, %parallel_loop3A_562 : vector<16xi32>
      %parallel_loop3A_564 = arith.cmpi eq, %parallel_loop3A_563, %parallel_loop3A_25 : vector<16xi32>
      %parallel_loop3A_565 = arith.mulf %parallel_loop3A_559, %parallel_loop3A_559 : vector<16xf32>
      %parallel_loop3A_566 = arith.mulf %parallel_loop3A_560, %parallel_loop3A_560 : vector<16xf32>
      %parallel_loop3A_567 = arith.addf %parallel_loop3A_565, %parallel_loop3A_566 : vector<16xf32>
      %parallel_loop3A_568 = arith.constant 3.400000e+38 : f32
      %parallel_loop3A_569 = vector.broadcast %parallel_loop3A_568 : f32 to vector<16xf32>
      %parallel_loop3A_570 = arith.select %parallel_loop3A_564, %parallel_loop3A_569, %parallel_loop3A_567 : vector<16xi1>, vector<16xf32>
      %parallel_loop3A_571 = arith.constant dense<true> : vector<16xi1>
      %parallel_loop3A_572, %parallel_loop3A_573, %parallel_loop3A_574 = tpu.sort %parallel_loop3A_570, %parallel_loop3A_563 masked %parallel_loop3A_571 : (vector<16xf32>, vector<16xi32>, vector<16xi1>) -> (vector<16xi1>, vector<16xf32>, vector<16xi32>)
      %parallel_loop3A_575 = arith.constant 15 : i32
      %parallel_loop3A_576 = vector.broadcast %parallel_loop3A_575 : i32 to vector<16xi32>
      %parallel_loop3A_577 = tpu.iota {dimensions = array<i32: 0>} : vector<16xi32>
      %parallel_loop3A_578 = arith.subi %parallel_loop3A_576, %parallel_loop3A_577 : vector<16xi32>
      %parallel_loop3A_579 = tpu.dynamic_gather %parallel_loop3A_573[%parallel_loop3A_578] in [0] : vector<16xf32>, vector<16xi32> -> vector<16xf32>
      %parallel_loop3A_580 = arith.constant 15 : i32
      %parallel_loop3A_581 = vector.broadcast %parallel_loop3A_580 : i32 to vector<16xi32>
      %parallel_loop3A_582 = tpu.iota {dimensions = array<i32: 0>} : vector<16xi32>
      %parallel_loop3A_583 = arith.subi %parallel_loop3A_581, %parallel_loop3A_582 : vector<16xi32>
      %parallel_loop3A_584 = tpu.dynamic_gather %parallel_loop3A_574[%parallel_loop3A_583] in [0] : vector<16xi32>, vector<16xi32> -> vector<16xi32>
      %parallel_loop3A_585 = arith.cmpf ole, %parallel_loop3A_553, %parallel_loop3A_579 : vector<16xf32>
      %parallel_loop3A_586 = arith.minimumf %parallel_loop3A_553, %parallel_loop3A_579 : vector<16xf32>
      %parallel_loop3A_587 = arith.select %parallel_loop3A_585, %parallel_loop3A_554, %parallel_loop3A_584 : vector<16xi1>, vector<16xi32>
      %parallel_loop3A_588 = arith.constant dense<true> : vector<16xi1>
      %parallel_loop3A_589, %parallel_loop3A_590, %parallel_loop3A_591 = tpu.sort %parallel_loop3A_586, %parallel_loop3A_587 masked %parallel_loop3A_588 : (vector<16xf32>, vector<16xi32>, vector<16xi1>) -> (vector<16xi1>, vector<16xf32>, vector<16xi32>)
      %parallel_loop3A_592 = arith.constant 15 : i32
      %parallel_loop3A_593 = vector.broadcast %parallel_loop3A_592 : i32 to vector<16xi32>
      %parallel_loop3A_594 = tpu.iota {dimensions = array<i32: 0>} : vector<16xi32>
      %parallel_loop3A_595 = arith.subi %parallel_loop3A_593, %parallel_loop3A_594 : vector<16xi32>
      %parallel_loop3A_596 = tpu.dynamic_gather %parallel_loop3A_590[%parallel_loop3A_595] in [0] : vector<16xf32>, vector<16xi32> -> vector<16xf32>
      %parallel_loop3A_597 = arith.constant 15 : i32
      %parallel_loop3A_598 = vector.broadcast %parallel_loop3A_597 : i32 to vector<16xi32>
      %parallel_loop3A_599 = tpu.iota {dimensions = array<i32: 0>} : vector<16xi32>
      %parallel_loop3A_600 = arith.subi %parallel_loop3A_598, %parallel_loop3A_599 : vector<16xi32>
      %parallel_loop3A_601 = tpu.dynamic_gather %parallel_loop3A_591[%parallel_loop3A_600] in [0] : vector<16xi32>, vector<16xi32> -> vector<16xi32>
      %parallel_loop3A_602 = arith.cmpf ole, %parallel_loop3A_533, %parallel_loop3A_596 : vector<16xf32>
      %parallel_loop3A_603 = arith.minimumf %parallel_loop3A_533, %parallel_loop3A_596 : vector<16xf32>
      %parallel_loop3A_604 = arith.select %parallel_loop3A_602, %parallel_loop3A_534, %parallel_loop3A_601 : vector<16xi1>, vector<16xi32>
      %parallel_loop3A_605 = arith.constant dense<true> : vector<16xi1>
      %parallel_loop3A_606, %parallel_loop3A_607, %parallel_loop3A_608 = tpu.sort %parallel_loop3A_603, %parallel_loop3A_604 masked %parallel_loop3A_605 : (vector<16xf32>, vector<16xi32>, vector<16xi1>) -> (vector<16xi1>, vector<16xf32>, vector<16xi32>)
      %parallel_loop3A_609 = arith.constant 15 : i32
      %parallel_loop3A_610 = vector.broadcast %parallel_loop3A_609 : i32 to vector<16xi32>
      %parallel_loop3A_611 = tpu.iota {dimensions = array<i32: 0>} : vector<16xi32>
      %parallel_loop3A_612 = arith.subi %parallel_loop3A_610, %parallel_loop3A_611 : vector<16xi32>
      %parallel_loop3A_613 = tpu.dynamic_gather %parallel_loop3A_607[%parallel_loop3A_612] in [0] : vector<16xf32>, vector<16xi32> -> vector<16xf32>
      %parallel_loop3A_614 = arith.constant 15 : i32
      %parallel_loop3A_615 = vector.broadcast %parallel_loop3A_614 : i32 to vector<16xi32>
      %parallel_loop3A_616 = tpu.iota {dimensions = array<i32: 0>} : vector<16xi32>
      %parallel_loop3A_617 = arith.subi %parallel_loop3A_615, %parallel_loop3A_616 : vector<16xi32>
      %parallel_loop3A_618 = tpu.dynamic_gather %parallel_loop3A_608[%parallel_loop3A_617] in [0] : vector<16xi32>, vector<16xi32> -> vector<16xi32>
      %parallel_loop3A_619 = arith.cmpf ole, %parallel_loop3A_476, %parallel_loop3A_613 : vector<16xf32>
      %parallel_loop3A_620 = arith.minimumf %parallel_loop3A_476, %parallel_loop3A_613 : vector<16xf32>
      %parallel_loop3A_621 = arith.select %parallel_loop3A_619, %parallel_loop3A_477, %parallel_loop3A_618 : vector<16xi1>, vector<16xi32>
      %parallel_loop3A_622 = arith.constant dense<true> : vector<16xi1>
      %parallel_loop3A_623, %parallel_loop3A_624, %parallel_loop3A_625 = tpu.sort %parallel_loop3A_620, %parallel_loop3A_621 masked %parallel_loop3A_622 : (vector<16xf32>, vector<16xi32>, vector<16xi1>) -> (vector<16xi1>, vector<16xf32>, vector<16xi32>)
      %parallel_loop3A_626 = arith.constant 15 : i32
      %parallel_loop3A_627 = vector.broadcast %parallel_loop3A_626 : i32 to vector<16xi32>
      %parallel_loop3A_628 = tpu.iota {dimensions = array<i32: 0>} : vector<16xi32>
      %parallel_loop3A_629 = arith.subi %parallel_loop3A_627, %parallel_loop3A_628 : vector<16xi32>
      %parallel_loop3A_630 = tpu.dynamic_gather %parallel_loop3A_624[%parallel_loop3A_629] in [0] : vector<16xf32>, vector<16xi32> -> vector<16xf32>
      %parallel_loop3A_631 = arith.constant 15 : i32
      %parallel_loop3A_632 = vector.broadcast %parallel_loop3A_631 : i32 to vector<16xi32>
      %parallel_loop3A_633 = tpu.iota {dimensions = array<i32: 0>} : vector<16xi32>
      %parallel_loop3A_634 = arith.subi %parallel_loop3A_632, %parallel_loop3A_633 : vector<16xi32>
      %parallel_loop3A_635 = tpu.dynamic_gather %parallel_loop3A_625[%parallel_loop3A_634] in [0] : vector<16xi32>, vector<16xi32> -> vector<16xi32>
      %parallel_loop3A_636 = arith.cmpf ole, %parallel_loop3A_345, %parallel_loop3A_630 : vector<16xf32>
      %parallel_loop3A_637 = arith.minimumf %parallel_loop3A_345, %parallel_loop3A_630 : vector<16xf32>
      %parallel_loop3A_638 = arith.select %parallel_loop3A_636, %parallel_loop3A_346, %parallel_loop3A_635 : vector<16xi1>, vector<16xi32>
      %parallel_loop3A_639 = arith.constant dense<true> : vector<16xi1>
      %parallel_loop3A_640, %parallel_loop3A_641, %parallel_loop3A_642 = tpu.sort %parallel_loop3A_637, %parallel_loop3A_638 masked %parallel_loop3A_639 : (vector<16xf32>, vector<16xi32>, vector<16xi1>) -> (vector<16xi1>, vector<16xf32>, vector<16xi32>)
      %parallel_loop3A_643 = arith.constant 256 : index
      %parallel_loop3A_644 = tpu.vector_load %arg5[%parallel_loop3A_643] {strides = array<i32>} : memref<512xf32, #tpu.memory_space<vmem>>, vector<16xf32>,
      %parallel_loop3A_645 = arith.constant 256 : index
      %parallel_loop3A_646 = tpu.vector_load %arg6[%parallel_loop3A_645] {strides = array<i32>} : memref<512xf32, #tpu.memory_space<vmem>>, vector<16xf32>,
      %parallel_loop3A_647 = arith.subf %parallel_loop3A_644, %parallel_loop3A_64 : vector<16xf32>
      %parallel_loop3A_648 = arith.subf %parallel_loop3A_646, %parallel_loop3A_67 : vector<16xf32>
      %parallel_loop3A_649 = arith.constant 256 : i32
      %parallel_loop3A_650 = vector.broadcast %parallel_loop3A_649 : i32 to vector<16xi32>
      %parallel_loop3A_651 = arith.addi %iota3A, %parallel_loop3A_650 : vector<16xi32>
      %parallel_loop3A_652 = arith.cmpi eq, %parallel_loop3A_651, %parallel_loop3A_25 : vector<16xi32>
      %parallel_loop3A_653 = arith.mulf %parallel_loop3A_647, %parallel_loop3A_647 : vector<16xf32>
      %parallel_loop3A_654 = arith.mulf %parallel_loop3A_648, %parallel_loop3A_648 : vector<16xf32>
      %parallel_loop3A_655 = arith.addf %parallel_loop3A_653, %parallel_loop3A_654 : vector<16xf32>
      %parallel_loop3A_656 = arith.constant 3.400000e+38 : f32
      %parallel_loop3A_657 = vector.broadcast %parallel_loop3A_656 : f32 to vector<16xf32>
      %parallel_loop3A_658 = arith.select %parallel_loop3A_652, %parallel_loop3A_657, %parallel_loop3A_655 : vector<16xi1>, vector<16xf32>
      %parallel_loop3A_659 = arith.constant dense<true> : vector<16xi1>
      %parallel_loop3A_660, %parallel_loop3A_661, %parallel_loop3A_662 = tpu.sort %parallel_loop3A_658, %parallel_loop3A_651 masked %parallel_loop3A_659 : (vector<16xf32>, vector<16xi32>, vector<16xi1>) -> (vector<16xi1>, vector<16xf32>, vector<16xi32>)
      %parallel_loop3A_663 = arith.constant 272 : index
      %parallel_loop3A_664 = tpu.vector_load %arg5[%parallel_loop3A_663] {strides = array<i32>} : memref<512xf32, #tpu.memory_space<vmem>>, vector<16xf32>,
      %parallel_loop3A_665 = arith.constant 272 : index
      %parallel_loop3A_666 = tpu.vector_load %arg6[%parallel_loop3A_665] {strides = array<i32>} : memref<512xf32, #tpu.memory_space<vmem>>, vector<16xf32>,
      %parallel_loop3A_667 = arith.subf %parallel_loop3A_664, %parallel_loop3A_64 : vector<16xf32>
      %parallel_loop3A_668 = arith.subf %parallel_loop3A_666, %parallel_loop3A_67 : vector<16xf32>
      %parallel_loop3A_669 = arith.constant 272 : i32
      %parallel_loop3A_670 = vector.broadcast %parallel_loop3A_669 : i32 to vector<16xi32>
      %parallel_loop3A_671 = arith.addi %iota3A, %parallel_loop3A_670 : vector<16xi32>
      %parallel_loop3A_672 = arith.cmpi eq, %parallel_loop3A_671, %parallel_loop3A_25 : vector<16xi32>
      %parallel_loop3A_673 = arith.mulf %parallel_loop3A_667, %parallel_loop3A_667 : vector<16xf32>
      %parallel_loop3A_674 = arith.mulf %parallel_loop3A_668, %parallel_loop3A_668 : vector<16xf32>
      %parallel_loop3A_675 = arith.addf %parallel_loop3A_673, %parallel_loop3A_674 : vector<16xf32>
      %parallel_loop3A_676 = arith.constant 3.400000e+38 : f32
      %parallel_loop3A_677 = vector.broadcast %parallel_loop3A_676 : f32 to vector<16xf32>
      %parallel_loop3A_678 = arith.select %parallel_loop3A_672, %parallel_loop3A_677, %parallel_loop3A_675 : vector<16xi1>, vector<16xf32>
      %parallel_loop3A_679 = arith.constant dense<true> : vector<16xi1>
      %parallel_loop3A_680, %parallel_loop3A_681, %parallel_loop3A_682 = tpu.sort %parallel_loop3A_678, %parallel_loop3A_671 masked %parallel_loop3A_679 : (vector<16xf32>, vector<16xi32>, vector<16xi1>) -> (vector<16xi1>, vector<16xf32>, vector<16xi32>)
      %parallel_loop3A_683 = arith.constant 15 : i32
      %parallel_loop3A_684 = vector.broadcast %parallel_loop3A_683 : i32 to vector<16xi32>
      %parallel_loop3A_685 = tpu.iota {dimensions = array<i32: 0>} : vector<16xi32>
      %parallel_loop3A_686 = arith.subi %parallel_loop3A_684, %parallel_loop3A_685 : vector<16xi32>
      %parallel_loop3A_687 = tpu.dynamic_gather %parallel_loop3A_681[%parallel_loop3A_686] in [0] : vector<16xf32>, vector<16xi32> -> vector<16xf32>
      %parallel_loop3A_688 = arith.constant 15 : i32
      %parallel_loop3A_689 = vector.broadcast %parallel_loop3A_688 : i32 to vector<16xi32>
      %parallel_loop3A_690 = tpu.iota {dimensions = array<i32: 0>} : vector<16xi32>
      %parallel_loop3A_691 = arith.subi %parallel_loop3A_689, %parallel_loop3A_690 : vector<16xi32>
      %parallel_loop3A_692 = tpu.dynamic_gather %parallel_loop3A_682[%parallel_loop3A_691] in [0] : vector<16xi32>, vector<16xi32> -> vector<16xi32>
      %parallel_loop3A_693 = arith.cmpf ole, %parallel_loop3A_661, %parallel_loop3A_687 : vector<16xf32>
      %parallel_loop3A_694 = arith.minimumf %parallel_loop3A_661, %parallel_loop3A_687 : vector<16xf32>
      %parallel_loop3A_695 = arith.select %parallel_loop3A_693, %parallel_loop3A_662, %parallel_loop3A_692 : vector<16xi1>, vector<16xi32>
      %parallel_loop3A_696 = arith.constant dense<true> : vector<16xi1>
      %parallel_loop3A_697, %parallel_loop3A_698, %parallel_loop3A_699 = tpu.sort %parallel_loop3A_694, %parallel_loop3A_695 masked %parallel_loop3A_696 : (vector<16xf32>, vector<16xi32>, vector<16xi1>) -> (vector<16xi1>, vector<16xf32>, vector<16xi32>)
      %parallel_loop3A_700 = arith.constant 288 : index
      %parallel_loop3A_701 = tpu.vector_load %arg5[%parallel_loop3A_700] {strides = array<i32>} : memref<512xf32, #tpu.memory_space<vmem>>, vector<16xf32>,
      %parallel_loop3A_702 = arith.constant 288 : index
      %parallel_loop3A_703 = tpu.vector_load %arg6[%parallel_loop3A_702] {strides = array<i32>} : memref<512xf32, #tpu.memory_space<vmem>>, vector<16xf32>,
      %parallel_loop3A_704 = arith.subf %parallel_loop3A_701, %parallel_loop3A_64 : vector<16xf32>
      %parallel_loop3A_705 = arith.subf %parallel_loop3A_703, %parallel_loop3A_67 : vector<16xf32>
      %parallel_loop3A_706 = arith.constant 288 : i32
      %parallel_loop3A_707 = vector.broadcast %parallel_loop3A_706 : i32 to vector<16xi32>
      %parallel_loop3A_708 = arith.addi %iota3A, %parallel_loop3A_707 : vector<16xi32>
      %parallel_loop3A_709 = arith.cmpi eq, %parallel_loop3A_708, %parallel_loop3A_25 : vector<16xi32>
      %parallel_loop3A_710 = arith.mulf %parallel_loop3A_704, %parallel_loop3A_704 : vector<16xf32>
      %parallel_loop3A_711 = arith.mulf %parallel_loop3A_705, %parallel_loop3A_705 : vector<16xf32>
      %parallel_loop3A_712 = arith.addf %parallel_loop3A_710, %parallel_loop3A_711 : vector<16xf32>
      %parallel_loop3A_713 = arith.constant 3.400000e+38 : f32
      %parallel_loop3A_714 = vector.broadcast %parallel_loop3A_713 : f32 to vector<16xf32>
      %parallel_loop3A_715 = arith.select %parallel_loop3A_709, %parallel_loop3A_714, %parallel_loop3A_712 : vector<16xi1>, vector<16xf32>
      %parallel_loop3A_716 = arith.constant dense<true> : vector<16xi1>
      %parallel_loop3A_717, %parallel_loop3A_718, %parallel_loop3A_719 = tpu.sort %parallel_loop3A_715, %parallel_loop3A_708 masked %parallel_loop3A_716 : (vector<16xf32>, vector<16xi32>, vector<16xi1>) -> (vector<16xi1>, vector<16xf32>, vector<16xi32>)
      %parallel_loop3A_720 = arith.constant 304 : index
      %parallel_loop3A_721 = tpu.vector_load %arg5[%parallel_loop3A_720] {strides = array<i32>} : memref<512xf32, #tpu.memory_space<vmem>>, vector<16xf32>,
      %parallel_loop3A_722 = arith.constant 304 : index
      %parallel_loop3A_723 = tpu.vector_load %arg6[%parallel_loop3A_722] {strides = array<i32>} : memref<512xf32, #tpu.memory_space<vmem>>, vector<16xf32>,
      %parallel_loop3A_724 = arith.subf %parallel_loop3A_721, %parallel_loop3A_64 : vector<16xf32>
      %parallel_loop3A_725 = arith.subf %parallel_loop3A_723, %parallel_loop3A_67 : vector<16xf32>
      %parallel_loop3A_726 = arith.constant 304 : i32
      %parallel_loop3A_727 = vector.broadcast %parallel_loop3A_726 : i32 to vector<16xi32>
      %parallel_loop3A_728 = arith.addi %iota3A, %parallel_loop3A_727 : vector<16xi32>
      %parallel_loop3A_729 = arith.cmpi eq, %parallel_loop3A_728, %parallel_loop3A_25 : vector<16xi32>
      %parallel_loop3A_730 = arith.mulf %parallel_loop3A_724, %parallel_loop3A_724 : vector<16xf32>
      %parallel_loop3A_731 = arith.mulf %parallel_loop3A_725, %parallel_loop3A_725 : vector<16xf32>
      %parallel_loop3A_732 = arith.addf %parallel_loop3A_730, %parallel_loop3A_731 : vector<16xf32>
      %parallel_loop3A_733 = arith.constant 3.400000e+38 : f32
      %parallel_loop3A_734 = vector.broadcast %parallel_loop3A_733 : f32 to vector<16xf32>
      %parallel_loop3A_735 = arith.select %parallel_loop3A_729, %parallel_loop3A_734, %parallel_loop3A_732 : vector<16xi1>, vector<16xf32>
      %parallel_loop3A_736 = arith.constant dense<true> : vector<16xi1>
      %parallel_loop3A_737, %parallel_loop3A_738, %parallel_loop3A_739 = tpu.sort %parallel_loop3A_735, %parallel_loop3A_728 masked %parallel_loop3A_736 : (vector<16xf32>, vector<16xi32>, vector<16xi1>) -> (vector<16xi1>, vector<16xf32>, vector<16xi32>)
      %parallel_loop3A_740 = arith.constant 15 : i32
      %parallel_loop3A_741 = vector.broadcast %parallel_loop3A_740 : i32 to vector<16xi32>
      %parallel_loop3A_742 = tpu.iota {dimensions = array<i32: 0>} : vector<16xi32>
      %parallel_loop3A_743 = arith.subi %parallel_loop3A_741, %parallel_loop3A_742 : vector<16xi32>
      %parallel_loop3A_744 = tpu.dynamic_gather %parallel_loop3A_738[%parallel_loop3A_743] in [0] : vector<16xf32>, vector<16xi32> -> vector<16xf32>
      %parallel_loop3A_745 = arith.constant 15 : i32
      %parallel_loop3A_746 = vector.broadcast %parallel_loop3A_745 : i32 to vector<16xi32>
      %parallel_loop3A_747 = tpu.iota {dimensions = array<i32: 0>} : vector<16xi32>
      %parallel_loop3A_748 = arith.subi %parallel_loop3A_746, %parallel_loop3A_747 : vector<16xi32>
      %parallel_loop3A_749 = tpu.dynamic_gather %parallel_loop3A_739[%parallel_loop3A_748] in [0] : vector<16xi32>, vector<16xi32> -> vector<16xi32>
      %parallel_loop3A_750 = arith.cmpf ole, %parallel_loop3A_718, %parallel_loop3A_744 : vector<16xf32>
      %parallel_loop3A_751 = arith.minimumf %parallel_loop3A_718, %parallel_loop3A_744 : vector<16xf32>
      %parallel_loop3A_752 = arith.select %parallel_loop3A_750, %parallel_loop3A_719, %parallel_loop3A_749 : vector<16xi1>, vector<16xi32>
      %parallel_loop3A_753 = arith.constant dense<true> : vector<16xi1>
      %parallel_loop3A_754, %parallel_loop3A_755, %parallel_loop3A_756 = tpu.sort %parallel_loop3A_751, %parallel_loop3A_752 masked %parallel_loop3A_753 : (vector<16xf32>, vector<16xi32>, vector<16xi1>) -> (vector<16xi1>, vector<16xf32>, vector<16xi32>)
      %parallel_loop3A_757 = arith.constant 15 : i32
      %parallel_loop3A_758 = vector.broadcast %parallel_loop3A_757 : i32 to vector<16xi32>
      %parallel_loop3A_759 = tpu.iota {dimensions = array<i32: 0>} : vector<16xi32>
      %parallel_loop3A_760 = arith.subi %parallel_loop3A_758, %parallel_loop3A_759 : vector<16xi32>
      %parallel_loop3A_761 = tpu.dynamic_gather %parallel_loop3A_755[%parallel_loop3A_760] in [0] : vector<16xf32>, vector<16xi32> -> vector<16xf32>
      %parallel_loop3A_762 = arith.constant 15 : i32
      %parallel_loop3A_763 = vector.broadcast %parallel_loop3A_762 : i32 to vector<16xi32>
      %parallel_loop3A_764 = tpu.iota {dimensions = array<i32: 0>} : vector<16xi32>
      %parallel_loop3A_765 = arith.subi %parallel_loop3A_763, %parallel_loop3A_764 : vector<16xi32>
      %parallel_loop3A_766 = tpu.dynamic_gather %parallel_loop3A_756[%parallel_loop3A_765] in [0] : vector<16xi32>, vector<16xi32> -> vector<16xi32>
      %parallel_loop3A_767 = arith.cmpf ole, %parallel_loop3A_698, %parallel_loop3A_761 : vector<16xf32>
      %parallel_loop3A_768 = arith.minimumf %parallel_loop3A_698, %parallel_loop3A_761 : vector<16xf32>
      %parallel_loop3A_769 = arith.select %parallel_loop3A_767, %parallel_loop3A_699, %parallel_loop3A_766 : vector<16xi1>, vector<16xi32>
      %parallel_loop3A_770 = arith.constant dense<true> : vector<16xi1>
      %parallel_loop3A_771, %parallel_loop3A_772, %parallel_loop3A_773 = tpu.sort %parallel_loop3A_768, %parallel_loop3A_769 masked %parallel_loop3A_770 : (vector<16xf32>, vector<16xi32>, vector<16xi1>) -> (vector<16xi1>, vector<16xf32>, vector<16xi32>)
      %parallel_loop3A_774 = arith.constant 320 : index
      %parallel_loop3A_775 = tpu.vector_load %arg5[%parallel_loop3A_774] {strides = array<i32>} : memref<512xf32, #tpu.memory_space<vmem>>, vector<16xf32>,
      %parallel_loop3A_776 = arith.constant 320 : index
      %parallel_loop3A_777 = tpu.vector_load %arg6[%parallel_loop3A_776] {strides = array<i32>} : memref<512xf32, #tpu.memory_space<vmem>>, vector<16xf32>,
      %parallel_loop3A_778 = arith.subf %parallel_loop3A_775, %parallel_loop3A_64 : vector<16xf32>
      %parallel_loop3A_779 = arith.subf %parallel_loop3A_777, %parallel_loop3A_67 : vector<16xf32>
      %parallel_loop3A_780 = arith.constant 320 : i32
      %parallel_loop3A_781 = vector.broadcast %parallel_loop3A_780 : i32 to vector<16xi32>
      %parallel_loop3A_782 = arith.addi %iota3A, %parallel_loop3A_781 : vector<16xi32>
      %parallel_loop3A_783 = arith.cmpi eq, %parallel_loop3A_782, %parallel_loop3A_25 : vector<16xi32>
      %parallel_loop3A_784 = arith.mulf %parallel_loop3A_778, %parallel_loop3A_778 : vector<16xf32>
      %parallel_loop3A_785 = arith.mulf %parallel_loop3A_779, %parallel_loop3A_779 : vector<16xf32>
      %parallel_loop3A_786 = arith.addf %parallel_loop3A_784, %parallel_loop3A_785 : vector<16xf32>
      %parallel_loop3A_787 = arith.constant 3.400000e+38 : f32
      %parallel_loop3A_788 = vector.broadcast %parallel_loop3A_787 : f32 to vector<16xf32>
      %parallel_loop3A_789 = arith.select %parallel_loop3A_783, %parallel_loop3A_788, %parallel_loop3A_786 : vector<16xi1>, vector<16xf32>
      %parallel_loop3A_790 = arith.constant dense<true> : vector<16xi1>
      %parallel_loop3A_791, %parallel_loop3A_792, %parallel_loop3A_793 = tpu.sort %parallel_loop3A_789, %parallel_loop3A_782 masked %parallel_loop3A_790 : (vector<16xf32>, vector<16xi32>, vector<16xi1>) -> (vector<16xi1>, vector<16xf32>, vector<16xi32>)
      %parallel_loop3A_794 = arith.constant 336 : index
      %parallel_loop3A_795 = tpu.vector_load %arg5[%parallel_loop3A_794] {strides = array<i32>} : memref<512xf32, #tpu.memory_space<vmem>>, vector<16xf32>,
      %parallel_loop3A_796 = arith.constant 336 : index
      %parallel_loop3A_797 = tpu.vector_load %arg6[%parallel_loop3A_796] {strides = array<i32>} : memref<512xf32, #tpu.memory_space<vmem>>, vector<16xf32>,
      %parallel_loop3A_798 = arith.subf %parallel_loop3A_795, %parallel_loop3A_64 : vector<16xf32>
      %parallel_loop3A_799 = arith.subf %parallel_loop3A_797, %parallel_loop3A_67 : vector<16xf32>
      %parallel_loop3A_800 = arith.constant 336 : i32
      %parallel_loop3A_801 = vector.broadcast %parallel_loop3A_800 : i32 to vector<16xi32>
      %parallel_loop3A_802 = arith.addi %iota3A, %parallel_loop3A_801 : vector<16xi32>
      %parallel_loop3A_803 = arith.cmpi eq, %parallel_loop3A_802, %parallel_loop3A_25 : vector<16xi32>
      %parallel_loop3A_804 = arith.mulf %parallel_loop3A_798, %parallel_loop3A_798 : vector<16xf32>
      %parallel_loop3A_805 = arith.mulf %parallel_loop3A_799, %parallel_loop3A_799 : vector<16xf32>
      %parallel_loop3A_806 = arith.addf %parallel_loop3A_804, %parallel_loop3A_805 : vector<16xf32>
      %parallel_loop3A_807 = arith.constant 3.400000e+38 : f32
      %parallel_loop3A_808 = vector.broadcast %parallel_loop3A_807 : f32 to vector<16xf32>
      %parallel_loop3A_809 = arith.select %parallel_loop3A_803, %parallel_loop3A_808, %parallel_loop3A_806 : vector<16xi1>, vector<16xf32>
      %parallel_loop3A_810 = arith.constant dense<true> : vector<16xi1>
      %parallel_loop3A_811, %parallel_loop3A_812, %parallel_loop3A_813 = tpu.sort %parallel_loop3A_809, %parallel_loop3A_802 masked %parallel_loop3A_810 : (vector<16xf32>, vector<16xi32>, vector<16xi1>) -> (vector<16xi1>, vector<16xf32>, vector<16xi32>)
      %parallel_loop3A_814 = arith.constant 15 : i32
      %parallel_loop3A_815 = vector.broadcast %parallel_loop3A_814 : i32 to vector<16xi32>
      %parallel_loop3A_816 = tpu.iota {dimensions = array<i32: 0>} : vector<16xi32>
      %parallel_loop3A_817 = arith.subi %parallel_loop3A_815, %parallel_loop3A_816 : vector<16xi32>
      %parallel_loop3A_818 = tpu.dynamic_gather %parallel_loop3A_812[%parallel_loop3A_817] in [0] : vector<16xf32>, vector<16xi32> -> vector<16xf32>
      %parallel_loop3A_819 = arith.constant 15 : i32
      %parallel_loop3A_820 = vector.broadcast %parallel_loop3A_819 : i32 to vector<16xi32>
      %parallel_loop3A_821 = tpu.iota {dimensions = array<i32: 0>} : vector<16xi32>
      %parallel_loop3A_822 = arith.subi %parallel_loop3A_820, %parallel_loop3A_821 : vector<16xi32>
      %parallel_loop3A_823 = tpu.dynamic_gather %parallel_loop3A_813[%parallel_loop3A_822] in [0] : vector<16xi32>, vector<16xi32> -> vector<16xi32>
      %parallel_loop3A_824 = arith.cmpf ole, %parallel_loop3A_792, %parallel_loop3A_818 : vector<16xf32>
      %parallel_loop3A_825 = arith.minimumf %parallel_loop3A_792, %parallel_loop3A_818 : vector<16xf32>
      %parallel_loop3A_826 = arith.select %parallel_loop3A_824, %parallel_loop3A_793, %parallel_loop3A_823 : vector<16xi1>, vector<16xi32>
      %parallel_loop3A_827 = arith.constant dense<true> : vector<16xi1>
      %parallel_loop3A_828, %parallel_loop3A_829, %parallel_loop3A_830 = tpu.sort %parallel_loop3A_825, %parallel_loop3A_826 masked %parallel_loop3A_827 : (vector<16xf32>, vector<16xi32>, vector<16xi1>) -> (vector<16xi1>, vector<16xf32>, vector<16xi32>)
      %parallel_loop3A_831 = arith.constant 352 : index
      %parallel_loop3A_832 = tpu.vector_load %arg5[%parallel_loop3A_831] {strides = array<i32>} : memref<512xf32, #tpu.memory_space<vmem>>, vector<16xf32>,
      %parallel_loop3A_833 = arith.constant 352 : index
      %parallel_loop3A_834 = tpu.vector_load %arg6[%parallel_loop3A_833] {strides = array<i32>} : memref<512xf32, #tpu.memory_space<vmem>>, vector<16xf32>,
      %parallel_loop3A_835 = arith.subf %parallel_loop3A_832, %parallel_loop3A_64 : vector<16xf32>
      %parallel_loop3A_836 = arith.subf %parallel_loop3A_834, %parallel_loop3A_67 : vector<16xf32>
      %parallel_loop3A_837 = arith.constant 352 : i32
      %parallel_loop3A_838 = vector.broadcast %parallel_loop3A_837 : i32 to vector<16xi32>
      %parallel_loop3A_839 = arith.addi %iota3A, %parallel_loop3A_838 : vector<16xi32>
      %parallel_loop3A_840 = arith.cmpi eq, %parallel_loop3A_839, %parallel_loop3A_25 : vector<16xi32>
      %parallel_loop3A_841 = arith.mulf %parallel_loop3A_835, %parallel_loop3A_835 : vector<16xf32>
      %parallel_loop3A_842 = arith.mulf %parallel_loop3A_836, %parallel_loop3A_836 : vector<16xf32>
      %parallel_loop3A_843 = arith.addf %parallel_loop3A_841, %parallel_loop3A_842 : vector<16xf32>
      %parallel_loop3A_844 = arith.constant 3.400000e+38 : f32
      %parallel_loop3A_845 = vector.broadcast %parallel_loop3A_844 : f32 to vector<16xf32>
      %parallel_loop3A_846 = arith.select %parallel_loop3A_840, %parallel_loop3A_845, %parallel_loop3A_843 : vector<16xi1>, vector<16xf32>
      %parallel_loop3A_847 = arith.constant dense<true> : vector<16xi1>
      %parallel_loop3A_848, %parallel_loop3A_849, %parallel_loop3A_850 = tpu.sort %parallel_loop3A_846, %parallel_loop3A_839 masked %parallel_loop3A_847 : (vector<16xf32>, vector<16xi32>, vector<16xi1>) -> (vector<16xi1>, vector<16xf32>, vector<16xi32>)
      %parallel_loop3A_851 = arith.constant 368 : index
      %parallel_loop3A_852 = tpu.vector_load %arg5[%parallel_loop3A_851] {strides = array<i32>} : memref<512xf32, #tpu.memory_space<vmem>>, vector<16xf32>,
      %parallel_loop3A_853 = arith.constant 368 : index
      %parallel_loop3A_854 = tpu.vector_load %arg6[%parallel_loop3A_853] {strides = array<i32>} : memref<512xf32, #tpu.memory_space<vmem>>, vector<16xf32>,
      %parallel_loop3A_855 = arith.subf %parallel_loop3A_852, %parallel_loop3A_64 : vector<16xf32>
      %parallel_loop3A_856 = arith.subf %parallel_loop3A_854, %parallel_loop3A_67 : vector<16xf32>
      %parallel_loop3A_857 = arith.constant 368 : i32
      %parallel_loop3A_858 = vector.broadcast %parallel_loop3A_857 : i32 to vector<16xi32>
      %parallel_loop3A_859 = arith.addi %iota3A, %parallel_loop3A_858 : vector<16xi32>
      %parallel_loop3A_860 = arith.cmpi eq, %parallel_loop3A_859, %parallel_loop3A_25 : vector<16xi32>
      %parallel_loop3A_861 = arith.mulf %parallel_loop3A_855, %parallel_loop3A_855 : vector<16xf32>
      %parallel_loop3A_862 = arith.mulf %parallel_loop3A_856, %parallel_loop3A_856 : vector<16xf32>
      %parallel_loop3A_863 = arith.addf %parallel_loop3A_861, %parallel_loop3A_862 : vector<16xf32>
      %parallel_loop3A_864 = arith.constant 3.400000e+38 : f32
      %parallel_loop3A_865 = vector.broadcast %parallel_loop3A_864 : f32 to vector<16xf32>
      %parallel_loop3A_866 = arith.select %parallel_loop3A_860, %parallel_loop3A_865, %parallel_loop3A_863 : vector<16xi1>, vector<16xf32>
      %parallel_loop3A_867 = arith.constant dense<true> : vector<16xi1>
      %parallel_loop3A_868, %parallel_loop3A_869, %parallel_loop3A_870 = tpu.sort %parallel_loop3A_866, %parallel_loop3A_859 masked %parallel_loop3A_867 : (vector<16xf32>, vector<16xi32>, vector<16xi1>) -> (vector<16xi1>, vector<16xf32>, vector<16xi32>)
      %parallel_loop3A_871 = arith.constant 15 : i32
      %parallel_loop3A_872 = vector.broadcast %parallel_loop3A_871 : i32 to vector<16xi32>
      %parallel_loop3A_873 = tpu.iota {dimensions = array<i32: 0>} : vector<16xi32>
      %parallel_loop3A_874 = arith.subi %parallel_loop3A_872, %parallel_loop3A_873 : vector<16xi32>
      %parallel_loop3A_875 = tpu.dynamic_gather %parallel_loop3A_869[%parallel_loop3A_874] in [0] : vector<16xf32>, vector<16xi32> -> vector<16xf32>
      %parallel_loop3A_876 = arith.constant 15 : i32
      %parallel_loop3A_877 = vector.broadcast %parallel_loop3A_876 : i32 to vector<16xi32>
      %parallel_loop3A_878 = tpu.iota {dimensions = array<i32: 0>} : vector<16xi32>
      %parallel_loop3A_879 = arith.subi %parallel_loop3A_877, %parallel_loop3A_878 : vector<16xi32>
      %parallel_loop3A_880 = tpu.dynamic_gather %parallel_loop3A_870[%parallel_loop3A_879] in [0] : vector<16xi32>, vector<16xi32> -> vector<16xi32>
      %parallel_loop3A_881 = arith.cmpf ole, %parallel_loop3A_849, %parallel_loop3A_875 : vector<16xf32>
      %parallel_loop3A_882 = arith.minimumf %parallel_loop3A_849, %parallel_loop3A_875 : vector<16xf32>
      %parallel_loop3A_883 = arith.select %parallel_loop3A_881, %parallel_loop3A_850, %parallel_loop3A_880 : vector<16xi1>, vector<16xi32>
      %parallel_loop3A_884 = arith.constant dense<true> : vector<16xi1>
      %parallel_loop3A_885, %parallel_loop3A_886, %parallel_loop3A_887 = tpu.sort %parallel_loop3A_882, %parallel_loop3A_883 masked %parallel_loop3A_884 : (vector<16xf32>, vector<16xi32>, vector<16xi1>) -> (vector<16xi1>, vector<16xf32>, vector<16xi32>)
      %parallel_loop3A_888 = arith.constant 15 : i32
      %parallel_loop3A_889 = vector.broadcast %parallel_loop3A_888 : i32 to vector<16xi32>
      %parallel_loop3A_890 = tpu.iota {dimensions = array<i32: 0>} : vector<16xi32>
      %parallel_loop3A_891 = arith.subi %parallel_loop3A_889, %parallel_loop3A_890 : vector<16xi32>
      %parallel_loop3A_892 = tpu.dynamic_gather %parallel_loop3A_886[%parallel_loop3A_891] in [0] : vector<16xf32>, vector<16xi32> -> vector<16xf32>
      %parallel_loop3A_893 = arith.constant 15 : i32
      %parallel_loop3A_894 = vector.broadcast %parallel_loop3A_893 : i32 to vector<16xi32>
      %parallel_loop3A_895 = tpu.iota {dimensions = array<i32: 0>} : vector<16xi32>
      %parallel_loop3A_896 = arith.subi %parallel_loop3A_894, %parallel_loop3A_895 : vector<16xi32>
      %parallel_loop3A_897 = tpu.dynamic_gather %parallel_loop3A_887[%parallel_loop3A_896] in [0] : vector<16xi32>, vector<16xi32> -> vector<16xi32>
      %parallel_loop3A_898 = arith.cmpf ole, %parallel_loop3A_829, %parallel_loop3A_892 : vector<16xf32>
      %parallel_loop3A_899 = arith.minimumf %parallel_loop3A_829, %parallel_loop3A_892 : vector<16xf32>
      %parallel_loop3A_900 = arith.select %parallel_loop3A_898, %parallel_loop3A_830, %parallel_loop3A_897 : vector<16xi1>, vector<16xi32>
      %parallel_loop3A_901 = arith.constant dense<true> : vector<16xi1>
      %parallel_loop3A_902, %parallel_loop3A_903, %parallel_loop3A_904 = tpu.sort %parallel_loop3A_899, %parallel_loop3A_900 masked %parallel_loop3A_901 : (vector<16xf32>, vector<16xi32>, vector<16xi1>) -> (vector<16xi1>, vector<16xf32>, vector<16xi32>)
      %parallel_loop3A_905 = arith.constant 15 : i32
      %parallel_loop3A_906 = vector.broadcast %parallel_loop3A_905 : i32 to vector<16xi32>
      %parallel_loop3A_907 = tpu.iota {dimensions = array<i32: 0>} : vector<16xi32>
      %parallel_loop3A_908 = arith.subi %parallel_loop3A_906, %parallel_loop3A_907 : vector<16xi32>
      %parallel_loop3A_909 = tpu.dynamic_gather %parallel_loop3A_903[%parallel_loop3A_908] in [0] : vector<16xf32>, vector<16xi32> -> vector<16xf32>
      %parallel_loop3A_910 = arith.constant 15 : i32
      %parallel_loop3A_911 = vector.broadcast %parallel_loop3A_910 : i32 to vector<16xi32>
      %parallel_loop3A_912 = tpu.iota {dimensions = array<i32: 0>} : vector<16xi32>
      %parallel_loop3A_913 = arith.subi %parallel_loop3A_911, %parallel_loop3A_912 : vector<16xi32>
      %parallel_loop3A_914 = tpu.dynamic_gather %parallel_loop3A_904[%parallel_loop3A_913] in [0] : vector<16xi32>, vector<16xi32> -> vector<16xi32>
      %parallel_loop3A_915 = arith.cmpf ole, %parallel_loop3A_772, %parallel_loop3A_909 : vector<16xf32>
      %parallel_loop3A_916 = arith.minimumf %parallel_loop3A_772, %parallel_loop3A_909 : vector<16xf32>
      %parallel_loop3A_917 = arith.select %parallel_loop3A_915, %parallel_loop3A_773, %parallel_loop3A_914 : vector<16xi1>, vector<16xi32>
      %parallel_loop3A_918 = arith.constant dense<true> : vector<16xi1>
      %parallel_loop3A_919, %parallel_loop3A_920, %parallel_loop3A_921 = tpu.sort %parallel_loop3A_916, %parallel_loop3A_917 masked %parallel_loop3A_918 : (vector<16xf32>, vector<16xi32>, vector<16xi1>) -> (vector<16xi1>, vector<16xf32>, vector<16xi32>)
      %parallel_loop3A_922 = arith.constant 384 : index
      %parallel_loop3A_923 = tpu.vector_load %arg5[%parallel_loop3A_922] {strides = array<i32>} : memref<512xf32, #tpu.memory_space<vmem>>, vector<16xf32>,
      %parallel_loop3A_924 = arith.constant 384 : index
      %parallel_loop3A_925 = tpu.vector_load %arg6[%parallel_loop3A_924] {strides = array<i32>} : memref<512xf32, #tpu.memory_space<vmem>>, vector<16xf32>,
      %parallel_loop3A_926 = arith.subf %parallel_loop3A_923, %parallel_loop3A_64 : vector<16xf32>
      %parallel_loop3A_927 = arith.subf %parallel_loop3A_925, %parallel_loop3A_67 : vector<16xf32>
      %parallel_loop3A_928 = arith.constant 384 : i32
      %parallel_loop3A_929 = vector.broadcast %parallel_loop3A_928 : i32 to vector<16xi32>
      %parallel_loop3A_930 = arith.addi %iota3A, %parallel_loop3A_929 : vector<16xi32>
      %parallel_loop3A_931 = arith.cmpi eq, %parallel_loop3A_930, %parallel_loop3A_25 : vector<16xi32>
      %parallel_loop3A_932 = arith.mulf %parallel_loop3A_926, %parallel_loop3A_926 : vector<16xf32>
      %parallel_loop3A_933 = arith.mulf %parallel_loop3A_927, %parallel_loop3A_927 : vector<16xf32>
      %parallel_loop3A_934 = arith.addf %parallel_loop3A_932, %parallel_loop3A_933 : vector<16xf32>
      %parallel_loop3A_935 = arith.constant 3.400000e+38 : f32
      %parallel_loop3A_936 = vector.broadcast %parallel_loop3A_935 : f32 to vector<16xf32>
      %parallel_loop3A_937 = arith.select %parallel_loop3A_931, %parallel_loop3A_936, %parallel_loop3A_934 : vector<16xi1>, vector<16xf32>
      %parallel_loop3A_938 = arith.constant dense<true> : vector<16xi1>
      %parallel_loop3A_939, %parallel_loop3A_940, %parallel_loop3A_941 = tpu.sort %parallel_loop3A_937, %parallel_loop3A_930 masked %parallel_loop3A_938 : (vector<16xf32>, vector<16xi32>, vector<16xi1>) -> (vector<16xi1>, vector<16xf32>, vector<16xi32>)
      %parallel_loop3A_942 = arith.constant 400 : index
      %parallel_loop3A_943 = tpu.vector_load %arg5[%parallel_loop3A_942] {strides = array<i32>} : memref<512xf32, #tpu.memory_space<vmem>>, vector<16xf32>,
      %parallel_loop3A_944 = arith.constant 400 : index
      %parallel_loop3A_945 = tpu.vector_load %arg6[%parallel_loop3A_944] {strides = array<i32>} : memref<512xf32, #tpu.memory_space<vmem>>, vector<16xf32>,
      %parallel_loop3A_946 = arith.subf %parallel_loop3A_943, %parallel_loop3A_64 : vector<16xf32>
      %parallel_loop3A_947 = arith.subf %parallel_loop3A_945, %parallel_loop3A_67 : vector<16xf32>
      %parallel_loop3A_948 = arith.constant 400 : i32
      %parallel_loop3A_949 = vector.broadcast %parallel_loop3A_948 : i32 to vector<16xi32>
      %parallel_loop3A_950 = arith.addi %iota3A, %parallel_loop3A_949 : vector<16xi32>
      %parallel_loop3A_951 = arith.cmpi eq, %parallel_loop3A_950, %parallel_loop3A_25 : vector<16xi32>
      %parallel_loop3A_952 = arith.mulf %parallel_loop3A_946, %parallel_loop3A_946 : vector<16xf32>
      %parallel_loop3A_953 = arith.mulf %parallel_loop3A_947, %parallel_loop3A_947 : vector<16xf32>
      %parallel_loop3A_954 = arith.addf %parallel_loop3A_952, %parallel_loop3A_953 : vector<16xf32>
      %parallel_loop3A_955 = arith.constant 3.400000e+38 : f32
      %parallel_loop3A_956 = vector.broadcast %parallel_loop3A_955 : f32 to vector<16xf32>
      %parallel_loop3A_957 = arith.select %parallel_loop3A_951, %parallel_loop3A_956, %parallel_loop3A_954 : vector<16xi1>, vector<16xf32>
      %parallel_loop3A_958 = arith.constant dense<true> : vector<16xi1>
      %parallel_loop3A_959, %parallel_loop3A_960, %parallel_loop3A_961 = tpu.sort %parallel_loop3A_957, %parallel_loop3A_950 masked %parallel_loop3A_958 : (vector<16xf32>, vector<16xi32>, vector<16xi1>) -> (vector<16xi1>, vector<16xf32>, vector<16xi32>)
      %parallel_loop3A_962 = arith.constant 15 : i32
      %parallel_loop3A_963 = vector.broadcast %parallel_loop3A_962 : i32 to vector<16xi32>
      %parallel_loop3A_964 = tpu.iota {dimensions = array<i32: 0>} : vector<16xi32>
      %parallel_loop3A_965 = arith.subi %parallel_loop3A_963, %parallel_loop3A_964 : vector<16xi32>
      %parallel_loop3A_966 = tpu.dynamic_gather %parallel_loop3A_960[%parallel_loop3A_965] in [0] : vector<16xf32>, vector<16xi32> -> vector<16xf32>
      %parallel_loop3A_967 = arith.constant 15 : i32
      %parallel_loop3A_968 = vector.broadcast %parallel_loop3A_967 : i32 to vector<16xi32>
      %parallel_loop3A_969 = tpu.iota {dimensions = array<i32: 0>} : vector<16xi32>
      %parallel_loop3A_970 = arith.subi %parallel_loop3A_968, %parallel_loop3A_969 : vector<16xi32>
      %parallel_loop3A_971 = tpu.dynamic_gather %parallel_loop3A_961[%parallel_loop3A_970] in [0] : vector<16xi32>, vector<16xi32> -> vector<16xi32>
      %parallel_loop3A_972 = arith.cmpf ole, %parallel_loop3A_940, %parallel_loop3A_966 : vector<16xf32>
      %parallel_loop3A_973 = arith.minimumf %parallel_loop3A_940, %parallel_loop3A_966 : vector<16xf32>
      %parallel_loop3A_974 = arith.select %parallel_loop3A_972, %parallel_loop3A_941, %parallel_loop3A_971 : vector<16xi1>, vector<16xi32>
      %parallel_loop3A_975 = arith.constant dense<true> : vector<16xi1>
      %parallel_loop3A_976, %parallel_loop3A_977, %parallel_loop3A_978 = tpu.sort %parallel_loop3A_973, %parallel_loop3A_974 masked %parallel_loop3A_975 : (vector<16xf32>, vector<16xi32>, vector<16xi1>) -> (vector<16xi1>, vector<16xf32>, vector<16xi32>)
      %parallel_loop3A_979 = arith.constant 416 : index
      %parallel_loop3A_980 = tpu.vector_load %arg5[%parallel_loop3A_979] {strides = array<i32>} : memref<512xf32, #tpu.memory_space<vmem>>, vector<16xf32>,
      %parallel_loop3A_981 = arith.constant 416 : index
      %parallel_loop3A_982 = tpu.vector_load %arg6[%parallel_loop3A_981] {strides = array<i32>} : memref<512xf32, #tpu.memory_space<vmem>>, vector<16xf32>,
      %parallel_loop3A_983 = arith.subf %parallel_loop3A_980, %parallel_loop3A_64 : vector<16xf32>
      %parallel_loop3A_984 = arith.subf %parallel_loop3A_982, %parallel_loop3A_67 : vector<16xf32>
      %parallel_loop3A_985 = arith.constant 416 : i32
      %parallel_loop3A_986 = vector.broadcast %parallel_loop3A_985 : i32 to vector<16xi32>
      %parallel_loop3A_987 = arith.addi %iota3A, %parallel_loop3A_986 : vector<16xi32>
      %parallel_loop3A_988 = arith.cmpi eq, %parallel_loop3A_987, %parallel_loop3A_25 : vector<16xi32>
      %parallel_loop3A_989 = arith.mulf %parallel_loop3A_983, %parallel_loop3A_983 : vector<16xf32>
      %parallel_loop3A_990 = arith.mulf %parallel_loop3A_984, %parallel_loop3A_984 : vector<16xf32>
      %parallel_loop3A_991 = arith.addf %parallel_loop3A_989, %parallel_loop3A_990 : vector<16xf32>
      %parallel_loop3A_992 = arith.constant 3.400000e+38 : f32
      %parallel_loop3A_993 = vector.broadcast %parallel_loop3A_992 : f32 to vector<16xf32>
      %parallel_loop3A_994 = arith.select %parallel_loop3A_988, %parallel_loop3A_993, %parallel_loop3A_991 : vector<16xi1>, vector<16xf32>
      %parallel_loop3A_995 = arith.constant dense<true> : vector<16xi1>
      %parallel_loop3A_996, %parallel_loop3A_997, %parallel_loop3A_998 = tpu.sort %parallel_loop3A_994, %parallel_loop3A_987 masked %parallel_loop3A_995 : (vector<16xf32>, vector<16xi32>, vector<16xi1>) -> (vector<16xi1>, vector<16xf32>, vector<16xi32>)
      %parallel_loop3A_999 = arith.constant 432 : index
      %parallel_loop3A_1000 = tpu.vector_load %arg5[%parallel_loop3A_999] {strides = array<i32>} : memref<512xf32, #tpu.memory_space<vmem>>, vector<16xf32>,
      %parallel_loop3A_1001 = arith.constant 432 : index
      %parallel_loop3A_1002 = tpu.vector_load %arg6[%parallel_loop3A_1001] {strides = array<i32>} : memref<512xf32, #tpu.memory_space<vmem>>, vector<16xf32>,
      %parallel_loop3A_1003 = arith.subf %parallel_loop3A_1000, %parallel_loop3A_64 : vector<16xf32>
      %parallel_loop3A_1004 = arith.subf %parallel_loop3A_1002, %parallel_loop3A_67 : vector<16xf32>
      %parallel_loop3A_1005 = arith.constant 432 : i32
      %parallel_loop3A_1006 = vector.broadcast %parallel_loop3A_1005 : i32 to vector<16xi32>
      %parallel_loop3A_1007 = arith.addi %iota3A, %parallel_loop3A_1006 : vector<16xi32>
      %parallel_loop3A_1008 = arith.cmpi eq, %parallel_loop3A_1007, %parallel_loop3A_25 : vector<16xi32>
      %parallel_loop3A_1009 = arith.mulf %parallel_loop3A_1003, %parallel_loop3A_1003 : vector<16xf32>
      %parallel_loop3A_1010 = arith.mulf %parallel_loop3A_1004, %parallel_loop3A_1004 : vector<16xf32>
      %parallel_loop3A_1011 = arith.addf %parallel_loop3A_1009, %parallel_loop3A_1010 : vector<16xf32>
      %parallel_loop3A_1012 = arith.constant 3.400000e+38 : f32
      %parallel_loop3A_1013 = vector.broadcast %parallel_loop3A_1012 : f32 to vector<16xf32>
      %parallel_loop3A_1014 = arith.select %parallel_loop3A_1008, %parallel_loop3A_1013, %parallel_loop3A_1011 : vector<16xi1>, vector<16xf32>
      %parallel_loop3A_1015 = arith.constant dense<true> : vector<16xi1>
      %parallel_loop3A_1016, %parallel_loop3A_1017, %parallel_loop3A_1018 = tpu.sort %parallel_loop3A_1014, %parallel_loop3A_1007 masked %parallel_loop3A_1015 : (vector<16xf32>, vector<16xi32>, vector<16xi1>) -> (vector<16xi1>, vector<16xf32>, vector<16xi32>)
      %parallel_loop3A_1019 = arith.constant 15 : i32
      %parallel_loop3A_1020 = vector.broadcast %parallel_loop3A_1019 : i32 to vector<16xi32>
      %parallel_loop3A_1021 = tpu.iota {dimensions = array<i32: 0>} : vector<16xi32>
      %parallel_loop3A_1022 = arith.subi %parallel_loop3A_1020, %parallel_loop3A_1021 : vector<16xi32>
      %parallel_loop3A_1023 = tpu.dynamic_gather %parallel_loop3A_1017[%parallel_loop3A_1022] in [0] : vector<16xf32>, vector<16xi32> -> vector<16xf32>
      %parallel_loop3A_1024 = arith.constant 15 : i32
      %parallel_loop3A_1025 = vector.broadcast %parallel_loop3A_1024 : i32 to vector<16xi32>
      %parallel_loop3A_1026 = tpu.iota {dimensions = array<i32: 0>} : vector<16xi32>
      %parallel_loop3A_1027 = arith.subi %parallel_loop3A_1025, %parallel_loop3A_1026 : vector<16xi32>
      %parallel_loop3A_1028 = tpu.dynamic_gather %parallel_loop3A_1018[%parallel_loop3A_1027] in [0] : vector<16xi32>, vector<16xi32> -> vector<16xi32>
      %parallel_loop3A_1029 = arith.cmpf ole, %parallel_loop3A_997, %parallel_loop3A_1023 : vector<16xf32>
      %parallel_loop3A_1030 = arith.minimumf %parallel_loop3A_997, %parallel_loop3A_1023 : vector<16xf32>
      %parallel_loop3A_1031 = arith.select %parallel_loop3A_1029, %parallel_loop3A_998, %parallel_loop3A_1028 : vector<16xi1>, vector<16xi32>
      %parallel_loop3A_1032 = arith.constant dense<true> : vector<16xi1>
      %parallel_loop3A_1033, %parallel_loop3A_1034, %parallel_loop3A_1035 = tpu.sort %parallel_loop3A_1030, %parallel_loop3A_1031 masked %parallel_loop3A_1032 : (vector<16xf32>, vector<16xi32>, vector<16xi1>) -> (vector<16xi1>, vector<16xf32>, vector<16xi32>)
      %parallel_loop3A_1036 = arith.constant 15 : i32
      %parallel_loop3A_1037 = vector.broadcast %parallel_loop3A_1036 : i32 to vector<16xi32>
      %parallel_loop3A_1038 = tpu.iota {dimensions = array<i32: 0>} : vector<16xi32>
      %parallel_loop3A_1039 = arith.subi %parallel_loop3A_1037, %parallel_loop3A_1038 : vector<16xi32>
      %parallel_loop3A_1040 = tpu.dynamic_gather %parallel_loop3A_1034[%parallel_loop3A_1039] in [0] : vector<16xf32>, vector<16xi32> -> vector<16xf32>
      %parallel_loop3A_1041 = arith.constant 15 : i32
      %parallel_loop3A_1042 = vector.broadcast %parallel_loop3A_1041 : i32 to vector<16xi32>
      %parallel_loop3A_1043 = tpu.iota {dimensions = array<i32: 0>} : vector<16xi32>
      %parallel_loop3A_1044 = arith.subi %parallel_loop3A_1042, %parallel_loop3A_1043 : vector<16xi32>
      %parallel_loop3A_1045 = tpu.dynamic_gather %parallel_loop3A_1035[%parallel_loop3A_1044] in [0] : vector<16xi32>, vector<16xi32> -> vector<16xi32>
      %parallel_loop3A_1046 = arith.cmpf ole, %parallel_loop3A_977, %parallel_loop3A_1040 : vector<16xf32>
      %parallel_loop3A_1047 = arith.minimumf %parallel_loop3A_977, %parallel_loop3A_1040 : vector<16xf32>
      %parallel_loop3A_1048 = arith.select %parallel_loop3A_1046, %parallel_loop3A_978, %parallel_loop3A_1045 : vector<16xi1>, vector<16xi32>
      %parallel_loop3A_1049 = arith.constant dense<true> : vector<16xi1>
      %parallel_loop3A_1050, %parallel_loop3A_1051, %parallel_loop3A_1052 = tpu.sort %parallel_loop3A_1047, %parallel_loop3A_1048 masked %parallel_loop3A_1049 : (vector<16xf32>, vector<16xi32>, vector<16xi1>) -> (vector<16xi1>, vector<16xf32>, vector<16xi32>)
      %parallel_loop3A_1053 = arith.constant 448 : index
      %parallel_loop3A_1054 = tpu.vector_load %arg5[%parallel_loop3A_1053] {strides = array<i32>} : memref<512xf32, #tpu.memory_space<vmem>>, vector<16xf32>,
      %parallel_loop3A_1055 = arith.constant 448 : index
      %parallel_loop3A_1056 = tpu.vector_load %arg6[%parallel_loop3A_1055] {strides = array<i32>} : memref<512xf32, #tpu.memory_space<vmem>>, vector<16xf32>,
      %parallel_loop3A_1057 = arith.subf %parallel_loop3A_1054, %parallel_loop3A_64 : vector<16xf32>
      %parallel_loop3A_1058 = arith.subf %parallel_loop3A_1056, %parallel_loop3A_67 : vector<16xf32>
      %parallel_loop3A_1059 = arith.constant 448 : i32
      %parallel_loop3A_1060 = vector.broadcast %parallel_loop3A_1059 : i32 to vector<16xi32>
      %parallel_loop3A_1061 = arith.addi %iota3A, %parallel_loop3A_1060 : vector<16xi32>
      %parallel_loop3A_1062 = arith.cmpi eq, %parallel_loop3A_1061, %parallel_loop3A_25 : vector<16xi32>
      %parallel_loop3A_1063 = arith.mulf %parallel_loop3A_1057, %parallel_loop3A_1057 : vector<16xf32>
      %parallel_loop3A_1064 = arith.mulf %parallel_loop3A_1058, %parallel_loop3A_1058 : vector<16xf32>
      %parallel_loop3A_1065 = arith.addf %parallel_loop3A_1063, %parallel_loop3A_1064 : vector<16xf32>
      %parallel_loop3A_1066 = arith.constant 3.400000e+38 : f32
      %parallel_loop3A_1067 = vector.broadcast %parallel_loop3A_1066 : f32 to vector<16xf32>
      %parallel_loop3A_1068 = arith.select %parallel_loop3A_1062, %parallel_loop3A_1067, %parallel_loop3A_1065 : vector<16xi1>, vector<16xf32>
      %parallel_loop3A_1069 = arith.constant dense<true> : vector<16xi1>
      %parallel_loop3A_1070, %parallel_loop3A_1071, %parallel_loop3A_1072 = tpu.sort %parallel_loop3A_1068, %parallel_loop3A_1061 masked %parallel_loop3A_1069 : (vector<16xf32>, vector<16xi32>, vector<16xi1>) -> (vector<16xi1>, vector<16xf32>, vector<16xi32>)
      %parallel_loop3A_1073 = arith.constant 464 : index
      %parallel_loop3A_1074 = tpu.vector_load %arg5[%parallel_loop3A_1073] {strides = array<i32>} : memref<512xf32, #tpu.memory_space<vmem>>, vector<16xf32>,
      %parallel_loop3A_1075 = arith.constant 464 : index
      %parallel_loop3A_1076 = tpu.vector_load %arg6[%parallel_loop3A_1075] {strides = array<i32>} : memref<512xf32, #tpu.memory_space<vmem>>, vector<16xf32>,
      %parallel_loop3A_1077 = arith.subf %parallel_loop3A_1074, %parallel_loop3A_64 : vector<16xf32>
      %parallel_loop3A_1078 = arith.subf %parallel_loop3A_1076, %parallel_loop3A_67 : vector<16xf32>
      %parallel_loop3A_1079 = arith.constant 464 : i32
      %parallel_loop3A_1080 = vector.broadcast %parallel_loop3A_1079 : i32 to vector<16xi32>
      %parallel_loop3A_1081 = arith.addi %iota3A, %parallel_loop3A_1080 : vector<16xi32>
      %parallel_loop3A_1082 = arith.cmpi eq, %parallel_loop3A_1081, %parallel_loop3A_25 : vector<16xi32>
      %parallel_loop3A_1083 = arith.mulf %parallel_loop3A_1077, %parallel_loop3A_1077 : vector<16xf32>
      %parallel_loop3A_1084 = arith.mulf %parallel_loop3A_1078, %parallel_loop3A_1078 : vector<16xf32>
      %parallel_loop3A_1085 = arith.addf %parallel_loop3A_1083, %parallel_loop3A_1084 : vector<16xf32>
      %parallel_loop3A_1086 = arith.constant 3.400000e+38 : f32
      %parallel_loop3A_1087 = vector.broadcast %parallel_loop3A_1086 : f32 to vector<16xf32>
      %parallel_loop3A_1088 = arith.select %parallel_loop3A_1082, %parallel_loop3A_1087, %parallel_loop3A_1085 : vector<16xi1>, vector<16xf32>
      %parallel_loop3A_1089 = arith.constant dense<true> : vector<16xi1>
      %parallel_loop3A_1090, %parallel_loop3A_1091, %parallel_loop3A_1092 = tpu.sort %parallel_loop3A_1088, %parallel_loop3A_1081 masked %parallel_loop3A_1089 : (vector<16xf32>, vector<16xi32>, vector<16xi1>) -> (vector<16xi1>, vector<16xf32>, vector<16xi32>)
      %parallel_loop3A_1093 = arith.constant 15 : i32
      %parallel_loop3A_1094 = vector.broadcast %parallel_loop3A_1093 : i32 to vector<16xi32>
      %parallel_loop3A_1095 = tpu.iota {dimensions = array<i32: 0>} : vector<16xi32>
      %parallel_loop3A_1096 = arith.subi %parallel_loop3A_1094, %parallel_loop3A_1095 : vector<16xi32>
      %parallel_loop3A_1097 = tpu.dynamic_gather %parallel_loop3A_1091[%parallel_loop3A_1096] in [0] : vector<16xf32>, vector<16xi32> -> vector<16xf32>
      %parallel_loop3A_1098 = arith.constant 15 : i32
      %parallel_loop3A_1099 = vector.broadcast %parallel_loop3A_1098 : i32 to vector<16xi32>
      %parallel_loop3A_1100 = tpu.iota {dimensions = array<i32: 0>} : vector<16xi32>
      %parallel_loop3A_1101 = arith.subi %parallel_loop3A_1099, %parallel_loop3A_1100 : vector<16xi32>
      %parallel_loop3A_1102 = tpu.dynamic_gather %parallel_loop3A_1092[%parallel_loop3A_1101] in [0] : vector<16xi32>, vector<16xi32> -> vector<16xi32>
      %parallel_loop3A_1103 = arith.cmpf ole, %parallel_loop3A_1071, %parallel_loop3A_1097 : vector<16xf32>
      %parallel_loop3A_1104 = arith.minimumf %parallel_loop3A_1071, %parallel_loop3A_1097 : vector<16xf32>
      %parallel_loop3A_1105 = arith.select %parallel_loop3A_1103, %parallel_loop3A_1072, %parallel_loop3A_1102 : vector<16xi1>, vector<16xi32>
      %parallel_loop3A_1106 = arith.constant dense<true> : vector<16xi1>
      %parallel_loop3A_1107, %parallel_loop3A_1108, %parallel_loop3A_1109 = tpu.sort %parallel_loop3A_1104, %parallel_loop3A_1105 masked %parallel_loop3A_1106 : (vector<16xf32>, vector<16xi32>, vector<16xi1>) -> (vector<16xi1>, vector<16xf32>, vector<16xi32>)
      %parallel_loop3A_1110 = arith.constant 480 : index
      %parallel_loop3A_1111 = tpu.vector_load %arg5[%parallel_loop3A_1110] {strides = array<i32>} : memref<512xf32, #tpu.memory_space<vmem>>, vector<16xf32>,
      %parallel_loop3A_1112 = arith.constant 480 : index
      %parallel_loop3A_1113 = tpu.vector_load %arg6[%parallel_loop3A_1112] {strides = array<i32>} : memref<512xf32, #tpu.memory_space<vmem>>, vector<16xf32>,
      %parallel_loop3A_1114 = arith.subf %parallel_loop3A_1111, %parallel_loop3A_64 : vector<16xf32>
      %parallel_loop3A_1115 = arith.subf %parallel_loop3A_1113, %parallel_loop3A_67 : vector<16xf32>
      %parallel_loop3A_1116 = arith.constant 480 : i32
      %parallel_loop3A_1117 = vector.broadcast %parallel_loop3A_1116 : i32 to vector<16xi32>
      %parallel_loop3A_1118 = arith.addi %iota3A, %parallel_loop3A_1117 : vector<16xi32>
      %parallel_loop3A_1119 = arith.cmpi eq, %parallel_loop3A_1118, %parallel_loop3A_25 : vector<16xi32>
      %parallel_loop3A_1120 = arith.mulf %parallel_loop3A_1114, %parallel_loop3A_1114 : vector<16xf32>
      %parallel_loop3A_1121 = arith.mulf %parallel_loop3A_1115, %parallel_loop3A_1115 : vector<16xf32>
      %parallel_loop3A_1122 = arith.addf %parallel_loop3A_1120, %parallel_loop3A_1121 : vector<16xf32>
      %parallel_loop3A_1123 = arith.constant 3.400000e+38 : f32
      %parallel_loop3A_1124 = vector.broadcast %parallel_loop3A_1123 : f32 to vector<16xf32>
      %parallel_loop3A_1125 = arith.select %parallel_loop3A_1119, %parallel_loop3A_1124, %parallel_loop3A_1122 : vector<16xi1>, vector<16xf32>
      %parallel_loop3A_1126 = arith.constant dense<true> : vector<16xi1>
      %parallel_loop3A_1127, %parallel_loop3A_1128, %parallel_loop3A_1129 = tpu.sort %parallel_loop3A_1125, %parallel_loop3A_1118 masked %parallel_loop3A_1126 : (vector<16xf32>, vector<16xi32>, vector<16xi1>) -> (vector<16xi1>, vector<16xf32>, vector<16xi32>)
      %parallel_loop3A_1130 = arith.constant 496 : index
      %parallel_loop3A_1131 = tpu.vector_load %arg5[%parallel_loop3A_1130] {strides = array<i32>} : memref<512xf32, #tpu.memory_space<vmem>>, vector<16xf32>,
      %parallel_loop3A_1132 = arith.constant 496 : index
      %parallel_loop3A_1133 = tpu.vector_load %arg6[%parallel_loop3A_1132] {strides = array<i32>} : memref<512xf32, #tpu.memory_space<vmem>>, vector<16xf32>,
      %parallel_loop3A_1134 = arith.subf %parallel_loop3A_1131, %parallel_loop3A_64 : vector<16xf32>
      %parallel_loop3A_1135 = arith.subf %parallel_loop3A_1133, %parallel_loop3A_67 : vector<16xf32>
      %parallel_loop3A_1136 = arith.constant 496 : i32
      %parallel_loop3A_1137 = vector.broadcast %parallel_loop3A_1136 : i32 to vector<16xi32>
      %parallel_loop3A_1138 = arith.addi %iota3A, %parallel_loop3A_1137 : vector<16xi32>
      %parallel_loop3A_1139 = arith.cmpi eq, %parallel_loop3A_1138, %parallel_loop3A_25 : vector<16xi32>
      %parallel_loop3A_1140 = arith.mulf %parallel_loop3A_1134, %parallel_loop3A_1134 : vector<16xf32>
      %parallel_loop3A_1141 = arith.mulf %parallel_loop3A_1135, %parallel_loop3A_1135 : vector<16xf32>
      %parallel_loop3A_1142 = arith.addf %parallel_loop3A_1140, %parallel_loop3A_1141 : vector<16xf32>
      %parallel_loop3A_1143 = arith.constant 3.400000e+38 : f32
      %parallel_loop3A_1144 = vector.broadcast %parallel_loop3A_1143 : f32 to vector<16xf32>
      %parallel_loop3A_1145 = arith.select %parallel_loop3A_1139, %parallel_loop3A_1144, %parallel_loop3A_1142 : vector<16xi1>, vector<16xf32>
      %parallel_loop3A_1146 = arith.constant dense<true> : vector<16xi1>
      %parallel_loop3A_1147, %parallel_loop3A_1148, %parallel_loop3A_1149 = tpu.sort %parallel_loop3A_1145, %parallel_loop3A_1138 masked %parallel_loop3A_1146 : (vector<16xf32>, vector<16xi32>, vector<16xi1>) -> (vector<16xi1>, vector<16xf32>, vector<16xi32>)
      %parallel_loop3A_1150 = arith.constant 15 : i32
      %parallel_loop3A_1151 = vector.broadcast %parallel_loop3A_1150 : i32 to vector<16xi32>
      %parallel_loop3A_1152 = tpu.iota {dimensions = array<i32: 0>} : vector<16xi32>
      %parallel_loop3A_1153 = arith.subi %parallel_loop3A_1151, %parallel_loop3A_1152 : vector<16xi32>
      %parallel_loop3A_1154 = tpu.dynamic_gather %parallel_loop3A_1148[%parallel_loop3A_1153] in [0] : vector<16xf32>, vector<16xi32> -> vector<16xf32>
      %parallel_loop3A_1155 = arith.constant 15 : i32
      %parallel_loop3A_1156 = vector.broadcast %parallel_loop3A_1155 : i32 to vector<16xi32>
      %parallel_loop3A_1157 = tpu.iota {dimensions = array<i32: 0>} : vector<16xi32>
      %parallel_loop3A_1158 = arith.subi %parallel_loop3A_1156, %parallel_loop3A_1157 : vector<16xi32>
      %parallel_loop3A_1159 = tpu.dynamic_gather %parallel_loop3A_1149[%parallel_loop3A_1158] in [0] : vector<16xi32>, vector<16xi32> -> vector<16xi32>
      %parallel_loop3A_1160 = arith.cmpf ole, %parallel_loop3A_1128, %parallel_loop3A_1154 : vector<16xf32>
      %parallel_loop3A_1161 = arith.minimumf %parallel_loop3A_1128, %parallel_loop3A_1154 : vector<16xf32>
      %parallel_loop3A_1162 = arith.select %parallel_loop3A_1160, %parallel_loop3A_1129, %parallel_loop3A_1159 : vector<16xi1>, vector<16xi32>
      %parallel_loop3A_1163 = arith.constant dense<true> : vector<16xi1>
      %parallel_loop3A_1164, %parallel_loop3A_1165, %parallel_loop3A_1166 = tpu.sort %parallel_loop3A_1161, %parallel_loop3A_1162 masked %parallel_loop3A_1163 : (vector<16xf32>, vector<16xi32>, vector<16xi1>) -> (vector<16xi1>, vector<16xf32>, vector<16xi32>)
      %parallel_loop3A_1167 = arith.constant 15 : i32
      %parallel_loop3A_1168 = vector.broadcast %parallel_loop3A_1167 : i32 to vector<16xi32>
      %parallel_loop3A_1169 = tpu.iota {dimensions = array<i32: 0>} : vector<16xi32>
      %parallel_loop3A_1170 = arith.subi %parallel_loop3A_1168, %parallel_loop3A_1169 : vector<16xi32>
      %parallel_loop3A_1171 = tpu.dynamic_gather %parallel_loop3A_1165[%parallel_loop3A_1170] in [0] : vector<16xf32>, vector<16xi32> -> vector<16xf32>
      %parallel_loop3A_1172 = arith.constant 15 : i32
      %parallel_loop3A_1173 = vector.broadcast %parallel_loop3A_1172 : i32 to vector<16xi32>
      %parallel_loop3A_1174 = tpu.iota {dimensions = array<i32: 0>} : vector<16xi32>
      %parallel_loop3A_1175 = arith.subi %parallel_loop3A_1173, %parallel_loop3A_1174 : vector<16xi32>
      %parallel_loop3A_1176 = tpu.dynamic_gather %parallel_loop3A_1166[%parallel_loop3A_1175] in [0] : vector<16xi32>, vector<16xi32> -> vector<16xi32>
      %parallel_loop3A_1177 = arith.cmpf ole, %parallel_loop3A_1108, %parallel_loop3A_1171 : vector<16xf32>
      %parallel_loop3A_1178 = arith.minimumf %parallel_loop3A_1108, %parallel_loop3A_1171 : vector<16xf32>
      %parallel_loop3A_1179 = arith.select %parallel_loop3A_1177, %parallel_loop3A_1109, %parallel_loop3A_1176 : vector<16xi1>, vector<16xi32>
      %parallel_loop3A_1180 = arith.constant dense<true> : vector<16xi1>
      %parallel_loop3A_1181, %parallel_loop3A_1182, %parallel_loop3A_1183 = tpu.sort %parallel_loop3A_1178, %parallel_loop3A_1179 masked %parallel_loop3A_1180 : (vector<16xf32>, vector<16xi32>, vector<16xi1>) -> (vector<16xi1>, vector<16xf32>, vector<16xi32>)
      %parallel_loop3A_1184 = arith.constant 15 : i32
      %parallel_loop3A_1185 = vector.broadcast %parallel_loop3A_1184 : i32 to vector<16xi32>
      %parallel_loop3A_1186 = tpu.iota {dimensions = array<i32: 0>} : vector<16xi32>
      %parallel_loop3A_1187 = arith.subi %parallel_loop3A_1185, %parallel_loop3A_1186 : vector<16xi32>
      %parallel_loop3A_1188 = tpu.dynamic_gather %parallel_loop3A_1182[%parallel_loop3A_1187] in [0] : vector<16xf32>, vector<16xi32> -> vector<16xf32>
      %parallel_loop3A_1189 = arith.constant 15 : i32
      %parallel_loop3A_1190 = vector.broadcast %parallel_loop3A_1189 : i32 to vector<16xi32>
      %parallel_loop3A_1191 = tpu.iota {dimensions = array<i32: 0>} : vector<16xi32>
      %parallel_loop3A_1192 = arith.subi %parallel_loop3A_1190, %parallel_loop3A_1191 : vector<16xi32>
      %parallel_loop3A_1193 = tpu.dynamic_gather %parallel_loop3A_1183[%parallel_loop3A_1192] in [0] : vector<16xi32>, vector<16xi32> -> vector<16xi32>
      %parallel_loop3A_1194 = arith.cmpf ole, %parallel_loop3A_1051, %parallel_loop3A_1188 : vector<16xf32>
      %parallel_loop3A_1195 = arith.minimumf %parallel_loop3A_1051, %parallel_loop3A_1188 : vector<16xf32>
      %parallel_loop3A_1196 = arith.select %parallel_loop3A_1194, %parallel_loop3A_1052, %parallel_loop3A_1193 : vector<16xi1>, vector<16xi32>
      %parallel_loop3A_1197 = arith.constant dense<true> : vector<16xi1>
      %parallel_loop3A_1198, %parallel_loop3A_1199, %parallel_loop3A_1200 = tpu.sort %parallel_loop3A_1195, %parallel_loop3A_1196 masked %parallel_loop3A_1197 : (vector<16xf32>, vector<16xi32>, vector<16xi1>) -> (vector<16xi1>, vector<16xf32>, vector<16xi32>)
      %parallel_loop3A_1201 = arith.constant 15 : i32
      %parallel_loop3A_1202 = vector.broadcast %parallel_loop3A_1201 : i32 to vector<16xi32>
      %parallel_loop3A_1203 = tpu.iota {dimensions = array<i32: 0>} : vector<16xi32>
      %parallel_loop3A_1204 = arith.subi %parallel_loop3A_1202, %parallel_loop3A_1203 : vector<16xi32>
      %parallel_loop3A_1205 = tpu.dynamic_gather %parallel_loop3A_1199[%parallel_loop3A_1204] in [0] : vector<16xf32>, vector<16xi32> -> vector<16xf32>
      %parallel_loop3A_1206 = arith.constant 15 : i32
      %parallel_loop3A_1207 = vector.broadcast %parallel_loop3A_1206 : i32 to vector<16xi32>
      %parallel_loop3A_1208 = tpu.iota {dimensions = array<i32: 0>} : vector<16xi32>
      %parallel_loop3A_1209 = arith.subi %parallel_loop3A_1207, %parallel_loop3A_1208 : vector<16xi32>
      %parallel_loop3A_1210 = tpu.dynamic_gather %parallel_loop3A_1200[%parallel_loop3A_1209] in [0] : vector<16xi32>, vector<16xi32> -> vector<16xi32>
      %parallel_loop3A_1211 = arith.cmpf ole, %parallel_loop3A_920, %parallel_loop3A_1205 : vector<16xf32>
      %parallel_loop3A_1212 = arith.minimumf %parallel_loop3A_920, %parallel_loop3A_1205 : vector<16xf32>
      %parallel_loop3A_1213 = arith.select %parallel_loop3A_1211, %parallel_loop3A_921, %parallel_loop3A_1210 : vector<16xi1>, vector<16xi32>
      %parallel_loop3A_1214 = arith.constant dense<true> : vector<16xi1>
      %parallel_loop3A_1215, %parallel_loop3A_1216, %parallel_loop3A_1217 = tpu.sort %parallel_loop3A_1212, %parallel_loop3A_1213 masked %parallel_loop3A_1214 : (vector<16xf32>, vector<16xi32>, vector<16xi1>) -> (vector<16xi1>, vector<16xf32>, vector<16xi32>)
      %parallel_loop3A_1218 = arith.constant 15 : i32
      %parallel_loop3A_1219 = vector.broadcast %parallel_loop3A_1218 : i32 to vector<16xi32>
      %parallel_loop3A_1220 = tpu.iota {dimensions = array<i32: 0>} : vector<16xi32>
      %parallel_loop3A_1221 = arith.subi %parallel_loop3A_1219, %parallel_loop3A_1220 : vector<16xi32>
      %parallel_loop3A_1222 = tpu.dynamic_gather %parallel_loop3A_1216[%parallel_loop3A_1221] in [0] : vector<16xf32>, vector<16xi32> -> vector<16xf32>
      %parallel_loop3A_1223 = arith.constant 15 : i32
      %parallel_loop3A_1224 = vector.broadcast %parallel_loop3A_1223 : i32 to vector<16xi32>
      %parallel_loop3A_1225 = tpu.iota {dimensions = array<i32: 0>} : vector<16xi32>
      %parallel_loop3A_1226 = arith.subi %parallel_loop3A_1224, %parallel_loop3A_1225 : vector<16xi32>
      %parallel_loop3A_1227 = tpu.dynamic_gather %parallel_loop3A_1217[%parallel_loop3A_1226] in [0] : vector<16xi32>, vector<16xi32> -> vector<16xi32>
      %parallel_loop3A_1228 = arith.cmpf ole, %parallel_loop3A_641, %parallel_loop3A_1222 : vector<16xf32>
      %parallel_loop3A_1229 = arith.minimumf %parallel_loop3A_641, %parallel_loop3A_1222 : vector<16xf32>
      %parallel_loop3A_1230 = arith.select %parallel_loop3A_1228, %parallel_loop3A_642, %parallel_loop3A_1227 : vector<16xi1>, vector<16xi32>
      %parallel_loop3A_1231 = arith.constant dense<true> : vector<16xi1>
      %parallel_loop3A_1232, %parallel_loop3A_1233, %parallel_loop3A_1234 = tpu.sort %parallel_loop3A_1229, %parallel_loop3A_1230 masked %parallel_loop3A_1231 : (vector<16xf32>, vector<16xi32>, vector<16xi1>) -> (vector<16xi1>, vector<16xf32>, vector<16xi32>)
      %parallel_loop3A_1235 = arith.constant 31 : i32
      %parallel_loop3A_1236 = vector.broadcast %parallel_loop3A_1235 : i32 to vector<16xi32>
      %parallel_loop3A_1237 = arith.andi %parallel_loop3A_1234, %parallel_loop3A_1236 : vector<16xi32>
      %parallel_loop3A_1238 = arith.constant 1 : i32
      %parallel_loop3A_1239 = vector.broadcast %parallel_loop3A_1238 : i32 to vector<16xi32>
      %parallel_loop3A_1240 = arith.shli %parallel_loop3A_1239, %parallel_loop3A_1237 : vector<16xi32>
      %parallel_loop3A_1241 = arith.constant 5 : i32
      %parallel_loop3A_1242 = vector.broadcast %parallel_loop3A_1241 : i32 to vector<16xi32>
      %parallel_loop3A_1243 = arith.shrsi %parallel_loop3A_1234, %parallel_loop3A_1242 : vector<16xi32>
      %parallel_loop3A_1244 = arith.constant 512 : i32
      %parallel_loop3A_1245 = vector.broadcast %parallel_loop3A_1244 : i32 to vector<16xi32>
      %parallel_loop3A_1246 = arith.muli %parallel_loop3A_1243, %parallel_loop3A_1245 : vector<16xi32>
      %parallel_loop3A_1247 = arith.addi %parallel_loop3A_1246, %parallel_loop3A_25 : vector<16xi32>
      tpu.vector_store_idx %arg7[%parallel_loop3A_1247], %parallel_loop3A_1240 {add = true} : memref<8192xi32, #tpu.memory_space<vmem>>[vector<16xi32>], vector<16xi32>,
      %parallel_loop3A_1248 = arith.constant 31 : i32
      %parallel_loop3A_1249 = vector.broadcast %parallel_loop3A_1248 : i32 to vector<16xi32>
      %parallel_loop3A_1250 = arith.andi %parallel_loop3A_25, %parallel_loop3A_1249 : vector<16xi32>
      %parallel_loop3A_1251 = arith.constant 1 : i32
      %parallel_loop3A_1252 = vector.broadcast %parallel_loop3A_1251 : i32 to vector<16xi32>
      %parallel_loop3A_1253 = arith.shli %parallel_loop3A_1252, %parallel_loop3A_1250 : vector<16xi32>
      %parallel_loop3A_1254 = arith.constant 5 : i32
      %parallel_loop3A_1255 = vector.broadcast %parallel_loop3A_1254 : i32 to vector<16xi32>
      %parallel_loop3A_1256 = arith.shrsi %parallel_loop3A_25, %parallel_loop3A_1255 : vector<16xi32>
      %parallel_loop3A_1257 = arith.constant 512 : i32
      %parallel_loop3A_1258 = vector.broadcast %parallel_loop3A_1257 : i32 to vector<16xi32>
      %parallel_loop3A_1259 = arith.muli %parallel_loop3A_1256, %parallel_loop3A_1258 : vector<16xi32>
      %parallel_loop3A_1260 = arith.addi %parallel_loop3A_1259, %parallel_loop3A_25 : vector<16xi32>
      %parallel_loop3A_1261 = arith.constant 0 : i32
      %parallel_loop3A_1262 = vector.broadcast %parallel_loop3A_1261 : i32 to vector<16xi32>
      %parallel_loop3A_1263 = arith.cmpi eq, %iota3A, %parallel_loop3A_1262 : vector<16xi32>
      tpu.vector_store_idx %arg7[%parallel_loop3A_1260], %parallel_loop3A_1253 masked %parallel_loop3A_1263 {add = true} : memref<8192xi32, #tpu.memory_space<vmem>>[vector<16xi32>], vector<16xi32>, vector<16xi1>
    } {sc.loop_unroll_factor = 4 : i64, sc.parallel_access}
    "tpu.region"() ({
      %run_scoped3A = tpu.sem_alloc : memref<!tpu.dma_semaphore, #tpu.memory_space<semaphore_mem>>
      %dma_start3A = arith.constant 0 : i32
      %dma_start3A_24 = tpu.memref_slice %arg4[%add3A_15, %dma_start3A] : memref<64x8192xi32, #tpu.memory_space<hbm>> -> memref<1x8192xi32, #tpu.memory_space<hbm>>
      %dma_start3A_25 = tpu.memref_squeeze %dma_start3A_24 : memref<1x8192xi32, #tpu.memory_space<hbm>> -> memref<8192xi32, #tpu.memory_space<hbm>>
      %dma_start3A_26 = arith.constant 0 : i32
      %dma_start3A_27 = tpu.memref_slice %arg4[%add3A_15, %dma_start3A_26] : memref<64x8192xi32, #tpu.memory_space<hbm>> -> memref<1x8192xi32, #tpu.memory_space<hbm>>
      %dma_start3A_28 = tpu.memref_squeeze %dma_start3A_27 : memref<1x8192xi32, #tpu.memory_space<hbm>> -> memref<8192xi32, #tpu.memory_space<hbm>>
      tpu.enqueue_dma source(%arg7 : memref<8192xi32, #tpu.memory_space<vmem>>) target(%dma_start3A_28 : memref<8192xi32, #tpu.memory_space<hbm>>) target_semaphore(%run_scoped3A : memref<!tpu.dma_semaphore, #tpu.memory_space<semaphore_mem>>)
      %dma_wait3A = arith.constant 0 : i32
      %dma_wait3A_29 = tpu.memref_slice %arg4[%add3A_15, %dma_wait3A] : memref<64x8192xi32, #tpu.memory_space<hbm>> -> memref<1x8192xi32, #tpu.memory_space<hbm>>
      %dma_wait3A_30 = tpu.memref_squeeze %dma_wait3A_29 : memref<1x8192xi32, #tpu.memory_space<hbm>> -> memref<8192xi32, #tpu.memory_space<hbm>>
      %dma_wait3A_31 = arith.constant 0 : i32
      %dma_wait3A_32 = tpu.memref_slice %arg4[%add3A_15, %dma_wait3A_31] : memref<64x8192xi32, #tpu.memory_space<hbm>> -> memref<1x8192xi32, #tpu.memory_space<hbm>>
      %dma_wait3A_33 = tpu.memref_squeeze %dma_wait3A_32 : memref<1x8192xi32, #tpu.memory_space<hbm>> -> memref<8192xi32, #tpu.memory_space<hbm>>
      tpu.wait_dma2 semaphore(%run_scoped3A : memref<!tpu.dma_semaphore, #tpu.memory_space<semaphore_mem>>) src(%arg7 : memref<8192xi32, #tpu.memory_space<vmem>>) dst(%dma_wait3A_33 : memref<8192xi32, #tpu.memory_space<hbm>>)
      tpu.yield
    }) : () -> ()
    return
  }
}

module attributes {stable_mosaic.version = 14 : i64} {
  func.func @_gnn_body(%arg0: i32, %arg1: memref<1x512x128xf32, #tpu.memory_space<vmem>>, %arg2: memref<1x16x512xi32, #tpu.memory_space<vmem>>, %arg3: memref<128x256xf32, #tpu.memory_space<vmem>>, %arg4: memref<1x256xf32, #tpu.memory_space<vmem>>, %arg5: memref<256x256xf32, #tpu.memory_space<vmem>>, %arg6: memref<1x256xf32, #tpu.memory_space<vmem>>, %arg7: memref<256x64xf32, #tpu.memory_space<vmem>>, %arg8: memref<1x64xf32, #tpu.memory_space<vmem>>, %arg9: memref<1x512x64xf32, #tpu.memory_space<vmem>>) attributes {dimension_semantics = [#tpu.dimension_semantics<arbitrary>], iteration_bounds = array<i64: 64>, scalar_prefetch = 0 : i64, scratch_operands = 0 : i64, tpu.core_type = #tpu.core_type<tc>, window_params = [{transform_indices = @transform_0, window_bounds = array<i64: 1, 512, 128>}, {transform_indices = @transform_1, window_bounds = array<i64: 1, 16, 512>}, {pipeline_mode = #tpu.pipeline_mode<synchronous>, transform_indices = @transform_2, window_bounds = array<i64: 128, 256>}, {pipeline_mode = #tpu.pipeline_mode<synchronous>, transform_indices = @transform_3, window_bounds = array<i64: 1, 256>}, {pipeline_mode = #tpu.pipeline_mode<synchronous>, transform_indices = @transform_4, window_bounds = array<i64: 256, 256>}, {pipeline_mode = #tpu.pipeline_mode<synchronous>, transform_indices = @transform_5, window_bounds = array<i64: 1, 256>}, {pipeline_mode = #tpu.pipeline_mode<synchronous>, transform_indices = @transform_6, window_bounds = array<i64: 256, 64>}, {pipeline_mode = #tpu.pipeline_mode<synchronous>, transform_indices = @transform_7, window_bounds = array<i64: 1, 64>}, {transform_indices = @transform_8, window_bounds = array<i64: 1, 512, 64>}]} {
    %get3A = arith.constant 0 : index
    %get3A_0 = arith.constant 0 : index
    %get3A_1 = arith.constant 0 : index
    %get3A_2 = vector.load %arg1[%get3A, %get3A_0, %get3A_1] : memref<1x512x128xf32, #tpu.memory_space<vmem>>, vector<1x512x128xf32>
    %get3A_3 = vector.shape_cast %get3A_2 : vector<1x512x128xf32> to vector<512x128xf32>
    %iota3A = tpu.iota {dimensions = array<i32: 0>} : vector<32x1xi32>
    %get3A_4 = arith.constant 0 : index
    %get3A_5 = arith.constant 0 : index
    %get3A_6 = arith.constant 0 : index
    %get3A_7 = vector.load %arg2[%get3A_4, %get3A_5, %get3A_6] : memref<1x16x512xi32, #tpu.memory_space<vmem>>, vector<1x1x512xi32>
    %get3A_8 = vector.shape_cast %get3A_7 : vector<1x1x512xi32> to vector<1x512xi32>
    %shift_right_arithmetic3A = vector.broadcast %get3A_8 : vector<1x512xi32> to vector<32x512xi32>
    %shift_right_arithmetic3A_9 = vector.broadcast %iota3A : vector<32x1xi32> to vector<32x512xi32>
    %shift_right_arithmetic3A_10 = arith.shrsi %shift_right_arithmetic3A, %shift_right_arithmetic3A_9 : vector<32x512xi32>
    %and3A = arith.constant 1 : i32
    %and3A_11 = vector.broadcast %and3A : i32 to vector<32x512xi32>
    %and3A_12 = arith.andi %shift_right_arithmetic3A_10, %and3A_11 : vector<32x512xi32>
    %get3A_13 = arith.constant 0 : index
    %get3A_14 = arith.constant 1 : index
    %get3A_15 = arith.constant 0 : index
    %get3A_16 = vector.load %arg2[%get3A_13, %get3A_14, %get3A_15] : memref<1x16x512xi32, #tpu.memory_space<vmem>>, vector<1x1x512xi32>
    %get3A_17 = vector.shape_cast %get3A_16 : vector<1x1x512xi32> to vector<1x512xi32>
    %shift_right_arithmetic3A_18 = vector.broadcast %get3A_17 : vector<1x512xi32> to vector<32x512xi32>
    %shift_right_arithmetic3A_19 = vector.broadcast %iota3A : vector<32x1xi32> to vector<32x512xi32>
    %shift_right_arithmetic3A_20 = arith.shrsi %shift_right_arithmetic3A_18, %shift_right_arithmetic3A_19 : vector<32x512xi32>
    %and3A_21 = arith.constant 1 : i32
    %and3A_22 = vector.broadcast %and3A_21 : i32 to vector<32x512xi32>
    %and3A_23 = arith.andi %shift_right_arithmetic3A_20, %and3A_22 : vector<32x512xi32>
    %get3A_24 = arith.constant 0 : index
    %get3A_25 = arith.constant 2 : index
    %get3A_26 = arith.constant 0 : index
    %get3A_27 = vector.load %arg2[%get3A_24, %get3A_25, %get3A_26] : memref<1x16x512xi32, #tpu.memory_space<vmem>>, vector<1x1x512xi32>
    %get3A_28 = vector.shape_cast %get3A_27 : vector<1x1x512xi32> to vector<1x512xi32>
    %shift_right_arithmetic3A_29 = vector.broadcast %get3A_28 : vector<1x512xi32> to vector<32x512xi32>
    %shift_right_arithmetic3A_30 = vector.broadcast %iota3A : vector<32x1xi32> to vector<32x512xi32>
    %shift_right_arithmetic3A_31 = arith.shrsi %shift_right_arithmetic3A_29, %shift_right_arithmetic3A_30 : vector<32x512xi32>
    %and3A_32 = arith.constant 1 : i32
    %and3A_33 = vector.broadcast %and3A_32 : i32 to vector<32x512xi32>
    %and3A_34 = arith.andi %shift_right_arithmetic3A_31, %and3A_33 : vector<32x512xi32>
    %get3A_35 = arith.constant 0 : index
    %get3A_36 = arith.constant 3 : index
    %get3A_37 = arith.constant 0 : index
    %get3A_38 = vector.load %arg2[%get3A_35, %get3A_36, %get3A_37] : memref<1x16x512xi32, #tpu.memory_space<vmem>>, vector<1x1x512xi32>
    %get3A_39 = vector.shape_cast %get3A_38 : vector<1x1x512xi32> to vector<1x512xi32>
    %shift_right_arithmetic3A_40 = vector.broadcast %get3A_39 : vector<1x512xi32> to vector<32x512xi32>
    %shift_right_arithmetic3A_41 = vector.broadcast %iota3A : vector<32x1xi32> to vector<32x512xi32>
    %shift_right_arithmetic3A_42 = arith.shrsi %shift_right_arithmetic3A_40, %shift_right_arithmetic3A_41 : vector<32x512xi32>
    %and3A_43 = arith.constant 1 : i32
    %and3A_44 = vector.broadcast %and3A_43 : i32 to vector<32x512xi32>
    %and3A_45 = arith.andi %shift_right_arithmetic3A_42, %and3A_44 : vector<32x512xi32>
    %get3A_46 = arith.constant 0 : index
    %get3A_47 = arith.constant 4 : index
    %get3A_48 = arith.constant 0 : index
    %get3A_49 = vector.load %arg2[%get3A_46, %get3A_47, %get3A_48] : memref<1x16x512xi32, #tpu.memory_space<vmem>>, vector<1x1x512xi32>
    %get3A_50 = vector.shape_cast %get3A_49 : vector<1x1x512xi32> to vector<1x512xi32>
    %shift_right_arithmetic3A_51 = vector.broadcast %get3A_50 : vector<1x512xi32> to vector<32x512xi32>
    %shift_right_arithmetic3A_52 = vector.broadcast %iota3A : vector<32x1xi32> to vector<32x512xi32>
    %shift_right_arithmetic3A_53 = arith.shrsi %shift_right_arithmetic3A_51, %shift_right_arithmetic3A_52 : vector<32x512xi32>
    %and3A_54 = arith.constant 1 : i32
    %and3A_55 = vector.broadcast %and3A_54 : i32 to vector<32x512xi32>
    %and3A_56 = arith.andi %shift_right_arithmetic3A_53, %and3A_55 : vector<32x512xi32>
    %get3A_57 = arith.constant 0 : index
    %get3A_58 = arith.constant 5 : index
    %get3A_59 = arith.constant 0 : index
    %get3A_60 = vector.load %arg2[%get3A_57, %get3A_58, %get3A_59] : memref<1x16x512xi32, #tpu.memory_space<vmem>>, vector<1x1x512xi32>
    %get3A_61 = vector.shape_cast %get3A_60 : vector<1x1x512xi32> to vector<1x512xi32>
    %shift_right_arithmetic3A_62 = vector.broadcast %get3A_61 : vector<1x512xi32> to vector<32x512xi32>
    %shift_right_arithmetic3A_63 = vector.broadcast %iota3A : vector<32x1xi32> to vector<32x512xi32>
    %shift_right_arithmetic3A_64 = arith.shrsi %shift_right_arithmetic3A_62, %shift_right_arithmetic3A_63 : vector<32x512xi32>
    %and3A_65 = arith.constant 1 : i32
    %and3A_66 = vector.broadcast %and3A_65 : i32 to vector<32x512xi32>
    %and3A_67 = arith.andi %shift_right_arithmetic3A_64, %and3A_66 : vector<32x512xi32>
    %get3A_68 = arith.constant 0 : index
    %get3A_69 = arith.constant 6 : index
    %get3A_70 = arith.constant 0 : index
    %get3A_71 = vector.load %arg2[%get3A_68, %get3A_69, %get3A_70] : memref<1x16x512xi32, #tpu.memory_space<vmem>>, vector<1x1x512xi32>
    %get3A_72 = vector.shape_cast %get3A_71 : vector<1x1x512xi32> to vector<1x512xi32>
    %shift_right_arithmetic3A_73 = vector.broadcast %get3A_72 : vector<1x512xi32> to vector<32x512xi32>
    %shift_right_arithmetic3A_74 = vector.broadcast %iota3A : vector<32x1xi32> to vector<32x512xi32>
    %shift_right_arithmetic3A_75 = arith.shrsi %shift_right_arithmetic3A_73, %shift_right_arithmetic3A_74 : vector<32x512xi32>
    %and3A_76 = arith.constant 1 : i32
    %and3A_77 = vector.broadcast %and3A_76 : i32 to vector<32x512xi32>
    %and3A_78 = arith.andi %shift_right_arithmetic3A_75, %and3A_77 : vector<32x512xi32>
    %get3A_79 = arith.constant 0 : index
    %get3A_80 = arith.constant 7 : index
    %get3A_81 = arith.constant 0 : index
    %get3A_82 = vector.load %arg2[%get3A_79, %get3A_80, %get3A_81] : memref<1x16x512xi32, #tpu.memory_space<vmem>>, vector<1x1x512xi32>
    %get3A_83 = vector.shape_cast %get3A_82 : vector<1x1x512xi32> to vector<1x512xi32>
    %shift_right_arithmetic3A_84 = vector.broadcast %get3A_83 : vector<1x512xi32> to vector<32x512xi32>
    %shift_right_arithmetic3A_85 = vector.broadcast %iota3A : vector<32x1xi32> to vector<32x512xi32>
    %shift_right_arithmetic3A_86 = arith.shrsi %shift_right_arithmetic3A_84, %shift_right_arithmetic3A_85 : vector<32x512xi32>
    %and3A_87 = arith.constant 1 : i32
    %and3A_88 = vector.broadcast %and3A_87 : i32 to vector<32x512xi32>
    %and3A_89 = arith.andi %shift_right_arithmetic3A_86, %and3A_88 : vector<32x512xi32>
    %get3A_90 = arith.constant 0 : index
    %get3A_91 = arith.constant 8 : index
    %get3A_92 = arith.constant 0 : index
    %get3A_93 = vector.load %arg2[%get3A_90, %get3A_91, %get3A_92] : memref<1x16x512xi32, #tpu.memory_space<vmem>>, vector<1x1x512xi32>
    %get3A_94 = vector.shape_cast %get3A_93 : vector<1x1x512xi32> to vector<1x512xi32>
    %shift_right_arithmetic3A_95 = vector.broadcast %get3A_94 : vector<1x512xi32> to vector<32x512xi32>
    %shift_right_arithmetic3A_96 = vector.broadcast %iota3A : vector<32x1xi32> to vector<32x512xi32>
    %shift_right_arithmetic3A_97 = arith.shrsi %shift_right_arithmetic3A_95, %shift_right_arithmetic3A_96 : vector<32x512xi32>
    %and3A_98 = arith.constant 1 : i32
    %and3A_99 = vector.broadcast %and3A_98 : i32 to vector<32x512xi32>
    %and3A_100 = arith.andi %shift_right_arithmetic3A_97, %and3A_99 : vector<32x512xi32>
    %get3A_101 = arith.constant 0 : index
    %get3A_102 = arith.constant 9 : index
    %get3A_103 = arith.constant 0 : index
    %get3A_104 = vector.load %arg2[%get3A_101, %get3A_102, %get3A_103] : memref<1x16x512xi32, #tpu.memory_space<vmem>>, vector<1x1x512xi32>
    %get3A_105 = vector.shape_cast %get3A_104 : vector<1x1x512xi32> to vector<1x512xi32>
    %shift_right_arithmetic3A_106 = vector.broadcast %get3A_105 : vector<1x512xi32> to vector<32x512xi32>
    %shift_right_arithmetic3A_107 = vector.broadcast %iota3A : vector<32x1xi32> to vector<32x512xi32>
    %shift_right_arithmetic3A_108 = arith.shrsi %shift_right_arithmetic3A_106, %shift_right_arithmetic3A_107 : vector<32x512xi32>
    %and3A_109 = arith.constant 1 : i32
    %and3A_110 = vector.broadcast %and3A_109 : i32 to vector<32x512xi32>
    %and3A_111 = arith.andi %shift_right_arithmetic3A_108, %and3A_110 : vector<32x512xi32>
    %get3A_112 = arith.constant 0 : index
    %get3A_113 = arith.constant 10 : index
    %get3A_114 = arith.constant 0 : index
    %get3A_115 = vector.load %arg2[%get3A_112, %get3A_113, %get3A_114] : memref<1x16x512xi32, #tpu.memory_space<vmem>>, vector<1x1x512xi32>
    %get3A_116 = vector.shape_cast %get3A_115 : vector<1x1x512xi32> to vector<1x512xi32>
    %shift_right_arithmetic3A_117 = vector.broadcast %get3A_116 : vector<1x512xi32> to vector<32x512xi32>
    %shift_right_arithmetic3A_118 = vector.broadcast %iota3A : vector<32x1xi32> to vector<32x512xi32>
    %shift_right_arithmetic3A_119 = arith.shrsi %shift_right_arithmetic3A_117, %shift_right_arithmetic3A_118 : vector<32x512xi32>
    %and3A_120 = arith.constant 1 : i32
    %and3A_121 = vector.broadcast %and3A_120 : i32 to vector<32x512xi32>
    %and3A_122 = arith.andi %shift_right_arithmetic3A_119, %and3A_121 : vector<32x512xi32>
    %get3A_123 = arith.constant 0 : index
    %get3A_124 = arith.constant 11 : index
    %get3A_125 = arith.constant 0 : index
    %get3A_126 = vector.load %arg2[%get3A_123, %get3A_124, %get3A_125] : memref<1x16x512xi32, #tpu.memory_space<vmem>>, vector<1x1x512xi32>
    %get3A_127 = vector.shape_cast %get3A_126 : vector<1x1x512xi32> to vector<1x512xi32>
    %shift_right_arithmetic3A_128 = vector.broadcast %get3A_127 : vector<1x512xi32> to vector<32x512xi32>
    %shift_right_arithmetic3A_129 = vector.broadcast %iota3A : vector<32x1xi32> to vector<32x512xi32>
    %shift_right_arithmetic3A_130 = arith.shrsi %shift_right_arithmetic3A_128, %shift_right_arithmetic3A_129 : vector<32x512xi32>
    %and3A_131 = arith.constant 1 : i32
    %and3A_132 = vector.broadcast %and3A_131 : i32 to vector<32x512xi32>
    %and3A_133 = arith.andi %shift_right_arithmetic3A_130, %and3A_132 : vector<32x512xi32>
    %get3A_134 = arith.constant 0 : index
    %get3A_135 = arith.constant 12 : index
    %get3A_136 = arith.constant 0 : index
    %get3A_137 = vector.load %arg2[%get3A_134, %get3A_135, %get3A_136] : memref<1x16x512xi32, #tpu.memory_space<vmem>>, vector<1x1x512xi32>
    %get3A_138 = vector.shape_cast %get3A_137 : vector<1x1x512xi32> to vector<1x512xi32>
    %shift_right_arithmetic3A_139 = vector.broadcast %get3A_138 : vector<1x512xi32> to vector<32x512xi32>
    %shift_right_arithmetic3A_140 = vector.broadcast %iota3A : vector<32x1xi32> to vector<32x512xi32>
    %shift_right_arithmetic3A_141 = arith.shrsi %shift_right_arithmetic3A_139, %shift_right_arithmetic3A_140 : vector<32x512xi32>
    %and3A_142 = arith.constant 1 : i32
    %and3A_143 = vector.broadcast %and3A_142 : i32 to vector<32x512xi32>
    %and3A_144 = arith.andi %shift_right_arithmetic3A_141, %and3A_143 : vector<32x512xi32>
    %get3A_145 = arith.constant 0 : index
    %get3A_146 = arith.constant 13 : index
    %get3A_147 = arith.constant 0 : index
    %get3A_148 = vector.load %arg2[%get3A_145, %get3A_146, %get3A_147] : memref<1x16x512xi32, #tpu.memory_space<vmem>>, vector<1x1x512xi32>
    %get3A_149 = vector.shape_cast %get3A_148 : vector<1x1x512xi32> to vector<1x512xi32>
    %shift_right_arithmetic3A_150 = vector.broadcast %get3A_149 : vector<1x512xi32> to vector<32x512xi32>
    %shift_right_arithmetic3A_151 = vector.broadcast %iota3A : vector<32x1xi32> to vector<32x512xi32>
    %shift_right_arithmetic3A_152 = arith.shrsi %shift_right_arithmetic3A_150, %shift_right_arithmetic3A_151 : vector<32x512xi32>
    %and3A_153 = arith.constant 1 : i32
    %and3A_154 = vector.broadcast %and3A_153 : i32 to vector<32x512xi32>
    %and3A_155 = arith.andi %shift_right_arithmetic3A_152, %and3A_154 : vector<32x512xi32>
    %get3A_156 = arith.constant 0 : index
    %get3A_157 = arith.constant 14 : index
    %get3A_158 = arith.constant 0 : index
    %get3A_159 = vector.load %arg2[%get3A_156, %get3A_157, %get3A_158] : memref<1x16x512xi32, #tpu.memory_space<vmem>>, vector<1x1x512xi32>
    %get3A_160 = vector.shape_cast %get3A_159 : vector<1x1x512xi32> to vector<1x512xi32>
    %shift_right_arithmetic3A_161 = vector.broadcast %get3A_160 : vector<1x512xi32> to vector<32x512xi32>
    %shift_right_arithmetic3A_162 = vector.broadcast %iota3A : vector<32x1xi32> to vector<32x512xi32>
    %shift_right_arithmetic3A_163 = arith.shrsi %shift_right_arithmetic3A_161, %shift_right_arithmetic3A_162 : vector<32x512xi32>
    %and3A_164 = arith.constant 1 : i32
    %and3A_165 = vector.broadcast %and3A_164 : i32 to vector<32x512xi32>
    %and3A_166 = arith.andi %shift_right_arithmetic3A_163, %and3A_165 : vector<32x512xi32>
    %get3A_167 = arith.constant 0 : index
    %get3A_168 = arith.constant 15 : index
    %get3A_169 = arith.constant 0 : index
    %get3A_170 = vector.load %arg2[%get3A_167, %get3A_168, %get3A_169] : memref<1x16x512xi32, #tpu.memory_space<vmem>>, vector<1x1x512xi32>
    %get3A_171 = vector.shape_cast %get3A_170 : vector<1x1x512xi32> to vector<1x512xi32>
    %shift_right_arithmetic3A_172 = vector.broadcast %get3A_171 : vector<1x512xi32> to vector<32x512xi32>
    %shift_right_arithmetic3A_173 = vector.broadcast %iota3A : vector<32x1xi32> to vector<32x512xi32>
    %shift_right_arithmetic3A_174 = arith.shrsi %shift_right_arithmetic3A_172, %shift_right_arithmetic3A_173 : vector<32x512xi32>
    %and3A_175 = arith.constant 1 : i32
    %and3A_176 = vector.broadcast %and3A_175 : i32 to vector<32x512xi32>
    %and3A_177 = arith.andi %shift_right_arithmetic3A_174, %and3A_176 : vector<32x512xi32>
    %concatenate3A = tpu.concatenate %and3A_12, %and3A_23, %and3A_34, %and3A_45, %and3A_56, %and3A_67, %and3A_78, %and3A_89, %and3A_100, %and3A_111, %and3A_122, %and3A_133, %and3A_144, %and3A_155, %and3A_166, %and3A_177 in 0 : vector<32x512xi32>, vector<32x512xi32>, vector<32x512xi32>, vector<32x512xi32>, vector<32x512xi32>, vector<32x512xi32>, vector<32x512xi32>, vector<32x512xi32>, vector<32x512xi32>, vector<32x512xi32>, vector<32x512xi32>, vector<32x512xi32>, vector<32x512xi32>, vector<32x512xi32>, vector<32x512xi32>, vector<32x512xi32> -> vector<512x512xi32>
    %convert_element_type3A = arith.sitofp %concatenate3A : vector<512x512xi32> to vector<512x512xf32>
    %reduce_sum3A = arith.constant dense<0.000000e+00> : vector<512xf32>
    %reduce_sum3A_178 = vector.multi_reduction <add>, %convert_element_type3A, %reduce_sum3A [1] : vector<512x512xf32> to vector<512xf32>
    %broadcast_in_dim3A = vector.shape_cast %reduce_sum3A_178 : vector<512xf32> to vector<512x1xf32>
    %rsqrt3A = math.rsqrt %broadcast_in_dim3A : vector<512x1xf32>
    %get3A_179 = arith.constant 0 : index
    %get3A_180 = arith.constant 0 : index
    %get3A_181 = vector.load %arg3[%get3A_179, %get3A_180] : memref<128x256xf32, #tpu.memory_space<vmem>>, vector<128x256xf32>
    %dot_general3A = arith.constant dense<0.000000e+00> : vector<512x256xf32>
    %dot_general3A_182 = tpu.matmul %get3A_3, %get3A_181, %dot_general3A {dimension_numbers = #tpu.dot_dimension_numbers<[1], [0], [0], [1], [0, 0, 1, 1], [], []>, transpose_lhs_hint = false} : vector<512x128xf32>, vector<128x256xf32>, vector<512x256xf32> -> vector<512x256xf32>
    %mul3A = vector.broadcast %rsqrt3A : vector<512x1xf32> to vector<512x256xf32>
    %mul3A_183 = arith.mulf %mul3A, %dot_general3A_182 : vector<512x256xf32>
    %dot_general3A_184 = arith.constant dense<0.000000e+00> : vector<512x256xf32>
    %dot_general3A_185 = tpu.matmul %convert_element_type3A, %mul3A_183, %dot_general3A_184 {dimension_numbers = #tpu.dot_dimension_numbers<[1], [0], [0], [1], [0, 0, 1, 1], [], []>, transpose_lhs_hint = false} : vector<512x512xf32>, vector<512x256xf32>, vector<512x256xf32> -> vector<512x256xf32>
    %mul3A_186 = vector.broadcast %rsqrt3A : vector<512x1xf32> to vector<512x256xf32>
    %mul3A_187 = arith.mulf %mul3A_186, %dot_general3A_185 : vector<512x256xf32>
    %get3A_188 = arith.constant 0 : index
    %get3A_189 = arith.constant 0 : index
    %get3A_190 = vector.load %arg4[%get3A_188, %get3A_189] : memref<1x256xf32, #tpu.memory_space<vmem>>, vector<1x256xf32>
    %add3A = vector.broadcast %get3A_190 : vector<1x256xf32> to vector<512x256xf32>
    %add3A_191 = arith.addf %mul3A_187, %add3A : vector<512x256xf32>
    %tanh3A = math.tanh %add3A_191 : vector<512x256xf32>
    %get3A_192 = arith.constant 0 : index
    %get3A_193 = arith.constant 0 : index
    %get3A_194 = vector.load %arg5[%get3A_192, %get3A_193] : memref<256x256xf32, #tpu.memory_space<vmem>>, vector<256x256xf32>
    %dot_general3A_195 = arith.constant dense<0.000000e+00> : vector<512x256xf32>
    %dot_general3A_196 = tpu.matmul %tanh3A, %get3A_194, %dot_general3A_195 {dimension_numbers = #tpu.dot_dimension_numbers<[1], [0], [0], [1], [0, 0, 1, 1], [], []>, transpose_lhs_hint = false} : vector<512x256xf32>, vector<256x256xf32>, vector<512x256xf32> -> vector<512x256xf32>
    %mul3A_197 = vector.broadcast %rsqrt3A : vector<512x1xf32> to vector<512x256xf32>
    %mul3A_198 = arith.mulf %mul3A_197, %dot_general3A_196 : vector<512x256xf32>
    %dot_general3A_199 = arith.constant dense<0.000000e+00> : vector<512x256xf32>
    %dot_general3A_200 = tpu.matmul %convert_element_type3A, %mul3A_198, %dot_general3A_199 {dimension_numbers = #tpu.dot_dimension_numbers<[1], [0], [0], [1], [0, 0, 1, 1], [], []>, transpose_lhs_hint = false} : vector<512x512xf32>, vector<512x256xf32>, vector<512x256xf32> -> vector<512x256xf32>
    %mul3A_201 = vector.broadcast %rsqrt3A : vector<512x1xf32> to vector<512x256xf32>
    %mul3A_202 = arith.mulf %mul3A_201, %dot_general3A_200 : vector<512x256xf32>
    %get3A_203 = arith.constant 0 : index
    %get3A_204 = arith.constant 0 : index
    %get3A_205 = vector.load %arg6[%get3A_203, %get3A_204] : memref<1x256xf32, #tpu.memory_space<vmem>>, vector<1x256xf32>
    %add3A_206 = vector.broadcast %get3A_205 : vector<1x256xf32> to vector<512x256xf32>
    %add3A_207 = arith.addf %mul3A_202, %add3A_206 : vector<512x256xf32>
    %tanh3A_208 = math.tanh %add3A_207 : vector<512x256xf32>
    %get3A_209 = arith.constant 0 : index
    %get3A_210 = arith.constant 0 : index
    %get3A_211 = vector.load %arg7[%get3A_209, %get3A_210] : memref<256x64xf32, #tpu.memory_space<vmem>>, vector<256x64xf32>
    %dot_general3A_212 = arith.constant dense<0.000000e+00> : vector<512x64xf32>
    %dot_general3A_213 = tpu.matmul %tanh3A_208, %get3A_211, %dot_general3A_212 {dimension_numbers = #tpu.dot_dimension_numbers<[1], [0], [0], [1], [0, 0, 1, 1], [], []>, transpose_lhs_hint = false} : vector<512x256xf32>, vector<256x64xf32>, vector<512x64xf32> -> vector<512x64xf32>
    %get3A_214 = arith.constant 0 : index
    %get3A_215 = arith.constant 0 : index
    %get3A_216 = vector.load %arg8[%get3A_214, %get3A_215] : memref<1x64xf32, #tpu.memory_space<vmem>>, vector<1x64xf32>
    %add3A_217 = vector.broadcast %get3A_216 : vector<1x64xf32> to vector<512x64xf32>
    %add3A_218 = arith.addf %dot_general3A_213, %add3A_217 : vector<512x64xf32>
    %swap3A = arith.constant 0 : index
    %swap3A_219 = arith.constant 0 : index
    %swap3A_220 = arith.constant 0 : index
    %swap3A_221 = vector.load %arg9[%swap3A, %swap3A_219, %swap3A_220] : memref<1x512x64xf32, #tpu.memory_space<vmem>>, vector<1x512x64xf32>
    %swap3A_222 = vector.shape_cast %swap3A_221 : vector<1x512x64xf32> to vector<512x64xf32>
    %swap3A_223 = vector.shape_cast %add3A_218 : vector<512x64xf32> to vector<1x512x64xf32>
    tpu.vector_store %arg9[%swap3A, %swap3A_219, %swap3A_220], %swap3A_223 {strides = array<i32>} : memref<1x512x64xf32, #tpu.memory_space<vmem>>, vector<1x512x64xf32>,
    return
  }
  func.func @transform_0(%arg0: i32) -> (i32, i32, i32) {
    %c0_i32 = arith.constant 0 : i32
    %c0_i32_0 = arith.constant 0 : i32
    %c0_i32_1 = arith.constant 0 : i32
    return %arg0, %c0_i32, %c0_i32_0 : i32, i32, i32
  }
  func.func @transform_1(%arg0: i32) -> (i32, i32, i32) {
    %c0_i32 = arith.constant 0 : i32
    %c0_i32_0 = arith.constant 0 : i32
    %c0_i32_1 = arith.constant 0 : i32
    return %arg0, %c0_i32, %c0_i32_0 : i32, i32, i32
  }
  func.func @transform_2(%arg0: i32) -> (i32, i32) {
    %c0_i32 = arith.constant 0 : i32
    %c0_i32_0 = arith.constant 0 : i32
    %c0_i32_1 = arith.constant 0 : i32
    return %c0_i32, %c0_i32_0 : i32, i32
  }
  func.func @transform_3(%arg0: i32) -> (i32, i32) {
    %c0_i32 = arith.constant 0 : i32
    %c0_i32_0 = arith.constant 0 : i32
    %c0_i32_1 = arith.constant 0 : i32
    return %c0_i32, %c0_i32_0 : i32, i32
  }
  func.func @transform_4(%arg0: i32) -> (i32, i32) {
    %c0_i32 = arith.constant 0 : i32
    %c0_i32_0 = arith.constant 0 : i32
    %c0_i32_1 = arith.constant 0 : i32
    return %c0_i32, %c0_i32_0 : i32, i32
  }
  func.func @transform_5(%arg0: i32) -> (i32, i32) {
    %c0_i32 = arith.constant 0 : i32
    %c0_i32_0 = arith.constant 0 : i32
    %c0_i32_1 = arith.constant 0 : i32
    return %c0_i32, %c0_i32_0 : i32, i32
  }
  func.func @transform_6(%arg0: i32) -> (i32, i32) {
    %c0_i32 = arith.constant 0 : i32
    %c0_i32_0 = arith.constant 0 : i32
    %c0_i32_1 = arith.constant 0 : i32
    return %c0_i32, %c0_i32_0 : i32, i32
  }
  func.func @transform_7(%arg0: i32) -> (i32, i32) {
    %c0_i32 = arith.constant 0 : i32
    %c0_i32_0 = arith.constant 0 : i32
    %c0_i32_1 = arith.constant 0 : i32
    return %c0_i32, %c0_i32_0 : i32, i32
  }
  func.func @transform_8(%arg0: i32) -> (i32, i32, i32) {
    %c0_i32 = arith.constant 0 : i32
    %c0_i32_0 = arith.constant 0 : i32
    %c0_i32_1 = arith.constant 0 : i32
    return %arg0, %c0_i32, %c0_i32_0 : i32, i32, i32
  }
}

</mosaic_0001>

<sc_bundles>
// kernel: kernel.4.cloned.1.call-start
scs
__scs_entry_jumppad:
0x0: {  	(pc) =	sbr.rel $0x88, $3  }
0x1: {  	(tag) =	ssettag $0x0;
	lr =	simm.s32 $0x1  }
0x2: {  	[smem:$0x3F9A] =	sst lr;
	_ =	strace $0xD0000000  }
0x3: {  	_ = 	snop  }
0x4: {  	_ = 	snop  }
0x5: {  	_ = 	snop  }
0x6: {  	_ = 	snop  }
0x7: {  	_ = 	snop  }
__scs_overlays_trampoline_lowered:
0x8: {  	[smem:$0x3FA9] =	sst s0  }
0x9: {  	[smem:$0x3FAA] =	sst s1  }
0xa: {  	[smem:$0x3FAB] =	sst s2  }
0xb: {  	[smem:$0x3FAC] =	sst s3  }
0xc: {  	[smem:$0x3FAD] =	sst s4  }
0xd: {  	[smem:$0x3FAE] =	sst s5  }
0xe: {  	[smem:$0x3FAF] =	sst s6  }
0xf: {  	[smem:$0x3FB0] =	sst s7  }
0x10: {  	[smem:$0x3FB1] =	sst s8  }
0x11: {  	[smem:$0x3FB2] =	sst s9;
	s0 =	simm.s32 @!p0 $0x0  }
0x12: {  	s1 =	sld [smem:$0x3F98];
	s0 =	simm.s32 @p0 $0x1  }
0x13: {  	[smem:$0x3FB3] =	sst s0;
	s0 =	simm.s32 @!p1 $0x0  }
0x14: {  	s2 =	sld [smem:$0x3F97];
	s0 =	simm.s32 @p1 $0x1  }
0x15: {  	[smem:$0x3FB4] =	sst s0;
	s0 =	simm.s32 @!p2 $0x0  }
0x16: {  	s3 =	sld [smem:$0x3FDB];
	s0 =	simm.s32 @p2 $0x1  }
0x17: {  	s4 =	simm.s32 $0x1BF5;
	[smem:$0x3FB6] =	sst s0  }
0x18: {  	s0 =	sld [smem:$0x3F99];
	_ =	swait.ge [sflag:s4], $0x0  }
0x19: {  	s7 =	sld [smem:$0x3F9A]  }
0x1a: {  	s8 =	sadd.s32 $0xFFFFE003, lr  }
0x1b: {  	s9 =	sadd.s32 $0xFFFFFEF7, lr;
	s5 =	simm.s32 $0xFFFFFFFF;
	p2 =	slt.u32 s8, $0xFFFFF086  }
0x1c: {  	p1 =	slt.u32 s9, $0xF7A;
	s5 =	simm.s32 @!p2 $0x0  }
0x1d: {  	s5 =	simm.s32 @p1 $0x1;
	p0 =	seq.s32 s7, s2  }
0x1e: {  	s7 =	smul.u32 @!p0 $0xF7A, s2;
	p2 =	seq.s32 @!p0 s5, $0x0  }
0x1f: {  	s9 =	smul.u32 $0xF7A, s1;
	s8 =	simm.s32 @!p0 $0x1BF5;
	p2 =	por !p2, p0  }
0x20: {  	[sflag:s8] =	ssyncset.s32 @!p0 $0xFFFFF086;
	s6 =	sadd.s32 @!p0 s3, s7;
	s7 =	simm.s32 @!p0 $0x108  }
0x21: {  	s3 =	sadd.s32 s3, s9;
	s6 =	sadd.s32 @!p0 $0x88, s6;
	s7 =	simm.s32 @p2 $0x1082  }
0x22: {  	[simem:s7], [sflag:s8] =	dma.local @!p0 [hbm:s6], $0xF7A  }
0x23: {  	s9 =	sor.u32 $0xD0000000, s2;
	s6 =	simm.s32 $0x108;
	_ =	swait.ge @!p0 [sflag:s8], $0x0  }
0x24: {  	s3 =	sadd.s32 $0x88, s3;
	s6 =	simm.s32 @!p1 $0x1082;
	[sflag:s4] =	ssyncset.s32 $0xFFFFF086  }
0x25: {  	[simem:s6], [sflag:s4] =	dma.local [hbm:s3], $0xF7A  }
0x26: {  	[smem:$0x3F9A] =	sst s1;
	(tag) =	ssettag s2;
	_ =	strace s9  }
0x27: {  	s1 =	sld [smem:$0x3FAA]  }
0x28: {  	s2 =	sld [smem:$0x3FAB]  }
0x29: {  	s4 =	sld [smem:$0x3FAD]  }
0x2a: {  	p0 =	seq.s32 s5, $0x0;
	s5 =	sld [smem:$0x3FAE]  }
0x2b: {  	s6 =	sld [smem:$0x3FAF]  }
0x2c: {  	s7 =	sld [smem:$0x3FB0]  }
0x2d: {  	s3 =	simm.s32 $0x108;
	s8 =	sld [smem:$0x3FB1]  }
0x2e: {  	s3 =	simm.s32 @!p0 $0x1082;
	s9 =	sld [smem:$0x3FB2]  }
0x2f: {  	lr =	sadd.s32 s0, s3;
	s0 =	sld [smem:$0x3FA9]  }
0x30: {  	s3 =	sld [smem:$0x3FAC]  }
0x31: {  	[smem:$0x3FB5] =	sst s10  }
0x32: {  	s10 =	sld [smem:$0x3FB3];
	_ =	sdelay $0x3  }
0x33: {  	p0 =	seq.s32 s10, $0x1;
	s10 =	sld [smem:$0x3FB5];
	_ =	sdelay $0x3  }
0x34: {  	[smem:$0x3FB5] =	sst s10  }
0x35: {  	s10 =	sld [smem:$0x3FB4];
	_ =	sdelay $0x3  }
0x36: {  	p1 =	seq.s32 s10, $0x1;
	s10 =	sld [smem:$0x3FB5];
	_ =	sdelay $0x3  }
0x37: {  	[smem:$0x3FB5] =	sst s10  }
0x38: {  	s10 =	sld [smem:$0x3FB6]  }
0x39: {  	_ = 	snop;
	(pc) =	sbr.ind lr, $3  }
0x3a: {  	_ = 	snop  }
0x3b: {  	_ = 	snop  }
0x3c: {  	p2 =	seq.s32 s10, $0x1;
	s10 =	sld [smem:$0x3FB5]  }
0x3d: {  	_ =	shalt  }
0x3e: {  	_ =	shalt  }
0x3f: {  	_ =	shalt  }
0x40: {  	_ =	shalt  }
0x41: {  	_ =	shalt  }
0x42: {  	_ =	shalt  }
0x43: {  	_ =	shalt  }
0x44: {  	_ =	shalt  }
0x45: {  	_ =	shalt  }
0x46: {  	_ =	shalt  }
0x47: {  	_ =	shalt  }
0x48: {  	_ =	shalt  }
0x49: {  	_ =	shalt  }
0x4a: {  	_ =	shalt  }
0x4b: {  	_ =	shalt  }
0x4c: {  	_ =	shalt  }
0x4d: {  	_ =	shalt  }
0x4e: {  	_ =	shalt  }
0x4f: {  	_ =	shalt  }
0x50: {  	_ =	shalt  }
0x51: {  	_ =	shalt  }
0x52: {  	_ =	shalt  }
0x53: {  	_ =	shalt  }
0x54: {  	_ =	shalt  }
0x55: {  	_ =	shalt  }
0x56: {  	_ =	shalt  }
0x57: {  	_ =	shalt  }
0x58: {  	_ =	shalt  }
0x59: {  	_ =	shalt  }
0x5a: {  	_ =	shalt  }
0x5b: {  	_ =	shalt  }
0x5c: {  	_ =	shalt  }
0x5d: {  	_ =	shalt  }
0x5e: {  	_ =	shalt  }
0x5f: {  	_ =	shalt  }
0x60: {  	_ =	shalt  }
0x61: {  	_ =	shalt  }
0x62: {  	_ =	shalt  }
0x63: {  	_ =	shalt  }
0x64: {  	_ =	shalt  }
0x65: {  	_ =	shalt  }
0x66: {  	_ =	shalt  }
0x67: {  	_ =	shalt  }
0x68: {  	_ =	shalt  }
0x69: {  	_ =	shalt  }
0x6a: {  	_ =	shalt  }
0x6b: {  	_ =	shalt  }
0x6c: {  	_ =	shalt  }
0x6d: {  	_ =	shalt  }
0x6e: {  	_ =	shalt  }
0x6f: {  	_ =	shalt  }
0x70: {  	_ =	shalt  }
0x71: {  	_ =	shalt  }
0x72: {  	_ =	shalt  }
0x73: {  	_ =	shalt  }
0x74: {  	_ =	shalt  }
0x75: {  	_ =	shalt  }
0x76: {  	_ =	shalt  }
0x77: {  	_ =	shalt  }
0x78: {  	_ =	shalt  }
0x79: {  	_ =	shalt  }
0x7a: {  	_ =	shalt  }
0x7b: {  	_ =	shalt  }
0x7c: {  	_ =	shalt  }
0x7d: {  	_ =	shalt  }
0x7e: {  	_ =	shalt  }
0x7f: {  	_ =	shalt  }
0x80: {  	_ =	shalt  }
0x81: {  	_ =	shalt  }
0x82: {  	_ =	shalt  }
0x83: {  	_ =	shalt  }
0x84: {  	_ =	shalt  }
0x85: {  	_ =	shalt  }
0x86: {  	_ =	shalt  }
0x87: {  	_ =	shalt  }
.Lfunc_end0:
.L_simem_size_0:
called_computation_lowered:
.L_overlay_start_0:
0x88: {  	s2 =	sld [smem:$0x3FD9]  }
0x89: {  	s3 =	sld [smem:$0x3FFE];
	_ =	sdelay $0x1  }
0x8a: {  	s1 =	srdreg.scid  }
0x8b: {  	s0 =	sand.u32 $0x1, s1  }
0x8c: {  	s17 =	sshll.u32 s0, $0xA;
	s2 =	sadd.s32 s3, s2  }
0x8d: {  	s2 =	sadd.s32 s2, s17  }
0x8e: {  	[smem:$0x3FC1] =	sst s2  }
0x8f: {  	_ = 	snop  }
0x90: {  	s2 =	sld [smem:$0x3FD0];
	(tm) =	ssettm $0x1  }
0x91: {  	s18 =	sld [smem:$0x3FFB];
	_ =	sdelay $0x3  }
0x92: {  	_ =	strace s18  }
0x93: {  	s3 =	sld [smem:$0x3FFC];
	_ =	sdelay $0x3  }
0x94: {  	_ =	strace s3  }
0x95: {  	s3 =	sld [smem:$0x3FFD];
	_ =	sdelay $0x3  }
0x96: {  	_ =	strace s3  }
0x97: {  	_ =	strace $0x8FFFFFFF  }
0x98: {  	s19 =	sld [smem:$0x3FDB];
	_ =	sdelay $0x1  }
0x99: {  	s4 =	simm.s32 $_scs_section_size  }
0x9a: {  	s5 =	simm.s32 $_size__tile_overlayer_lowered;
	s6 =	simm.s32 $_tile_overlayer_lowered  }
0x9b: {  	s22 =	simm.s32 $0x1BFF;
	s21 =	sshll.u32 s6, $0x1;
	s3 =	sadd.s32 s4, s19  }
0x9c: {  	s7 =	simm.s32 $0x0;
	s20 =	sshll.u32 s5, $0x1;
	s5 =	sadd.s32 s21, s3  }
0x9d: {  	[timem:s7], [sflag:s22] =	dma.local [hbm:s5], s20  }
0x9e: {  	_ =	swait.ge [sflag:s22], s20  }
0x9f: {  	s4 =	ssub.s32 $0x0, s20;
	[sflag:s22] =	ssyncset.done $0x0  }
0xa0: {  	[sflag:s22] =	ssyncadd.s32 s4;
	_ =	sdelay $0x1  }
0xa1: {  	s23 =	simm.s32 $0x1B8B  }
0xa2: {  	_ =	swait.ge [sflag:s23], $0x1  }
0xa3: {  	[sflag:s23] =	ssyncset.done $0x0  }
0xa4: {  	s25 =	simm.s32 $0x1B8E;
	s24 =	sld [smem:$0x3FFE];
	[sflag:s23] =	ssyncadd.s32 $0xFFFFFFFF  }
0xa5: {  	s26 =	simm.s32 $execute0_lowered;
	[smem:$0x3FD2] =	sst s25  }
0xa6: {  	s5 =	sshll.u32 s26, $0x1;
	_ =	strace $0x80000046;
	[dreg:$0x1] =	wrdreg $0xFFFFFFFF  }
0xa7: {  	s28 =	simm.s32 $_size_execute0_lowered;
	s3 =	sadd.s32 s3, s5;
	[dreg:$0x0] =	wrdreg $0x0  }
0xa8: {  	s5 =	sshll.u32 s28, $0x1;
	[dreg:$0x2] =	wrdreg s3  }
0xa9: {  	[dreg:$0x3] =	wrdreg s5  }
0xaa: {  	[dreg:$0x4] =	wrdreg $0xC0  }
0xab: {  	_ =	task [dreg:s7], $0x5FFFF  }
0xac: {  	[dreg:$0x1] =	wrdreg $0xFFFFFFFF  }
0xad: {  	[dreg:$0x0] =	wrdreg $0x60  }
0xae: {  	[dreg:$0x2] =	wrdreg s24  }
0xaf: {  	[dreg:$0x3] =	wrdreg s2  }
0xb0: {  	[dreg:$0x4] =	wrdreg $0x9  }
0xb1: {  	_ =	task.clear_ibuf [dreg:s7], $0x5FFFF;
	_ =	strace $0x90000046  }
0xb2: {  	s29 =	simm.s32 $0x9;
	_ =	strace $0x80000048  }
0xb3: {  	_ =	swait.ge [sflag:s29], $0x1  }
0xb4: {  	[sflag:s29] =	ssyncadd.s32 $0xFFFFFFFF  }
0xb5: {  	_ =	strace $0x90000048  }
0xb6: {  	_ =	sfence  }
0xb7: {  	s30 =	sld [smem:$0x0];
	_ =	sdelay $0x2  }
0xb8: {  	s31 =	sshll.u32 s1, $0xD;
	s1 =	sshrl.u32 s1, $0x2  }
0xb9: {  	s3 =	sand.u32 $0x4000, s31;
	s1 =	sadd.s32 s1, s30  }
0xba: {  	s0 =	sor.u32 s3, s0;
	s1 =	sshll.u32 s1, $0x11  }
0xbb: {  	s0 =	sor.u32 s1, s0  }
0xbc: {  	s0 =	sadd.s32 $0x8F2B, s0  }
0xbd: {  	[sflag:s0] =	ssyncadd.remote.s32 $0x1  }
0xbe: {  	_ =	sfence.sel $0xFFFF  }
0xbf: {  	[dreg:$0x0] =	wrdreg $0xFFFFFFFF;
	(pc) =	sbr.abs _section_cstart, $3  }
0xc0: {  	[dreg:$0x1] =	wrdreg $0xFFFFFFFF  }
0xc1: {  	_ =	task.clear_ibuf [dreg:s7], $0x2FFFF;
	_ =	strace $0x9FFFFFFF  }
0xc2: {  	(tm) =	ssettm $0x7FFFFFFF  }
0xc3: {  	_ =	shalt  }
tec
execute0_lowered:
.L_overlay_start_1:
0x0: {  	(tag) =	ssettag $0x1  }
0x1: {  	v2 =	vlaneseq.u32  }
0x2: {  	v0 =	vmul.u32 $0xFFFFFFFF, v2  }
0x3: {  	s3 =	rddreg [dreg:$0x0];
	v3 =	vor.u32 $0x10, v2  }
0x4: {  	s8 =	rddreg [dreg:$0x1];
	s2 =	simm.s32 $0x0;
	[tilespmem:$0x1FE10] =	vst v3;
	v3 =	vadd.s32 $0xF, v0;
	v0 =	vor.u32 $0x20, v2  }
0x5: {  	[smem:$0x7FF] =	sst s2;
	[tilespmem:$0x1FE20] =	vst v0;
	v0 =	vor.u32 $0x30, v2  }
0x6: {  	s0 =	rddreg [dreg:$0x2];
	v46 =	vor.u32 $0x1B0, v2;
	_ =	strace $0x80000047;
	[tilespmem:$0x1FE30] =	vst v0  }
0x7: {  	v45 =	vor.u32 $0x1C0, v2;
	[tilespmem:$0x1FFB0] =	vst v46  }
0x8: {  	v47 =	vor.u32 $0x1D0, v2;
	[tilespmem:$0x1FFC0] =	vst v45  }
0x9: {  	v31 =	vor.u32 $0x1F0, v2;
	[tilespmem:$0x1FFD0] =	vst v47  }
0xa: {  	v4 =	vor.u32 $0x1E0, v2;
	[tilespmem:$0x1FFE0] =	vst v31  }
0xb: {  	v0 =	vor.u32 $0x40, v2;
	[tilespmem:$0x1FFF0] =	vst v4  }
0xc: {  	[tilespmem:$0x1FE40] =	vst v0;
	v0 =	vor.u32 $0x50, v2  }
0xd: {  	[tilespmem:$0x1FE50] =	vst v0;
	v0 =	vor.u32 $0x60, v2  }
0xe: {  	[tilespmem:$0x1FE60] =	vst v0;
	v0 =	vor.u32 $0x70, v2  }
0xf: {  	[tilespmem:$0x1FE70] =	vst v0;
	v0 =	vor.u32 $0x80, v2  }
0x10: {  	[tilespmem:$0x1FE80] =	vst v0;
	v0 =	vor.u32 $0x90, v2  }
0x11: {  	[tilespmem:$0x1FE90] =	vst v0;
	v0 =	vor.u32 $0xA0, v2  }
0x12: {  	[tilespmem:$0x1FEA0] =	vst v0;
	v0 =	vor.u32 $0xB0, v2  }
0x13: {  	[tilespmem:$0x1FEB0] =	vst v0;
	v0 =	vor.u32 $0xC0, v2  }
0x14: {  	[tilespmem:$0x1FEC0] =	vst v0;
	v0 =	vor.u32 $0xD0, v2  }
0x15: {  	[tilespmem:$0x1FED0] =	vst v0;
	v0 =	vor.u32 $0xE0, v2  }
0x16: {  	[tilespmem:$0x1FEE0] =	vst v0;
	v0 =	vor.u32 $0xF0, v2  }
0x17: {  	s4 =	srdreg.scid;
	s1 =	stileid.u32;
	s14 =	simm.s32 $0x0;
	[tilespmem:$0x1FEF0] =	vst v0;
	v0 =	vor.u32 $0x100, v2  }
0x18: {  	s4 =	sand.u32 $0x1, s4;
	s5 =	sshll.u32 s1, $0x9;
	s7 =	sshrl.u32 s1, $0x1;
	[tilespmem:$0x1FF00] =	vst v0;
	v0 =	vor.u32 $0x110, v2  }
0x19: {  	s9 =	sadd.s32 $0x81200, s3;
	s11 =	sadd.s32 $0x1200, s3;
	s6 =	sshll.u32 s4, $0x8;
	[tilespmem:$0x1FF10] =	vst v0;
	v0 =	vor.u32 $0x120, v2  }
0x1a: {  	s5 =	sand.u32 $0x200, s5;
	s28 =	sshll.u32 s7, $0xC;
	s4 =	ssub.s32 $0x2, s4;
	[tilespmem:$0x1FF20] =	vst v0;
	v0 =	vor.u32 $0x130, v2  }
0x1b: {  	s7 =	sshll.u32 s7, $0x10;
	s5 =	sor.u32 s6, s5;
	s29 =	sshrl.u32 s4, $0x1;
	[tilespmem:$0x1FF30] =	vst v0;
	v0 =	vor.u32 $0x140, v2  }
0x1c: {  	s10 =	sor.u32 s28, s5;
	s30 =	sor.u32 s7, s5;
	s5 =	sor.u32 $0x80, s5;
	[tilespmem:$0x1FF40] =	vst v0;
	v0 =	vor.u32 $0x150, v2  }
0x1d: {  	s12 =	ssub.s32 s4, s29;
	s10 =	sshrl.u32 s10, $0x3;
	s6 =	sor.u32 s28, s5;
	[tilespmem:$0x1FF50] =	vst v0;
	v0 =	vor.u32 $0x160, v2  }
0x1e: {  	s7 =	sor.u32 s7, s5;
	s3 =	sadd.s32 s9, s10;
	s4 =	sadd.s32 s11, s10;
	[tilespmem:$0x1FF60] =	vst v0;
	v0 =	vor.u32 $0x170, v2  }
0x1f: {  	s10 =	sshrl.u32 s30, $0x3;
	s31 =	sshrl.u32 s6, $0x3;
	s13 =	sshrl.u32 s7, $0x3;
	[tilespmem:$0x1FF70] =	vst v0;
	v0 =	vor.u32 $0x180, v2  }
0x20: {  	s5 =	sadd.s32 s8, s10;
	s6 =	sadd.s32 s9, s31;
	s7 =	sadd.s32 s11, s31;
	[tilespmem:$0x1FF80] =	vst v0;
	v0 =	vor.u32 $0x190, v2  }
0x21: {  	s8 =	sadd.s32 s8, s13;
	s9 =	smax.u32 s12, $0x1;
	s10 =	simm.s32 $0x80;
	[tilespmem:$0x1FF90] =	vst v0;
	v0 =	vor.u32 $0x1A0, v2  }
0x22: {  	v1 =	vimm.s32 $0x0;
	s11 =	simm.s32 $0x400;
	s12 =	simm.s32 $0x1;
	s13 =	simm.s32 $0x200;
	[tilespmem:$0x1FFA0] =	vst v0  }
.LBB2_1:
0x23: {  	[tilespmem:s2], [sflag:$0x1] =	stream.strided.gather [hbm4b:s3+s10], $0x200, s11, s10, $0x38;
	[tilespmem:$0x2400] =	vst v63  }
0x24: {  	_ =	swait.ge [sflag:s12], $0x200  }
0x25: {  	[sflag:s12] =	ssyncset.done $0x0  }
0x26: {  	[sflag:s12] =	ssyncadd.s32 $0xFFFFFE00  }
0x27: {  	[tilespmem:s13], [sflag:$0x1] =	stream.strided.gather [hbm4b:s4+s10], $0x200, s11, s10, $0x38;
	[tilespmem:$0x2400] =	vst v63  }
0x28: {  	_ =	swait.ge [sflag:s12], $0x200  }
0x29: {  	[sflag:s12] =	ssyncset.done $0x0  }
0x2a: {  	s15 =	simm.s32 $0x0;
	[sflag:s12] =	ssyncadd.s32 $0xFFFFFE00  }
.LBB2_2:
0x2b: {  	p0 =	sne.s32 s15, $0x7FC0  }
.Ltmp0:
0x2c: {  	_ = 	snop;
	(pc) =	sbr.rel @p0 .LBB2_2-.Ltmp0, $3  }
0x2d: {  	_ =	sdelay $0x1  }
0x2e: {  	s16 =	sshra.s32 s15, $0x2  }
0x2f: {  	s15 =	sadd.s32 $0x40, s15;
	[tilespmem:s16+$0x400] =	vst v1  }
0x30: {  	s15 =	simm.s32 $0x0  }
.LBB2_4:
0x31: {  	s16 =	sand.u32 $0x1F0, s15;
	v12 =	vld [tilespmem:$0x0]  }
0x32: {  	v58 =	vld [tilespmem:s16+$0x0]  }
0x33: {  	v52 =	vld [tilespmem:s16+$0x200]  }
0x34: {  	v56 =	vld [tilespmem:$0x200]  }
0x35: {  	v6 =	vld [tilespmem:$0x10]  }
0x36: {  	s26 =	sand.u32 $0xC, s15;
	v5 =	vld [tilespmem:$0x210]  }
0x37: {  	v2 =	vmov s26  }
0x38: {  	v0 =	vperm.xlane v58, v2;
	v2 =	vperm.xlane v52, v2;
	_ =	sdelay $0x1  }
0x39: {  	v34 =	vsub.f32 v12, v0;
	v35 =	vsub.f32 v56, v2  }
0x3a: {  	[tilespmem:$0x1FB10] =	vst v5;
	v36 =	vsub.f32 v6, v0;
	v37 =	vsub.f32 v5, v2;
	v5 =	vld [tilespmem:$0x1FE10]  }
0x3b: {  	v34 =	vmul.f32 v34, v34;
	v38 =	vmul.f32 v35, v35  }
0x3c: {  	v36 =	vmul.f32 v36, v36;
	v37 =	vmul.f32 v37, v37  }
0x3d: {  	v11 =	vlaneseq.u32;
	v35 =	vmov s15;
	v34 =	vadd.f32 v38, v34  }
0x3e: {  	vm0 =	veq.s32 v35, v11;
	v36 =	vadd.f32 v37, v36  }
0x3f: {  	vm5 =	veq.s32 v35, v5;
	v34 =	vsel vm0, $0x7F7FC99E, v34  }
0x40: {  	v15 =	vsel vm5, $0x7F7FC99E, v36;
	(xrf1) =	vsort.ascd.msk.f32 $0xffff, v34, v11  }
0x41: {  	(xrf1) =	vsort.ascd.msk.f32 $0xffff, v15, v5;
	_ =	sdelay $0x4  }
0x42: {  	v63 =	vld [tilespmem:$0x20]  }
0x43: {  	v7 =	vld [tilespmem:$0x30]  }
0x44: {  	v20 =	vld [tilespmem:$0x230]  }
0x45: {  	v5 =	vld [tilespmem:$0x220];
	_ =	sdelay $0x2  }
0x46: {  	v39 =	vsub.f32 v63, v0  }
0x47: {  	v41 =	vsub.f32 v7, v0;
	v42 =	vsub.f32 v20, v2  }
0x48: {  	v39 =	vmul.f32 v39, v39;
	v11 =	vmov v4;
	v4 =	vld [tilespmem:$0x1FE20];
	v40 =	vsub.f32 v5, v2;
	v16, v36, _ =	vpop (xrf1)  }
0x49: {  	v41 =	vmul.f32 v41, v41;
	v42 =	vmul.f32 v42, v42;
	[tilespmem:$0x1FB20] =	vst v5;
	v5 =	vld [tilespmem:$0x1FE30];
	v18, v17, _ =	vpop (xrf1)  }
0x4a: {  	v40 =	vmul.f32 v40, v40;
	v37 =	vperm.xlane v18, v3  }
0x4b: {  	v38 =	vperm.xlane v17, v3  }
0x4c: {  	v21 =	vadd.f32 v42, v41;
	v19 =	vadd.f32 v40, v39;
	vm6 =	vle.f32 v16, v37  }
0x4d: {  	vm7 =	veq.s32 v35, v4;
	v34 =	vmin.f32 v16, v37;
	v36 =	vsel vm6, v36, v38  }
0x4e: {  	vm8 =	veq.s32 v35, v5;
	v22 =	vsel vm7, $0x7F7FC99E, v19;
	(xrf1) =	vsort.ascd.msk.f32 $0xffff, v34, v36  }
0x4f: {  	v23 =	vsel vm8, $0x7F7FC99E, v21;
	(xrf1) =	vsort.ascd.msk.f32 $0xffff, v22, v4  }
0x50: {  	(xrf1) =	vsort.ascd.msk.f32 $0xffff, v23, v5;
	_ =	sdelay $0xb  }
0x51: {  	v24, v36, _ =	vpop (xrf1)  }
0x52: {  	v25, v26, _ =	vpop (xrf1)  }
0x53: {  	v39, v40, _ =	vpop (xrf1)  }
0x54: {  	v39 =	vperm.xlane v39, v3  }
0x55: {  	v40 =	vperm.xlane v40, v3  }
0x56: {  	vm9 =	vle.f32 v25, v39  }
0x57: {  	v37 =	vmin.f32 v25, v39;
	v38 =	vsel vm9, v26, v40  }
0x58: {  	(xrf1) =	vsort.ascd.msk.f32 $0xffff, v37, v38;
	_ =	sdelay $0x5  }
0x59: {  	v9 =	vld [tilespmem:$0x40]  }
0x5a: {  	v8 =	vld [tilespmem:$0x250]  }
0x5b: {  	v10 =	vld [tilespmem:$0x240]  }
0x5c: {  	[tilespmem:$0x1FB30] =	vst v7;
	v7 =	vld [tilespmem:$0x50];
	_ =	sdelay $0x2  }
0x5d: {  	v13 =	vld [tilespmem:$0x1FE40];
	v27 =	vsub.f32 v9, v0;
	v48 =	vsub.f32 v8, v2  }
0x5e: {  	v32 =	vsub.f32 v10, v2  }
0x5f: {  	v14 =	vld [tilespmem:$0x1FE50];
	v42 =	vmul.f32 v48, v48;
	v33 =	vsub.f32 v7, v0;
	v39 =	vmul.f32 v27, v27;
	v37, v38, _ =	vpop (xrf1)  }
0x60: {  	v40 =	vmul.f32 v32, v32;
	v37 =	vperm.xlane v37, v3  }
0x61: {  	v41 =	vmul.f32 v33, v33;
	v38 =	vperm.xlane v38, v3  }
0x62: {  	vm11 =	veq.s32 v35, v13;
	v49 =	vadd.f32 v40, v39;
	vm10 =	vle.f32 v24, v37  }
0x63: {  	v50 =	vadd.f32 v42, v41;
	v34 =	vmin.f32 v24, v37;
	v36 =	vsel vm10, v36, v38  }
0x64: {  	vm12 =	veq.s32 v35, v14;
	v51 =	vsel vm11, $0x7F7FC99E, v49;
	(xrf1) =	vsort.ascd.msk.f32 $0xffff, v34, v36  }
0x65: {  	v53 =	vsel vm12, $0x7F7FC99E, v50;
	(xrf1) =	vsort.ascd.msk.f32 $0xffff, v51, v13  }
0x66: {  	(xrf1) =	vsort.ascd.msk.f32 $0xffff, v53, v14;
	_ =	sdelay $0x5  }
0x67: {  	v54 =	vld [tilespmem:$0x60]  }
0x68: {  	v55 =	vld [tilespmem:$0x270]  }
0x69: {  	v32 =	vld [tilespmem:$0x260]  }
0x6a: {  	[tilespmem:$0x1FB60] =	vst v7;
	v7 =	vld [tilespmem:$0x70];
	_ =	sdelay $0x2  }
0x6b: {  	v61 =	vsub.f32 v54, v0;
	v44 =	vsub.f32 v55, v2;
	v15 =	vld [tilespmem:$0x1FE60];
	v57, v36, _ =	vpop (xrf1)  }
0x6c: {  	v62 =	vsub.f32 v32, v2;
	v59, v60, _ =	vpop (xrf1)  }
0x6d: {  	v44 =	vmul.f32 v44, v44;
	v41 =	vmul.f32 v61, v61;
	v43 =	vsub.f32 v7, v0;
	v16 =	vld [tilespmem:$0x1FE70];
	v39, v40, _ =	vpop (xrf1)  }
0x6e: {  	v42 =	vmul.f32 v62, v62;
	v39 =	vperm.xlane v39, v3  }
0x6f: {  	v43 =	vmul.f32 v43, v43;
	v40 =	vperm.xlane v40, v3  }
0x70: {  	[tilespmem:$0x1FB70] =	vst v8;
	vm14 =	veq.s32 v35, v15;
	v8 =	vadd.f32 v42, v41;
	vm13 =	vle.f32 v59, v39  }
0x71: {  	[tilespmem:$0x1FB40] =	vst v9;
	v9 =	vadd.f32 v44, v43;
	v37 =	vmin.f32 v59, v39;
	v38 =	vsel vm13, v60, v40  }
0x72: {  	[tilespmem:$0x1FB50] =	vst v10;
	vm15 =	veq.s32 v35, v16;
	v10 =	vsel vm14, $0x7F7FC99E, v8;
	(xrf1) =	vsort.ascd.msk.f32 $0xffff, v37, v38  }
0x73: {  	v21 =	vsel vm15, $0x7F7FC99E, v9;
	(xrf1) =	vsort.ascd.msk.f32 $0xffff, v10, v15  }
0x74: {  	(xrf1) =	vsort.ascd.msk.f32 $0xffff, v21, v16;
	_ =	sdelay $0xb  }
0x75: {  	v22, v38, _ =	vpop (xrf1)  }
0x76: {  	v23, v24, _ =	vpop (xrf1)  }
0x77: {  	v41, v42, _ =	vpop (xrf1)  }
0x78: {  	v41 =	vperm.xlane v41, v3  }
0x79: {  	v42 =	vperm.xlane v42, v3  }
0x7a: {  	vm4 =	vle.f32 v23, v41  }
0x7b: {  	v39 =	vmin.f32 v23, v41;
	v40 =	vsel vm4, v24, v42  }
0x7c: {  	(xrf1) =	vsort.ascd.msk.f32 $0xffff, v39, v40;
	_ =	sdelay $0xd  }
0x7d: {  	v39, v40, _ =	vpop (xrf1)  }
0x7e: {  	v39 =	vperm.xlane v39, v3  }
0x7f: {  	v40 =	vperm.xlane v40, v3  }
0x80: {  	vm5 =	vle.f32 v22, v39  }
0x81: {  	v37 =	vmin.f32 v22, v39;
	v38 =	vsel vm5, v38, v40  }
0x82: {  	(xrf1) =	vsort.ascd.msk.f32 $0xffff, v37, v38;
	_ =	sdelay $0x5  }
0x83: {  	[tilespmem:$0x1FB90] =	vst v7;
	v7 =	vld [tilespmem:$0x90]  }
0x84: {  	v25 =	vld [tilespmem:$0x80]  }
0x85: {  	v26 =	vld [tilespmem:$0x280]  }
0x86: {  	v27 =	vld [tilespmem:$0x290];
	_ =	sdelay $0x2  }
0x87: {  	v17 =	vld [tilespmem:$0x1FE80];
	v33 =	vsub.f32 v25, v0;
	v49 =	vsub.f32 v7, v0  }
0x88: {  	v48 =	vsub.f32 v26, v2  }
0x89: {  	v18 =	vld [tilespmem:$0x1FE90];
	v50 =	vsub.f32 v27, v2;
	v41 =	vmul.f32 v49, v49;
	v39 =	vmul.f32 v33, v33;
	v37, v38, _ =	vpop (xrf1)  }
0x8a: {  	v40 =	vmul.f32 v48, v48;
	v37 =	vperm.xlane v37, v3  }
0x8b: {  	v42 =	vmul.f32 v50, v50;
	v38 =	vperm.xlane v38, v3  }
0x8c: {  	vm7 =	veq.s32 v35, v17;
	v51 =	vadd.f32 v40, v39;
	vm6 =	vle.f32 v57, v37  }
0x8d: {  	v53 =	vadd.f32 v42, v41;
	v34 =	vmin.f32 v57, v37;
	v36 =	vsel vm6, v36, v38  }
0x8e: {  	[tilespmem:$0x1FB80] =	vst v54;
	vm8 =	veq.s32 v35, v18;
	v54 =	vsel vm7, $0x7F7FC99E, v51;
	(xrf1) =	vsort.ascd.msk.f32 $0xffff, v34, v36  }
0x8f: {  	[tilespmem:$0x1FBA0] =	vst v55;
	v55 =	vsel vm8, $0x7F7FC99E, v53;
	(xrf1) =	vsort.ascd.msk.f32 $0xffff, v54, v17  }
0x90: {  	(xrf1) =	vsort.ascd.msk.f32 $0xffff, v55, v18;
	_ =	sdelay $0x4  }
0x91: {  	[tilespmem:$0x1FBD0] =	vst v7;
	v7 =	vld [tilespmem:$0xB0];
	_ =	sdelay $0x1  }
0x92: {  	v59 =	vld [tilespmem:$0x2A0]  }
0x93: {  	v57 =	vld [tilespmem:$0xA0]  }
0x94: {  	v60 =	vld [tilespmem:$0x2B0]  }
0x95: {  	v19 =	vsub.f32 v7, v0;
	_ =	sdelay $0x1  }
0x96: {  	v43 =	vmul.f32 v19, v19;
	v19 =	vld [tilespmem:$0x1FEA0];
	v10 =	vsub.f32 v59, v2;
	v36, v34, _ =	vpop (xrf1)  }
0x97: {  	v9 =	vsub.f32 v57, v0;
	v61, v62, _ =	vpop (xrf1)  }
0x98: {  	[tilespmem:$0x1FC20] =	vst v60;
	v21 =	vsub.f32 v60, v2;
	v60 =	vld [tilespmem:$0x1FEB0];
	v42 =	vmul.f32 v10, v10;
	v39, v40, _ =	vpop (xrf1)  }
0x99: {  	v41 =	vmul.f32 v9, v9;
	v39 =	vperm.xlane v39, v3  }
0x9a: {  	v44 =	vmul.f32 v21, v21;
	v40 =	vperm.xlane v40, v3  }
0x9b: {  	vm10 =	veq.s32 v35, v19;
	v22 =	vadd.f32 v42, v41;
	vm9 =	vle.f32 v61, v39  }
0x9c: {  	v23 =	vadd.f32 v44, v43;
	v37 =	vmin.f32 v61, v39;
	v38 =	vsel vm9, v62, v40  }
0x9d: {  	vm11 =	veq.s32 v35, v60;
	v24 =	vsel vm10, $0x7F7FC99E, v22;
	(xrf1) =	vsort.ascd.msk.f32 $0xffff, v37, v38  }
0x9e: {  	[tilespmem:$0x1FBB0] =	vst v25;
	v25 =	vsel vm11, $0x7F7FC99E, v23;
	(xrf1) =	vsort.ascd.msk.f32 $0xffff, v24, v19  }
0x9f: {  	(xrf1) =	vsort.ascd.msk.f32 $0xffff, v25, v60;
	_ =	sdelay $0xb  }
0xa0: {  	[tilespmem:$0x1FBC0] =	vst v26;
	v26, v38, _ =	vpop (xrf1)  }
0xa1: {  	[tilespmem:$0x1FBE0] =	vst v27;
	v27, v33, _ =	vpop (xrf1)  }
0xa2: {  	v41, v42, _ =	vpop (xrf1)  }
0xa3: {  	v41 =	vperm.xlane v41, v3  }
0xa4: {  	v42 =	vperm.xlane v42, v3  }
0xa5: {  	vm12 =	vle.f32 v27, v41  }
0xa6: {  	v39 =	vmin.f32 v27, v41;
	v40 =	vsel vm12, v33, v42  }
0xa7: {  	(xrf1) =	vsort.ascd.msk.f32 $0xffff, v39, v40;
	_ =	sdelay $0x4  }
0xa8: {  	[tilespmem:$0x1FC10] =	vst v7;
	v7 =	vld [tilespmem:$0xD0]  }
0xa9: {  	v49 =	vld [tilespmem:$0x2D0]  }
0xaa: {  	v48 =	vld [tilespmem:$0xC0]  }
0xab: {  	v21 =	vld [tilespmem:$0x2C0];
	_ =	sdelay $0x2  }
0xac: {  	v53 =	vsub.f32 v7, v0  }
0xad: {  	v50 =	vsub.f32 v48, v0;
	v54 =	vsub.f32 v49, v2  }
0xae: {  	v43 =	vmul.f32 v53, v53;
	v51 =	vsub.f32 v21, v2;
	v22 =	vld [tilespmem:$0x1FEC0]  }
0xaf: {  	v23 =	vld [tilespmem:$0x1FED0];
	v44 =	vmul.f32 v54, v54;
	v41 =	vmul.f32 v50, v50;
	v39, v40, _ =	vpop (xrf1)  }
0xb0: {  	v42 =	vmul.f32 v51, v51;
	v39 =	vperm.xlane v39, v3  }
0xb1: {  	v40 =	vperm.xlane v40, v3  }
0xb2: {  	[tilespmem:$0x1FBF0] =	vst v57;
	v57 =	vadd.f32 v44, v43;
	v55 =	vadd.f32 v42, v41;
	vm13 =	vle.f32 v26, v39  }
0xb3: {  	vm14 =	veq.s32 v35, v22;
	v37 =	vmin.f32 v26, v39;
	v38 =	vsel vm13, v38, v40  }
0xb4: {  	[tilespmem:$0x1FC00] =	vst v59;
	vm15 =	veq.s32 v35, v23;
	v59 =	vsel vm14, $0x7F7FC99E, v55;
	(xrf1) =	vsort.ascd.msk.f32 $0xffff, v37, v38  }
0xb5: {  	v61 =	vsel vm15, $0x7F7FC99E, v57;
	(xrf1) =	vsort.ascd.msk.f32 $0xffff, v59, v22  }
0xb6: {  	(xrf1) =	vsort.ascd.msk.f32 $0xffff, v61, v23;
	_ =	sdelay $0x9  }
0xb7: {  	v30 =	vld [tilespmem:$0xE0]  }
0xb8: {  	[tilespmem:$0x1FA00] =	vst v48;
	v48 =	vld [tilespmem:$0x2F0]  }
0xb9: {  	v44 =	vld [tilespmem:$0x2E0];
	v62, v38, _ =	vpop (xrf1)  }
0xba: {  	[tilespmem:$0x1FC40] =	vst v7;
	v7 =	vld [tilespmem:$0xF0];
	v27, v33, _ =	vpop (xrf1)  }
0xbb: {  	v41, v42, _ =	vpop (xrf1)  }
0xbc: {  	v41 =	vperm.xlane v41, v3  }
0xbd: {  	v53 =	vsub.f32 v48, v2;
	v42 =	vperm.xlane v42, v3  }
0xbe: {  	[tilespmem:$0x1FC50] =	vst v49;
	v49 =	vsub.f32 v30, v0;
	v24 =	vld [tilespmem:$0x1FEE0];
	v50 =	vsub.f32 v44, v2;
	vm4 =	vle.f32 v27, v41  }
0xbf: {  	v25 =	vld [tilespmem:$0x1FEF0];
	v51 =	vsub.f32 v7, v0;
	v39 =	vmin.f32 v27, v41;
	v40 =	vsel vm4, v33, v42  }
0xc0: {  	(xrf1) =	vsort.ascd.msk.f32 $0xffff, v39, v40;
	v39 =	vmul.f32 v49, v49;
	v40 =	vmul.f32 v50, v50  }
0xc1: {  	v41 =	vmul.f32 v51, v51;
	v42 =	vmul.f32 v53, v53  }
0xc2: {  	v39 =	vadd.f32 v40, v39  }
0xc3: {  	vm5 =	veq.s32 v35, v24;
	v54 =	vadd.f32 v42, v41  }
0xc4: {  	vm6 =	veq.s32 v35, v25;
	v39 =	vsel vm5, $0x7F7FC99E, v39  }
0xc5: {  	v55 =	vsel vm6, $0x7F7FC99E, v54;
	(xrf1) =	vsort.ascd.msk.f32 $0xffff, v39, v24  }
0xc6: {  	(xrf1) =	vsort.ascd.msk.f32 $0xffff, v55, v25;
	_ =	sdelay $0xb  }
0xc7: {  	v57, v40, _ =	vpop (xrf1)  }
0xc8: {  	v41, v42, _ =	vpop (xrf1)  }
0xc9: {  	[tilespmem:$0x1FC70] =	vst v44;
	v43, v44, _ =	vpop (xrf1)  }
0xca: {  	v43 =	vperm.xlane v43, v3  }
0xcb: {  	v44 =	vperm.xlane v44, v3  }
0xcc: {  	vm7 =	vle.f32 v41, v43  }
0xcd: {  	v41 =	vmin.f32 v41, v43;
	v42 =	vsel vm7, v42, v44  }
0xce: {  	(xrf1) =	vsort.ascd.msk.f32 $0xffff, v41, v42;
	_ =	sdelay $0xd  }
0xcf: {  	v41, v42, _ =	vpop (xrf1)  }
0xd0: {  	v41 =	vperm.xlane v41, v3  }
0xd1: {  	v42 =	vperm.xlane v42, v3  }
0xd2: {  	vm8 =	vle.f32 v57, v41  }
0xd3: {  	v39 =	vmin.f32 v57, v41;
	v40 =	vsel vm8, v40, v42  }
0xd4: {  	(xrf1) =	vsort.ascd.msk.f32 $0xffff, v39, v40;
	_ =	sdelay $0xd  }
0xd5: {  	v39, v40, _ =	vpop (xrf1)  }
0xd6: {  	v39 =	vperm.xlane v39, v3  }
0xd7: {  	v40 =	vperm.xlane v40, v3  }
0xd8: {  	vm9 =	vle.f32 v62, v39  }
0xd9: {  	v37 =	vmin.f32 v62, v39;
	v38 =	vsel vm9, v38, v40  }
0xda: {  	(xrf1) =	vsort.ascd.msk.f32 $0xffff, v37, v38;
	_ =	sdelay $0x4  }
0xdb: {  	v61 =	vld [tilespmem:$0x300];
	_ =	sdelay $0x1  }
0xdc: {  	[tilespmem:$0x1FC80] =	vst v7;
	v7 =	vld [tilespmem:$0x110]  }
0xdd: {  	v59 =	vld [tilespmem:$0x100]  }
0xde: {  	v62 =	vld [tilespmem:$0x310]  }
0xdf: {  	v26 =	vsub.f32 v61, v2;
	_ =	sdelay $0x1  }
0xe0: {  	v27 =	vsub.f32 v7, v0;
	v40 =	vmul.f32 v26, v26;
	v26 =	vld [tilespmem:$0x1FF00]  }
0xe1: {  	v9 =	vsub.f32 v59, v0  }
0xe2: {  	v41 =	vmul.f32 v27, v27;
	v27 =	vld [tilespmem:$0x1FF10];
	v33 =	vsub.f32 v62, v2;
	v37, v38, _ =	vpop (xrf1)  }
0xe3: {  	v39 =	vmul.f32 v9, v9;
	v37 =	vperm.xlane v37, v3  }
0xe4: {  	v42 =	vmul.f32 v33, v33;
	v38 =	vperm.xlane v38, v3  }
0xe5: {  	v40 =	vadd.f32 v40, v39;
	vm11 =	veq.s32 v35, v26;
	vm10 =	vle.f32 v36, v37  }
0xe6: {  	v43 =	vadd.f32 v42, v41;
	v36 =	vmin.f32 v36, v37;
	v34 =	vsel vm10, v34, v38  }
0xe7: {  	vm12 =	veq.s32 v35, v27;
	v44 =	vsel vm11, $0x7F7FC99E, v40;
	(xrf1) =	vsort.ascd.msk.f32 $0xffff, v36, v34  }
0xe8: {  	[tilespmem:$0x1FC90] =	vst v48;
	v48 =	vsel vm12, $0x7F7FC99E, v43;
	(xrf1) =	vsort.ascd.msk.f32 $0xffff, v44, v26  }
0xe9: {  	(xrf1) =	vsort.ascd.msk.f32 $0xffff, v48, v27;
	_ =	sdelay $0x5  }
0xea: {  	v49 =	vld [tilespmem:$0x120]  }
0xeb: {  	v50 =	vld [tilespmem:$0x320]  }
0xec: {  	[tilespmem:$0x1FA10] =	vst v7;
	v7 =	vld [tilespmem:$0x130]  }
0xed: {  	v51 =	vld [tilespmem:$0x330];
	_ =	sdelay $0x2  }
0xee: {  	v28 =	vld [tilespmem:$0x1FF20];
	v9 =	vsub.f32 v50, v2;
	[tilespmem:$0x1FCC0] =	vst v62;
	v62 =	vsub.f32 v49, v0;
	v57, v55, _ =	vpop (xrf1)  }
0xef: {  	[tilespmem:$0x1FCA0] =	vst v59;
	v10 =	vsub.f32 v7, v0;
	v54, v53, _ =	vpop (xrf1)  }
0xf0: {  	v29 =	vld [tilespmem:$0x1FF30];
	[tilespmem:$0x1FCB0] =	vst v61;
	v33 =	vsub.f32 v51, v2;
	v39 =	vmul.f32 v62, v62;
	v40 =	vmul.f32 v9, v9;
	v59, v61, _ =	vpop (xrf1)  }
0xf1: {  	v41 =	vmul.f32 v10, v10;
	v37 =	vperm.xlane v59, v3  }
0xf2: {  	v42 =	vmul.f32 v33, v33;
	v38 =	vperm.xlane v61, v3  }
0xf3: {  	vm14 =	veq.s32 v35, v28;
	v44 =	vadd.f32 v40, v39;
	vm13 =	vle.f32 v54, v37  }
0xf4: {  	v48 =	vadd.f32 v42, v41;
	v34 =	vmin.f32 v54, v37;
	v36 =	vsel vm13, v53, v38  }
0xf5: {  	vm15 =	veq.s32 v35, v29;
	[tilespmem:$0x1FCD0] =	vst v49;
	v49 =	vsel vm14, $0x7F7FC99E, v44;
	(xrf1) =	vsort.ascd.msk.f32 $0xffff, v34, v36  }
0xf6: {  	[tilespmem:$0x1FCE0] =	vst v50;
	v50 =	vsel vm15, $0x7F7FC99E, v48;
	(xrf1) =	vsort.ascd.msk.f32 $0xffff, v49, v28  }
0xf7: {  	(xrf1) =	vsort.ascd.msk.f32 $0xffff, v50, v29;
	_ =	sdelay $0xb  }
0xf8: {  	[tilespmem:$0x1FD00] =	vst v51;
	v51, v36, _ =	vpop (xrf1)  }
0xf9: {  	v53, v54, _ =	vpop (xrf1)  }
0xfa: {  	v39, v40, _ =	vpop (xrf1)  }
0xfb: {  	v39 =	vperm.xlane v39, v3  }
0xfc: {  	v40 =	vperm.xlane v40, v3  }
0xfd: {  	vm4 =	vle.f32 v53, v39  }
0xfe: {  	v37 =	vmin.f32 v53, v39;
	v38 =	vsel vm4, v54, v40  }
0xff: {  	(xrf1) =	vsort.ascd.msk.f32 $0xffff, v37, v38;
	_ =	sdelay $0x4  }
0x100: {  	[tilespmem:$0x1FCF0] =	vst v7;
	v7 =	vld [tilespmem:$0x150];
	_ =	sdelay $0x1  }
0x101: {  	v59 =	vld [tilespmem:$0x140]  }
0x102: {  	v61 =	vld [tilespmem:$0x340]  }
0x103: {  	v62 =	vld [tilespmem:$0x350]  }
0x104: {  	v33 =	vsub.f32 v7, v0;
	_ =	sdelay $0x1  }
0x105: {  	v41 =	vmul.f32 v33, v33;
	v33 =	vld [tilespmem:$0x1FF40];
	v9 =	vsub.f32 v59, v0  }
0x106: {  	v10 =	vsub.f32 v61, v2  }
0x107: {  	v48 =	vsub.f32 v62, v2;
	v39 =	vmul.f32 v9, v9;
	v54 =	vld [tilespmem:$0x1FF50];
	v37, v38, _ =	vpop (xrf1)  }
0x108: {  	v40 =	vmul.f32 v10, v10;
	v37 =	vperm.xlane v37, v3  }
0x109: {  	v42 =	vmul.f32 v48, v48;
	v38 =	vperm.xlane v38, v3  }
0x10a: {  	vm6 =	veq.s32 v35, v33;
	v49 =	vadd.f32 v40, v39;
	vm5 =	vle.f32 v51, v37  }
0x10b: {  	v50 =	vadd.f32 v42, v41;
	v34 =	vmin.f32 v51, v37;
	v36 =	vsel vm5, v36, v38  }
0x10c: {  	vm7 =	veq.s32 v35, v54;
	v51 =	vsel vm6, $0x7F7FC99E, v49;
	(xrf1) =	vsort.ascd.msk.f32 $0xffff, v34, v36  }
0x10d: {  	v53 =	vsel vm7, $0x7F7FC99E, v50;
	(xrf1) =	vsort.ascd.msk.f32 $0xffff, v51, v33  }
0x10e: {  	(xrf1) =	vsort.ascd.msk.f32 $0xffff, v53, v54;
	_ =	sdelay $0x2  }
0x10f: {  	[tilespmem:$0x1FD30] =	vst v7;
	v7 =	vld [tilespmem:$0x170]  }
0x110: {  	[tilespmem:$0x1FD10] =	vst v59;
	v59 =	vld [tilespmem:$0x160]  }
0x111: {  	[tilespmem:$0x1FD40] =	vst v62;
	v62 =	vld [tilespmem:$0x370];
	_ =	sdelay $0x2  }
0x112: {  	[tilespmem:$0x1FD20] =	vst v61;
	v61 =	vld [tilespmem:$0x360]  }
0x113: {  	v50 =	vsub.f32 v59, v0  }
0x114: {  	[tilespmem:$0x1FD50] =	vst v59;
	v59 =	vsub.f32 v62, v2;
	v53 =	vsub.f32 v7, v0;
	_ =	sdelay $0x1  }
0x115: {  	v44 =	vmul.f32 v59, v59;
	v43 =	vmul.f32 v53, v53;
	v34, v36, _ =	vpop (xrf1)  }
0x116: {  	[tilespmem:$0x1FD60] =	vst v7;
	v51 =	vsub.f32 v61, v2;
	v7 =	vld [tilespmem:$0x1FF60];
	v48, v49, _ =	vpop (xrf1)  }
0x117: {  	[tilespmem:$0x1FD70] =	vst v62;
	v41 =	vmul.f32 v50, v50;
	v62 =	vadd.f32 v44, v43;
	v43 =	vld [tilespmem:$0x1FF70];
	v39, v40, _ =	vpop (xrf1)  }
0x118: {  	v42 =	vmul.f32 v51, v51;
	v39 =	vperm.xlane v39, v3  }
0x119: {  	v40 =	vperm.xlane v40, v3  }
0x11a: {  	[tilespmem:$0x1FA20] =	vst v61;
	v61 =	vadd.f32 v42, v41;
	vm8 =	vle.f32 v48, v39  }
0x11b: {  	vm9 =	veq.s32 v35, v7;
	v37 =	vmin.f32 v48, v39;
	v38 =	vsel vm8, v49, v40  }
0x11c: {  	v8 =	vsel vm9, $0x7F7FC99E, v61;
	vm10 =	veq.s32 v35, v43;
	(xrf1) =	vsort.ascd.msk.f32 $0xffff, v37, v38  }
0x11d: {  	v9 =	vsel vm10, $0x7F7FC99E, v62;
	(xrf1) =	vsort.ascd.msk.f32 $0xffff, v8, v7  }
0x11e: {  	(xrf1) =	vsort.ascd.msk.f32 $0xffff, v9, v43;
	_ =	sdelay $0xb  }
0x11f: {  	v10, v38, _ =	vpop (xrf1)  }
0x120: {  	v48, v49, _ =	vpop (xrf1)  }
0x121: {  	v41, v42, _ =	vpop (xrf1)  }
0x122: {  	v41 =	vperm.xlane v41, v3  }
0x123: {  	v42 =	vperm.xlane v42, v3  }
0x124: {  	vm11 =	vle.f32 v48, v41  }
0x125: {  	v39 =	vmin.f32 v48, v41;
	v40 =	vsel vm11, v49, v42  }
0x126: {  	(xrf1) =	vsort.ascd.msk.f32 $0xffff, v39, v40;
	_ =	sdelay $0xd  }
0x127: {  	v39, v40, _ =	vpop (xrf1)  }
0x128: {  	v39 =	vperm.xlane v39, v3  }
0x129: {  	v40 =	vperm.xlane v40, v3  }
0x12a: {  	vm12 =	vle.f32 v10, v39  }
0x12b: {  	v37 =	vmin.f32 v10, v39;
	v38 =	vsel vm12, v38, v40  }
0x12c: {  	(xrf1) =	vsort.ascd.msk.f32 $0xffff, v37, v38;
	_ =	sdelay $0x5  }
0x12d: {  	v50 =	vld [tilespmem:$0x180]  }
0x12e: {  	v7 =	vld [tilespmem:$0x190]  }
0x12f: {  	v51 =	vld [tilespmem:$0x380]  }
0x130: {  	v53 =	vld [tilespmem:$0x390];
	_ =	sdelay $0x2  }
0x131: {  	v59 =	vsub.f32 v50, v0;
	v44 =	vld [tilespmem:$0x1FF80];
	v62 =	vsub.f32 v7, v0  }
0x132: {  	v61 =	vsub.f32 v51, v2  }
0x133: {  	v8 =	vsub.f32 v53, v2;
	[tilespmem:$0x1FDA0] =	vst v7;
	v7 =	vld [tilespmem:$0x1FF90];
	v41 =	vmul.f32 v62, v62;
	v39 =	vmul.f32 v59, v59;
	v37, v38, _ =	vpop (xrf1)  }
0x134: {  	v40 =	vmul.f32 v61, v61;
	v37 =	vperm.xlane v37, v3  }
0x135: {  	v42 =	vmul.f32 v8, v8;
	v38 =	vperm.xlane v38, v3  }
0x136: {  	vm14 =	veq.s32 v35, v44;
	v9 =	vadd.f32 v40, v39;
	vm13 =	vle.f32 v34, v37  }
0x137: {  	v10 =	vadd.f32 v42, v41;
	v34 =	vmin.f32 v34, v37;
	v36 =	vsel vm13, v36, v38  }
0x138: {  	vm15 =	veq.s32 v35, v7;
	v39 =	vsel vm14, $0x7F7FC99E, v9;
	(xrf1) =	vsort.ascd.msk.f32 $0xffff, v34, v36  }
0x139: {  	v40 =	vsel vm15, $0x7F7FC99E, v10;
	(xrf1) =	vsort.ascd.msk.f32 $0xffff, v39, v44  }
0x13a: {  	(xrf1) =	vsort.ascd.msk.f32 $0xffff, v40, v7;
	_ =	sdelay $0x4  }
0x13b: {  	v8 =	vld [tilespmem:$0x3B0]  }
0x13c: {  	v41 =	vld [tilespmem:$0x1A0]  }
0x13d: {  	v42 =	vld [tilespmem:$0x3A0]  }
0x13e: {  	v7 =	vld [tilespmem:$0x1B0];
	_ =	sdelay $0x1  }
0x13f: {  	[tilespmem:$0x1FD80] =	vst v50  }
0x140: {  	[tilespmem:$0x1FD90] =	vst v51  }
0x141: {  	[tilespmem:$0x1FDB0] =	vst v53;
	v50 =	vsub.f32 v8, v2;
	v9 =	vsub.f32 v41, v0;
	v51, v53, _ =	vpop (xrf1)  }
0x142: {  	v48 =	vsub.f32 v42, v2;
	[tilespmem:$0x1FDC0] =	vst v7;
	v49 =	vsub.f32 v7, v0;
	v7 =	vld [tilespmem:$0x1FFA0];
	v59, v36, _ =	vpop (xrf1)  }
0x143: {  	[tilespmem:$0x1FA40] =	vst v42;
	v42 =	vmul.f32 v50, v50;
	v39 =	vmul.f32 v9, v9;
	v61, v62, _ =	vpop (xrf1)  }
0x144: {  	v40 =	vmul.f32 v48, v48;
	v37 =	vperm.xlane v61, v3  }
0x145: {  	[tilespmem:$0x1FA30] =	vst v41;
	v41 =	vmul.f32 v49, v49;
	v38 =	vperm.xlane v62, v3  }
0x146: {  	vm4 =	vle.f32 v59, v37;
	v34 =	vmin.f32 v59, v37;
	v59 =	vadd.f32 v40, v39  }
0x147: {  	vm5 =	veq.s32 v35, v7;
	v61 =	vadd.f32 v42, v41;
	v36 =	vsel vm4, v36, v38  }
0x148: {  	vm6 =	veq.s32 v35, v46;
	(xrf1) =	vsort.ascd.msk.f32 $0xffff, v34, v36;
	v62 =	vsel vm5, $0x7F7FC99E, v59  }
0x149: {  	[tilespmem:$0x1FA50] =	vst v8;
	v8 =	vsel vm6, $0x7F7FC99E, v61;
	(xrf1) =	vsort.ascd.msk.f32 $0xffff, v62, v7  }
0x14a: {  	(xrf1) =	vsort.ascd.msk.f32 $0xffff, v8, v46;
	_ =	sdelay $0xb  }
0x14b: {  	v34, v36, _ =	vpop (xrf1)  }
0x14c: {  	v9, v10, _ =	vpop (xrf1)  }
0x14d: {  	v39, v40, _ =	vpop (xrf1)  }
0x14e: {  	v39 =	vperm.xlane v39, v3  }
0x14f: {  	v40 =	vperm.xlane v40, v3  }
0x150: {  	vm7 =	vle.f32 v9, v39  }
0x151: {  	v37 =	vmin.f32 v9, v39;
	v38 =	vsel vm7, v10, v40  }
0x152: {  	(xrf1) =	vsort.ascd.msk.f32 $0xffff, v37, v38;
	_ =	sdelay $0x5  }
0x153: {  	v41 =	vld [tilespmem:$0x1C0]  }
0x154: {  	v42 =	vld [tilespmem:$0x3C0]  }
0x155: {  	v7 =	vld [tilespmem:$0x1D0]  }
0x156: {  	v46 =	vld [tilespmem:$0x3D0];
	_ =	sdelay $0x2  }
0x157: {  	v59 =	vsub.f32 v41, v0;
	v62 =	vsub.f32 v42, v2  }
0x158: {  	v49 =	vsub.f32 v7, v0  }
0x159: {  	v59 =	vmul.f32 v59, v59;
	v62 =	vmul.f32 v62, v62;
	v50 =	vsub.f32 v46, v2;
	v37, v38, _ =	vpop (xrf1)  }
0x15a: {  	v49 =	vmul.f32 v49, v49;
	v37 =	vperm.xlane v37, v3  }
0x15b: {  	v50 =	vmul.f32 v50, v50;
	v38 =	vperm.xlane v38, v3  }
0x15c: {  	vm9 =	veq.s32 v35, v45;
	v62 =	vadd.f32 v62, v59;
	vm8 =	vle.f32 v34, v37  }
0x15d: {  	v8 =	vadd.f32 v50, v49;
	v34 =	vmin.f32 v34, v37;
	v36 =	vsel vm8, v36, v38  }
0x15e: {  	vm10 =	veq.s32 v35, v47;
	v9 =	vsel vm9, $0x7F7FC99E, v62;
	(xrf1) =	vsort.ascd.msk.f32 $0xffff, v34, v36  }
0x15f: {  	v10 =	vsel vm10, $0x7F7FC99E, v8;
	(xrf1) =	vsort.ascd.msk.f32 $0xffff, v9, v45  }
0x160: {  	(xrf1) =	vsort.ascd.msk.f32 $0xffff, v10, v47;
	_ =	sdelay $0x5  }
0x161: {  	[tilespmem:$0x1FA70] =	vst v7;
	v7 =	vld [tilespmem:$0x3E0]  }
0x162: {  	v38 =	vld [tilespmem:$0x3F0]  }
0x163: {  	v36 =	vld [tilespmem:$0x1E0]  }
0x164: {  	v37 =	vld [tilespmem:$0x1F0];
	_ =	sdelay $0x2  }
0x165: {  	v39 =	vsub.f32 v7, v2;
	v2 =	vsub.f32 v38, v2;
	v49, v50, _ =	vpop (xrf1)  }
0x166: {  	v48 =	vsub.f32 v36, v0;
	v59, v62, _ =	vpop (xrf1)  }
0x167: {  	v45 =	vmul.f32 v39, v39;
	v0 =	vsub.f32 v37, v0;
	v2 =	vmul.f32 v2, v2;
	v61, v47, _ =	vpop (xrf1)  }
0x168: {  	v48 =	vmul.f32 v48, v48;
	v61 =	vperm.xlane v61, v3  }
0x169: {  	v0 =	vmul.f32 v0, v0;
	v47 =	vperm.xlane v47, v3  }
0x16a: {  	vm12 =	veq.s32 v35, v11;
	v45 =	vadd.f32 v45, v48;
	vm11 =	vle.f32 v59, v61  }
0x16b: {  	v0 =	vadd.f32 v2, v0;
	v59 =	vmin.f32 v59, v61;
	v47 =	vsel vm11, v62, v47  }
0x16c: {  	vm13 =	veq.s32 v35, v31;
	v2 =	vsel vm12, $0x7F7FC99E, v45;
	(xrf1) =	vsort.ascd.msk.f32 $0xffff, v59, v47  }
0x16d: {  	v0 =	vsel vm13, $0x7F7FC99E, v0;
	(xrf1) =	vsort.ascd.msk.f32 $0xffff, v2, v11  }
0x16e: {  	(xrf1) =	vsort.ascd.msk.f32 $0xffff, v0, v31;
	_ =	sdelay $0xb  }
0x16f: {  	[tilespmem:$0x1FA60] =	vst v41;
	v0, v2, _ =	vpop (xrf1)  }
0x170: {  	[tilespmem:$0x1FDD0] =	vst v42;
	v41, v40, _ =	vpop (xrf1)  }
0x171: {  	[tilespmem:$0x1FA80] =	vst v46;
	v42, v46, _ =	vpop (xrf1)  }
0x172: {  	v48 =	vperm.xlane v42, v3  }
0x173: {  	v59 =	vperm.xlane v46, v3  }
0x174: {  	vm14 =	vle.f32 v41, v48  }
0x175: {  	v45 =	vmin.f32 v41, v48;
	v47 =	vsel vm14, v40, v59  }
0x176: {  	(xrf1) =	vsort.ascd.msk.f32 $0xffff, v45, v47;
	_ =	sdelay $0xd  }
0x177: {  	v45, v47, _ =	vpop (xrf1)  }
0x178: {  	v45 =	vperm.xlane v45, v3  }
0x179: {  	v47 =	vperm.xlane v47, v3  }
0x17a: {  	vm15 =	vle.f32 v0, v45  }
0x17b: {  	v0 =	vmin.f32 v0, v45;
	v2 =	vsel vm15, v2, v47  }
0x17c: {  	(xrf1) =	vsort.ascd.msk.f32 $0xffff, v0, v2;
	_ =	sdelay $0xd  }
0x17d: {  	v0, v2, _ =	vpop (xrf1)  }
0x17e: {  	v0 =	vperm.xlane v0, v3  }
0x17f: {  	v2 =	vperm.xlane v2, v3  }
0x180: {  	vm4 =	vle.f32 v49, v0  }
0x181: {  	v0 =	vmin.f32 v49, v0;
	v2 =	vsel vm4, v50, v2  }
0x182: {  	(xrf1) =	vsort.ascd.msk.f32 $0xffff, v0, v2;
	_ =	sdelay $0xd  }
0x183: {  	v0, v2, _ =	vpop (xrf1)  }
0x184: {  	v0 =	vperm.xlane v0, v3  }
0x185: {  	v2 =	vperm.xlane v2, v3  }
0x186: {  	vm5 =	vle.f32 v51, v0  }
0x187: {  	v0 =	vmin.f32 v51, v0;
	v2 =	vsel vm5, v53, v2  }
0x188: {  	(xrf1) =	vsort.ascd.msk.f32 $0xffff, v0, v2;
	_ =	sdelay $0x8  }
0x189: {  	s18 =	sand.u32 $0xF, s15  }
0x18a: {  	s28 =	sadd.s32 $0x1, s18  }
0x18b: {  	v0 =	vmov s28  }
0x18c: {  	v2 =	vperm.xlane v58, v0  }
0x18d: {  	[tilespmem:$0x1FAE0] =	vst v12  }
0x18e: {  	[tilespmem:$0x1FAC0] =	vst v58;
	v34 =	vmov v58;
	v59 =	vperm.xlane v52, v0;
	v61 =	vsub.f32 v12, v2;
	v12 =	vld [tilespmem:$0x1FB10];
	v0, v58, _ =	vpop (xrf1)  }
0x18f: {  	v0 =	vperm.xlane v0, v3  }
0x190: {  	v45 =	vperm.xlane v58, v3  }
0x191: {  	[tilespmem:$0x1FDE0] =	vst v7;
	vm6 =	vle.f32 v57, v0  }
0x192: {  	[tilespmem:$0x1FAB0] =	vst v38;
	v62 =	vsub.f32 v56, v59;
	v38 =	vmin.f32 v57, v0;
	v45 =	vsel vm6, v55, v45  }
0x193: {  	v7 =	vld [tilespmem:$0x1FE10];
	[tilespmem:$0x1FA90] =	vst v36;
	v10 =	vsub.f32 v6, v2;
	v36 =	vsub.f32 v12, v59;
	(xrf1) =	vsort.ascd.msk.f32 $0xffff, v38, v45  }
0x194: {  	v47 =	vmul.f32 v61, v61;
	v48 =	vmul.f32 v62, v62  }
0x195: {  	s29 =	sadd.s32 $0x1, s15;
	v49 =	vmul.f32 v10, v10;
	v50 =	vmul.f32 v36, v36  }
0x196: {  	[tilespmem:$0x1FB00] =	vst v6;
	v11 =	vmovc v6;
	v6 =	vlaneseq.u32;
	v47 =	vadd.f32 v48, v47;
	v0 =	vmov s29  }
0x197: {  	v39 =	vadd.f32 v50, v49;
	vm7 =	veq.s32 v0, v6  }
0x198: {  	vm8 =	veq.s32 v0, v7;
	v40 =	vsel vm7, $0x7F7FC99E, v47  }
0x199: {  	v41 =	vsel vm8, $0x7F7FC99E, v39;
	(xrf1) =	vsort.ascd.msk.f32 $0xffff, v40, v6  }
0x19a: {  	(xrf1) =	vsort.ascd.msk.f32 $0xffff, v41, v7;
	_ =	sdelay $0x4  }
0x19b: {  	[tilespmem:$0x1FAF0] =	vst v56  }
0x19c: {  	[tilespmem:$0x1FAD0] =	vst v52  }
0x19d: {  	[tilespmem:$0x1FAA0] =	vst v37;
	v37 =	vmov v52;
	v52 =	vmov v56;
	v56 =	vld [tilespmem:$0x1FB30];
	_, v6, _ =	vpop (xrf1)  }
0x19e: {  	[tilespmem:$0x1FDF0] =	vst v6;
	v6 =	vld [tilespmem:$0x1FB20];
	_ =	sdelay $0x3  }
0x19f: {  	[tilespmem:$0x1F9D0] =	vst v63;
	v63 =	vsub.f32 v63, v2;
	v9 =	vsub.f32 v56, v2  }
0x1a0: {  	v61, v42, _ =	vpop (xrf1);
	v8 =	vsub.f32 v6, v59  }
0x1a1: {  	v10 =	vsub.f32 v20, v59;
	v53 =	vmul.f32 v9, v9;
	v50 =	vmul.f32 v63, v63;
	v62, v49, _ =	vpop (xrf1)  }
0x1a2: {  	v48 =	vperm.xlane v62, v3;
	v51 =	vmul.f32 v8, v8  }
0x1a3: {  	v55 =	vmul.f32 v10, v10;
	v49 =	vperm.xlane v49, v3  }
0x1a4: {  	[tilespmem:$0x1F9E0] =	vst v20;
	vm10 =	veq.s32 v0, v4;
	vm9 =	vle.f32 v61, v48;
	v20 =	vadd.f32 v51, v50  }
0x1a5: {  	v36 =	vadd.f32 v55, v53;
	v45 =	vmin.f32 v61, v48;
	v47 =	vsel vm9, v42, v49  }
0x1a6: {  	vm11 =	veq.s32 v0, v5;
	(xrf1) =	vsort.ascd.msk.f32 $0xffff, v45, v47;
	v38 =	vsel vm10, $0x7F7FC99E, v20  }
0x1a7: {  	v39 =	vsel vm11, $0x7F7FC99E, v36;
	(xrf1) =	vsort.ascd.msk.f32 $0xffff, v38, v4  }
0x1a8: {  	(xrf1) =	vsort.ascd.msk.f32 $0xffff, v39, v5;
	_ =	sdelay $0xb  }
0x1a9: {  	v40, v47, _ =	vpop (xrf1)  }
0x1aa: {  	v41, v42, _ =	vpop (xrf1)  }
0x1ab: {  	v50, v51, _ =	vpop (xrf1)  }
0x1ac: {  	v50 =	vperm.xlane v50, v3  }
0x1ad: {  	v51 =	vperm.xlane v51, v3  }
0x1ae: {  	vm12 =	vle.f32 v41, v50  }
0x1af: {  	v48 =	vmin.f32 v41, v50;
	v49 =	vsel vm12, v42, v51  }
0x1b0: {  	(xrf1) =	vsort.ascd.msk.f32 $0xffff, v48, v49;
	_ =	sdelay $0x5  }
0x1b1: {  	v31 =	vld [tilespmem:$0x1FB70]  }
0x1b2: {  	v36 =	vld [tilespmem:$0x1FB40]  }
0x1b3: {  	v58 =	vld [tilespmem:$0x1FB50]  }
0x1b4: {  	v63 =	vld [tilespmem:$0x1FB60];
	_ =	sdelay $0x2  }
0x1b5: {  	v46 =	vsub.f32 v36, v2;
	v62 =	vsub.f32 v31, v59  }
0x1b6: {  	v57 =	vsub.f32 v58, v59  }
0x1b7: {  	v61 =	vsub.f32 v63, v2;
	v55 =	vmul.f32 v62, v62;
	v50 =	vmul.f32 v46, v46;
	v48, v49, _ =	vpop (xrf1)  }
0x1b8: {  	v51 =	vmul.f32 v57, v57;
	v48 =	vperm.xlane v48, v3  }
0x1b9: {  	v53 =	vmul.f32 v61, v61;
	v49 =	vperm.xlane v49, v3  }
0x1ba: {  	vm14 =	veq.s32 v0, v13;
	v8 =	vadd.f32 v51, v50;
	vm13 =	vle.f32 v40, v48  }
0x1bb: {  	v9 =	vadd.f32 v55, v53;
	v45 =	vmin.f32 v40, v48;
	v47 =	vsel vm13, v47, v49  }
0x1bc: {  	vm15 =	veq.s32 v0, v14;
	v10 =	vsel vm14, $0x7F7FC99E, v8;
	(xrf1) =	vsort.ascd.msk.f32 $0xffff, v45, v47  }
0x1bd: {  	v20 =	vsel vm15, $0x7F7FC99E, v9;
	(xrf1) =	vsort.ascd.msk.f32 $0xffff, v10, v13  }
0x1be: {  	(xrf1) =	vsort.ascd.msk.f32 $0xffff, v20, v14;
	_ =	sdelay $0x6  }
0x1bf: {  	[tilespmem:$0x1F9F0] =	vst v32;
	v41 =	vsub.f32 v32, v59;
	v32 =	vld [tilespmem:$0x1FB90]  }
0x1c0: {  	v9 =	vld [tilespmem:$0x1FB80]  }
0x1c1: {  	v8 =	vld [tilespmem:$0x1FBA0];
	_ =	sdelay $0x2  }
0x1c2: {  	v42 =	vsub.f32 v32, v2;
	v45, v47, _ =	vpop (xrf1)  }
0x1c3: {  	v40 =	vsub.f32 v9, v2;
	v38, v39, _ =	vpop (xrf1)  }
0x1c4: {  	v55 =	vmul.f32 v41, v41;
	v57 =	vmul.f32 v42, v42;
	v46 =	vsub.f32 v8, v59;
	v50, v51, _ =	vpop (xrf1)  }
0x1c5: {  	v53 =	vmul.f32 v40, v40;
	v50 =	vperm.xlane v50, v3  }
0x1c6: {  	v61 =	vmul.f32 v46, v46;
	v51 =	vperm.xlane v51, v3  }
0x1c7: {  	vm5 =	veq.s32 v0, v15;
	v10 =	vadd.f32 v55, v53;
	vm4 =	vle.f32 v38, v50  }
0x1c8: {  	v13 =	vadd.f32 v61, v57;
	v48 =	vmin.f32 v38, v50;
	v49 =	vsel vm4, v39, v51  }
0x1c9: {  	vm6 =	veq.s32 v0, v16;
	v14 =	vsel vm5, $0x7F7FC99E, v10;
	(xrf1) =	vsort.ascd.msk.f32 $0xffff, v48, v49  }
0x1ca: {  	v20 =	vsel vm6, $0x7F7FC99E, v13;
	(xrf1) =	vsort.ascd.msk.f32 $0xffff, v14, v15  }
0x1cb: {  	(xrf1) =	vsort.ascd.msk.f32 $0xffff, v20, v16;
	_ =	sdelay $0xb  }
0x1cc: {  	v38, v49, _ =	vpop (xrf1)  }
0x1cd: {  	v39, v40, _ =	vpop (xrf1)  }
0x1ce: {  	v53, v55, _ =	vpop (xrf1)  }
0x1cf: {  	v53 =	vperm.xlane v53, v3  }
0x1d0: {  	v55 =	vperm.xlane v55, v3  }
0x1d1: {  	vm7 =	vle.f32 v39, v53  }
0x1d2: {  	v50 =	vmin.f32 v39, v53;
	v51 =	vsel vm7, v40, v55  }
0x1d3: {  	(xrf1) =	vsort.ascd.msk.f32 $0xffff, v50, v51;
	_ =	sdelay $0xd  }
0x1d4: {  	v50, v51, _ =	vpop (xrf1)  }
0x1d5: {  	v50 =	vperm.xlane v50, v3  }
0x1d6: {  	v51 =	vperm.xlane v51, v3  }
0x1d7: {  	vm8 =	vle.f32 v38, v50  }
0x1d8: {  	v48 =	vmin.f32 v38, v50;
	v49 =	vsel vm8, v49, v51  }
0x1d9: {  	(xrf1) =	vsort.ascd.msk.f32 $0xffff, v48, v49;
	_ =	sdelay $0x5  }
0x1da: {  	v10 =	vld [tilespmem:$0x1FBD0]  }
0x1db: {  	v14 =	vld [tilespmem:$0x1FBB0]  }
0x1dc: {  	v15 =	vld [tilespmem:$0x1FBC0]  }
0x1dd: {  	v13 =	vld [tilespmem:$0x1FBE0];
	_ =	sdelay $0x2  }
0x1de: {  	v46 =	vsub.f32 v10, v2;
	v41 =	vsub.f32 v14, v2  }
0x1df: {  	v42 =	vsub.f32 v15, v59  }
0x1e0: {  	v57 =	vsub.f32 v13, v59;
	v53 =	vmul.f32 v46, v46;
	v50 =	vmul.f32 v41, v41;
	v48, v49, _ =	vpop (xrf1)  }
0x1e1: {  	v51 =	vmul.f32 v42, v42;
	v48 =	vperm.xlane v48, v3  }
0x1e2: {  	v55 =	vmul.f32 v57, v57;
	v49 =	vperm.xlane v49, v3  }
0x1e3: {  	vm10 =	veq.s32 v0, v17;
	v61 =	vadd.f32 v51, v50;
	vm9 =	vle.f32 v45, v48  }
0x1e4: {  	v62 =	vadd.f32 v55, v53;
	v45 =	vmin.f32 v45, v48;
	v47 =	vsel vm9, v47, v49  }
0x1e5: {  	vm11 =	veq.s32 v0, v18;
	v16 =	vsel vm10, $0x7F7FC99E, v61;
	(xrf1) =	vsort.ascd.msk.f32 $0xffff, v45, v47  }
0x1e6: {  	v20 =	vsel vm11, $0x7F7FC99E, v62;
	(xrf1) =	vsort.ascd.msk.f32 $0xffff, v16, v17  }
0x1e7: {  	(xrf1) =	vsort.ascd.msk.f32 $0xffff, v20, v18;
	_ =	sdelay $0x5  }
0x1e8: {  	v16 =	vld [tilespmem:$0x1FC10]  }
0x1e9: {  	v18 =	vld [tilespmem:$0x1FBF0]  }
0x1ea: {  	v20 =	vld [tilespmem:$0x1FC00]  }
0x1eb: {  	v17 =	vld [tilespmem:$0x1FC20];
	_ =	sdelay $0x2  }
0x1ec: {  	v42 =	vsub.f32 v16, v2;
	v40 =	vsub.f32 v18, v2;
	v45, v47, _ =	vpop (xrf1)  }
0x1ed: {  	v41 =	vsub.f32 v20, v59;
	v38, v39, _ =	vpop (xrf1)  }
0x1ee: {  	v46 =	vsub.f32 v17, v59;
	v57 =	vmul.f32 v42, v42;
	v53 =	vmul.f32 v40, v40;
	v50, v51, _ =	vpop (xrf1)  }
0x1ef: {  	v55 =	vmul.f32 v41, v41;
	v50 =	vperm.xlane v50, v3  }
0x1f0: {  	v61 =	vmul.f32 v46, v46;
	v51 =	vperm.xlane v51, v3  }
0x1f1: {  	vm13 =	veq.s32 v0, v19;
	v55 =	vadd.f32 v55, v53;
	vm12 =	vle.f32 v38, v50  }
0x1f2: {  	v61 =	vadd.f32 v61, v57;
	v48 =	vmin.f32 v38, v50;
	v49 =	vsel vm12, v39, v51  }
0x1f3: {  	vm14 =	veq.s32 v0, v60;
	v62 =	vsel vm13, $0x7F7FC99E, v55;
	(xrf1) =	vsort.ascd.msk.f32 $0xffff, v48, v49  }
0x1f4: {  	(xrf1) =	vsort.ascd.msk.f32 $0xffff, v62, v19;
	v19 =	vsel vm14, $0x7F7FC99E, v61  }
0x1f5: {  	(xrf1) =	vsort.ascd.msk.f32 $0xffff, v19, v60;
	_ =	sdelay $0xb  }
0x1f6: {  	v48, v49, _ =	vpop (xrf1)  }
0x1f7: {  	v38, v39, _ =	vpop (xrf1)  }
0x1f8: {  	v53, v55, _ =	vpop (xrf1)  }
0x1f9: {  	v53 =	vperm.xlane v53, v3  }
0x1fa: {  	v55 =	vperm.xlane v55, v3  }
0x1fb: {  	vm15 =	vle.f32 v38, v53  }
0x1fc: {  	v50 =	vmin.f32 v38, v53;
	v51 =	vsel vm15, v39, v55  }
0x1fd: {  	(xrf1) =	vsort.ascd.msk.f32 $0xffff, v50, v51;
	_ =	sdelay $0x5  }
0x1fe: {  	v4 =	vld [tilespmem:$0x1FA00]  }
0x1ff: {  	[tilespmem:$0x1FC30] =	vst v21;
	v41 =	vsub.f32 v21, v59;
	v21 =	vld [tilespmem:$0x1FC50];
	_ =	sdelay $0x1  }
0x200: {  	v19 =	vld [tilespmem:$0x1FC40];
	_ =	sdelay $0x2  }
0x201: {  	v40 =	vsub.f32 v4, v2;
	v46 =	vsub.f32 v21, v59;
	_ =	sdelay $0x1  }
0x202: {  	v61 =	vmul.f32 v46, v46;
	v42 =	vsub.f32 v19, v2;
	v53 =	vmul.f32 v40, v40;
	v50, v51, _ =	vpop (xrf1)  }
0x203: {  	v55 =	vmul.f32 v41, v41;
	v50 =	vperm.xlane v50, v3  }
0x204: {  	v57 =	vmul.f32 v42, v42;
	v51 =	vperm.xlane v51, v3  }
0x205: {  	vm5 =	veq.s32 v0, v22;
	v60 =	vadd.f32 v55, v53;
	vm4 =	vle.f32 v48, v50  }
0x206: {  	v61 =	vadd.f32 v61, v57;
	v48 =	vmin.f32 v48, v50;
	v49 =	vsel vm4, v49, v51  }
0x207: {  	vm6 =	veq.s32 v0, v23;
	v62 =	vsel vm5, $0x7F7FC99E, v60;
	(xrf1) =	vsort.ascd.msk.f32 $0xffff, v48, v49  }
0x208: {  	(xrf1) =	vsort.ascd.msk.f32 $0xffff, v62, v22;
	v22 =	vsel vm6, $0x7F7FC99E, v61  }
0x209: {  	(xrf1) =	vsort.ascd.msk.f32 $0xffff, v22, v23;
	_ =	sdelay $0xb  }
0x20a: {  	v48, v49, _ =	vpop (xrf1)  }
0x20b: {  	[tilespmem:$0x1FC60] =	vst v30;
	v23, v38, _ =	vpop (xrf1)  }
0x20c: {  	v53, v55, _ =	vpop (xrf1)  }
0x20d: {  	v7 =	vld [tilespmem:$0x1FC70]  }
0x20e: {  	v39 =	vsub.f32 v30, v2;
	v30 =	vld [tilespmem:$0x1FC80]  }
0x20f: {  	v5 =	vld [tilespmem:$0x1FC90];
	_ =	sdelay $0x3  }
0x210: {  	v57 =	vmul.f32 v39, v39;
	v40 =	vsub.f32 v7, v59  }
0x211: {  	v53 =	vperm.xlane v53, v3;
	v41 =	vsub.f32 v30, v2;
	v42 =	vsub.f32 v5, v59  }
0x212: {  	v55 =	vperm.xlane v55, v3;
	v61 =	vmul.f32 v40, v40  }
0x213: {  	v62 =	vmul.f32 v41, v41;
	v46 =	vmul.f32 v42, v42  }
0x214: {  	vm8 =	veq.s32 v0, v24;
	vm7 =	vle.f32 v23, v53;
	v57 =	vadd.f32 v61, v57  }
0x215: {  	v50 =	vmin.f32 v23, v53;
	v51 =	vsel vm7, v38, v55;
	v46 =	vadd.f32 v46, v62  }
0x216: {  	vm9 =	veq.s32 v0, v25;
	(xrf1) =	vsort.ascd.msk.f32 $0xffff, v50, v51;
	v60 =	vsel vm8, $0x7F7FC99E, v57  }
0x217: {  	v46 =	vsel vm9, $0x7F7FC99E, v46;
	(xrf1) =	vsort.ascd.msk.f32 $0xffff, v60, v24  }
0x218: {  	(xrf1) =	vsort.ascd.msk.f32 $0xffff, v46, v25;
	_ =	sdelay $0xb  }
0x219: {  	v62, v61, _ =	vpop (xrf1)  }
0x21a: {  	v22, v23, _ =	vpop (xrf1)  }
0x21b: {  	v25, v24, _ =	vpop (xrf1)  }
0x21c: {  	v55 =	vperm.xlane v25, v3  }
0x21d: {  	v57 =	vperm.xlane v24, v3  }
0x21e: {  	vm10 =	vle.f32 v22, v55  }
0x21f: {  	v51 =	vmin.f32 v22, v55;
	v53 =	vsel vm10, v23, v57  }
0x220: {  	(xrf1) =	vsort.ascd.msk.f32 $0xffff, v51, v53;
	_ =	sdelay $0xd  }
0x221: {  	v51, v53, _ =	vpop (xrf1)  }
0x222: {  	v51 =	vperm.xlane v51, v3  }
0x223: {  	v53 =	vperm.xlane v53, v3  }
0x224: {  	vm11 =	vle.f32 v62, v51  }
0x225: {  	v46 =	vmin.f32 v62, v51;
	v50 =	vsel vm11, v61, v53  }
0x226: {  	(xrf1) =	vsort.ascd.msk.f32 $0xffff, v46, v50;
	_ =	sdelay $0xd  }
0x227: {  	v46, v50, _ =	vpop (xrf1)  }
0x228: {  	v46 =	vperm.xlane v46, v3  }
0x229: {  	v50 =	vperm.xlane v50, v3  }
0x22a: {  	vm12 =	vle.f32 v48, v46  }
0x22b: {  	v46 =	vmin.f32 v48, v46;
	v38 =	vsel vm12, v49, v50  }
0x22c: {  	(xrf1) =	vsort.ascd.msk.f32 $0xffff, v46, v38;
	_ =	sdelay $0x5  }
0x22d: {  	v4 =	vld [tilespmem:$0x1FA10]  }
0x22e: {  	v23 =	vld [tilespmem:$0x1FCA0]  }
0x22f: {  	v24 =	vld [tilespmem:$0x1FCB0]  }
0x230: {  	v22 =	vld [tilespmem:$0x1FCC0];
	_ =	sdelay $0x2  }
0x231: {  	v41 =	vsub.f32 v4, v2;
	v39 =	vsub.f32 v23, v2  }
0x232: {  	v40 =	vsub.f32 v24, v59  }
0x233: {  	v42 =	vsub.f32 v22, v59;
	v51 =	vmul.f32 v41, v41;
	v49 =	vmul.f32 v39, v39;
	v46, v48, _ =	vpop (xrf1)  }
0x234: {  	v50 =	vmul.f32 v40, v40;
	v46 =	vperm.xlane v46, v3  }
0x235: {  	v53 =	vmul.f32 v42, v42;
	v48 =	vperm.xlane v48, v3  }
0x236: {  	vm14 =	veq.s32 v0, v26;
	v55 =	vadd.f32 v50, v49;
	vm13 =	vle.f32 v45, v46  }
0x237: {  	v57 =	vadd.f32 v53, v51;
	v45 =	vmin.f32 v45, v46;
	v47 =	vsel vm13, v47, v48  }
0x238: {  	vm15 =	veq.s32 v0, v27;
	v60 =	vsel vm14, $0x7F7FC99E, v55;
	(xrf1) =	vsort.ascd.msk.f32 $0xffff, v45, v47  }
0x239: {  	v61 =	vsel vm15, $0x7F7FC99E, v57;
	(xrf1) =	vsort.ascd.msk.f32 $0xffff, v60, v26  }
0x23a: {  	(xrf1) =	vsort.ascd.msk.f32 $0xffff, v61, v27;
	_ =	sdelay $0x5  }
0x23b: {  	v25 =	vld [tilespmem:$0x1FCF0]  }
0x23c: {  	v38 =	vld [tilespmem:$0x1FCE0]  }
0x23d: {  	v27 =	vld [tilespmem:$0x1FCD0]  }
0x23e: {  	v26 =	vld [tilespmem:$0x1FD00];
	_ =	sdelay $0x2  }
0x23f: {  	v42 =	vsub.f32 v38, v59;
	v60 =	vsub.f32 v25, v2;
	v53, v55, _ =	vpop (xrf1)  }
0x240: {  	v41 =	vsub.f32 v27, v2;
	v62, v46, _ =	vpop (xrf1)  }
0x241: {  	v50 =	vmul.f32 v42, v42;
	v51 =	vmul.f32 v60, v60;
	v61 =	vsub.f32 v26, v59;
	v39, v40, _ =	vpop (xrf1)  }
0x242: {  	v49 =	vmul.f32 v41, v41;
	v47 =	vperm.xlane v39, v3  }
0x243: {  	v57 =	vmul.f32 v61, v61;
	v48 =	vperm.xlane v40, v3  }
0x244: {  	vm4 =	vle.f32 v62, v47;
	v45 =	vmin.f32 v62, v47;
	v62 =	vadd.f32 v50, v49  }
0x245: {  	vm5 =	veq.s32 v0, v28;
	v39 =	vadd.f32 v57, v51;
	v46 =	vsel vm4, v46, v48  }
0x246: {  	vm6 =	veq.s32 v0, v29;
	(xrf1) =	vsort.ascd.msk.f32 $0xffff, v45, v46;
	v40 =	vsel vm5, $0x7F7FC99E, v62  }
0x247: {  	v41 =	vsel vm6, $0x7F7FC99E, v39;
	(xrf1) =	vsort.ascd.msk.f32 $0xffff, v40, v28  }
0x248: {  	(xrf1) =	vsort.ascd.msk.f32 $0xffff, v41, v29;
	_ =	sdelay $0xb  }
0x249: {  	v45, v46, _ =	vpop (xrf1)  }
0x24a: {  	v42, v57, _ =	vpop (xrf1)  }
0x24b: {  	v49, v50, _ =	vpop (xrf1)  }
0x24c: {  	v49 =	vperm.xlane v49, v3  }
0x24d: {  	v50 =	vperm.xlane v50, v3  }
0x24e: {  	vm7 =	vle.f32 v42, v49  }
0x24f: {  	v47 =	vmin.f32 v42, v49;
	v48 =	vsel vm7, v57, v50  }
0x250: {  	(xrf1) =	vsort.ascd.msk.f32 $0xffff, v47, v48;
	_ =	sdelay $0x5  }
0x251: {  	v4 =	vld [tilespmem:$0x1FD30]  }
0x252: {  	v29 =	vld [tilespmem:$0x1FD10]  }
0x253: {  	v39 =	vld [tilespmem:$0x1FD20]  }
0x254: {  	v28 =	vld [tilespmem:$0x1FD40];
	_ =	sdelay $0x2  }
0x255: {  	v62 =	vsub.f32 v4, v2;
	v60 =	vsub.f32 v29, v2  }
0x256: {  	v61 =	vsub.f32 v39, v59  }
0x257: {  	v51 =	vmul.f32 v62, v62;
	v40 =	vsub.f32 v28, v59;
	v49 =	vmul.f32 v60, v60;
	v47, v48, _ =	vpop (xrf1)  }
0x258: {  	v50 =	vmul.f32 v61, v61;
	v47 =	vperm.xlane v47, v3  }
0x259: {  	v57 =	vmul.f32 v40, v40;
	v48 =	vperm.xlane v48, v3  }
0x25a: {  	vm9 =	veq.s32 v0, v33;
	v41 =	vadd.f32 v50, v49;
	vm8 =	vle.f32 v45, v47  }
0x25b: {  	v42 =	vadd.f32 v57, v51;
	v45 =	vmin.f32 v45, v47;
	v46 =	vsel vm8, v46, v48  }
0x25c: {  	vm10 =	veq.s32 v0, v54;
	v50 =	vsel vm9, $0x7F7FC99E, v41;
	(xrf1) =	vsort.ascd.msk.f32 $0xffff, v45, v46  }
0x25d: {  	v51 =	vsel vm10, $0x7F7FC99E, v42;
	(xrf1) =	vsort.ascd.msk.f32 $0xffff, v50, v33  }
0x25e: {  	(xrf1) =	vsort.ascd.msk.f32 $0xffff, v51, v54;
	_ =	sdelay $0x5  }
0x25f: {  	v4 =	vld [tilespmem:$0x1FA20]  }
0x260: {  	v41 =	vld [tilespmem:$0x1FD50]  }
0x261: {  	v40 =	vld [tilespmem:$0x1FD70]  }
0x262: {  	v33 =	vld [tilespmem:$0x1FD60];
	_ =	sdelay $0x2  }
0x263: {  	v57 =	vsub.f32 v4, v59;
	v4 =	vld [tilespmem:$0x1FF60];
	v51 =	vsub.f32 v41, v2;
	v45, v46, _ =	vpop (xrf1)  }
0x264: {  	v54 =	vsub.f32 v40, v59;
	v47, v48, _ =	vpop (xrf1)  }
0x265: {  	v57 =	vmul.f32 v57, v57;
	v51 =	vmul.f32 v51, v51;
	v61 =	vsub.f32 v33, v2;
	v49, v50, _ =	vpop (xrf1)  }
0x266: {  	v62 =	vmul.f32 v54, v54;
	v49 =	vperm.xlane v49, v3  }
0x267: {  	v61 =	vmul.f32 v61, v61;
	v50 =	vperm.xlane v50, v3  }
0x268: {  	vm12 =	veq.s32 v0, v4;
	v57 =	vadd.f32 v57, v51;
	vm11 =	vle.f32 v47, v49  }
0x269: {  	v60 =	vadd.f32 v62, v61;
	v47 =	vmin.f32 v47, v49;
	v48 =	vsel vm11, v48, v50  }
0x26a: {  	vm13 =	veq.s32 v0, v43;
	v61 =	vsel vm12, $0x7F7FC99E, v57;
	(xrf1) =	vsort.ascd.msk.f32 $0xffff, v47, v48  }
0x26b: {  	v62 =	vsel vm13, $0x7F7FC99E, v60;
	(xrf1) =	vsort.ascd.msk.f32 $0xffff, v61, v4  }
0x26c: {  	(xrf1) =	vsort.ascd.msk.f32 $0xffff, v62, v43;
	_ =	sdelay $0xb  }
0x26d: {  	v42, v48, _ =	vpop (xrf1)  }
0x26e: {  	v43, v54, _ =	vpop (xrf1)  }
0x26f: {  	v51, v57, _ =	vpop (xrf1)  }
0x270: {  	v51 =	vperm.xlane v51, v3  }
0x271: {  	v57 =	vperm.xlane v57, v3  }
0x272: {  	vm14 =	vle.f32 v43, v51  }
0x273: {  	v49 =	vmin.f32 v43, v51;
	v50 =	vsel vm14, v54, v57  }
0x274: {  	(xrf1) =	vsort.ascd.msk.f32 $0xffff, v49, v50;
	_ =	sdelay $0xd  }
0x275: {  	v49, v50, _ =	vpop (xrf1)  }
0x276: {  	v49 =	vperm.xlane v49, v3  }
0x277: {  	v50 =	vperm.xlane v50, v3  }
0x278: {  	vm15 =	vle.f32 v42, v49  }
0x279: {  	v47 =	vmin.f32 v42, v49;
	v48 =	vsel vm15, v48, v50  }
0x27a: {  	(xrf1) =	vsort.ascd.msk.f32 $0xffff, v47, v48;
	_ =	sdelay $0x2  }
0x27b: {  	v4 =	vld [tilespmem:$0x1FD80];
	_ =	sdelay $0x3  }
0x27c: {  	v54 =	vld [tilespmem:$0x1FDB0]  }
0x27d: {  	v49 =	vsub.f32 v4, v2;
	v4 =	vld [tilespmem:$0x1FD90]  }
0x27e: {  	v42 =	vld [tilespmem:$0x1FDA0];
	_ =	sdelay $0x2  }
0x27f: {  	v62 =	vsub.f32 v54, v59  }
0x280: {  	v60 =	vsub.f32 v4, v59  }
0x281: {  	v57 =	vmul.f32 v62, v62;
	v49 =	vmul.f32 v49, v49;
	v61 =	vsub.f32 v42, v2;
	v4 =	vld [tilespmem:$0x1FF90];
	v47, v48, _ =	vpop (xrf1)  }
0x282: {  	v50 =	vmul.f32 v60, v60;
	v47 =	vperm.xlane v47, v3  }
0x283: {  	v51 =	vmul.f32 v61, v61;
	v48 =	vperm.xlane v48, v3  }
0x284: {  	vm5 =	veq.s32 v0, v44;
	v43 =	vadd.f32 v50, v49;
	vm4 =	vle.f32 v45, v47  }
0x285: {  	v60 =	vadd.f32 v57, v51;
	v45 =	vmin.f32 v45, v47;
	v46 =	vsel vm4, v46, v48  }
0x286: {  	vm6 =	veq.s32 v0, v4;
	v61 =	vsel vm5, $0x7F7FC99E, v43;
	(xrf1) =	vsort.ascd.msk.f32 $0xffff, v45, v46  }
0x287: {  	v62 =	vsel vm6, $0x7F7FC99E, v60;
	(xrf1) =	vsort.ascd.msk.f32 $0xffff, v61, v44  }
0x288: {  	(xrf1) =	vsort.ascd.msk.f32 $0xffff, v62, v4;
	v4 =	vld [tilespmem:$0x1FA30];
	_ =	sdelay $0x4  }
0x289: {  	v51 =	vsub.f32 v4, v2;
	v4 =	vld [tilespmem:$0x1FA40];
	_ =	sdelay $0x4  }
0x28a: {  	v57 =	vsub.f32 v4, v59;
	v4 =	vld [tilespmem:$0x1FA50];
	_ =	sdelay $0x1  }
0x28b: {  	v44 =	vld [tilespmem:$0x1FDC0];
	_ =	sdelay $0x2  }
0x28c: {  	v51 =	vmul.f32 v51, v51;
	v57 =	vmul.f32 v57, v57;
	v43 =	vsub.f32 v4, v59;
	v4 =	vld [tilespmem:$0x1FFB0]  }
0x28d: {  	v45, v46, _ =	vpop (xrf1)  }
0x28e: {  	v61 =	vsub.f32 v44, v2;
	v47, v48, _ =	vpop (xrf1);
	v60 =	vadd.f32 v57, v51;
	v57 =	vld [tilespmem:$0x1FFA0]  }
0x28f: {  	v49, v50, _ =	vpop (xrf1)  }
0x290: {  	v61 =	vmul.f32 v61, v61;
	v49 =	vperm.xlane v49, v3  }
0x291: {  	v50 =	vperm.xlane v50, v3;
	v62 =	vmul.f32 v43, v43;
	vm9 =	veq.s32 v0, v4;
	v4 =	vld [tilespmem:$0x1FFB0]  }
0x292: {  	vm7 =	vle.f32 v47, v49;
	v47 =	vmin.f32 v47, v49  }
0x293: {  	v48 =	vsel vm7, v48, v50;
	v50 =	vadd.f32 v62, v61;
	vm8 =	veq.s32 v0, v57  }
0x294: {  	(xrf1) =	vsort.ascd.msk.f32 $0xffff, v47, v48;
	v51 =	vsel vm8, $0x7F7FC99E, v60  }
0x295: {  	(xrf1) =	vsort.ascd.msk.f32 $0xffff, v51, v57;
	v57 =	vsel vm9, $0x7F7FC99E, v50  }
0x296: {  	(xrf1) =	vsort.ascd.msk.f32 $0xffff, v57, v4;
	_ =	sdelay $0xb  }
0x297: {  	v4 =	vld [tilespmem:$0x1FA60];
	v47, v48, _ =	vpop (xrf1)  }
0x298: {  	v61, v62, _ =	vpop (xrf1)  }
0x299: {  	v51, v57, _ =	vpop (xrf1)  }
0x29a: {  	v51 =	vperm.xlane v51, v3;
	_ =	sdelay $0x1  }
0x29b: {  	vm10 =	vle.f32 v61, v51;
	v49 =	vmin.f32 v61, v51;
	v51 =	vsub.f32 v4, v2;
	v4 =	vld [tilespmem:$0x1FDD0];
	_ =	sdelay $0x2  }
0x29c: {  	v57 =	vperm.xlane v57, v3;
	_ =	sdelay $0x1  }
0x29d: {  	v50 =	vsel vm10, v62, v57;
	v57 =	vsub.f32 v4, v59;
	v4 =	vld [tilespmem:$0x1FA70];
	_ =	sdelay $0x4  }
0x29e: {  	(xrf1) =	vsort.ascd.msk.f32 $0xffff, v49, v50;
	v61 =	vsub.f32 v4, v2;
	v4 =	vld [tilespmem:$0x1FA80];
	_ =	sdelay $0x4  }
0x29f: {  	v43 =	vsub.f32 v4, v59;
	v4 =	vld [tilespmem:$0x1FFC0];
	_ =	sdelay $0x4  }
0x2a0: {  	vm12 =	veq.s32 v0, v4;
	v4 =	vld [tilespmem:$0x1FFD0];
	_ =	sdelay $0x3  }
0x2a1: {  	v51 =	vmul.f32 v51, v51;
	v49, v50, _ =	vpop (xrf1)  }
0x2a2: {  	v57 =	vmul.f32 v57, v57;
	v49 =	vperm.xlane v49, v3;
	vm13 =	veq.s32 v0, v4;
	v4 =	vld [tilespmem:$0x1FFC0]  }
0x2a3: {  	v61 =	vmul.f32 v61, v61;
	v50 =	vperm.xlane v50, v3  }
0x2a4: {  	v62 =	vmul.f32 v43, v43;
	v43 =	vadd.f32 v57, v51;
	vm11 =	vle.f32 v47, v49  }
0x2a5: {  	v47 =	vmin.f32 v47, v49;
	v48 =	vsel vm11, v48, v50  }
0x2a6: {  	v57 =	vadd.f32 v62, v61;
	(xrf1) =	vsort.ascd.msk.f32 $0xffff, v47, v48;
	v61 =	vsel vm12, $0x7F7FC99E, v43  }
0x2a7: {  	(xrf1) =	vsort.ascd.msk.f32 $0xffff, v61, v4;
	v4 =	vld [tilespmem:$0x1FFD0];
	_ =	sdelay $0x3  }
0x2a8: {  	v62 =	vsel vm13, $0x7F7FC99E, v57  }
0x2a9: {  	(xrf1) =	vsort.ascd.msk.f32 $0xffff, v62, v4;
	v4 =	vld [tilespmem:$0x1FA90];
	_ =	sdelay $0x4  }
0x2aa: {  	v61 =	vsub.f32 v4, v2;
	v4 =	vld [tilespmem:$0x1FDE0];
	_ =	sdelay $0x4  }
0x2ab: {  	v43 =	vsub.f32 v4, v59;
	v4 =	vld [tilespmem:$0x1FAA0];
	_ =	sdelay $0x4  }
0x2ac: {  	v2 =	vsub.f32 v4, v2;
	v4 =	vld [tilespmem:$0x1FAB0];
	_ =	sdelay $0x2  }
0x2ad: {  	v60 =	vld [tilespmem:$0x1FFF0];
	v47, v48, _ =	vpop (xrf1)  }
0x2ae: {  	v49, v50, _ =	vpop (xrf1)  }
0x2af: {  	v61 =	vmul.f32 v61, v61;
	v62 =	vmul.f32 v43, v43;
	v51, v57, _ =	vpop (xrf1);
	v59 =	vsub.f32 v4, v59;
	v4 =	vld [tilespmem:$0x1FFE0]  }
0x2b0: {  	v51 =	vperm.xlane v51, v3;
	v57 =	vperm.xlane v57, v3  }
0x2b1: {  	v2 =	vmul.f32 v2, v2;
	v59 =	vmul.f32 v59, v59  }
0x2b2: {  	vm15 =	veq.s32 v0, v60;
	v43 =	vadd.f32 v62, v61;
	vm14 =	vle.f32 v49, v51  }
0x2b3: {  	v49 =	vmin.f32 v49, v51;
	v50 =	vsel vm14, v50, v57;
	v2 =	vadd.f32 v59, v2  }
0x2b4: {  	(xrf1) =	vsort.ascd.msk.f32 $0xffff, v49, v50;
	v59 =	vsel vm15, $0x7F7FC99E, v43;
	vm4 =	veq.s32 v0, v4  }
0x2b5: {  	(xrf1) =	vsort.ascd.msk.f32 $0xffff, v59, v60;
	v2 =	vsel vm4, $0x7F7FC99E, v2  }
0x2b6: {  	(xrf1) =	vsort.ascd.msk.f32 $0xffff, v2, v4;
	_ =	sdelay $0xb  }
0x2b7: {  	v2, v49, _ =	vpop (xrf1)  }
0x2b8: {  	v50, v61, _ =	vpop (xrf1)  }
0x2b9: {  	v62, v43, _ =	vpop (xrf1)  }
0x2ba: {  	v57 =	vperm.xlane v62, v3  }
0x2bb: {  	v59 =	vperm.xlane v43, v3  }
0x2bc: {  	vm5 =	vle.f32 v50, v57  }
0x2bd: {  	v50 =	vmin.f32 v50, v57;
	v51 =	vsel vm5, v61, v59  }
0x2be: {  	(xrf1) =	vsort.ascd.msk.f32 $0xffff, v50, v51;
	_ =	sdelay $0xd  }
0x2bf: {  	v50, v51, _ =	vpop (xrf1)  }
0x2c0: {  	v50 =	vperm.xlane v50, v3  }
0x2c1: {  	v51 =	vperm.xlane v51, v3  }
0x2c2: {  	vm6 =	vle.f32 v2, v50  }
0x2c3: {  	v2 =	vmin.f32 v2, v50;
	v49 =	vsel vm6, v49, v51  }
0x2c4: {  	(xrf1) =	vsort.ascd.msk.f32 $0xffff, v2, v49;
	_ =	sdelay $0xd  }
0x2c5: {  	v2, v49, _ =	vpop (xrf1)  }
0x2c6: {  	v2 =	vperm.xlane v2, v3  }
0x2c7: {  	v49 =	vperm.xlane v49, v3  }
0x2c8: {  	vm7 =	vle.f32 v47, v2  }
0x2c9: {  	v2 =	vmin.f32 v47, v2;
	v61 =	vsel vm7, v48, v49  }
0x2ca: {  	(xrf1) =	vsort.ascd.msk.f32 $0xffff, v2, v61;
	_ =	sdelay $0xd  }
0x2cb: {  	v2, v47, _ =	vpop (xrf1)  }
0x2cc: {  	v2 =	vperm.xlane v2, v3  }
0x2cd: {  	v47 =	vperm.xlane v47, v3  }
0x2ce: {  	vm8 =	vle.f32 v45, v2  }
0x2cf: {  	v2 =	vmin.f32 v45, v2;
	v62 =	vsel vm8, v46, v47  }
0x2d0: {  	(xrf1) =	vsort.ascd.msk.f32 $0xffff, v2, v62;
	_ =	sdelay $0x6  }
0x2d1: {  	v4 =	vld [tilespmem:$0x1FAE0]  }
0x2d2: {  	s17 =	sadd.s32 $0x2, s18  }
0x2d3: {  	v2 =	vmov s17  }
0x2d4: {  	v59 =	vperm.xlane v34, v2;
	v62 =	vperm.xlane v37, v2;
	_ =	sdelay $0x1  }
0x2d5: {  	v34 =	vsub.f32 v4, v59;
	v37 =	vsub.f32 v52, v62  }
0x2d6: {  	v43 =	vsub.f32 v11, v59  }
0x2d7: {  	v52 =	vsub.f32 v12, v62;
	v11 =	vld [tilespmem:$0x1FE10];
	v46 =	vmul.f32 v34, v34;
	v47 =	vmul.f32 v37, v37;
	v2, v45, _ =	vpop (xrf1)  }
0x2d8: {  	v4 =	vlaneseq.u32;
	v48 =	vmul.f32 v43, v43;
	v2 =	vperm.xlane v2, v3  }
0x2d9: {  	s30 =	sadd.s32 $0x2, s15;
	v49 =	vmul.f32 v52, v52;
	v46 =	vadd.f32 v47, v46;
	v45 =	vperm.xlane v45, v3  }
0x2da: {  	vm9 =	vle.f32 v53, v2;
	v53 =	vmin.f32 v53, v2;
	v2 =	vmov s30  }
0x2db: {  	v57 =	vadd.f32 v49, v48;
	v45 =	vsel vm9, v55, v45;
	vm10 =	veq.s32 v2, v4  }
0x2dc: {  	vm11 =	veq.s32 v2, v11;
	(xrf1) =	vsort.ascd.msk.f32 $0xffff, v53, v45;
	v61 =	vsel vm10, $0x7F7FC99E, v46  }
0x2dd: {  	v12 =	vsel vm11, $0x7F7FC99E, v57;
	(xrf1) =	vsort.ascd.msk.f32 $0xffff, v61, v4  }
0x2de: {  	(xrf1) =	vsort.ascd.msk.f32 $0xffff, v12, v11;
	_ =	sdelay $0xb  }
0x2df: {  	_, v4, _ =	vpop (xrf1)  }
0x2e0: {  	v34, v46, _ =	vpop (xrf1)  }
0x2e1: {  	v37, v48, _ =	vpop (xrf1)  }
0x2e2: {  	v47 =	vperm.xlane v37, v3;
	v37 =	vld [tilespmem:$0x1F9E0]  }
0x2e3: {  	v52 =	vld [tilespmem:$0x1F9D0];
	_ =	sdelay $0x3  }
0x2e4: {  	v12 =	vsub.f32 v37, v62  }
0x2e5: {  	v43 =	vsub.f32 v52, v59;
	v57 =	vsub.f32 v6, v62;
	v6 =	vld [tilespmem:$0x1FE20]  }
0x2e6: {  	v61 =	vsub.f32 v56, v59;
	v53 =	vmul.f32 v12, v12;
	v12 =	vld [tilespmem:$0x1FE30]  }
0x2e7: {  	v49 =	vmul.f32 v43, v43;
	v50 =	vmul.f32 v57, v57  }
0x2e8: {  	v51 =	vmul.f32 v61, v61;
	v48 =	vperm.xlane v48, v3  }
0x2e9: {  	vm12 =	vle.f32 v34, v47;
	v45 =	vmin.f32 v34, v47;
	v34 =	vadd.f32 v50, v49  }
0x2ea: {  	vm13 =	veq.s32 v2, v6;
	v46 =	vsel vm12, v46, v48;
	v43 =	vadd.f32 v53, v51  }
0x2eb: {  	(xrf1) =	vsort.ascd.msk.f32 $0xffff, v45, v46;
	v53 =	vsel vm13, $0x7F7FC99E, v34;
	vm14 =	veq.s32 v2, v12  }
0x2ec: {  	(xrf1) =	vsort.ascd.msk.f32 $0xffff, v53, v6;
	v55 =	vsel vm14, $0x7F7FC99E, v43  }
0x2ed: {  	(xrf1) =	vsort.ascd.msk.f32 $0xffff, v55, v12;
	_ =	sdelay $0xb  }
0x2ee: {  	v45, v46, _ =	vpop (xrf1)  }
0x2ef: {  	v56, v57, _ =	vpop (xrf1)  }
0x2f0: {  	v49, v50, _ =	vpop (xrf1)  }
0x2f1: {  	v49 =	vperm.xlane v49, v3  }
0x2f2: {  	v50 =	vperm.xlane v50, v3  }
0x2f3: {  	vm15 =	vle.f32 v56, v49  }
0x2f4: {  	v47 =	vmin.f32 v56, v49;
	v48 =	vsel vm15, v57, v50  }
0x2f5: {  	(xrf1) =	vsort.ascd.msk.f32 $0xffff, v47, v48;
	_ =	sdelay $0xa  }
0x2f6: {  	v61 =	vsub.f32 v36, v59;
	v36 =	vsub.f32 v63, v59  }
0x2f7: {  	v34 =	vsub.f32 v58, v62;
	v43 =	vsub.f32 v31, v62;
	v31 =	vld [tilespmem:$0x1FE40];
	_ =	sdelay $0x1  }
0x2f8: {  	v51 =	vmul.f32 v36, v36;
	v50 =	vmul.f32 v34, v34;
	v34 =	vld [tilespmem:$0x1FE50];
	v47, v48, _ =	vpop (xrf1)  }
0x2f9: {  	v49 =	vmul.f32 v61, v61;
	v47 =	vperm.xlane v47, v3  }
0x2fa: {  	v53 =	vmul.f32 v43, v43;
	v48 =	vperm.xlane v48, v3  }
0x2fb: {  	vm5 =	veq.s32 v2, v31;
	v55 =	vadd.f32 v50, v49;
	vm4 =	vle.f32 v45, v47  }
0x2fc: {  	v56 =	vadd.f32 v53, v51;
	v45 =	vmin.f32 v45, v47;
	v46 =	vsel vm4, v46, v48  }
0x2fd: {  	v57 =	vsel vm5, $0x7F7FC99E, v55;
	vm6 =	veq.s32 v2, v34;
	(xrf1) =	vsort.ascd.msk.f32 $0xffff, v45, v46  }
0x2fe: {  	v58 =	vsel vm6, $0x7F7FC99E, v56;
	(xrf1) =	vsort.ascd.msk.f32 $0xffff, v57, v31  }
0x2ff: {  	(xrf1) =	vsort.ascd.msk.f32 $0xffff, v58, v34;
	_ =	sdelay $0x7  }
0x300: {  	v43 =	vld [tilespmem:$0x1F9F0];
	_ =	sdelay $0x1  }
0x301: {  	v32 =	vsub.f32 v32, v59;
	_ =	sdelay $0x1  }
0x302: {  	v63 =	vsub.f32 v9, v59;
	v36 =	vsub.f32 v8, v62;
	v55 =	vmul.f32 v32, v32;
	v32 =	vld [tilespmem:$0x1FE60];
	v45, v46, _ =	vpop (xrf1)  }
0x303: {  	v9 =	vsub.f32 v43, v62;
	v47, v61, _ =	vpop (xrf1)  }
0x304: {  	v51 =	vmul.f32 v63, v63;
	v57 =	vmul.f32 v36, v36;
	v36 =	vld [tilespmem:$0x1FE70];
	v49, v50, _ =	vpop (xrf1)  }
0x305: {  	v53 =	vmul.f32 v9, v9;
	v49 =	vperm.xlane v49, v3  }
0x306: {  	v50 =	vperm.xlane v50, v3  }
0x307: {  	v53 =	vadd.f32 v53, v51;
	vm8 =	veq.s32 v2, v32;
	vm7 =	vle.f32 v47, v49  }
0x308: {  	v56 =	vadd.f32 v57, v55;
	v47 =	vmin.f32 v47, v49;
	v48 =	vsel vm7, v61, v50  }
0x309: {  	v57 =	vsel vm8, $0x7F7FC99E, v53;
	vm9 =	veq.s32 v2, v36;
	(xrf1) =	vsort.ascd.msk.f32 $0xffff, v47, v48  }
0x30a: {  	v58 =	vsel vm9, $0x7F7FC99E, v56;
	(xrf1) =	vsort.ascd.msk.f32 $0xffff, v57, v32  }
0x30b: {  	(xrf1) =	vsort.ascd.msk.f32 $0xffff, v58, v36;
	_ =	sdelay $0xb  }
0x30c: {  	v61, v48, _ =	vpop (xrf1)  }
0x30d: {  	v63, v8, _ =	vpop (xrf1)  }
0x30e: {  	v51, v53, _ =	vpop (xrf1)  }
0x30f: {  	v51 =	vperm.xlane v51, v3  }
0x310: {  	v53 =	vperm.xlane v53, v3  }
0x311: {  	vm10 =	vle.f32 v63, v51  }
0x312: {  	v49 =	vmin.f32 v63, v51;
	v50 =	vsel vm10, v8, v53  }
0x313: {  	(xrf1) =	vsort.ascd.msk.f32 $0xffff, v49, v50;
	_ =	sdelay $0xd  }
0x314: {  	v49, v50, _ =	vpop (xrf1)  }
0x315: {  	v49 =	vperm.xlane v49, v3  }
0x316: {  	v50 =	vperm.xlane v50, v3  }
0x317: {  	vm11 =	vle.f32 v61, v49  }
0x318: {  	v47 =	vmin.f32 v61, v49;
	v48 =	vsel vm11, v48, v50  }
0x319: {  	(xrf1) =	vsort.ascd.msk.f32 $0xffff, v47, v48;
	_ =	sdelay $0xa  }
0x31a: {  	v9 =	vsub.f32 v14, v59  }
0x31b: {  	v14 =	vsub.f32 v15, v62;
	v15 =	vsub.f32 v10, v59;
	v10 =	vld [tilespmem:$0x1FE80];
	_ =	sdelay $0x1  }
0x31c: {  	v56 =	vsub.f32 v13, v62;
	v13 =	vld [tilespmem:$0x1FE90];
	v51 =	vmul.f32 v15, v15;
	v49 =	vmul.f32 v9, v9;
	v47, v48, _ =	vpop (xrf1)  }
0x31d: {  	v50 =	vmul.f32 v14, v14;
	v47 =	vperm.xlane v47, v3  }
0x31e: {  	v53 =	vmul.f32 v56, v56;
	v48 =	vperm.xlane v48, v3  }
0x31f: {  	vm13 =	veq.s32 v2, v10;
	v57 =	vadd.f32 v50, v49;
	vm12 =	vle.f32 v45, v47  }
0x320: {  	v58 =	vadd.f32 v53, v51;
	v45 =	vmin.f32 v45, v47;
	v46 =	vsel vm12, v46, v48  }
0x321: {  	vm14 =	veq.s32 v2, v13;
	v61 =	vsel vm13, $0x7F7FC99E, v57;
	(xrf1) =	vsort.ascd.msk.f32 $0xffff, v45, v46  }
0x322: {  	v63 =	vsel vm14, $0x7F7FC99E, v58;
	(xrf1) =	vsort.ascd.msk.f32 $0xffff, v61, v10  }
0x323: {  	(xrf1) =	vsort.ascd.msk.f32 $0xffff, v63, v13;
	_ =	sdelay $0xa  }
0x324: {  	v14 =	vsub.f32 v18, v59  }
0x325: {  	v15 =	vsub.f32 v20, v62;
	v18 =	vsub.f32 v16, v59;
	v45, v46, _ =	vpop (xrf1)  }
0x326: {  	v20 =	vsub.f32 v17, v62;
	v51 =	vmul.f32 v14, v14;
	v14 =	vld [tilespmem:$0x1FEA0];
	v8, v9, _ =	vpop (xrf1)  }
0x327: {  	v53 =	vmul.f32 v15, v15;
	v15 =	vld [tilespmem:$0x1FEB0];
	v55 =	vmul.f32 v18, v18;
	v49, v50, _ =	vpop (xrf1)  }
0x328: {  	v57 =	vmul.f32 v20, v20;
	v49 =	vperm.xlane v49, v3  }
0x329: {  	v50 =	vperm.xlane v50, v3  }
0x32a: {  	v56 =	vadd.f32 v53, v51;
	v58 =	vadd.f32 v57, v55;
	vm15 =	vle.f32 v8, v49  }
0x32b: {  	vm4 =	veq.s32 v2, v14;
	v47 =	vmin.f32 v8, v49;
	v48 =	vsel vm15, v9, v50  }
0x32c: {  	vm5 =	veq.s32 v2, v15;
	v61 =	vsel vm4, $0x7F7FC99E, v56;
	(xrf1) =	vsort.ascd.msk.f32 $0xffff, v47, v48  }
0x32d: {  	v63 =	vsel vm5, $0x7F7FC99E, v58;
	(xrf1) =	vsort.ascd.msk.f32 $0xffff, v61, v14  }
0x32e: {  	(xrf1) =	vsort.ascd.msk.f32 $0xffff, v63, v15;
	_ =	sdelay $0xb  }
0x32f: {  	v8, v48, _ =	vpop (xrf1)  }
0x330: {  	v9, v16, _ =	vpop (xrf1)  }
0x331: {  	v51, v53, _ =	vpop (xrf1)  }
0x332: {  	v51 =	vperm.xlane v51, v3  }
0x333: {  	v53 =	vperm.xlane v53, v3  }
0x334: {  	vm6 =	vle.f32 v9, v51  }
0x335: {  	v49 =	vmin.f32 v9, v51;
	v50 =	vsel vm6, v16, v53  }
0x336: {  	(xrf1) =	vsort.ascd.msk.f32 $0xffff, v49, v50;
	_ =	sdelay $0x6  }
0x337: {  	v56 =	vld [tilespmem:$0x1FA00]  }
0x338: {  	[tilespmem:$0x1FE00] =	vst v4;
	v4 =	vld [tilespmem:$0x1FC30];
	_ =	sdelay $0x2  }
0x339: {  	v20 =	vsub.f32 v19, v59  }
0x33a: {  	v21 =	vsub.f32 v21, v62;
	v17 =	vsub.f32 v56, v59  }
0x33b: {  	v18 =	vsub.f32 v4, v62;
	v55 =	vmul.f32 v20, v20;
	v16 =	vld [tilespmem:$0x1FEC0]  }
0x33c: {  	v57 =	vmul.f32 v21, v21;
	v51 =	vmul.f32 v17, v17;
	v17 =	vld [tilespmem:$0x1FED0];
	v49, v50, _ =	vpop (xrf1)  }
0x33d: {  	v53 =	vmul.f32 v18, v18;
	v49 =	vperm.xlane v49, v3  }
0x33e: {  	v50 =	vperm.xlane v50, v3  }
0x33f: {  	v61 =	vadd.f32 v57, v55;
	v58 =	vadd.f32 v53, v51;
	vm7 =	vle.f32 v8, v49  }
0x340: {  	vm8 =	veq.s32 v2, v16;
	v47 =	vmin.f32 v8, v49;
	v48 =	vsel vm7, v48, v50  }
0x341: {  	vm9 =	veq.s32 v2, v17;
	v63 =	vsel vm8, $0x7F7FC99E, v58;
	(xrf1) =	vsort.ascd.msk.f32 $0xffff, v47, v48  }
0x342: {  	v8 =	vsel vm9, $0x7F7FC99E, v61;
	(xrf1) =	vsort.ascd.msk.f32 $0xffff, v63, v16  }
0x343: {  	(xrf1) =	vsort.ascd.msk.f32 $0xffff, v8, v17;
	_ =	sdelay $0xb  }
0x344: {  	v4 =	vld [tilespmem:$0x1FC60];
	v47, v48, _ =	vpop (xrf1)  }
0x345: {  	v9, v18, _ =	vpop (xrf1)  }
0x346: {  	v51, v53, _ =	vpop (xrf1)  }
0x347: {  	v51 =	vperm.xlane v51, v3  }
0x348: {  	v53 =	vperm.xlane v53, v3  }
0x349: {  	v19 =	vsub.f32 v4, v59;
	vm10 =	vle.f32 v9, v51  }
0x34a: {  	v20 =	vsub.f32 v7, v62;
	v50 =	vsel vm10, v18, v53;
	v18 =	vld [tilespmem:$0x1FEE0]  }
0x34b: {  	v21 =	vsub.f32 v30, v59;
	v4 =	vsub.f32 v5, v62;
	v55 =	vmul.f32 v19, v19;
	v19 =	vld [tilespmem:$0x1FEF0]  }
0x34c: {  	v57 =	vmul.f32 v20, v20  }
0x34d: {  	v4 =	vmul.f32 v4, v4;
	v61 =	vmul.f32 v21, v21  }
0x34e: {  	v57 =	vadd.f32 v57, v55  }
0x34f: {  	v4 =	vadd.f32 v4, v61;
	v49 =	vmin.f32 v9, v51;
	vm11 =	veq.s32 v2, v18  }
0x350: {  	vm12 =	veq.s32 v2, v19;
	(xrf1) =	vsort.ascd.msk.f32 $0xffff, v49, v50;
	v58 =	vsel vm11, $0x7F7FC99E, v57  }
0x351: {  	v4 =	vsel vm12, $0x7F7FC99E, v4;
	(xrf1) =	vsort.ascd.msk.f32 $0xffff, v58, v18  }
0x352: {  	(xrf1) =	vsort.ascd.msk.f32 $0xffff, v4, v19;
	_ =	sdelay $0xb  }
0x353: {  	v4, v61, _ =	vpop (xrf1)  }
0x354: {  	v63, v8, _ =	vpop (xrf1)  }
0x355: {  	v20, v9, _ =	vpop (xrf1)  }
0x356: {  	v53 =	vperm.xlane v20, v3  }
0x357: {  	v55 =	vperm.xlane v9, v3  }
0x358: {  	vm13 =	vle.f32 v63, v53  }
0x359: {  	v50 =	vmin.f32 v63, v53;
	v51 =	vsel vm13, v8, v55  }
0x35a: {  	(xrf1) =	vsort.ascd.msk.f32 $0xffff, v50, v51;
	_ =	sdelay $0xd  }
0x35b: {  	v50, v51, _ =	vpop (xrf1)  }
0x35c: {  	v50 =	vperm.xlane v50, v3  }
0x35d: {  	v51 =	vperm.xlane v51, v3  }
0x35e: {  	vm14 =	vle.f32 v4, v50  }
0x35f: {  	v4 =	vmin.f32 v4, v50;
	v49 =	vsel vm14, v61, v51  }
0x360: {  	(xrf1) =	vsort.ascd.msk.f32 $0xffff, v4, v49;
	_ =	sdelay $0xd  }
0x361: {  	v4, v49, _ =	vpop (xrf1)  }
0x362: {  	v4 =	vperm.xlane v4, v3  }
0x363: {  	v49 =	vperm.xlane v49, v3  }
0x364: {  	vm15 =	vle.f32 v47, v4  }
0x365: {  	v4 =	vmin.f32 v47, v4;
	v21 =	vsel vm15, v48, v49  }
0x366: {  	(xrf1) =	vsort.ascd.msk.f32 $0xffff, v4, v21;
	_ =	sdelay $0x8  }
0x367: {  	v58 =	vld [tilespmem:$0x1FA10];
	_ =	sdelay $0x2  }
0x368: {  	v23 =	vsub.f32 v23, v59;
	v20 =	vld [tilespmem:$0x1FF00];
	v63 =	vsub.f32 v22, v62  }
0x369: {  	v55 =	vsub.f32 v24, v62  }
0x36a: {  	v61 =	vsub.f32 v58, v59;
	v51 =	vmul.f32 v63, v63;
	v48 =	vmul.f32 v23, v23;
	v21 =	vld [tilespmem:$0x1FF10];
	v4, v47, _ =	vpop (xrf1)  }
0x36b: {  	v49 =	vmul.f32 v55, v55;
	v4 =	vperm.xlane v4, v3  }
0x36c: {  	v50 =	vmul.f32 v61, v61;
	v47 =	vperm.xlane v47, v3  }
0x36d: {  	vm5 =	veq.s32 v2, v20;
	v8 =	vadd.f32 v49, v48;
	vm4 =	vle.f32 v45, v4  }
0x36e: {  	v9 =	vadd.f32 v51, v50;
	v4 =	vmin.f32 v45, v4;
	v46 =	vsel vm4, v46, v47  }
0x36f: {  	vm6 =	veq.s32 v2, v21;
	(xrf1) =	vsort.ascd.msk.f32 $0xffff, v4, v46;
	v4 =	vsel vm5, $0x7F7FC99E, v8  }
0x370: {  	(xrf1) =	vsort.ascd.msk.f32 $0xffff, v4, v20;
	v4 =	vsel vm6, $0x7F7FC99E, v9  }
0x371: {  	(xrf1) =	vsort.ascd.msk.f32 $0xffff, v4, v21;
	_ =	sdelay $0xb  }
0x372: {  	v57 =	vsub.f32 v27, v59;
	v22 =	vld [tilespmem:$0x1FF20];
	v61 =	vsub.f32 v38, v62;
	v51, v53, _ =	vpop (xrf1)  }
0x373: {  	v63 =	vsub.f32 v25, v59;
	v4, v24, _ =	vpop (xrf1)  }
0x374: {  	v23 =	vld [tilespmem:$0x1FF30];
	v48 =	vmul.f32 v57, v57;
	v49 =	vmul.f32 v61, v61;
	v8 =	vsub.f32 v26, v62;
	v50, v55, _ =	vpop (xrf1)  }
0x375: {  	v46 =	vperm.xlane v50, v3;
	v47 =	vperm.xlane v55, v3  }
0x376: {  	v50 =	vmul.f32 v63, v63;
	v55 =	vmul.f32 v8, v8  }
0x377: {  	vm8 =	veq.s32 v2, v22;
	v9 =	vadd.f32 v49, v48;
	vm7 =	vle.f32 v4, v46  }
0x378: {  	v4 =	vmin.f32 v4, v46;
	v45 =	vsel vm7, v24, v47;
	v24 =	vadd.f32 v55, v50  }
0x379: {  	vm9 =	veq.s32 v2, v23;
	(xrf1) =	vsort.ascd.msk.f32 $0xffff, v4, v45;
	v4 =	vsel vm8, $0x7F7FC99E, v9  }
0x37a: {  	(xrf1) =	vsort.ascd.msk.f32 $0xffff, v4, v22;
	v4 =	vsel vm9, $0x7F7FC99E, v24  }
0x37b: {  	(xrf1) =	vsort.ascd.msk.f32 $0xffff, v4, v23;
	_ =	sdelay $0xb  }
0x37c: {  	v4, v45, _ =	vpop (xrf1)  }
0x37d: {  	v25, v26, _ =	vpop (xrf1)  }
0x37e: {  	v48, v49, _ =	vpop (xrf1)  }
0x37f: {  	v48 =	vperm.xlane v48, v3  }
0x380: {  	v49 =	vperm.xlane v49, v3  }
0x381: {  	vm10 =	vle.f32 v25, v48  }
0x382: {  	v46 =	vmin.f32 v25, v48;
	v47 =	vsel vm10, v26, v49  }
0x383: {  	(xrf1) =	vsort.ascd.msk.f32 $0xffff, v46, v47;
	_ =	sdelay $0x5  }
0x384: {  	v5 =	vld [tilespmem:$0x1FD30];
	_ =	sdelay $0x4  }
0x385: {  	v38 =	vsub.f32 v39, v62;
	v39 =	vsub.f32 v5, v59  }
0x386: {  	v27 =	vsub.f32 v29, v59;
	v57 =	vsub.f32 v28, v62  }
0x387: {  	v50 =	vmul.f32 v39, v39;
	v24 =	vld [tilespmem:$0x1FF40]  }
0x388: {  	v55 =	vmul.f32 v57, v57;
	v48 =	vmul.f32 v27, v27;
	v25 =	vld [tilespmem:$0x1FF50];
	v46, v47, _ =	vpop (xrf1)  }
0x389: {  	v49 =	vmul.f32 v38, v38;
	v46 =	vperm.xlane v46, v3  }
0x38a: {  	v47 =	vperm.xlane v47, v3  }
0x38b: {  	v63 =	vadd.f32 v55, v50;
	v61 =	vadd.f32 v49, v48;
	vm11 =	vle.f32 v4, v46  }
0x38c: {  	vm12 =	veq.s32 v2, v24;
	v4 =	vmin.f32 v4, v46;
	v45 =	vsel vm11, v45, v47  }
0x38d: {  	vm13 =	veq.s32 v2, v25;
	(xrf1) =	vsort.ascd.msk.f32 $0xffff, v4, v45;
	v4 =	vsel vm12, $0x7F7FC99E, v61  }
0x38e: {  	(xrf1) =	vsort.ascd.msk.f32 $0xffff, v4, v24;
	v4 =	vsel vm13, $0x7F7FC99E, v63  }
0x38f: {  	(xrf1) =	vsort.ascd.msk.f32 $0xffff, v4, v25;
	_ =	sdelay $0x6  }
0x390: {  	v38 =	vld [tilespmem:$0x1FA20];
	_ =	sdelay $0x2  }
0x391: {  	v26 =	vsub.f32 v41, v59;
	_ =	sdelay $0x1  }
0x392: {  	v50 =	vmul.f32 v26, v26;
	v26 =	vld [tilespmem:$0x1FF60];
	v27 =	vsub.f32 v38, v62;
	v4, v45, _ =	vpop (xrf1)  }
0x393: {  	v33 =	vsub.f32 v33, v59;
	v8, v9, _ =	vpop (xrf1)  }
0x394: {  	v39 =	vsub.f32 v40, v62;
	v55 =	vmul.f32 v27, v27;
	v27 =	vld [tilespmem:$0x1FF70];
	v48, v49, _ =	vpop (xrf1)  }
0x395: {  	v57 =	vmul.f32 v33, v33;
	v48 =	vperm.xlane v48, v3  }
0x396: {  	v61 =	vmul.f32 v39, v39;
	v49 =	vperm.xlane v49, v3  }
0x397: {  	vm15 =	veq.s32 v2, v26;
	v40 =	vadd.f32 v55, v50;
	vm14 =	vle.f32 v8, v48  }
0x398: {  	v41 =	vadd.f32 v61, v57;
	v46 =	vmin.f32 v8, v48;
	v47 =	vsel vm14, v9, v49  }
0x399: {  	v50 =	vsel vm15, $0x7F7FC99E, v40;
	vm4 =	veq.s32 v2, v27;
	(xrf1) =	vsort.ascd.msk.f32 $0xffff, v46, v47  }
0x39a: {  	v55 =	vsel vm4, $0x7F7FC99E, v41;
	(xrf1) =	vsort.ascd.msk.f32 $0xffff, v50, v26  }
0x39b: {  	(xrf1) =	vsort.ascd.msk.f32 $0xffff, v55, v27;
	_ =	sdelay $0xb  }
0x39c: {  	v57, v47, _ =	vpop (xrf1)  }
0x39d: {  	v61, v63, _ =	vpop (xrf1)  }
0x39e: {  	v50, v55, _ =	vpop (xrf1)  }
0x39f: {  	v50 =	vperm.xlane v50, v3  }
0x3a0: {  	v55 =	vperm.xlane v55, v3  }
0x3a1: {  	vm5 =	vle.f32 v61, v50  }
0x3a2: {  	v48 =	vmin.f32 v61, v50;
	v49 =	vsel vm5, v63, v55  }
0x3a3: {  	(xrf1) =	vsort.ascd.msk.f32 $0xffff, v48, v49;
	_ =	sdelay $0xd  }
0x3a4: {  	v48, v49, _ =	vpop (xrf1)  }
0x3a5: {  	v48 =	vperm.xlane v48, v3  }
0x3a6: {  	v49 =	vperm.xlane v49, v3  }
0x3a7: {  	vm6 =	vle.f32 v57, v48  }
0x3a8: {  	v46 =	vmin.f32 v57, v48;
	v47 =	vsel vm6, v47, v49  }
0x3a9: {  	(xrf1) =	vsort.ascd.msk.f32 $0xffff, v46, v47;
	_ =	sdelay $0x2  }
0x3aa: {  	v5 =	vld [tilespmem:$0x1FD80];
	_ =	sdelay $0x4  }
0x3ab: {  	v8 =	vsub.f32 v5, v59;
	v5 =	vld [tilespmem:$0x1FD90];
	_ =	sdelay $0x3  }
0x3ac: {  	v28 =	vld [tilespmem:$0x1FF80];
	v33 =	vsub.f32 v42, v59  }
0x3ad: {  	v9 =	vsub.f32 v5, v62  }
0x3ae: {  	v29 =	vld [tilespmem:$0x1FF90];
	v39 =	vsub.f32 v54, v62;
	v50 =	vmul.f32 v33, v33;
	v48 =	vmul.f32 v8, v8;
	v46, v47, _ =	vpop (xrf1)  }
0x3af: {  	v49 =	vmul.f32 v9, v9;
	v46 =	vperm.xlane v46, v3  }
0x3b0: {  	v55 =	vmul.f32 v39, v39;
	v47 =	vperm.xlane v47, v3  }
0x3b1: {  	vm8 =	veq.s32 v2, v28;
	v40 =	vadd.f32 v49, v48;
	vm7 =	vle.f32 v4, v46  }
0x3b2: {  	v41 =	vadd.f32 v55, v50;
	v4 =	vmin.f32 v4, v46;
	v45 =	vsel vm7, v45, v47  }
0x3b3: {  	vm9 =	veq.s32 v2, v29;
	(xrf1) =	vsort.ascd.msk.f32 $0xffff, v4, v45;
	v4 =	vsel vm8, $0x7F7FC99E, v40  }
0x3b4: {  	(xrf1) =	vsort.ascd.msk.f32 $0xffff, v4, v28;
	v4 =	vsel vm9, $0x7F7FC99E, v41  }
0x3b5: {  	(xrf1) =	vsort.ascd.msk.f32 $0xffff, v4, v29;
	_ =	sdelay $0x6  }
0x3b6: {  	v39 =	vld [tilespmem:$0x1FA30]  }
0x3b7: {  	v40 =	vld [tilespmem:$0x1FA40]  }
0x3b8: {  	v33 =	vld [tilespmem:$0x1FA50];
	_ =	sdelay $0x1  }
0x3b9: {  	v5 =	vld [tilespmem:$0x1FFB0]  }
0x3ba: {  	v30 =	vld [tilespmem:$0x1FFA0];
	v50 =	vsub.f32 v39, v59;
	v8 =	vsub.f32 v44, v59;
	v4, v45, _ =	vpop (xrf1)  }
0x3bb: {  	v42 =	vsub.f32 v40, v62;
	v46, v47, _ =	vpop (xrf1)  }
0x3bc: {  	v50 =	vmul.f32 v50, v50;
	v9 =	vsub.f32 v33, v62;
	v57 =	vmul.f32 v8, v8;
	v48, v49, _ =	vpop (xrf1)  }
0x3bd: {  	v55 =	vmul.f32 v42, v42;
	v48 =	vperm.xlane v48, v3  }
0x3be: {  	vm12 =	veq.s32 v2, v5;
	v5 =	vld [tilespmem:$0x1FFB0];
	v61 =	vmul.f32 v9, v9;
	v49 =	vperm.xlane v49, v3  }
0x3bf: {  	vm11 =	veq.s32 v2, v30;
	v41 =	vadd.f32 v55, v50;
	vm10 =	vle.f32 v46, v48  }
0x3c0: {  	v42 =	vadd.f32 v61, v57;
	v46 =	vmin.f32 v46, v48;
	v47 =	vsel vm10, v47, v49  }
0x3c1: {  	v54 =	vsel vm11, $0x7F7FC99E, v41;
	(xrf1) =	vsort.ascd.msk.f32 $0xffff, v46, v47  }
0x3c2: {  	v55 =	vsel vm12, $0x7F7FC99E, v42;
	(xrf1) =	vsort.ascd.msk.f32 $0xffff, v54, v30  }
0x3c3: {  	(xrf1) =	vsort.ascd.msk.f32 $0xffff, v55, v5;
	_ =	sdelay $0xb  }
0x3c4: {  	v46, v47, _ =	vpop (xrf1)  }
0x3c5: {  	v57, v61, _ =	vpop (xrf1)  }
0x3c6: {  	v50, v55, _ =	vpop (xrf1)  }
0x3c7: {  	v50 =	vperm.xlane v50, v3  }
0x3c8: {  	v55 =	vperm.xlane v55, v3  }
0x3c9: {  	vm13 =	vle.f32 v57, v50  }
0x3ca: {  	v48 =	vmin.f32 v57, v50;
	v49 =	vsel vm13, v61, v55  }
0x3cb: {  	v5 =	vld [tilespmem:$0x1FDD0];
	(xrf1) =	vsort.ascd.msk.f32 $0xffff, v48, v49;
	_ =	sdelay $0x4  }
0x3cc: {  	v8 =	vsub.f32 v5, v62;
	v5 =	vld [tilespmem:$0x1FFC0];
	_ =	sdelay $0x2  }
0x3cd: {  	v54 =	vld [tilespmem:$0x1FA60];
	_ =	sdelay $0x1  }
0x3ce: {  	vm15 =	veq.s32 v2, v5;
	v5 =	vld [tilespmem:$0x1FFD0];
	_ =	sdelay $0x1  }
0x3cf: {  	v42 =	vld [tilespmem:$0x1FA80]  }
0x3d0: {  	v41 =	vld [tilespmem:$0x1FA70];
	v50 =	vsub.f32 v54, v59  }
0x3d1: {  	v55 =	vmul.f32 v8, v8;
	v48, v49, _ =	vpop (xrf1)  }
0x3d2: {  	vm4 =	veq.s32 v2, v5;
	v5 =	vld [tilespmem:$0x1FFC0];
	v50 =	vmul.f32 v50, v50;
	v48 =	vperm.xlane v48, v3  }
0x3d3: {  	v49 =	vperm.xlane v49, v3  }
0x3d4: {  	v44 =	vsub.f32 v42, v62;
	v55 =	vadd.f32 v55, v50;
	vm14 =	vle.f32 v46, v48  }
0x3d5: {  	v9 =	vsub.f32 v41, v59;
	v46 =	vmin.f32 v46, v48;
	v47 =	vsel vm14, v47, v49  }
0x3d6: {  	v8 =	vsel vm15, $0x7F7FC99E, v55;
	(xrf1) =	vsort.ascd.msk.f32 $0xffff, v46, v47  }
0x3d7: {  	v57 =	vmul.f32 v9, v9;
	v61 =	vmul.f32 v44, v44;
	(xrf1) =	vsort.ascd.msk.f32 $0xffff, v8, v5;
	v5 =	vld [tilespmem:$0x1FFD0];
	_ =	sdelay $0x1  }
0x3d8: {  	v61 =	vadd.f32 v61, v57;
	_ =	sdelay $0x1  }
0x3d9: {  	v9 =	vsel vm4, $0x7F7FC99E, v61  }
0x3da: {  	(xrf1) =	vsort.ascd.msk.f32 $0xffff, v9, v5;
	_ =	sdelay $0x5  }
0x3db: {  	v9 =	vld [tilespmem:$0x1FA90]  }
0x3dc: {  	v5 =	vld [tilespmem:$0x1FDE0]  }
0x3dd: {  	v7 =	vld [tilespmem:$0x1FAA0]  }
0x3de: {  	v8 =	vld [tilespmem:$0x1FAB0];
	_ =	sdelay $0x2  }
0x3df: {  	v57 =	vsub.f32 v9, v59;
	v44 =	vsub.f32 v5, v62;
	v46, v47, _ =	vpop (xrf1)  }
0x3e0: {  	v59 =	vsub.f32 v7, v59;
	v48, v49, _ =	vpop (xrf1)  }
0x3e1: {  	v63 =	vld [tilespmem:$0x1FFE0];
	v62 =	vsub.f32 v8, v62;
	v57 =	vmul.f32 v57, v57;
	v61 =	vmul.f32 v44, v44;
	v50, v55, _ =	vpop (xrf1)  }
0x3e2: {  	v59 =	vmul.f32 v59, v59;
	v50 =	vperm.xlane v50, v3  }
0x3e3: {  	v62 =	vmul.f32 v62, v62;
	v55 =	vperm.xlane v55, v3  }
0x3e4: {  	vm6 =	veq.s32 v2, v60;
	v61 =	vadd.f32 v61, v57;
	vm5 =	vle.f32 v48, v50  }
0x3e5: {  	v44 =	vadd.f32 v62, v59;
	v48 =	vmin.f32 v48, v50;
	v49 =	vsel vm5, v49, v55  }
0x3e6: {  	vm7 =	veq.s32 v2, v63;
	v57 =	vsel vm6, $0x7F7FC99E, v61;
	(xrf1) =	vsort.ascd.msk.f32 $0xffff, v48, v49  }
0x3e7: {  	v59 =	vsel vm7, $0x7F7FC99E, v44;
	(xrf1) =	vsort.ascd.msk.f32 $0xffff, v57, v60  }
0x3e8: {  	(xrf1) =	vsort.ascd.msk.f32 $0xffff, v59, v63;
	_ =	sdelay $0xb  }
0x3e9: {  	v48, v49, _ =	vpop (xrf1)  }
0x3ea: {  	v50, v61, _ =	vpop (xrf1)  }
0x3eb: {  	v62, v44, _ =	vpop (xrf1)  }
0x3ec: {  	v57 =	vperm.xlane v62, v3  }
0x3ed: {  	v59 =	vperm.xlane v44, v3  }
0x3ee: {  	vm8 =	vle.f32 v50, v57  }
0x3ef: {  	v50 =	vmin.f32 v50, v57;
	v55 =	vsel vm8, v61, v59  }
0x3f0: {  	(xrf1) =	vsort.ascd.msk.f32 $0xffff, v50, v55;
	_ =	sdelay $0xd  }
0x3f1: {  	v50, v55, _ =	vpop (xrf1)  }
0x3f2: {  	v50 =	vperm.xlane v50, v3  }
0x3f3: {  	v55 =	vperm.xlane v55, v3  }
0x3f4: {  	vm9 =	vle.f32 v48, v50  }
0x3f5: {  	v48 =	vmin.f32 v48, v50;
	v49 =	vsel vm9, v49, v55  }
0x3f6: {  	(xrf1) =	vsort.ascd.msk.f32 $0xffff, v48, v49;
	_ =	sdelay $0xd  }
0x3f7: {  	v48, v49, _ =	vpop (xrf1)  }
0x3f8: {  	v48 =	vperm.xlane v48, v3  }
0x3f9: {  	v49 =	vperm.xlane v49, v3  }
0x3fa: {  	vm10 =	vle.f32 v46, v48  }
0x3fb: {  	v46 =	vmin.f32 v46, v48;
	v47 =	vsel vm10, v47, v49  }
0x3fc: {  	(xrf1) =	vsort.ascd.msk.f32 $0xffff, v46, v47;
	_ =	sdelay $0xd  }
0x3fd: {  	v46, v47, _ =	vpop (xrf1)  }
0x3fe: {  	v5 =	vld [tilespmem:$0x1FAC0];
	v46 =	vperm.xlane v46, v3  }
0x3ff: {  	v47 =	vperm.xlane v47, v3  }
0x400: {  	vm11 =	vle.f32 v4, v46  }
0x401: {  	s18 =	sadd.s32 $0x3, s18;
	v4 =	vmin.f32 v4, v46;
	v45 =	vsel vm11, v45, v47  }
0x402: {  	(xrf1) =	vsort.ascd.msk.f32 $0xffff, v4, v45;
	v4 =	vmov s18  }
0x403: {  	v55 =	vperm.xlane v5, v4;
	v5 =	vld [tilespmem:$0x1FAD0];
	_ =	sdelay $0x4  }
0x404: {  	v57 =	vperm.xlane v5, v4;
	v5 =	vld [tilespmem:$0x1FAE0];
	_ =	sdelay $0x4  }
0x405: {  	v46 =	vsub.f32 v5, v55;
	v5 =	vld [tilespmem:$0x1FAF0];
	_ =	sdelay $0x4  }
0x406: {  	v59 =	vsub.f32 v5, v57;
	v5 =	vld [tilespmem:$0x1FB00];
	_ =	sdelay $0x4  }
0x407: {  	v61 =	vsub.f32 v5, v55;
	v5 =	vld [tilespmem:$0x1FB10];
	_ =	sdelay $0x2  }
0x408: {  	v4, v45, _ =	vpop (xrf1)  }
0x409: {  	v4 =	vperm.xlane v4, v3  }
0x40a: {  	v46 =	vmul.f32 v46, v46;
	v62 =	vsub.f32 v5, v57  }
0x40b: {  	v45 =	vperm.xlane v45, v3;
	vm12 =	vle.f32 v51, v4;
	v47 =	vmul.f32 v59, v59  }
0x40c: {  	s31 =	sadd.s32 $0x3, s15;
	v4 =	vmin.f32 v51, v4;
	v48 =	vmul.f32 v61, v61;
	v49 =	vmul.f32 v62, v62  }
0x40d: {  	v46 =	vadd.f32 v47, v46;
	v5 =	vlaneseq.u32;
	v62 =	vmov s31  }
0x40e: {  	v45 =	vsel vm12, v53, v45;
	vm13 =	veq.s32 v62, v5;
	v50 =	vadd.f32 v49, v48  }
0x40f: {  	(xrf1) =	vsort.ascd.msk.f32 $0xffff, v4, v45;
	vm14 =	veq.s32 v62, v11;
	v4 =	vsel vm13, $0x7F7FC99E, v46  }
0x410: {  	(xrf1) =	vsort.ascd.msk.f32 $0xffff, v4, v5;
	v4 =	vsel vm14, $0x7F7FC99E, v50  }
0x411: {  	(xrf1) =	vsort.ascd.msk.f32 $0xffff, v4, v11;
	_ =	sdelay $0x2  }
0x412: {  	v5 =	vld [tilespmem:$0x1FB20];
	_ =	sdelay $0x4  }
0x413: {  	v61 =	vsub.f32 v5, v57;
	v5 =	vld [tilespmem:$0x1FB30];
	_ =	sdelay $0x3  }
0x414: {  	v48 =	vsub.f32 v52, v55;
	_, v59, _ =	vpop (xrf1)  }
0x415: {  	v11 =	vsub.f32 v5, v55;
	v4, v45, _ =	vpop (xrf1)  }
0x416: {  	v44 =	vsub.f32 v37, v57;
	v48 =	vmul.f32 v48, v48;
	v49 =	vmul.f32 v61, v61;
	v51, v53, _ =	vpop (xrf1)  }
0x417: {  	v50 =	vmul.f32 v11, v11;
	v46 =	vperm.xlane v51, v3  }
0x418: {  	v47 =	vperm.xlane v53, v3;
	v51 =	vmul.f32 v44, v44  }
0x419: {  	vm4 =	veq.s32 v62, v6;
	v49 =	vadd.f32 v49, v48;
	vm15 =	vle.f32 v4, v46  }
0x41a: {  	v4 =	vmin.f32 v4, v46;
	v52 =	vadd.f32 v51, v50;
	v45 =	vsel vm15, v45, v47  }
0x41b: {  	vm5 =	veq.s32 v62, v12;
	(xrf1) =	vsort.ascd.msk.f32 $0xffff, v4, v45;
	v4 =	vsel vm4, $0x7F7FC99E, v49  }
0x41c: {  	(xrf1) =	vsort.ascd.msk.f32 $0xffff, v4, v6;
	v4 =	vsel vm5, $0x7F7FC99E, v52  }
0x41d: {  	(xrf1) =	vsort.ascd.msk.f32 $0xffff, v4, v12;
	_ =	sdelay $0xb  }
0x41e: {  	v4, v45, _ =	vpop (xrf1)  }
0x41f: {  	v5 =	vld [tilespmem:$0x1FB40];
	v53, v61, _ =	vpop (xrf1)  }
0x420: {  	v48, v49, _ =	vpop (xrf1)  }
0x421: {  	v48 =	vperm.xlane v48, v3  }
0x422: {  	v49 =	vperm.xlane v49, v3  }
0x423: {  	vm6 =	vle.f32 v53, v48  }
0x424: {  	v11 =	vsub.f32 v5, v55;
	v5 =	vld [tilespmem:$0x1FB50];
	v46 =	vmin.f32 v53, v48;
	v47 =	vsel vm6, v61, v49  }
0x425: {  	(xrf1) =	vsort.ascd.msk.f32 $0xffff, v46, v47;
	_ =	sdelay $0x3  }
0x426: {  	v12 =	vsub.f32 v5, v57;
	v5 =	vld [tilespmem:$0x1FB60];
	_ =	sdelay $0x4  }
0x427: {  	v37 =	vsub.f32 v5, v55;
	v5 =	vld [tilespmem:$0x1FB70];
	_ =	sdelay $0x4  }
0x428: {  	v50 =	vmul.f32 v37, v37;
	v44 =	vsub.f32 v5, v57;
	v48 =	vmul.f32 v11, v11;
	v46, v47, _ =	vpop (xrf1)  }
0x429: {  	v49 =	vmul.f32 v12, v12;
	v46 =	vperm.xlane v46, v3  }
0x42a: {  	v51 =	vmul.f32 v44, v44;
	v47 =	vperm.xlane v47, v3  }
0x42b: {  	vm8 =	veq.s32 v62, v31;
	v53 =	vadd.f32 v49, v48;
	vm7 =	vle.f32 v4, v46  }
0x42c: {  	v61 =	vadd.f32 v51, v50;
	v4 =	vmin.f32 v4, v46;
	v45 =	vsel vm7, v45, v47  }
0x42d: {  	vm9 =	veq.s32 v62, v34;
	(xrf1) =	vsort.ascd.msk.f32 $0xffff, v4, v45;
	v4 =	vsel vm8, $0x7F7FC99E, v53  }
0x42e: {  	v5 =	vld [tilespmem:$0x1FB80];
	(xrf1) =	vsort.ascd.msk.f32 $0xffff, v4, v31;
	v4 =	vsel vm9, $0x7F7FC99E, v61  }
0x42f: {  	(xrf1) =	vsort.ascd.msk.f32 $0xffff, v4, v34;
	_ =	sdelay $0x3  }
0x430: {  	v34 =	vsub.f32 v5, v55;
	v5 =	vld [tilespmem:$0x1FB90];
	_ =	sdelay $0x4  }
0x431: {  	v37 =	vsub.f32 v43, v57;
	v43 =	vsub.f32 v5, v55;
	v5 =	vld [tilespmem:$0x1FBA0];
	_ =	sdelay $0x2  }
0x432: {  	v4, v45, _ =	vpop (xrf1)  }
0x433: {  	v11, v12, _ =	vpop (xrf1)  }
0x434: {  	v51 =	vmul.f32 v37, v37;
	v50 =	vmul.f32 v34, v34;
	v44 =	vsub.f32 v5, v57;
	v48, v49, _ =	vpop (xrf1)  }
0x435: {  	v53 =	vmul.f32 v43, v43;
	v48 =	vperm.xlane v48, v3  }
0x436: {  	v61 =	vmul.f32 v44, v44;
	v49 =	vperm.xlane v49, v3  }
0x437: {  	vm11 =	veq.s32 v62, v32;
	v52 =	vadd.f32 v51, v50;
	vm10 =	vle.f32 v11, v48  }
0x438: {  	v61 =	vadd.f32 v61, v53;
	v46 =	vmin.f32 v11, v48;
	v47 =	vsel vm10, v12, v49  }
0x439: {  	vm12 =	veq.s32 v62, v36;
	v11 =	vsel vm11, $0x7F7FC99E, v52;
	(xrf1) =	vsort.ascd.msk.f32 $0xffff, v46, v47  }
0x43a: {  	v12 =	vsel vm12, $0x7F7FC99E, v61;
	(xrf1) =	vsort.ascd.msk.f32 $0xffff, v11, v32  }
0x43b: {  	(xrf1) =	vsort.ascd.msk.f32 $0xffff, v12, v36;
	_ =	sdelay $0xb  }
0x43c: {  	v32, v47, _ =	vpop (xrf1)  }
0x43d: {  	v34, v36, _ =	vpop (xrf1)  }
0x43e: {  	v50, v51, _ =	vpop (xrf1)  }
0x43f: {  	v50 =	vperm.xlane v50, v3  }
0x440: {  	v51 =	vperm.xlane v51, v3  }
0x441: {  	vm13 =	vle.f32 v34, v50  }
0x442: {  	v48 =	vmin.f32 v34, v50;
	v49 =	vsel vm13, v36, v51  }
0x443: {  	(xrf1) =	vsort.ascd.msk.f32 $0xffff, v48, v49;
	_ =	sdelay $0xc  }
0x444: {  	v5 =	vld [tilespmem:$0x1FBB0]  }
0x445: {  	v48, v49, _ =	vpop (xrf1)  }
0x446: {  	v48 =	vperm.xlane v48, v3  }
0x447: {  	v49 =	vperm.xlane v49, v3  }
0x448: {  	vm14 =	vle.f32 v32, v48  }
0x449: {  	v37 =	vsub.f32 v5, v55;
	v5 =	vld [tilespmem:$0x1FBC0];
	v46 =	vmin.f32 v32, v48;
	v47 =	vsel vm14, v47, v49  }
0x44a: {  	(xrf1) =	vsort.ascd.msk.f32 $0xffff, v46, v47;
	_ =	sdelay $0x3  }
0x44b: {  	v43 =	vsub.f32 v5, v57;
	v5 =	vld [tilespmem:$0x1FBD0];
	_ =	sdelay $0x4  }
0x44c: {  	v61 =	vsub.f32 v5, v55;
	v5 =	vld [tilespmem:$0x1FBE0];
	_ =	sdelay $0x4  }
0x44d: {  	v11 =	vsub.f32 v5, v57;
	v50 =	vmul.f32 v61, v61;
	v48 =	vmul.f32 v37, v37;
	v46, v47, _ =	vpop (xrf1)  }
0x44e: {  	v5 =	vld [tilespmem:$0x1FBF0];
	v49 =	vmul.f32 v43, v43;
	v46 =	vperm.xlane v46, v3  }
0x44f: {  	v51 =	vmul.f32 v11, v11;
	v47 =	vperm.xlane v47, v3  }
0x450: {  	vm4 =	veq.s32 v62, v10;
	v12 =	vadd.f32 v49, v48;
	vm15 =	vle.f32 v4, v46  }
0x451: {  	v32 =	vadd.f32 v51, v50;
	v4 =	vmin.f32 v4, v46;
	v45 =	vsel vm15, v45, v47  }
0x452: {  	vm5 =	veq.s32 v62, v13;
	(xrf1) =	vsort.ascd.msk.f32 $0xffff, v4, v45;
	v4 =	vsel vm4, $0x7F7FC99E, v12  }
0x453: {  	v37 =	vsub.f32 v5, v55;
	v5 =	vld [tilespmem:$0x1FC00];
	(xrf1) =	vsort.ascd.msk.f32 $0xffff, v4, v10;
	v4 =	vsel vm5, $0x7F7FC99E, v32  }
0x454: {  	(xrf1) =	vsort.ascd.msk.f32 $0xffff, v4, v13;
	_ =	sdelay $0x3  }
0x455: {  	v43 =	vsub.f32 v5, v57;
	v5 =	vld [tilespmem:$0x1FC10];
	_ =	sdelay $0x4  }
0x456: {  	v44 =	vsub.f32 v5, v55;
	v5 =	vld [tilespmem:$0x1FC20];
	_ =	sdelay $0x2  }
0x457: {  	v4, v45, _ =	vpop (xrf1)  }
0x458: {  	v34, v36, _ =	vpop (xrf1)  }
0x459: {  	v50 =	vmul.f32 v37, v37;
	v51 =	vmul.f32 v43, v43;
	v10 =	vsub.f32 v5, v57;
	v48, v49, _ =	vpop (xrf1)  }
0x45a: {  	v53 =	vmul.f32 v44, v44;
	v48 =	vperm.xlane v48, v3  }
0x45b: {  	v61 =	vmul.f32 v10, v10;
	v49 =	vperm.xlane v49, v3  }
0x45c: {  	vm7 =	veq.s32 v62, v14;
	v11 =	vadd.f32 v51, v50;
	vm6 =	vle.f32 v34, v48  }
0x45d: {  	v12 =	vadd.f32 v61, v53;
	v46 =	vmin.f32 v34, v48;
	v47 =	vsel vm6, v36, v49  }
0x45e: {  	vm8 =	veq.s32 v62, v15;
	v13 =	vsel vm7, $0x7F7FC99E, v11;
	(xrf1) =	vsort.ascd.msk.f32 $0xffff, v46, v47  }
0x45f: {  	(xrf1) =	vsort.ascd.msk.f32 $0xffff, v13, v14;
	v14 =	vsel vm8, $0x7F7FC99E, v12  }
0x460: {  	(xrf1) =	vsort.ascd.msk.f32 $0xffff, v14, v15;
	_ =	sdelay $0xb  }
0x461: {  	v15, v47, _ =	vpop (xrf1)  }
0x462: {  	v32, v34, _ =	vpop (xrf1)  }
0x463: {  	v50, v51, _ =	vpop (xrf1)  }
0x464: {  	v50 =	vperm.xlane v50, v3  }
0x465: {  	v51 =	vperm.xlane v51, v3  }
0x466: {  	vm9 =	vle.f32 v32, v50  }
0x467: {  	v5 =	vld [tilespmem:$0x1FC30];
	v48 =	vmin.f32 v32, v50;
	v49 =	vsel vm9, v34, v51  }
0x468: {  	(xrf1) =	vsort.ascd.msk.f32 $0xffff, v48, v49;
	_ =	sdelay $0x3  }
0x469: {  	v37 =	vsub.f32 v5, v57;
	v5 =	vld [tilespmem:$0x1FC40];
	_ =	sdelay $0x4  }
0x46a: {  	v43 =	vsub.f32 v5, v55;
	v5 =	vld [tilespmem:$0x1FC50];
	_ =	sdelay $0x2  }
0x46b: {  	v36 =	vsub.f32 v56, v55;
	_ =	sdelay $0x1  }
0x46c: {  	v53 =	vmul.f32 v43, v43;
	v44 =	vsub.f32 v5, v57;
	v50 =	vmul.f32 v36, v36;
	v48, v49, _ =	vpop (xrf1)  }
0x46d: {  	v51 =	vmul.f32 v37, v37;
	v48 =	vperm.xlane v48, v3  }
0x46e: {  	v61 =	vmul.f32 v44, v44;
	v49 =	vperm.xlane v49, v3  }
0x46f: {  	vm11 =	veq.s32 v62, v16;
	v52 =	vadd.f32 v51, v50;
	vm10 =	vle.f32 v15, v48  }
0x470: {  	v53 =	vadd.f32 v61, v53;
	v46 =	vmin.f32 v15, v48;
	v47 =	vsel vm10, v47, v49  }
0x471: {  	vm12 =	veq.s32 v62, v17;
	v56 =	vsel vm11, $0x7F7FC99E, v52;
	(xrf1) =	vsort.ascd.msk.f32 $0xffff, v46, v47  }
0x472: {  	v5 =	vld [tilespmem:$0x1FC60];
	v61 =	vsel vm12, $0x7F7FC99E, v53;
	(xrf1) =	vsort.ascd.msk.f32 $0xffff, v56, v16  }
0x473: {  	(xrf1) =	vsort.ascd.msk.f32 $0xffff, v61, v17;
	_ =	sdelay $0x3  }
0x474: {  	v13 =	vsub.f32 v5, v55;
	v5 =	vld [tilespmem:$0x1FC70];
	_ =	sdelay $0x2  }
0x475: {  	v6 =	vld [tilespmem:$0x1FC90];
	_ =	sdelay $0x1  }
0x476: {  	v14 =	vsub.f32 v5, v57;
	v5 =	vld [tilespmem:$0x1FC80];
	_ =	sdelay $0x2  }
0x477: {  	v6 =	vsub.f32 v6, v57;
	v10, v47, _ =	vpop (xrf1)  }
0x478: {  	v11, v12, _ =	vpop (xrf1)  }
0x479: {  	v6 =	vmul.f32 v6, v6;
	v53 =	vmul.f32 v13, v13;
	v5 =	vsub.f32 v5, v55;
	v50, v51, _ =	vpop (xrf1)  }
0x47a: {  	v61 =	vmul.f32 v14, v14;
	v50 =	vperm.xlane v50, v3  }
0x47b: {  	v5 =	vmul.f32 v5, v5;
	v51 =	vperm.xlane v51, v3  }
0x47c: {  	vm14 =	veq.s32 v62, v18;
	v15 =	vadd.f32 v61, v53;
	vm13 =	vle.f32 v11, v50  }
0x47d: {  	v5 =	vadd.f32 v6, v5;
	v48 =	vmin.f32 v11, v50;
	v49 =	vsel vm13, v12, v51  }
0x47e: {  	vm15 =	veq.s32 v62, v19;
	v6 =	vsel vm14, $0x7F7FC99E, v15;
	(xrf1) =	vsort.ascd.msk.f32 $0xffff, v48, v49  }
0x47f: {  	v5 =	vsel vm15, $0x7F7FC99E, v5;
	(xrf1) =	vsort.ascd.msk.f32 $0xffff, v6, v18  }
0x480: {  	(xrf1) =	vsort.ascd.msk.f32 $0xffff, v5, v19;
	_ =	sdelay $0xb  }
0x481: {  	v5, v6, _ =	vpop (xrf1)  }
0x482: {  	v48, v49, _ =	vpop (xrf1)  }
0x483: {  	v17, v16, _ =	vpop (xrf1)  }
0x484: {  	v50 =	vperm.xlane v17, v3  }
0x485: {  	v51 =	vperm.xlane v16, v3  }
0x486: {  	vm4 =	vle.f32 v48, v50  }
0x487: {  	v48 =	vmin.f32 v48, v50;
	v49 =	vsel vm4, v49, v51  }
0x488: {  	(xrf1) =	vsort.ascd.msk.f32 $0xffff, v48, v49;
	_ =	sdelay $0xd  }
0x489: {  	v48, v49, _ =	vpop (xrf1)  }
0x48a: {  	v48 =	vperm.xlane v48, v3  }
0x48b: {  	v49 =	vperm.xlane v49, v3  }
0x48c: {  	vm5 =	vle.f32 v5, v48  }
0x48d: {  	v5 =	vmin.f32 v5, v48;
	v6 =	vsel vm5, v6, v49  }
0x48e: {  	(xrf1) =	vsort.ascd.msk.f32 $0xffff, v5, v6;
	_ =	sdelay $0xd  }
0x48f: {  	v5, v6, _ =	vpop (xrf1)  }
0x490: {  	v5 =	vperm.xlane v5, v3  }
0x491: {  	v6 =	vperm.xlane v6, v3  }
0x492: {  	vm6 =	vle.f32 v10, v5  }
0x493: {  	v5 =	vmin.f32 v10, v5;
	v6 =	vsel vm6, v47, v6  }
0x494: {  	(xrf1) =	vsort.ascd.msk.f32 $0xffff, v5, v6;
	_ =	sdelay $0x6  }
0x495: {  	v18 =	vld [tilespmem:$0x1FCA0]  }
0x496: {  	v32 =	vld [tilespmem:$0x1FCB0]  }
0x497: {  	v37 =	vld [tilespmem:$0x1FCC0];
	_ =	sdelay $0x2  }
0x498: {  	v36 =	vsub.f32 v58, v55;
	v19 =	vsub.f32 v18, v55  }
0x499: {  	v34 =	vsub.f32 v32, v57  }
0x49a: {  	v43 =	vsub.f32 v37, v57;
	v46 =	vmul.f32 v19, v19;
	v48 =	vmul.f32 v36, v36;
	v5, v6, _ =	vpop (xrf1)  }
0x49b: {  	v47 =	vmul.f32 v34, v34;
	v5 =	vperm.xlane v5, v3  }
0x49c: {  	v49 =	vmul.f32 v43, v43;
	v6 =	vperm.xlane v6, v3  }
0x49d: {  	vm7 =	vle.f32 v4, v5;
	v4 =	vmin.f32 v4, v5;
	v5 =	vadd.f32 v47, v46  }
0x49e: {  	vm8 =	veq.s32 v62, v20;
	v48 =	vadd.f32 v49, v48;
	v6 =	vsel vm7, v45, v6  }
0x49f: {  	vm9 =	veq.s32 v62, v21;
	(xrf1) =	vsort.ascd.msk.f32 $0xffff, v4, v6;
	v4 =	vsel vm8, $0x7F7FC99E, v5  }
0x4a0: {  	(xrf1) =	vsort.ascd.msk.f32 $0xffff, v4, v20;
	v4 =	vsel vm9, $0x7F7FC99E, v48  }
0x4a1: {  	(xrf1) =	vsort.ascd.msk.f32 $0xffff, v4, v21;
	_ =	sdelay $0x5  }
0x4a2: {  	v56 =	vld [tilespmem:$0x1FCE0]  }
0x4a3: {  	v50 =	vld [tilespmem:$0x1FCD0]  }
0x4a4: {  	v61 =	vld [tilespmem:$0x1FCF0]  }
0x4a5: {  	v13 =	vld [tilespmem:$0x1FD00];
	_ =	sdelay $0x2  }
0x4a6: {  	v58 =	vsub.f32 v56, v57;
	v52 =	vsub.f32 v50, v55;
	v53, v51, _ =	vpop (xrf1)  }
0x4a7: {  	v12 =	vsub.f32 v61, v55;
	v4, v5, _ =	vpop (xrf1)  }
0x4a8: {  	v14 =	vsub.f32 v13, v57;
	v46 =	vmul.f32 v52, v52;
	v47 =	vmul.f32 v58, v58;
	v6, v49, _ =	vpop (xrf1)  }
0x4a9: {  	v48 =	vmul.f32 v12, v12;
	v6 =	vperm.xlane v6, v3  }
0x4aa: {  	v45 =	vperm.xlane v49, v3;
	v49 =	vmul.f32 v14, v14  }
0x4ab: {  	vm10 =	vle.f32 v4, v6;
	v4 =	vmin.f32 v4, v6;
	v6 =	vadd.f32 v47, v46  }
0x4ac: {  	vm11 =	veq.s32 v62, v22;
	v15 =	vadd.f32 v49, v48;
	v5 =	vsel vm10, v5, v45  }
0x4ad: {  	vm12 =	veq.s32 v62, v23;
	(xrf1) =	vsort.ascd.msk.f32 $0xffff, v4, v5;
	v4 =	vsel vm11, $0x7F7FC99E, v6  }
0x4ae: {  	(xrf1) =	vsort.ascd.msk.f32 $0xffff, v4, v22;
	v4 =	vsel vm12, $0x7F7FC99E, v15  }
0x4af: {  	(xrf1) =	vsort.ascd.msk.f32 $0xffff, v4, v23;
	_ =	sdelay $0xb  }
0x4b0: {  	v4, v5, _ =	vpop (xrf1)  }
0x4b1: {  	v6, v16, _ =	vpop (xrf1)  }
0x4b2: {  	v46, v47, _ =	vpop (xrf1)  }
0x4b3: {  	v46 =	vperm.xlane v46, v3  }
0x4b4: {  	v47 =	vperm.xlane v47, v3  }
0x4b5: {  	vm13 =	vle.f32 v6, v46  }
0x4b6: {  	v6 =	vmin.f32 v6, v46;
	v45 =	vsel vm13, v16, v47  }
0x4b7: {  	(xrf1) =	vsort.ascd.msk.f32 $0xffff, v6, v45;
	_ =	sdelay $0x5  }
0x4b8: {  	v17 =	vld [tilespmem:$0x1FD10]  }
0x4b9: {  	v21 =	vld [tilespmem:$0x1FD30]  }
0x4ba: {  	v19 =	vld [tilespmem:$0x1FD20]  }
0x4bb: {  	v23 =	vld [tilespmem:$0x1FD40];
	_ =	sdelay $0x2  }
0x4bc: {  	v18 =	vsub.f32 v17, v55;
	v22 =	vsub.f32 v21, v55  }
0x4bd: {  	v20 =	vsub.f32 v19, v57  }
0x4be: {  	v48 =	vmul.f32 v22, v22;
	v32 =	vsub.f32 v23, v57;
	v46 =	vmul.f32 v18, v18;
	v6, v45, _ =	vpop (xrf1)  }
0x4bf: {  	v47 =	vmul.f32 v20, v20;
	v6 =	vperm.xlane v6, v3  }
0x4c0: {  	v49 =	vmul.f32 v32, v32;
	v45 =	vperm.xlane v45, v3  }
0x4c1: {  	vm14 =	vle.f32 v4, v6;
	v4 =	vmin.f32 v4, v6;
	v6 =	vadd.f32 v47, v46  }
0x4c2: {  	vm15 =	veq.s32 v62, v24;
	v34 =	vadd.f32 v49, v48;
	v5 =	vsel vm14, v5, v45  }
0x4c3: {  	vm4 =	veq.s32 v62, v25;
	(xrf1) =	vsort.ascd.msk.f32 $0xffff, v4, v5;
	v4 =	vsel vm15, $0x7F7FC99E, v6  }
0x4c4: {  	(xrf1) =	vsort.ascd.msk.f32 $0xffff, v4, v24;
	v4 =	vsel vm4, $0x7F7FC99E, v34  }
0x4c5: {  	(xrf1) =	vsort.ascd.msk.f32 $0xffff, v4, v25;
	_ =	sdelay $0x5  }
0x4c6: {  	v37 =	vld [tilespmem:$0x1FD50]  }
0x4c7: {  	v56 =	vld [tilespmem:$0x1FD60];
	_ =	sdelay $0x1  }
0x4c8: {  	v61 =	vld [tilespmem:$0x1FD70];
	_ =	sdelay $0x2  }
0x4c9: {  	v43 =	vsub.f32 v37, v55;
	v58 =	vsub.f32 v56, v55;
	v4, v5, _ =	vpop (xrf1)  }
0x4ca: {  	v52 =	vsub.f32 v38, v57;
	v6, v36, _ =	vpop (xrf1)  }
0x4cb: {  	v50 =	vmul.f32 v58, v58;
	v12 =	vsub.f32 v61, v57;
	v48 =	vmul.f32 v43, v43;
	v46, v47, _ =	vpop (xrf1)  }
0x4cc: {  	v49 =	vmul.f32 v52, v52;
	v46 =	vperm.xlane v46, v3  }
0x4cd: {  	v61 =	vmul.f32 v12, v12;
	v47 =	vperm.xlane v47, v3  }
0x4ce: {  	vm6 =	veq.s32 v62, v26;
	v13 =	vadd.f32 v49, v48;
	vm5 =	vle.f32 v6, v46  }
0x4cf: {  	v14 =	vadd.f32 v61, v50;
	v6 =	vmin.f32 v6, v46;
	v45 =	vsel vm5, v36, v47  }
0x4d0: {  	vm7 =	veq.s32 v62, v27;
	(xrf1) =	vsort.ascd.msk.f32 $0xffff, v6, v45;
	v6 =	vsel vm6, $0x7F7FC99E, v13  }
0x4d1: {  	(xrf1) =	vsort.ascd.msk.f32 $0xffff, v6, v26;
	v6 =	vsel vm7, $0x7F7FC99E, v14  }
0x4d2: {  	(xrf1) =	vsort.ascd.msk.f32 $0xffff, v6, v27;
	_ =	sdelay $0xb  }
0x4d3: {  	v6, v45, _ =	vpop (xrf1)  }
0x4d4: {  	v15, v16, _ =	vpop (xrf1)  }
0x4d5: {  	v48, v49, _ =	vpop (xrf1)  }
0x4d6: {  	v48 =	vperm.xlane v48, v3  }
0x4d7: {  	v49 =	vperm.xlane v49, v3  }
0x4d8: {  	vm8 =	vle.f32 v15, v48  }
0x4d9: {  	v46 =	vmin.f32 v15, v48;
	v47 =	vsel vm8, v16, v49  }
0x4da: {  	(xrf1) =	vsort.ascd.msk.f32 $0xffff, v46, v47;
	_ =	sdelay $0xd  }
0x4db: {  	v46, v47, _ =	vpop (xrf1)  }
0x4dc: {  	v46 =	vperm.xlane v46, v3  }
0x4dd: {  	v47 =	vperm.xlane v47, v3  }
0x4de: {  	vm9 =	vle.f32 v6, v46  }
0x4df: {  	v6 =	vmin.f32 v6, v46;
	v45 =	vsel vm9, v45, v47  }
0x4e0: {  	(xrf1) =	vsort.ascd.msk.f32 $0xffff, v6, v45;
	_ =	sdelay $0x5  }
0x4e1: {  	v17 =	vld [tilespmem:$0x1FD80]  }
0x4e2: {  	v21 =	vld [tilespmem:$0x1FDA0]  }
0x4e3: {  	v19 =	vld [tilespmem:$0x1FD90]  }
0x4e4: {  	v23 =	vld [tilespmem:$0x1FDB0];
	_ =	sdelay $0x2  }
0x4e5: {  	v22 =	vsub.f32 v21, v55;
	v18 =	vsub.f32 v17, v55  }
0x4e6: {  	v20 =	vsub.f32 v19, v57  }
0x4e7: {  	v24 =	vsub.f32 v23, v57;
	v48 =	vmul.f32 v22, v22;
	v46 =	vmul.f32 v18, v18;
	v6, v45, _ =	vpop (xrf1)  }
0x4e8: {  	v47 =	vmul.f32 v20, v20;
	v6 =	vperm.xlane v6, v3  }
0x4e9: {  	v49 =	vmul.f32 v24, v24;
	v45 =	vperm.xlane v45, v3  }
0x4ea: {  	vm10 =	vle.f32 v4, v6;
	v4 =	vmin.f32 v4, v6;
	v6 =	vadd.f32 v47, v46  }
0x4eb: {  	vm11 =	veq.s32 v62, v28;
	v25 =	vadd.f32 v49, v48;
	v5 =	vsel vm10, v5, v45  }
0x4ec: {  	vm12 =	veq.s32 v62, v29;
	(xrf1) =	vsort.ascd.msk.f32 $0xffff, v4, v5;
	v4 =	vsel vm11, $0x7F7FC99E, v6  }
0x4ed: {  	(xrf1) =	vsort.ascd.msk.f32 $0xffff, v4, v28;
	v4 =	vsel vm12, $0x7F7FC99E, v25  }
0x4ee: {  	(xrf1) =	vsort.ascd.msk.f32 $0xffff, v4, v29;
	_ =	sdelay $0x4  }
0x4ef: {  	v34 =	vld [tilespmem:$0x1FDC0];
	_ =	sdelay $0x4  }
0x4f0: {  	v37 =	vsub.f32 v33, v57;
	v36 =	vsub.f32 v34, v55;
	_ =	sdelay $0x1  }
0x4f1: {  	v32 =	vsub.f32 v40, v57;
	v48 =	vmul.f32 v36, v36;
	v49 =	vmul.f32 v37, v37;
	v4, v5, _ =	vpop (xrf1)  }
0x4f2: {  	v27 =	vsub.f32 v39, v55;
	v6, v26, _ =	vpop (xrf1)  }
0x4f3: {  	v44 =	vmul.f32 v32, v32;
	v39 =	vadd.f32 v49, v48;
	v48 =	vld [tilespmem:$0x1FFB0];
	v46, v47, _ =	vpop (xrf1)  }
0x4f4: {  	v43 =	vmul.f32 v27, v27;
	v46 =	vperm.xlane v46, v3  }
0x4f5: {  	v49 =	vld [tilespmem:$0x1FFB0];
	v47 =	vperm.xlane v47, v3  }
0x4f6: {  	v43 =	vadd.f32 v44, v43;
	vm13 =	vle.f32 v6, v46  }
0x4f7: {  	vm14 =	veq.s32 v62, v30;
	v6 =	vmin.f32 v6, v46;
	v38 =	vsel vm13, v26, v47  }
0x4f8: {  	vm15 =	veq.s32 v62, v48;
	(xrf1) =	vsort.ascd.msk.f32 $0xffff, v6, v38;
	v6 =	vsel vm14, $0x7F7FC99E, v43  }
0x4f9: {  	(xrf1) =	vsort.ascd.msk.f32 $0xffff, v6, v30;
	v6 =	vsel vm15, $0x7F7FC99E, v39  }
0x4fa: {  	(xrf1) =	vsort.ascd.msk.f32 $0xffff, v6, v49;
	_ =	sdelay $0xb  }
0x4fb: {  	v6, v43, _ =	vpop (xrf1)  }
0x4fc: {  	v50, v52, _ =	vpop (xrf1)  }
0x4fd: {  	v56, v58, _ =	vpop (xrf1)  }
0x4fe: {  	v46 =	vperm.xlane v56, v3  }
0x4ff: {  	v47 =	vperm.xlane v58, v3  }
0x500: {  	vm4 =	vle.f32 v50, v46  }
0x501: {  	v44 =	vmin.f32 v50, v46;
	v45 =	vsel vm4, v52, v47  }
0x502: {  	(xrf1) =	vsort.ascd.msk.f32 $0xffff, v44, v45;
	_ =	sdelay $0xc  }
0x503: {  	v12 =	vld [tilespmem:$0x1FDD0]  }
0x504: {  	v44, v45, _ =	vpop (xrf1)  }
0x505: {  	v44 =	vperm.xlane v44, v3  }
0x506: {  	v45 =	vperm.xlane v45, v3  }
0x507: {  	vm5 =	vle.f32 v6, v44  }
0x508: {  	v61 =	vsub.f32 v54, v55;
	v13 =	vsub.f32 v12, v57;
	v14 =	vsel vm5, v43, v45;
	v45 =	vld [tilespmem:$0x1FFC0]  }
0x509: {  	v41 =	vsub.f32 v41, v55;
	v42 =	vsub.f32 v42, v57;
	v47 =	vld [tilespmem:$0x1FFD0]  }
0x50a: {  	v40 =	vmul.f32 v13, v13;
	v39 =	vmul.f32 v61, v61  }
0x50b: {  	v41 =	vmul.f32 v41, v41;
	v42 =	vmul.f32 v42, v42  }
0x50c: {  	v39 =	vadd.f32 v40, v39  }
0x50d: {  	v41 =	vadd.f32 v42, v41;
	v6 =	vmin.f32 v6, v44;
	vm6 =	veq.s32 v62, v45  }
0x50e: {  	vm7 =	veq.s32 v62, v47;
	(xrf1) =	vsort.ascd.msk.f32 $0xffff, v6, v14;
	v6 =	vsel vm6, $0x7F7FC99E, v39  }
0x50f: {  	(xrf1) =	vsort.ascd.msk.f32 $0xffff, v6, v45;
	v6 =	vsel vm7, $0x7F7FC99E, v41  }
0x510: {  	(xrf1) =	vsort.ascd.msk.f32 $0xffff, v6, v47;
	_ =	sdelay $0x7  }
0x511: {  	v19 =	vsub.f32 v7, v55;
	v7 =	vld [tilespmem:$0x1FDE0];
	_ =	sdelay $0x3  }
0x512: {  	v23 =	vsub.f32 v8, v57;
	v18 =	vsub.f32 v9, v55;
	v6, v15, _ =	vpop (xrf1)  }
0x513: {  	v34 =	vmul.f32 v19, v19;
	v22 =	vsub.f32 v7, v57;
	v16, v17, _ =	vpop (xrf1)  }
0x514: {  	v37 =	vmul.f32 v23, v23;
	v36 =	vmul.f32 v18, v18;
	v21, v20, _ =	vpop (xrf1)  }
0x515: {  	v38 =	vmul.f32 v22, v22;
	v42 =	vperm.xlane v21, v3  }
0x516: {  	v43 =	vperm.xlane v20, v3  }
0x517: {  	v34 =	vadd.f32 v37, v34;
	v36 =	vadd.f32 v38, v36;
	vm8 =	vle.f32 v16, v42  }
0x518: {  	vm9 =	veq.s32 v62, v60;
	v40 =	vmin.f32 v16, v42;
	v25 =	vsel vm8, v17, v43  }
0x519: {  	vm10 =	veq.s32 v62, v63;
	v36 =	vsel vm9, $0x7F7FC99E, v36;
	(xrf1) =	vsort.ascd.msk.f32 $0xffff, v40, v25  }
0x51a: {  	v34 =	vsel vm10, $0x7F7FC99E, v34;
	(xrf1) =	vsort.ascd.msk.f32 $0xffff, v36, v60  }
0x51b: {  	(xrf1) =	vsort.ascd.msk.f32 $0xffff, v34, v63;
	_ =	sdelay $0xb  }
0x51c: {  	v27, v26, _ =	vpop (xrf1)  }
0x51d: {  	v32, v33, _ =	vpop (xrf1)  }
0x51e: {  	v48, v44, _ =	vpop (xrf1)  }
0x51f: {  	v40 =	vperm.xlane v48, v3  }
0x520: {  	v41 =	vperm.xlane v44, v3  }
0x521: {  	vm11 =	vle.f32 v32, v40  }
0x522: {  	v37 =	vmin.f32 v32, v40;
	v38 =	vsel vm11, v33, v41  }
0x523: {  	(xrf1) =	vsort.ascd.msk.f32 $0xffff, v37, v38;
	_ =	sdelay $0xd  }
0x524: {  	v37, v38, _ =	vpop (xrf1)  }
0x525: {  	v37 =	vperm.xlane v37, v3  }
0x526: {  	v38 =	vperm.xlane v38, v3  }
0x527: {  	vm12 =	vle.f32 v27, v37  }
0x528: {  	v34 =	vmin.f32 v27, v37;
	v36 =	vsel vm12, v26, v38  }
0x529: {  	(xrf1) =	vsort.ascd.msk.f32 $0xffff, v34, v36;
	_ =	sdelay $0xd  }
0x52a: {  	v34, v36, _ =	vpop (xrf1)  }
0x52b: {  	v34 =	vperm.xlane v34, v3  }
0x52c: {  	v36 =	vperm.xlane v36, v3  }
0x52d: {  	vm13 =	vle.f32 v6, v34  }
0x52e: {  	v6 =	vmin.f32 v6, v34;
	v49 =	vsel vm13, v15, v36  }
0x52f: {  	(xrf1) =	vsort.ascd.msk.f32 $0xffff, v6, v49;
	_ =	sdelay $0xd  }
0x530: {  	v6, v34, _ =	vpop (xrf1)  }
0x531: {  	v6 =	vperm.xlane v6, v3  }
0x532: {  	v34 =	vperm.xlane v34, v3  }
0x533: {  	vm14 =	vle.f32 v4, v6  }
0x534: {  	v4 =	vmin.f32 v4, v6;
	v5 =	vsel vm14, v5, v34  }
0x535: {  	(xrf1) =	vsort.ascd.msk.f32 $0xffff, v4, v5;
	_ =	sdelay $0xd  }
0x536: {  	v4, v5, _ =	vpop (xrf1)  }
0x537: {  	v4 =	vperm.xlane v4, v3  }
0x538: {  	v5 =	vperm.xlane v5, v3  }
0x539: {  	vm15 =	vle.f32 v53, v4  }
0x53a: {  	v4 =	vmin.f32 v53, v4;
	v5 =	vsel vm15, v51, v5  }
0x53b: {  	(xrf1) =	vsort.ascd.msk.f32 $0xffff, v4, v5;
	_ =	sdelay $0x3  }
0x53c: {  	v5 =	vld [tilespmem:$0x1FDF0]  }
0x53d: {  	v7 =	vld [tilespmem:$0x1FE00];
	_ =	sdelay $0x1  }
0x53e: {  	v54 =	vshll.u32 v59, $0x4  }
0x53f: {  	v24 =	vimm.s32 $0x1;
	v55 =	vshll.u32 v2, $0x4;
	v58 =	vshll.u32 v62, $0x4  }
0x540: {  	v50 =	vshll.u32 v35, $0x4;
	v4 =	vand.u32 $0x1F, v5;
	v5 =	vshll.u32 v5, $0x4  }
0x541: {  	v52 =	vshll.u32 v7, $0x4;
	v39 =	vand.u32 $0x1E00, v55;
	v5 =	vand.u32 $0xFFFFFE00, v5  }
0x542: {  	v38 =	vand.u32 $0xFFFFFE00, v54;
	v34 =	vand.u32 $0x1E00, v50;
	v5 =	vor.u32 s15, v5  }
0x543: {  	v36 =	vand.u32 $0xFFFFFE00, v52;
	v34 =	vor.u32 s15, v34;
	v53 =	vshll.u32 v0, $0x4  }
0x544: {  	v36 =	vor.u32 s29, v36;
	v6 =	vand.u32 $0x1C, v35;
	v37 =	vand.u32 $0x1E00, v53  }
0x545: {  	v38 =	vor.u32 s30, v38;
	v6 =	vshll.u32 v24, v6;
	v37 =	vor.u32 s29, v37;
	_, v56, _ =	vpop (xrf1)  }
0x546: {  	v46 =	vld [tilespmem:$0x1FFB0];
	v0 =	vand.u32 $0x1D, v0;
	v4 =	vshll.u32 v24, v4;
	v57 =	vshll.u32 v56, $0x4  }
0x547: {  	v51 =	vand.u32 $0x1F, v7;
	[tilespmem:v5+s11+$0x0] =	vst.idx.add.s32.msk $0xffff, v4;
	v4 =	vor.u32 s30, v39;
	v5 =	vand.u32 $0xFFFFFE00, v57  }
0x548: {  	v35 =	vshll.u32 v24, v51;
	[tilespmem:v34+s11+$0x0] =	vst.idx.add.s32.msk $0x1, v6;
	v6 =	vand.u32 $0x1E00, v58;
	v5 =	vor.u32 s31, v5  }
0x549: {  	p0 =	slt.u32 s15, $0x1FC;
	v61 =	vand.u32 $0x1F, v59;
	v0 =	vshll.u32 v24, v0;
	[tilespmem:v36+s11+$0x0] =	vst.idx.add.s32.msk $0xffff, v35;
	v6 =	vor.u32 s31, v6  }
.Ltmp1:
0x54a: {  	v2 =	vand.u32 $0x1E, v2;
	[tilespmem:v37+s11+$0x0] =	vst.idx.add.s32.msk $0x1, v0;
	v0 =	vshll.u32 v24, v61;
	(pc) =	sbr.rel @p0 .LBB2_4-.Ltmp1, $4  }
0x54b: {  	[tilespmem:v38+s11+$0x0] =	vst.idx.add.s32.msk $0xffff, v0;
	v0 =	vshll.u32 v24, v2;
	v2 =	vand.u32 $0x1F, v56  }
0x54c: {  	[tilespmem:v4+s11+$0x0] =	vst.idx.add.s32.msk $0x1, v0;
	v0 =	vshll.u32 v24, v2;
	v2 =	vand.u32 $0x1F, v62  }
0x54d: {  	[tilespmem:v5+s11+$0x0] =	vst.idx.add.s32.msk $0xffff, v0;
	v0 =	vshll.u32 v24, v2  }
0x54e: {  	v31 =	vmov v63;
	s15 =	sadd.s32 $0x4, s15;
	v4 =	vmov v60;
	[tilespmem:v6+s11+$0x0] =	vst.idx.add.s32.msk $0x1, v0  }
0x54f: {  	[hbm4b:s5+s10] =	stream.strided.scatter [tilespmem:s11], [sflag:$0x1], $0x2000, s11, s10, $0x38;
	[tilespmem:$0x2400] =	vst v63  }
0x550: {  	_ =	swait.ge [sflag:s12], $0x2000  }
0x551: {  	[sflag:s12] =	ssyncset.done $0x0  }
0x552: {  	s15 =	simm.s32 $0x0;
	[sflag:s12] =	ssyncadd.s32 $0xFFFFE000  }
0x553: {  	[tilespmem:s15], [sflag:$0x1] =	stream.strided.gather [hbm4b:s6+s10], $0x200, s11, s10, $0x38;
	[tilespmem:$0x2400] =	vst v63  }
0x554: {  	_ =	swait.ge [sflag:s12], $0x200  }
0x555: {  	[sflag:s12] =	ssyncset.done $0x0  }
0x556: {  	[sflag:s12] =	ssyncadd.s32 $0xFFFFFE00  }
0x557: {  	[tilespmem:s13], [sflag:$0x1] =	stream.strided.gather [hbm4b:s7+s10], $0x200, s11, s10, $0x38;
	[tilespmem:$0x2400] =	vst v63  }
0x558: {  	_ =	swait.ge [sflag:s12], $0x200  }
0x559: {  	[sflag:s12] =	ssyncset.done $0x0  }
0x55a: {  	s16 =	simm.s32 $0x40;
	s17 =	simm.s32 $0x0;
	[sflag:s12] =	ssyncadd.s32 $0xFFFFFE00  }
.LBB2_6:
0x55b: {  	p0 =	sne.s32 s16, $0x7FC0;
	[tilespmem:s17+$0x400] =	vst v1;
	s17 =	smov.u32 s16;
	s16 =	sadd.s32 $0x40, s16  }
.Ltmp2:
0x55c: {  	(pc) =	sbr.rel @p0 .LBB2_6-.Ltmp2, $2  }
0x55d: {  	_ =	sdelay $0x2  }
0x55e: {  	s17 =	sshra.s32 s17, $0x2  }
0x55f: {  	[tilespmem:s17+$0x400] =	vst v1  }
.LBB2_8:
0x560: {  	s16 =	sand.u32 $0x1F0, s15;
	v43 =	vld [tilespmem:$0x0]  }
0x561: {  	v21 =	vld [tilespmem:s16+$0x0]  }
0x562: {  	v53 =	vld [tilespmem:s16+$0x200]  }
0x563: {  	v62 =	vld [tilespmem:$0x200]  }
0x564: {  	v45 =	vld [tilespmem:$0x10]  }
0x565: {  	s26 =	sand.u32 $0xC, s15;
	v50 =	vld [tilespmem:$0x210]  }
0x566: {  	v2 =	vmov s26  }
0x567: {  	v0 =	vperm.xlane v21, v2;
	v60 =	vperm.xlane v53, v2;
	_ =	sdelay $0x1  }
0x568: {  	v2 =	vsub.f32 v43, v0;
	v4 =	vsub.f32 v62, v60  }
0x569: {  	v15 =	vld [tilespmem:$0x1FE10];
	v5 =	vsub.f32 v45, v0;
	v6 =	vsub.f32 v50, v60  }
0x56a: {  	v2 =	vmul.f32 v2, v2;
	v4 =	vmul.f32 v4, v4  }
0x56b: {  	v5 =	vmul.f32 v5, v5;
	v6 =	vmul.f32 v6, v6  }
0x56c: {  	v35 =	vmov s15;
	v1 =	vlaneseq.u32;
	v2 =	vadd.f32 v4, v2  }
0x56d: {  	vm0 =	veq.s32 v35, v1;
	v4 =	vadd.f32 v6, v5  }
0x56e: {  	vm5 =	veq.s32 v35, v15;
	v2 =	vsel vm0, $0x7F7FC99E, v2  }
0x56f: {  	(xrf1) =	vsort.ascd.msk.f32 $0xffff, v2, v1;
	v2 =	vsel vm5, $0x7F7FC99E, v4  }
0x570: {  	(xrf1) =	vsort.ascd.msk.f32 $0xffff, v2, v15;
	_ =	sdelay $0x5  }
0x571: {  	v8 =	vld [tilespmem:$0x20]  }
0x572: {  	v9 =	vld [tilespmem:$0x220]  }
0x573: {  	v7 =	vld [tilespmem:$0x230]  }
0x574: {  	v1 =	vld [tilespmem:$0x30];
	_ =	sdelay $0x2  }
0x575: {  	v34 =	vsub.f32 v8, v0;
	v36 =	vsub.f32 v9, v60  }
0x576: {  	v16 =	vld [tilespmem:$0x1FE20];
	v38 =	vsub.f32 v7, v60;
	v2, v4, _ =	vpop (xrf1)  }
0x577: {  	v19 =	vld [tilespmem:$0x1FE30];
	v34 =	vmul.f32 v34, v34;
	v36 =	vmul.f32 v36, v36;
	v37 =	vsub.f32 v1, v0;
	v5, v6, _ =	vpop (xrf1)  }
0x578: {  	v38 =	vmul.f32 v38, v38;
	v5 =	vperm.xlane v5, v3  }
0x579: {  	v37 =	vmul.f32 v37, v37;
	v6 =	vperm.xlane v6, v3  }
0x57a: {  	vm6 =	vle.f32 v2, v5;
	v2 =	vmin.f32 v2, v5;
	v5 =	vadd.f32 v36, v34  }
0x57b: {  	vm7 =	veq.s32 v35, v16;
	v27 =	vadd.f32 v38, v37;
	v4 =	vsel vm6, v4, v6  }
0x57c: {  	vm8 =	veq.s32 v35, v19;
	(xrf1) =	vsort.ascd.msk.f32 $0xffff, v2, v4;
	v2 =	vsel vm7, $0x7F7FC99E, v5  }
0x57d: {  	(xrf1) =	vsort.ascd.msk.f32 $0xffff, v2, v16;
	v2 =	vsel vm8, $0x7F7FC99E, v27  }
0x57e: {  	(xrf1) =	vsort.ascd.msk.f32 $0xffff, v2, v19;
	_ =	sdelay $0xb  }
0x57f: {  	v2, v4, _ =	vpop (xrf1)  }
0x580: {  	v5, v28, _ =	vpop (xrf1)  }
0x581: {  	v34, v36, _ =	vpop (xrf1)  }
0x582: {  	v34 =	vperm.xlane v34, v3  }
0x583: {  	v36 =	vperm.xlane v36, v3  }
0x584: {  	vm9 =	vle.f32 v5, v34  }
0x585: {  	v5 =	vmin.f32 v5, v34;
	v6 =	vsel vm9, v28, v36  }
0x586: {  	(xrf1) =	vsort.ascd.msk.f32 $0xffff, v5, v6;
	_ =	sdelay $0x5  }
0x587: {  	v48 =	vld [tilespmem:$0x40]  }
0x588: {  	v49 =	vld [tilespmem:$0x250]  }
0x589: {  	v51 =	vld [tilespmem:$0x240]  }
0x58a: {  	[tilespmem:$0x1F7D0] =	vst v1;
	v1 =	vld [tilespmem:$0x50];
	_ =	sdelay $0x2  }
0x58b: {  	v29 =	vsub.f32 v48, v0;
	v40 =	vsub.f32 v49, v60  }
0x58c: {  	v11 =	vld [tilespmem:$0x1FE40];
	v30 =	vsub.f32 v51, v60  }
0x58d: {  	v22 =	vld [tilespmem:$0x1FE50];
	v38 =	vmul.f32 v40, v40;
	v31 =	vsub.f32 v1, v0;
	v34 =	vmul.f32 v29, v29;
	v5, v6, _ =	vpop (xrf1)  }
0x58e: {  	v36 =	vmul.f32 v30, v30;
	v5 =	vperm.xlane v5, v3  }
0x58f: {  	v37 =	vmul.f32 v31, v31;
	v6 =	vperm.xlane v6, v3  }
0x590: {  	vm10 =	vle.f32 v2, v5;
	v2 =	vmin.f32 v2, v5;
	v5 =	vadd.f32 v36, v34  }
0x591: {  	vm11 =	veq.s32 v35, v11;
	v41 =	vadd.f32 v38, v37;
	v4 =	vsel vm10, v4, v6  }
0x592: {  	vm12 =	veq.s32 v35, v22;
	(xrf1) =	vsort.ascd.msk.f32 $0xffff, v2, v4;
	v2 =	vsel vm11, $0x7F7FC99E, v5  }
0x593: {  	(xrf1) =	vsort.ascd.msk.f32 $0xffff, v2, v11;
	v2 =	vsel vm12, $0x7F7FC99E, v41  }
0x594: {  	(xrf1) =	vsort.ascd.msk.f32 $0xffff, v2, v22;
	_ =	sdelay $0x5  }
0x595: {  	v55 =	vld [tilespmem:$0x60]  }
0x596: {  	v47 =	vld [tilespmem:$0x70]  }
0x597: {  	v42 =	vld [tilespmem:$0x260]  }
0x598: {  	v44 =	vld [tilespmem:$0x270];
	_ =	sdelay $0x2  }
0x599: {  	v23 =	vld [tilespmem:$0x1FE60];
	v54 =	vsub.f32 v55, v0;
	v39 =	vsub.f32 v47, v0;
	v2, v4, _ =	vpop (xrf1)  }
0x59a: {  	v56 =	vsub.f32 v42, v60;
	v5, v52, _ =	vpop (xrf1)  }
0x59b: {  	v24 =	vld [tilespmem:$0x1FE70];
	v39 =	vmul.f32 v39, v39;
	v40 =	vsub.f32 v44, v60;
	v37 =	vmul.f32 v54, v54;
	v34, v36, _ =	vpop (xrf1)  }
0x59c: {  	v38 =	vmul.f32 v56, v56;
	v34 =	vperm.xlane v34, v3  }
0x59d: {  	v40 =	vmul.f32 v40, v40;
	v36 =	vperm.xlane v36, v3  }
0x59e: {  	vm14 =	veq.s32 v35, v23;
	v57 =	vadd.f32 v38, v37;
	vm13 =	vle.f32 v5, v34  }
0x59f: {  	v58 =	vadd.f32 v40, v39;
	v5 =	vmin.f32 v5, v34;
	v6 =	vsel vm13, v52, v36  }
0x5a0: {  	vm15 =	veq.s32 v35, v24;
	(xrf1) =	vsort.ascd.msk.f32 $0xffff, v5, v6;
	v5 =	vsel vm14, $0x7F7FC99E, v57  }
0x5a1: {  	(xrf1) =	vsort.ascd.msk.f32 $0xffff, v5, v23;
	v5 =	vsel vm15, $0x7F7FC99E, v58  }
0x5a2: {  	(xrf1) =	vsort.ascd.msk.f32 $0xffff, v5, v24;
	_ =	sdelay $0xb  }
0x5a3: {  	v5, v6, _ =	vpop (xrf1)  }
0x5a4: {  	v59, v61, _ =	vpop (xrf1)  }
0x5a5: {  	v37, v38, _ =	vpop (xrf1)  }
0x5a6: {  	v37 =	vperm.xlane v37, v3  }
0x5a7: {  	v38 =	vperm.xlane v38, v3  }
0x5a8: {  	vm4 =	vle.f32 v59, v37  }
0x5a9: {  	v34 =	vmin.f32 v59, v37;
	v36 =	vsel vm4, v61, v38  }
0x5aa: {  	(xrf1) =	vsort.ascd.msk.f32 $0xffff, v34, v36;
	_ =	sdelay $0xd  }
0x5ab: {  	v34, v36, _ =	vpop (xrf1)  }
0x5ac: {  	v34 =	vperm.xlane v34, v3  }
0x5ad: {  	v36 =	vperm.xlane v36, v3  }
0x5ae: {  	vm5 =	vle.f32 v5, v34  }
0x5af: {  	v5 =	vmin.f32 v5, v34;
	v6 =	vsel vm5, v6, v36  }
0x5b0: {  	(xrf1) =	vsort.ascd.msk.f32 $0xffff, v5, v6;
	_ =	sdelay $0x5  }
0x5b1: {  	v12 =	vld [tilespmem:$0x80]  }
0x5b2: {  	[tilespmem:$0x1F810] =	vst v1;
	v1 =	vld [tilespmem:$0x90]  }
0x5b3: {  	v63 =	vld [tilespmem:$0x280]  }
0x5b4: {  	v10 =	vld [tilespmem:$0x290];
	_ =	sdelay $0x2  }
0x5b5: {  	v13 =	vsub.f32 v12, v0;
	v17 =	vsub.f32 v1, v0  }
0x5b6: {  	v14 =	vsub.f32 v63, v60;
	v59 =	vld [tilespmem:$0x1FE80]  }
0x5b7: {  	v18 =	vsub.f32 v10, v60;
	[tilespmem:$0x1F870] =	vst v1;
	v1 =	vld [tilespmem:$0x1FE90];
	v37 =	vmul.f32 v17, v17;
	v34 =	vmul.f32 v13, v13;
	v5, v6, _ =	vpop (xrf1)  }
0x5b8: {  	v36 =	vmul.f32 v14, v14;
	v5 =	vperm.xlane v5, v3  }
0x5b9: {  	v38 =	vmul.f32 v18, v18;
	v6 =	vperm.xlane v6, v3  }
0x5ba: {  	vm6 =	vle.f32 v2, v5;
	v2 =	vmin.f32 v2, v5;
	v5 =	vadd.f32 v36, v34  }
0x5bb: {  	v20 =	vadd.f32 v38, v37;
	vm7 =	veq.s32 v35, v59;
	v4 =	vsel vm6, v4, v6  }
0x5bc: {  	vm8 =	veq.s32 v35, v1;
	(xrf1) =	vsort.ascd.msk.f32 $0xffff, v2, v4;
	v2 =	vsel vm7, $0x7F7FC99E, v5  }
0x5bd: {  	(xrf1) =	vsort.ascd.msk.f32 $0xffff, v2, v59;
	v2 =	vsel vm8, $0x7F7FC99E, v20  }
0x5be: {  	(xrf1) =	vsort.ascd.msk.f32 $0xffff, v2, v1;
	_ =	sdelay $0x4  }
0x5bf: {  	v25 =	vld [tilespmem:$0xA0]  }
0x5c0: {  	v27 =	vld [tilespmem:$0x2B0]  }
0x5c1: {  	v26 =	vld [tilespmem:$0x2A0]  }
0x5c2: {  	v1 =	vld [tilespmem:$0xB0];
	_ =	sdelay $0x2  }
0x5c3: {  	v33 =	vsub.f32 v27, v60  }
0x5c4: {  	v31 =	vsub.f32 v26, v60;
	v30 =	vsub.f32 v25, v0;
	v34, v2, _ =	vpop (xrf1)  }
0x5c5: {  	v40 =	vmul.f32 v33, v33;
	[tilespmem:$0x1F5B0] =	vst v1;
	v32 =	vsub.f32 v1, v0;
	v1 =	vld [tilespmem:$0x1FEA0];
	v4, v5, _ =	vpop (xrf1)  }
0x5c6: {  	[tilespmem:$0x1F7C0] =	vst v9;
	v9 =	vld [tilespmem:$0x1FEB0];
	v37 =	vmul.f32 v30, v30;
	v38 =	vmul.f32 v31, v31;
	v29, v28, _ =	vpop (xrf1)  }
0x5c7: {  	v39 =	vmul.f32 v32, v32;
	v6 =	vperm.xlane v29, v3  }
0x5c8: {  	v36 =	vperm.xlane v28, v3  }
0x5c9: {  	[tilespmem:$0x1F830] =	vst v42;
	v41 =	vadd.f32 v38, v37;
	v42 =	vadd.f32 v40, v39;
	vm9 =	vle.f32 v4, v6  }
0x5ca: {  	vm10 =	veq.s32 v35, v1;
	v4 =	vmin.f32 v4, v6;
	v5 =	vsel vm9, v5, v36  }
0x5cb: {  	vm11 =	veq.s32 v35, v9;
	(xrf1) =	vsort.ascd.msk.f32 $0xffff, v4, v5;
	v4 =	vsel vm10, $0x7F7FC99E, v41  }
0x5cc: {  	(xrf1) =	vsort.ascd.msk.f32 $0xffff, v4, v1;
	v4 =	vsel vm11, $0x7F7FC99E, v42  }
0x5cd: {  	(xrf1) =	vsort.ascd.msk.f32 $0xffff, v4, v9;
	_ =	sdelay $0xb  }
0x5ce: {  	v4, v5, _ =	vpop (xrf1)  }
0x5cf: {  	[tilespmem:$0x1F850] =	vst v44;
	v44, v52, _ =	vpop (xrf1)  }
0x5d0: {  	v37, v38, _ =	vpop (xrf1)  }
0x5d1: {  	v37 =	vperm.xlane v37, v3  }
0x5d2: {  	v38 =	vperm.xlane v38, v3  }
0x5d3: {  	vm12 =	vle.f32 v44, v37  }
0x5d4: {  	v6 =	vmin.f32 v44, v37;
	v36 =	vsel vm12, v52, v38  }
0x5d5: {  	(xrf1) =	vsort.ascd.msk.f32 $0xffff, v6, v36;
	_ =	sdelay $0x5  }
0x5d6: {  	v54 =	vld [tilespmem:$0x2D0]  }
0x5d7: {  	v17 =	vld [tilespmem:$0xC0]  }
0x5d8: {  	v18 =	vld [tilespmem:$0x2C0]  }
0x5d9: {  	v1 =	vld [tilespmem:$0xD0];
	_ =	sdelay $0x2  }
0x5da: {  	v61 =	vsub.f32 v54, v60;
	v31 =	vld [tilespmem:$0x1FEC0];
	v56 =	vsub.f32 v17, v0  }
0x5db: {  	v57 =	vsub.f32 v18, v60  }
0x5dc: {  	v40 =	vmul.f32 v61, v61;
	[tilespmem:$0x1F8C0] =	vst v1;
	v58 =	vsub.f32 v1, v0;
	v1 =	vld [tilespmem:$0x1FED0];
	v37 =	vmul.f32 v56, v56;
	v6, v36, _ =	vpop (xrf1)  }
0x5dd: {  	v38 =	vmul.f32 v57, v57;
	v6 =	vperm.xlane v6, v3  }
0x5de: {  	v39 =	vmul.f32 v58, v58;
	v36 =	vperm.xlane v36, v3  }
0x5df: {  	[tilespmem:$0x1F860] =	vst v63;
	vm14 =	veq.s32 v35, v31;
	v63 =	vadd.f32 v38, v37;
	vm13 =	vle.f32 v4, v6  }
0x5e0: {  	[tilespmem:$0x1F7B0] =	vst v8;
	v8 =	vadd.f32 v40, v39;
	v4 =	vmin.f32 v4, v6;
	v5 =	vsel vm13, v5, v36  }
0x5e1: {  	vm15 =	veq.s32 v35, v1;
	(xrf1) =	vsort.ascd.msk.f32 $0xffff, v4, v5;
	v4 =	vsel vm14, $0x7F7FC99E, v63  }
0x5e2: {  	(xrf1) =	vsort.ascd.msk.f32 $0xffff, v4, v31;
	v4 =	vsel vm15, $0x7F7FC99E, v8  }
0x5e3: {  	(xrf1) =	vsort.ascd.msk.f32 $0xffff, v4, v1;
	_ =	sdelay $0xb  }
0x5e4: {  	v14 =	vld [tilespmem:$0xE0];
	v4, v5, _ =	vpop (xrf1)  }
0x5e5: {  	[tilespmem:$0x1F880] =	vst v10;
	v20 =	vld [tilespmem:$0x2E0];
	v10, v13, _ =	vpop (xrf1)  }
0x5e6: {  	v1 =	vld [tilespmem:$0xF0];
	v37, v38, _ =	vpop (xrf1)  }
0x5e7: {  	[tilespmem:$0x1F890] =	vst v25;
	v25 =	vld [tilespmem:$0x2F0];
	v37 =	vperm.xlane v37, v3  }
0x5e8: {  	v38 =	vperm.xlane v38, v3  }
0x5e9: {  	[tilespmem:$0x1F8A0] =	vst v26;
	vm4 =	vle.f32 v10, v37  }
0x5ea: {  	[tilespmem:$0x1F8B0] =	vst v27;
	v26 =	vsub.f32 v20, v60;
	v6 =	vmin.f32 v10, v37;
	v36 =	vsel vm4, v13, v38  }
0x5eb: {  	[tilespmem:$0x1F900] =	vst v1;
	v27 =	vsub.f32 v1, v0;
	v1 =	vld [tilespmem:$0x1FEE0];
	(xrf1) =	vsort.ascd.msk.f32 $0xffff, v6, v36;
	v6 =	vsub.f32 v14, v0  }
0x5ec: {  	v32 =	vld [tilespmem:$0x1FEF0];
	v28 =	vsub.f32 v25, v60  }
0x5ed: {  	v36 =	vmul.f32 v26, v26;
	v6 =	vmul.f32 v6, v6  }
0x5ee: {  	v37 =	vmul.f32 v27, v27;
	v38 =	vmul.f32 v28, v28  }
0x5ef: {  	v6 =	vadd.f32 v36, v6  }
0x5f0: {  	vm5 =	veq.s32 v35, v1;
	v29 =	vadd.f32 v38, v37  }
0x5f1: {  	vm6 =	veq.s32 v35, v32;
	v6 =	vsel vm5, $0x7F7FC99E, v6  }
0x5f2: {  	v30 =	vsel vm6, $0x7F7FC99E, v29;
	(xrf1) =	vsort.ascd.msk.f32 $0xffff, v6, v1  }
0x5f3: {  	(xrf1) =	vsort.ascd.msk.f32 $0xffff, v30, v32;
	_ =	sdelay $0xb  }
0x5f4: {  	v33, v36, _ =	vpop (xrf1)  }
0x5f5: {  	v37, v38, _ =	vpop (xrf1)  }
0x5f6: {  	v39, v40, _ =	vpop (xrf1)  }
0x5f7: {  	v39 =	vperm.xlane v39, v3  }
0x5f8: {  	v40 =	vperm.xlane v40, v3  }
0x5f9: {  	vm7 =	vle.f32 v37, v39  }
0x5fa: {  	v37 =	vmin.f32 v37, v39;
	v38 =	vsel vm7, v38, v40  }
0x5fb: {  	(xrf1) =	vsort.ascd.msk.f32 $0xffff, v37, v38;
	_ =	sdelay $0xd  }
0x5fc: {  	v37, v38, _ =	vpop (xrf1)  }
0x5fd: {  	v37 =	vperm.xlane v37, v3  }
0x5fe: {  	v38 =	vperm.xlane v38, v3  }
0x5ff: {  	vm8 =	vle.f32 v33, v37  }
0x600: {  	v6 =	vmin.f32 v33, v37;
	v36 =	vsel vm8, v36, v38  }
0x601: {  	(xrf1) =	vsort.ascd.msk.f32 $0xffff, v6, v36;
	_ =	sdelay $0xd  }
0x602: {  	v6, v36, _ =	vpop (xrf1)  }
0x603: {  	v6 =	vperm.xlane v6, v3  }
0x604: {  	v36 =	vperm.xlane v36, v3  }
0x605: {  	vm9 =	vle.f32 v4, v6  }
0x606: {  	v4 =	vmin.f32 v4, v6;
	v5 =	vsel vm9, v5, v36  }
0x607: {  	(xrf1) =	vsort.ascd.msk.f32 $0xffff, v4, v5;
	_ =	sdelay $0x5  }
0x608: {  	[tilespmem:$0x1F8F0] =	vst v20;
	v20 =	vld [tilespmem:$0x100]  }
0x609: {  	v1 =	vld [tilespmem:$0x110]  }
0x60a: {  	v44 =	vld [tilespmem:$0x300]  }
0x60b: {  	v52 =	vld [tilespmem:$0x310];
	_ =	sdelay $0x1  }
0x60c: {  	[tilespmem:$0x1F8D0] =	vst v54  }
0x60d: {  	[tilespmem:$0x1F5E0] =	vst v25;
	v54 =	vsub.f32 v20, v0;
	v25 =	vld [tilespmem:$0x1FF00];
	v57 =	vsub.f32 v1, v0  }
0x60e: {  	v56 =	vsub.f32 v44, v60  }
0x60f: {  	v58 =	vsub.f32 v52, v60;
	[tilespmem:$0x1F920] =	vst v1;
	v1 =	vld [tilespmem:$0x1FF10];
	v37 =	vmul.f32 v57, v57;
	v6 =	vmul.f32 v54, v54;
	v4, v5, _ =	vpop (xrf1)  }
0x610: {  	v36 =	vmul.f32 v56, v56;
	v4 =	vperm.xlane v4, v3  }
0x611: {  	v38 =	vmul.f32 v58, v58;
	v5 =	vperm.xlane v5, v3  }
0x612: {  	vm11 =	veq.s32 v35, v25;
	v6 =	vadd.f32 v36, v6;
	vm10 =	vle.f32 v34, v4  }
0x613: {  	v4 =	vmin.f32 v34, v4;
	v2 =	vsel vm10, v2, v5;
	v5 =	vadd.f32 v38, v37  }
0x614: {  	vm12 =	veq.s32 v35, v1;
	(xrf1) =	vsort.ascd.msk.f32 $0xffff, v4, v2;
	v2 =	vsel vm11, $0x7F7FC99E, v6  }
0x615: {  	(xrf1) =	vsort.ascd.msk.f32 $0xffff, v2, v25;
	v2 =	vsel vm12, $0x7F7FC99E, v5  }
0x616: {  	(xrf1) =	vsort.ascd.msk.f32 $0xffff, v2, v1;
	_ =	sdelay $0x4  }
0x617: {  	v61 =	vld [tilespmem:$0x120]  }
0x618: {  	v63 =	vld [tilespmem:$0x330]  }
0x619: {  	v10 =	vld [tilespmem:$0x320]  }
0x61a: {  	v1 =	vld [tilespmem:$0x130];
	_ =	sdelay $0x3  }
0x61b: {  	[tilespmem:$0x1F8E0] =	vst v14;
	v14 =	vsub.f32 v61, v0;
	v26 =	vsub.f32 v10, v60;
	v58, v56, _ =	vpop (xrf1)  }
0x61c: {  	v28 =	vsub.f32 v63, v60;
	[tilespmem:$0x1F600] =	vst v1;
	v27 =	vsub.f32 v1, v0;
	v1 =	vld [tilespmem:$0x1FF20];
	v2, v4, _ =	vpop (xrf1)  }
0x61d: {  	v36 =	vmul.f32 v26, v26;
	v26 =	vld [tilespmem:$0x1FF30];
	v34 =	vmul.f32 v14, v14;
	v5, v13, _ =	vpop (xrf1)  }
0x61e: {  	v38 =	vmul.f32 v28, v28;
	v5 =	vperm.xlane v5, v3  }
0x61f: {  	v37 =	vmul.f32 v27, v27;
	v6 =	vperm.xlane v13, v3  }
0x620: {  	vm13 =	vle.f32 v2, v5;
	v2 =	vmin.f32 v2, v5;
	v5 =	vadd.f32 v36, v34  }
0x621: {  	v29 =	vadd.f32 v38, v37;
	vm14 =	veq.s32 v35, v1;
	v4 =	vsel vm13, v4, v6  }
0x622: {  	vm15 =	veq.s32 v35, v26;
	(xrf1) =	vsort.ascd.msk.f32 $0xffff, v2, v4;
	v2 =	vsel vm14, $0x7F7FC99E, v5  }
0x623: {  	(xrf1) =	vsort.ascd.msk.f32 $0xffff, v2, v1;
	v2 =	vsel vm15, $0x7F7FC99E, v29  }
0x624: {  	(xrf1) =	vsort.ascd.msk.f32 $0xffff, v2, v26;
	_ =	sdelay $0xb  }
0x625: {  	v2, v4, _ =	vpop (xrf1)  }
0x626: {  	v5, v30, _ =	vpop (xrf1)  }
0x627: {  	v34, v36, _ =	vpop (xrf1)  }
0x628: {  	v34 =	vperm.xlane v34, v3  }
0x629: {  	v36 =	vperm.xlane v36, v3  }
0x62a: {  	vm4 =	vle.f32 v5, v34  }
0x62b: {  	v5 =	vmin.f32 v5, v34;
	v6 =	vsel vm4, v30, v36  }
0x62c: {  	(xrf1) =	vsort.ascd.msk.f32 $0xffff, v5, v6;
	_ =	sdelay $0x5  }
0x62d: {  	v40 =	vld [tilespmem:$0x350]  }
0x62e: {  	v27 =	vld [tilespmem:$0x140]  }
0x62f: {  	v28 =	vld [tilespmem:$0x340]  }
0x630: {  	v1 =	vld [tilespmem:$0x150];
	_ =	sdelay $0x2  }
0x631: {  	[tilespmem:$0x1F930] =	vst v52;
	v52 =	vsub.f32 v40, v60;
	v41 =	vsub.f32 v27, v0  }
0x632: {  	[tilespmem:$0x1F910] =	vst v44;
	v57 =	vld [tilespmem:$0x1FF40];
	v42 =	vsub.f32 v28, v60  }
0x633: {  	v38 =	vmul.f32 v52, v52;
	[tilespmem:$0x1F960] =	vst v1;
	v44 =	vsub.f32 v1, v0;
	v1 =	vld [tilespmem:$0x1FF50];
	v34 =	vmul.f32 v41, v41;
	v5, v6, _ =	vpop (xrf1)  }
0x634: {  	v36 =	vmul.f32 v42, v42;
	v5 =	vperm.xlane v5, v3  }
0x635: {  	v37 =	vmul.f32 v44, v44;
	v6 =	vperm.xlane v6, v3  }
0x636: {  	vm5 =	vle.f32 v2, v5;
	v2 =	vmin.f32 v2, v5;
	v5 =	vadd.f32 v36, v34  }
0x637: {  	vm6 =	veq.s32 v35, v57;
	v54 =	vadd.f32 v38, v37;
	v4 =	vsel vm5, v4, v6  }
0x638: {  	vm7 =	veq.s32 v35, v1;
	(xrf1) =	vsort.ascd.msk.f32 $0xffff, v2, v4;
	v2 =	vsel vm6, $0x7F7FC99E, v5  }
0x639: {  	(xrf1) =	vsort.ascd.msk.f32 $0xffff, v2, v57;
	v2 =	vsel vm7, $0x7F7FC99E, v54  }
0x63a: {  	(xrf1) =	vsort.ascd.msk.f32 $0xffff, v2, v1;
	_ =	sdelay $0x4  }
0x63b: {  	[tilespmem:$0x1F610] =	vst v63;
	v63 =	vld [tilespmem:$0x370]  }
0x63c: {  	v29 =	vld [tilespmem:$0x160]  }
0x63d: {  	v1 =	vld [tilespmem:$0x170]  }
0x63e: {  	[tilespmem:$0x1F940] =	vst v61;
	v61 =	vld [tilespmem:$0x360];
	_ =	sdelay $0x2  }
0x63f: {  	v33 =	vsub.f32 v63, v60  }
0x640: {  	[tilespmem:$0x1F970] =	vst v40;
	v13 =	vsub.f32 v29, v0;
	v30 =	vsub.f32 v1, v0;
	v4, v5, _ =	vpop (xrf1)  }
0x641: {  	v40 =	vmul.f32 v33, v33;
	v14 =	vsub.f32 v61, v60;
	[tilespmem:$0x1F990] =	vst v1;
	v1 =	vld [tilespmem:$0x1FF60];
	v2, v6, _ =	vpop (xrf1)  }
0x642: {  	v37 =	vmul.f32 v13, v13;
	v39 =	vmul.f32 v30, v30;
	v30 =	vld [tilespmem:$0x1FF70];
	v34, v36, _ =	vpop (xrf1)  }
0x643: {  	v38 =	vmul.f32 v14, v14;
	v34 =	vperm.xlane v34, v3  }
0x644: {  	v36 =	vperm.xlane v36, v3  }
0x645: {  	v41 =	vadd.f32 v38, v37;
	v42 =	vadd.f32 v40, v39;
	vm8 =	vle.f32 v2, v34  }
0x646: {  	vm9 =	veq.s32 v35, v1;
	v2 =	vmin.f32 v2, v34;
	v6 =	vsel vm8, v6, v36  }
0x647: {  	vm10 =	veq.s32 v35, v30;
	(xrf1) =	vsort.ascd.msk.f32 $0xffff, v2, v6;
	v2 =	vsel vm9, $0x7F7FC99E, v41  }
0x648: {  	(xrf1) =	vsort.ascd.msk.f32 $0xffff, v2, v1;
	v2 =	vsel vm10, $0x7F7FC99E, v42  }
0x649: {  	(xrf1) =	vsort.ascd.msk.f32 $0xffff, v2, v30;
	_ =	sdelay $0xb  }
0x64a: {  	v2, v6, _ =	vpop (xrf1)  }
0x64b: {  	v44, v52, _ =	vpop (xrf1)  }
0x64c: {  	v37, v38, _ =	vpop (xrf1)  }
0x64d: {  	v37 =	vperm.xlane v37, v3  }
0x64e: {  	v38 =	vperm.xlane v38, v3  }
0x64f: {  	vm11 =	vle.f32 v44, v37  }
0x650: {  	v34 =	vmin.f32 v44, v37;
	v36 =	vsel vm11, v52, v38  }
0x651: {  	(xrf1) =	vsort.ascd.msk.f32 $0xffff, v34, v36;
	_ =	sdelay $0xd  }
0x652: {  	v34, v36, _ =	vpop (xrf1)  }
0x653: {  	v34 =	vperm.xlane v34, v3  }
0x654: {  	v36 =	vperm.xlane v36, v3  }
0x655: {  	vm12 =	vle.f32 v2, v34  }
0x656: {  	v2 =	vmin.f32 v2, v34;
	v6 =	vsel vm12, v6, v36  }
0x657: {  	(xrf1) =	vsort.ascd.msk.f32 $0xffff, v2, v6;
	_ =	sdelay $0x4  }
0x658: {  	[tilespmem:$0x1F640] =	vst v61;
	v61 =	vld [tilespmem:$0x380]  }
0x659: {  	v2 =	vld [tilespmem:$0x390]  }
0x65a: {  	v1 =	vld [tilespmem:$0x190]  }
0x65b: {  	v54 =	vld [tilespmem:$0x180];
	_ =	sdelay $0x2  }
0x65c: {  	v33 =	vsub.f32 v2, v60  }
0x65d: {  	[tilespmem:$0x1F950] =	vst v10;
	v13 =	vsub.f32 v61, v60;
	v14 =	vsub.f32 v1, v0  }
0x65e: {  	[tilespmem:$0x1F9A0] =	vst v63;
	v10 =	vsub.f32 v54, v0;
	v39 =	vmul.f32 v33, v33;
	v33 =	vld [tilespmem:$0x1FF80]  }
0x65f: {  	[tilespmem:$0x1F670] =	vst v1;
	v1 =	vld [tilespmem:$0x1FF90];
	v37 =	vmul.f32 v13, v13;
	v38 =	vmul.f32 v14, v14;
	v6, v63, _ =	vpop (xrf1)  }
0x660: {  	v36 =	vmul.f32 v10, v10;
	v6 =	vperm.xlane v6, v3  }
0x661: {  	v34 =	vperm.xlane v63, v3  }
0x662: {  	v42 =	vadd.f32 v37, v36;
	v44 =	vadd.f32 v39, v38;
	vm13 =	vle.f32 v4, v6  }
0x663: {  	vm14 =	veq.s32 v35, v33;
	v4 =	vmin.f32 v4, v6;
	v5 =	vsel vm13, v5, v34  }
0x664: {  	vm15 =	veq.s32 v35, v1;
	(xrf1) =	vsort.ascd.msk.f32 $0xffff, v4, v5;
	v4 =	vsel vm14, $0x7F7FC99E, v42  }
0x665: {  	(xrf1) =	vsort.ascd.msk.f32 $0xffff, v4, v33;
	v4 =	vsel vm15, $0x7F7FC99E, v44  }
0x666: {  	(xrf1) =	vsort.ascd.msk.f32 $0xffff, v4, v1;
	_ =	sdelay $0x4  }
0x667: {  	[tilespmem:$0x1F650] =	vst v54;
	v54 =	vld [tilespmem:$0x3A0]  }
0x668: {  	v52 =	vld [tilespmem:$0x1A0]  }
0x669: {  	[tilespmem:$0x1F680] =	vst v2;
	v2 =	vld [tilespmem:$0x3B0]  }
0x66a: {  	v1 =	vld [tilespmem:$0x1B0];
	_ =	sdelay $0x2  }
0x66b: {  	[tilespmem:$0x1F7E0] =	vst v7;
	v7 =	vsub.f32 v52, v0  }
0x66c: {  	[tilespmem:$0x1F660] =	vst v61;
	v8 =	vsub.f32 v54, v60;
	v41 =	vsub.f32 v2, v60;
	v4, v5, _ =	vpop (xrf1)  }
0x66d: {  	v38 =	vmul.f32 v7, v7;
	[tilespmem:$0x1F6B0] =	vst v1;
	v10 =	vsub.f32 v1, v0;
	v1 =	vld [tilespmem:$0x1FFA0];
	v61, v63, _ =	vpop (xrf1)  }
0x66e: {  	v39 =	vmul.f32 v8, v8;
	v41 =	vmul.f32 v41, v41;
	v36, v37, _ =	vpop (xrf1)  }
0x66f: {  	v40 =	vmul.f32 v10, v10;
	v36 =	vperm.xlane v36, v3  }
0x670: {  	v37 =	vperm.xlane v37, v3  }
0x671: {  	v13 =	vadd.f32 v39, v38;
	v14 =	vadd.f32 v41, v40;
	vm4 =	vle.f32 v61, v36  }
0x672: {  	vm5 =	veq.s32 v35, v1;
	v6 =	vmin.f32 v61, v36;
	v34 =	vsel vm4, v63, v37  }
0x673: {  	vm6 =	veq.s32 v35, v46;
	v40 =	vsel vm5, $0x7F7FC99E, v13;
	(xrf1) =	vsort.ascd.msk.f32 $0xffff, v6, v34  }
0x674: {  	v41 =	vsel vm6, $0x7F7FC99E, v14;
	(xrf1) =	vsort.ascd.msk.f32 $0xffff, v40, v1  }
0x675: {  	(xrf1) =	vsort.ascd.msk.f32 $0xffff, v41, v46;
	_ =	sdelay $0xb  }
0x676: {  	[tilespmem:$0x1F6A0] =	vst v54;
	v42, v34, _ =	vpop (xrf1)  }
0x677: {  	[tilespmem:$0x1F690] =	vst v52;
	v52, v54, _ =	vpop (xrf1)  }
0x678: {  	v38, v39, _ =	vpop (xrf1)  }
0x679: {  	v38 =	vperm.xlane v38, v3  }
0x67a: {  	v39 =	vperm.xlane v39, v3  }
0x67b: {  	vm7 =	vle.f32 v52, v38  }
0x67c: {  	v36 =	vmin.f32 v52, v38;
	v37 =	vsel vm7, v54, v39  }
0x67d: {  	v1 =	vld [tilespmem:$0x1D0];
	(xrf1) =	vsort.ascd.msk.f32 $0xffff, v36, v37;
	_ =	sdelay $0x4  }
0x67e: {  	[tilespmem:$0x1F6F0] =	vst v1;
	v52 =	vsub.f32 v1, v0;
	v1 =	vld [tilespmem:$0x1FFC0];
	_ =	sdelay $0x1  }
0x67f: {  	v63 =	vld [tilespmem:$0x3C0]  }
0x680: {  	v61 =	vld [tilespmem:$0x1C0];
	_ =	sdelay $0x1  }
0x681: {  	vm9 =	veq.s32 v35, v1;
	v1 =	vld [tilespmem:$0x1FFD0];
	_ =	sdelay $0x1  }
0x682: {  	v10 =	vsub.f32 v63, v60  }
0x683: {  	[tilespmem:$0x1F6C0] =	vst v2;
	v2 =	vld [tilespmem:$0x3D0];
	v7 =	vsub.f32 v61, v0  }
0x684: {  	v46 =	vmul.f32 v10, v10;
	v36, v37, _ =	vpop (xrf1)  }
0x685: {  	v38 =	vmul.f32 v7, v7;
	vm10 =	veq.s32 v35, v1;
	v1 =	vld [tilespmem:$0x1FFC0];
	v36 =	vperm.xlane v36, v3  }
0x686: {  	v37 =	vperm.xlane v37, v3  }
0x687: {  	v13 =	vadd.f32 v46, v38;
	vm8 =	vle.f32 v42, v36  }
0x688: {  	v54 =	vsub.f32 v2, v60;
	v6 =	vmin.f32 v42, v36;
	v34 =	vsel vm8, v34, v37  }
0x689: {  	v39 =	vsel vm9, $0x7F7FC99E, v13;
	(xrf1) =	vsort.ascd.msk.f32 $0xffff, v6, v34  }
0x68a: {  	v52 =	vmul.f32 v52, v52;
	v54 =	vmul.f32 v54, v54;
	(xrf1) =	vsort.ascd.msk.f32 $0xffff, v39, v1;
	v1 =	vld [tilespmem:$0x1FFD0];
	_ =	sdelay $0x1  }
0x68b: {  	v14 =	vadd.f32 v54, v52;
	_ =	sdelay $0x1  }
0x68c: {  	v40 =	vsel vm10, $0x7F7FC99E, v14  }
0x68d: {  	(xrf1) =	vsort.ascd.msk.f32 $0xffff, v40, v1;
	_ =	sdelay $0x5  }
0x68e: {  	v41 =	vld [tilespmem:$0x1E0]  }
0x68f: {  	[tilespmem:$0x1F700] =	vst v2;
	v2 =	vld [tilespmem:$0x3E0]  }
0x690: {  	v13 =	vld [tilespmem:$0x1F0]  }
0x691: {  	v42 =	vld [tilespmem:$0x3F0];
	_ =	sdelay $0x2  }
0x692: {  	[tilespmem:$0x1F710] =	vst v41;
	v7 =	vsub.f32 v41, v0;
	v41 =	vld [tilespmem:$0x1FFF0];
	v37 =	vsub.f32 v2, v60;
	v34, v14, _ =	vpop (xrf1)  }
0x693: {  	[tilespmem:$0x1F6D0] =	vst v61;
	v0 =	vsub.f32 v13, v0;
	v52, v54, _ =	vpop (xrf1)  }
0x694: {  	[tilespmem:$0x1F6E0] =	vst v63;
	v7 =	vmul.f32 v7, v7;
	v8 =	vmul.f32 v37, v37;
	v37 =	vld [tilespmem:$0x1FFE0];
	v60 =	vsub.f32 v42, v60;
	v61, v63, _ =	vpop (xrf1)  }
0x695: {  	v0 =	vmul.f32 v0, v0;
	v61 =	vperm.xlane v61, v3  }
0x696: {  	v60 =	vmul.f32 v60, v60;
	v63 =	vperm.xlane v63, v3  }
0x697: {  	vm12 =	veq.s32 v35, v41;
	v7 =	vadd.f32 v8, v7;
	vm11 =	vle.f32 v52, v61  }
0x698: {  	v0 =	vadd.f32 v60, v0;
	v52 =	vmin.f32 v52, v61;
	v38 =	vsel vm11, v54, v63  }
0x699: {  	v7 =	vsel vm12, $0x7F7FC99E, v7;
	vm13 =	veq.s32 v35, v37;
	(xrf1) =	vsort.ascd.msk.f32 $0xffff, v52, v38  }
0x69a: {  	v0 =	vsel vm13, $0x7F7FC99E, v0;
	(xrf1) =	vsort.ascd.msk.f32 $0xffff, v7, v41  }
0x69b: {  	(xrf1) =	vsort.ascd.msk.f32 $0xffff, v0, v37;
	_ =	sdelay $0xb  }
0x69c: {  	[tilespmem:$0x1F740] =	vst v42;
	v0, v42, _ =	vpop (xrf1)  }
0x69d: {  	v8, v52, _ =	vpop (xrf1)  }
0x69e: {  	v44, v10, _ =	vpop (xrf1)  }
0x69f: {  	v54 =	vperm.xlane v44, v3  }
0x6a0: {  	v60 =	vperm.xlane v10, v3  }
0x6a1: {  	vm14 =	vle.f32 v8, v54  }
0x6a2: {  	v8 =	vmin.f32 v8, v54;
	v52 =	vsel vm14, v52, v60  }
0x6a3: {  	(xrf1) =	vsort.ascd.msk.f32 $0xffff, v8, v52;
	_ =	sdelay $0xd  }
0x6a4: {  	v8, v52, _ =	vpop (xrf1)  }
0x6a5: {  	v8 =	vperm.xlane v8, v3  }
0x6a6: {  	v52 =	vperm.xlane v52, v3  }
0x6a7: {  	vm15 =	vle.f32 v0, v8  }
0x6a8: {  	v0 =	vmin.f32 v0, v8;
	v7 =	vsel vm15, v42, v52  }
0x6a9: {  	(xrf1) =	vsort.ascd.msk.f32 $0xffff, v0, v7;
	_ =	sdelay $0xd  }
0x6aa: {  	v0, v7, _ =	vpop (xrf1)  }
0x6ab: {  	v0 =	vperm.xlane v0, v3  }
0x6ac: {  	v7 =	vperm.xlane v7, v3  }
0x6ad: {  	vm4 =	vle.f32 v34, v0  }
0x6ae: {  	[tilespmem:$0x1F730] =	vst v13;
	v0 =	vmin.f32 v34, v0;
	v13 =	vsel vm4, v14, v7  }
0x6af: {  	(xrf1) =	vsort.ascd.msk.f32 $0xffff, v0, v13;
	_ =	sdelay $0xd  }
0x6b0: {  	v0, v6, _ =	vpop (xrf1)  }
0x6b1: {  	v0 =	vperm.xlane v0, v3  }
0x6b2: {  	v6 =	vperm.xlane v6, v3  }
0x6b3: {  	vm5 =	vle.f32 v4, v0  }
0x6b4: {  	v0 =	vmin.f32 v4, v0;
	v4 =	vsel vm5, v5, v6  }
0x6b5: {  	(xrf1) =	vsort.ascd.msk.f32 $0xffff, v0, v4;
	_ =	sdelay $0x6  }
0x6b6: {  	s18 =	sand.u32 $0xF, s15  }
0x6b7: {  	s28 =	sadd.s32 $0x1, s18  }
0x6b8: {  	v0 =	vmov s28  }
0x6b9: {  	v60 =	vperm.xlane v21, v0;
	v61 =	vperm.xlane v53, v0;
	_ =	sdelay $0x1  }
0x6ba: {  	v5 =	vsub.f32 v43, v60;
	v14 =	vsub.f32 v62, v61  }
0x6bb: {  	v34 =	vsub.f32 v45, v60  }
0x6bc: {  	v42 =	vsub.f32 v50, v61;
	v5 =	vmul.f32 v5, v5;
	v6 =	vmul.f32 v14, v14;
	v0, v4, _ =	vpop (xrf1)  }
0x6bd: {  	[tilespmem:$0x1F770] =	vst v43;
	v1 =	vlaneseq.u32;
	v7 =	vmul.f32 v34, v34;
	v0 =	vperm.xlane v0, v3  }
0x6be: {  	s29 =	sadd.s32 $0x1, s15;
	[tilespmem:$0x1F790] =	vst v45;
	v8 =	vmul.f32 v42, v42;
	v5 =	vadd.f32 v6, v5;
	v4 =	vperm.xlane v4, v3  }
0x6bf: {  	[tilespmem:$0x1F750] =	vst v21;
	v36 =	vmovc v21;
	v40 =	vmovc v43;
	vm6 =	vle.f32 v58, v0;
	v43 =	vmin.f32 v58, v0;
	v0 =	vmov s29  }
0x6c0: {  	v21 =	vmovc v45;
	v45 =	vadd.f32 v8, v7;
	v4 =	vsel vm6, v56, v4;
	vm7 =	veq.s32 v0, v1  }
0x6c1: {  	vm8 =	veq.s32 v0, v15;
	(xrf1) =	vsort.ascd.msk.f32 $0xffff, v43, v4;
	v4 =	vsel vm7, $0x7F7FC99E, v5  }
0x6c2: {  	(xrf1) =	vsort.ascd.msk.f32 $0xffff, v4, v1;
	v4 =	vsel vm8, $0x7F7FC99E, v45  }
0x6c3: {  	(xrf1) =	vsort.ascd.msk.f32 $0xffff, v4, v15;
	_ =	sdelay $0x5  }
0x6c4: {  	v44 =	vld [tilespmem:$0x1F7B0]  }
0x6c5: {  	v42 =	vld [tilespmem:$0x1F7D0]  }
0x6c6: {  	v45 =	vld [tilespmem:$0x1F7C0]  }
0x6c7: {  	v43 =	vld [tilespmem:$0x1F7E0];
	_ =	sdelay $0x2  }
0x6c8: {  	[tilespmem:$0x1F7A0] =	vst v50;
	v39 =	vmov v50;
	v50 =	vsub.f32 v44, v60;
	v63 =	vsub.f32 v42, v60;
	_, v1, _ =	vpop (xrf1)  }
0x6c9: {  	v58 =	vsub.f32 v45, v61;
	v4, v5, _ =	vpop (xrf1)  }
0x6ca: {  	v8 =	vmul.f32 v50, v50;
	v52 =	vmul.f32 v63, v63;
	v13 =	vsub.f32 v43, v61;
	v46, v7, _ =	vpop (xrf1)  }
0x6cb: {  	v6 =	vperm.xlane v46, v3;
	v46 =	vmul.f32 v58, v58  }
0x6cc: {  	v54 =	vmul.f32 v13, v13;
	v7 =	vperm.xlane v7, v3  }
0x6cd: {  	vm10 =	veq.s32 v0, v16;
	vm9 =	vle.f32 v4, v6;
	v14 =	vadd.f32 v46, v8  }
0x6ce: {  	v15 =	vadd.f32 v54, v52;
	v4 =	vmin.f32 v4, v6;
	v5 =	vsel vm9, v5, v7  }
0x6cf: {  	vm11 =	veq.s32 v0, v19;
	(xrf1) =	vsort.ascd.msk.f32 $0xffff, v4, v5;
	v4 =	vsel vm10, $0x7F7FC99E, v14  }
0x6d0: {  	(xrf1) =	vsort.ascd.msk.f32 $0xffff, v4, v16;
	v4 =	vsel vm11, $0x7F7FC99E, v15  }
0x6d1: {  	(xrf1) =	vsort.ascd.msk.f32 $0xffff, v4, v19;
	_ =	sdelay $0xb  }
0x6d2: {  	v4, v5, _ =	vpop (xrf1)  }
0x6d3: {  	v16, v19, _ =	vpop (xrf1)  }
0x6d4: {  	v8, v46, _ =	vpop (xrf1)  }
0x6d5: {  	v8 =	vperm.xlane v8, v3  }
0x6d6: {  	v46 =	vperm.xlane v46, v3  }
0x6d7: {  	vm12 =	vle.f32 v16, v8  }
0x6d8: {  	v6 =	vmin.f32 v16, v8;
	v7 =	vsel vm12, v19, v46  }
0x6d9: {  	(xrf1) =	vsort.ascd.msk.f32 $0xffff, v6, v7;
	_ =	sdelay $0x8  }
0x6da: {  	[tilespmem:$0x1F7F0] =	vst v48;
	v34 =	vsub.f32 v48, v60;
	v50 =	vmov v48;
	v48 =	vld [tilespmem:$0x1F810];
	_ =	sdelay $0x2  }
0x6db: {  	v63 =	vsub.f32 v49, v61  }
0x6dc: {  	v38 =	vsub.f32 v51, v61  }
0x6dd: {  	v54 =	vmul.f32 v63, v63;
	v58 =	vsub.f32 v48, v60;
	v8 =	vmul.f32 v34, v34;
	v6, v7, _ =	vpop (xrf1)  }
0x6de: {  	v46 =	vmul.f32 v38, v38;
	v6 =	vperm.xlane v6, v3  }
0x6df: {  	v52 =	vmul.f32 v58, v58;
	v7 =	vperm.xlane v7, v3  }
0x6e0: {  	vm14 =	veq.s32 v0, v11;
	v13 =	vadd.f32 v46, v8;
	vm13 =	vle.f32 v4, v6  }
0x6e1: {  	v14 =	vadd.f32 v54, v52;
	v4 =	vmin.f32 v4, v6;
	v5 =	vsel vm13, v5, v7  }
0x6e2: {  	vm15 =	veq.s32 v0, v22;
	(xrf1) =	vsort.ascd.msk.f32 $0xffff, v4, v5;
	v4 =	vsel vm14, $0x7F7FC99E, v13  }
0x6e3: {  	(xrf1) =	vsort.ascd.msk.f32 $0xffff, v4, v11;
	v4 =	vsel vm15, $0x7F7FC99E, v14  }
0x6e4: {  	(xrf1) =	vsort.ascd.msk.f32 $0xffff, v4, v22;
	_ =	sdelay $0x7  }
0x6e5: {  	[tilespmem:$0x1F720] =	vst v2;
	v2 =	vld [tilespmem:$0x1F830]  }
0x6e6: {  	[tilespmem:$0x1F590] =	vst v55;
	v19 =	vsub.f32 v55, v60;
	v55 =	vld [tilespmem:$0x1F850];
	_ =	sdelay $0x2  }
0x6e7: {  	v34 =	vsub.f32 v47, v60;
	v4, v5, _ =	vpop (xrf1)  }
0x6e8: {  	v22 =	vsub.f32 v2, v61;
	v15, v16, _ =	vpop (xrf1)  }
0x6e9: {  	v56 =	vmul.f32 v34, v34;
	v52 =	vmul.f32 v19, v19;
	v38 =	vsub.f32 v55, v61;
	v8, v46, _ =	vpop (xrf1)  }
0x6ea: {  	v54 =	vmul.f32 v22, v22;
	v8 =	vperm.xlane v8, v3  }
0x6eb: {  	v58 =	vmul.f32 v38, v38;
	v46 =	vperm.xlane v46, v3  }
0x6ec: {  	vm5 =	veq.s32 v0, v23;
	v63 =	vadd.f32 v54, v52;
	vm4 =	vle.f32 v15, v8  }
0x6ed: {  	v13 =	vadd.f32 v58, v56;
	v6 =	vmin.f32 v15, v8;
	v7 =	vsel vm4, v16, v46  }
0x6ee: {  	vm6 =	veq.s32 v0, v24;
	v14 =	vsel vm5, $0x7F7FC99E, v63;
	(xrf1) =	vsort.ascd.msk.f32 $0xffff, v6, v7  }
0x6ef: {  	v15 =	vsel vm6, $0x7F7FC99E, v13;
	(xrf1) =	vsort.ascd.msk.f32 $0xffff, v14, v23  }
0x6f0: {  	(xrf1) =	vsort.ascd.msk.f32 $0xffff, v15, v24;
	_ =	sdelay $0xb  }
0x6f1: {  	v16, v7, _ =	vpop (xrf1)  }
0x6f2: {  	v19, v22, _ =	vpop (xrf1)  }
0x6f3: {  	v52, v54, _ =	vpop (xrf1)  }
0x6f4: {  	v52 =	vperm.xlane v52, v3  }
0x6f5: {  	v54 =	vperm.xlane v54, v3  }
0x6f6: {  	vm7 =	vle.f32 v19, v52  }
0x6f7: {  	v8 =	vmin.f32 v19, v52;
	v46 =	vsel vm7, v22, v54  }
0x6f8: {  	(xrf1) =	vsort.ascd.msk.f32 $0xffff, v8, v46;
	_ =	sdelay $0xd  }
0x6f9: {  	v8, v46, _ =	vpop (xrf1)  }
0x6fa: {  	v8 =	vperm.xlane v8, v3  }
0x6fb: {  	v46 =	vperm.xlane v46, v3  }
0x6fc: {  	vm8 =	vle.f32 v16, v8  }
0x6fd: {  	v6 =	vmin.f32 v16, v8;
	v7 =	vsel vm8, v7, v46  }
0x6fe: {  	(xrf1) =	vsort.ascd.msk.f32 $0xffff, v6, v7;
	_ =	sdelay $0x6  }
0x6ff: {  	v13 =	vld [tilespmem:$0x1F870]  }
0x700: {  	v10 =	vld [tilespmem:$0x1F860]  }
0x701: {  	[tilespmem:$0x1F5A0] =	vst v12;
	v23 =	vsub.f32 v12, v60;
	v12 =	vld [tilespmem:$0x1F880];
	_ =	sdelay $0x1  }
0x702: {  	[tilespmem:$0x1F9B0] =	vst v1;
	v1 =	vld [tilespmem:$0x1FE90]  }
0x703: {  	v34 =	vsub.f32 v13, v60  }
0x704: {  	v24 =	vsub.f32 v10, v61  }
0x705: {  	v38 =	vsub.f32 v12, v61;
	v52 =	vmul.f32 v34, v34;
	v8 =	vmul.f32 v23, v23;
	v6, v7, _ =	vpop (xrf1)  }
0x706: {  	v46 =	vmul.f32 v24, v24;
	v6 =	vperm.xlane v6, v3  }
0x707: {  	vm11 =	veq.s32 v0, v1;
	v1 =	vld [tilespmem:$0x1FE90];
	v54 =	vmul.f32 v38, v38;
	v7 =	vperm.xlane v7, v3  }
0x708: {  	vm10 =	veq.s32 v0, v59;
	v56 =	vadd.f32 v46, v8;
	vm9 =	vle.f32 v4, v6  }
0x709: {  	v58 =	vadd.f32 v54, v52;
	v4 =	vmin.f32 v4, v6;
	v5 =	vsel vm9, v5, v7  }
0x70a: {  	(xrf1) =	vsort.ascd.msk.f32 $0xffff, v4, v5;
	v4 =	vsel vm10, $0x7F7FC99E, v56  }
0x70b: {  	(xrf1) =	vsort.ascd.msk.f32 $0xffff, v4, v59;
	v4 =	vsel vm11, $0x7F7FC99E, v58  }
0x70c: {  	(xrf1) =	vsort.ascd.msk.f32 $0xffff, v4, v1;
	_ =	sdelay $0x4  }
0x70d: {  	v1 =	vld [tilespmem:$0x1F5B0]  }
0x70e: {  	v15 =	vld [tilespmem:$0x1F890]  }
0x70f: {  	v16 =	vld [tilespmem:$0x1F8A0]  }
0x710: {  	v14 =	vld [tilespmem:$0x1F8B0];
	_ =	sdelay $0x1  }
0x711: {  	v34 =	vsub.f32 v1, v60;
	v1 =	vld [tilespmem:$0x1FEA0];
	_ =	sdelay $0x1  }
0x712: {  	v23 =	vsub.f32 v15, v60;
	v24 =	vsub.f32 v16, v61;
	v4, v5, _ =	vpop (xrf1)  }
0x713: {  	v38 =	vsub.f32 v14, v61;
	v63, v22, _ =	vpop (xrf1)  }
0x714: {  	v52 =	vmul.f32 v23, v23;
	v54 =	vmul.f32 v24, v24;
	v8, v46, _ =	vpop (xrf1)  }
0x715: {  	v58 =	vmul.f32 v38, v38;
	vm13 =	veq.s32 v0, v1;
	v1 =	vld [tilespmem:$0x1FEA0];
	v8 =	vperm.xlane v8, v3  }
0x716: {  	v56 =	vmul.f32 v34, v34;
	v46 =	vperm.xlane v46, v3  }
0x717: {  	v52 =	vadd.f32 v54, v52;
	vm12 =	vle.f32 v63, v8  }
0x718: {  	v54 =	vadd.f32 v58, v56;
	v6 =	vmin.f32 v63, v8;
	v7 =	vsel vm12, v22, v46  }
0x719: {  	vm14 =	veq.s32 v0, v9;
	v56 =	vsel vm13, $0x7F7FC99E, v52;
	(xrf1) =	vsort.ascd.msk.f32 $0xffff, v6, v7  }
0x71a: {  	v58 =	vsel vm14, $0x7F7FC99E, v54;
	(xrf1) =	vsort.ascd.msk.f32 $0xffff, v56, v1  }
0x71b: {  	(xrf1) =	vsort.ascd.msk.f32 $0xffff, v58, v9;
	_ =	sdelay $0xb  }
0x71c: {  	v63, v7, _ =	vpop (xrf1)  }
0x71d: {  	v19, v22, _ =	vpop (xrf1)  }
0x71e: {  	v52, v54, _ =	vpop (xrf1)  }
0x71f: {  	v52 =	vperm.xlane v52, v3  }
0x720: {  	v54 =	vperm.xlane v54, v3  }
0x721: {  	vm15 =	vle.f32 v19, v52  }
0x722: {  	v8 =	vmin.f32 v19, v52;
	v46 =	vsel vm15, v22, v54  }
0x723: {  	(xrf1) =	vsort.ascd.msk.f32 $0xffff, v8, v46;
	_ =	sdelay $0x6  }
0x724: {  	[tilespmem:$0x1F5C0] =	vst v17;
	v23 =	vsub.f32 v17, v60;
	v17 =	vld [tilespmem:$0x1F8C0];
	_ =	sdelay $0x1  }
0x725: {  	[tilespmem:$0x1F5D0] =	vst v18;
	v24 =	vsub.f32 v18, v61;
	v18 =	vld [tilespmem:$0x1F8D0];
	_ =	sdelay $0x1  }
0x726: {  	v1 =	vld [tilespmem:$0x1FED0]  }
0x727: {  	v34 =	vsub.f32 v17, v60;
	_ =	sdelay $0x1  }
0x728: {  	v38 =	vsub.f32 v18, v61;
	v56 =	vmul.f32 v34, v34;
	v52 =	vmul.f32 v23, v23;
	v8, v46, _ =	vpop (xrf1)  }
0x729: {  	v54 =	vmul.f32 v24, v24;
	v8 =	vperm.xlane v8, v3  }
0x72a: {  	v58 =	vmul.f32 v38, v38;
	vm6 =	veq.s32 v0, v1;
	v1 =	vld [tilespmem:$0x1FED0];
	v46 =	vperm.xlane v46, v3  }
0x72b: {  	vm5 =	veq.s32 v0, v31;
	v54 =	vadd.f32 v54, v52;
	vm4 =	vle.f32 v63, v8  }
0x72c: {  	v6 =	vmin.f32 v63, v8;
	v63 =	vadd.f32 v58, v56;
	v7 =	vsel vm4, v7, v46  }
0x72d: {  	v9 =	vsel vm5, $0x7F7FC99E, v54;
	(xrf1) =	vsort.ascd.msk.f32 $0xffff, v6, v7  }
0x72e: {  	v11 =	vsel vm6, $0x7F7FC99E, v63;
	(xrf1) =	vsort.ascd.msk.f32 $0xffff, v9, v31  }
0x72f: {  	(xrf1) =	vsort.ascd.msk.f32 $0xffff, v11, v1;
	_ =	sdelay $0x4  }
0x730: {  	v1 =	vld [tilespmem:$0x1F5E0]  }
0x731: {  	v23 =	vld [tilespmem:$0x1F8E0]  }
0x732: {  	v24 =	vld [tilespmem:$0x1F8F0]  }
0x733: {  	v22 =	vld [tilespmem:$0x1F900];
	_ =	sdelay $0x1  }
0x734: {  	v34 =	vmov v32;
	v32 =	vmov v26;
	v26 =	vsub.f32 v1, v61;
	v1 =	vld [tilespmem:$0x1FEE0];
	_ =	sdelay $0x1  }
0x735: {  	v56 =	vsub.f32 v23, v60;
	v58 =	vsub.f32 v24, v61;
	v6, v7, _ =	vpop (xrf1)  }
0x736: {  	v19 =	vsub.f32 v22, v60;
	v8, v46, _ =	vpop (xrf1)  }
0x737: {  	v56 =	vmul.f32 v56, v56;
	v58 =	vmul.f32 v58, v58;
	v52, v54, _ =	vpop (xrf1)  }
0x738: {  	v63 =	vmul.f32 v19, v19;
	vm8 =	veq.s32 v0, v1;
	v1 =	vld [tilespmem:$0x1FEE0];
	v52 =	vperm.xlane v52, v3  }
0x739: {  	v9 =	vmul.f32 v26, v26;
	v54 =	vperm.xlane v54, v3  }
0x73a: {  	v38 =	vmov v30;
	v30 =	vadd.f32 v58, v56;
	vm7 =	vle.f32 v8, v52  }
0x73b: {  	v9 =	vadd.f32 v9, v63;
	v8 =	vmin.f32 v8, v52;
	v46 =	vsel vm7, v46, v54  }
0x73c: {  	vm9 =	veq.s32 v0, v34;
	v56 =	vsel vm8, $0x7F7FC99E, v30;
	(xrf1) =	vsort.ascd.msk.f32 $0xffff, v8, v46  }
0x73d: {  	v58 =	vsel vm9, $0x7F7FC99E, v9;
	(xrf1) =	vsort.ascd.msk.f32 $0xffff, v56, v1  }
0x73e: {  	(xrf1) =	vsort.ascd.msk.f32 $0xffff, v58, v34;
	_ =	sdelay $0xb  }
0x73f: {  	v63, v9, _ =	vpop (xrf1)  }
0x740: {  	v11, v19, _ =	vpop (xrf1)  }
0x741: {  	v30, v26, _ =	vpop (xrf1)  }
0x742: {  	v54 =	vperm.xlane v30, v3  }
0x743: {  	v56 =	vperm.xlane v26, v3  }
0x744: {  	vm10 =	vle.f32 v11, v54  }
0x745: {  	v46 =	vmin.f32 v11, v54;
	v52 =	vsel vm10, v19, v56  }
0x746: {  	(xrf1) =	vsort.ascd.msk.f32 $0xffff, v46, v52;
	_ =	sdelay $0xd  }
0x747: {  	v46, v52, _ =	vpop (xrf1)  }
0x748: {  	v46 =	vperm.xlane v46, v3  }
0x749: {  	v52 =	vperm.xlane v52, v3  }
0x74a: {  	vm11 =	vle.f32 v63, v46  }
0x74b: {  	v8 =	vmin.f32 v63, v46;
	v9 =	vsel vm11, v9, v52  }
0x74c: {  	(xrf1) =	vsort.ascd.msk.f32 $0xffff, v8, v9;
	_ =	sdelay $0xd  }
0x74d: {  	v8, v9, _ =	vpop (xrf1)  }
0x74e: {  	v8 =	vperm.xlane v8, v3  }
0x74f: {  	v9 =	vperm.xlane v9, v3  }
0x750: {  	vm12 =	vle.f32 v6, v8  }
0x751: {  	v6 =	vmin.f32 v6, v8;
	v7 =	vsel vm12, v7, v9  }
0x752: {  	(xrf1) =	vsort.ascd.msk.f32 $0xffff, v6, v7;
	_ =	sdelay $0x7  }
0x753: {  	v11 =	vld [tilespmem:$0x1F910];
	_ =	sdelay $0x1  }
0x754: {  	[tilespmem:$0x1F780] =	vst v62  }
0x755: {  	[tilespmem:$0x1F800] =	vst v51  }
0x756: {  	[tilespmem:$0x1F820] =	vst v49;
	v58 =	vsub.f32 v20, v60  }
0x757: {  	[tilespmem:$0x1F5F0] =	vst v20;
	v20 =	vld [tilespmem:$0x1F930];
	v63 =	vsub.f32 v11, v61  }
0x758: {  	[tilespmem:$0x1F840] =	vst v47;
	v19 =	vld [tilespmem:$0x1F920];
	v8 =	vmul.f32 v58, v58;
	v6, v7, _ =	vpop (xrf1)  }
0x759: {  	[tilespmem:$0x1F760] =	vst v53;
	v9 =	vmul.f32 v63, v63;
	v6 =	vperm.xlane v6, v3  }
0x75a: {  	[tilespmem:$0x1F630] =	vst v28;
	v1 =	vld [tilespmem:$0x1FF10];
	v7 =	vperm.xlane v7, v3  }
0x75b: {  	[tilespmem:$0x1F620] =	vst v27;
	v54 =	vadd.f32 v9, v8;
	vm13 =	vle.f32 v4, v6  }
0x75c: {  	[tilespmem:$0x1F980] =	vst v29;
	vm14 =	veq.s32 v0, v25;
	v4 =	vmin.f32 v4, v6;
	v5 =	vsel vm13, v5, v7  }
0x75d: {  	v30 =	vsub.f32 v20, v61;
	v26 =	vsub.f32 v19, v60;
	(xrf1) =	vsort.ascd.msk.f32 $0xffff, v4, v5;
	v4 =	vsel vm14, $0x7F7FC99E, v54  }
0x75e: {  	(xrf1) =	vsort.ascd.msk.f32 $0xffff, v4, v25  }
0x75f: {  	vm15 =	veq.s32 v0, v1;
	v46 =	vmul.f32 v26, v26;
	v52 =	vmul.f32 v30, v30;
	v1 =	vld [tilespmem:$0x1FF10];
	_ =	sdelay $0x1  }
0x760: {  	v56 =	vadd.f32 v52, v46;
	_ =	sdelay $0x1  }
0x761: {  	v4 =	vsel vm15, $0x7F7FC99E, v56  }
0x762: {  	(xrf1) =	vsort.ascd.msk.f32 $0xffff, v4, v1;
	_ =	sdelay $0x9  }
0x763: {  	v1 =	vld [tilespmem:$0x1F600];
	_ =	sdelay $0x1  }
0x764: {  	v54, v56, _ =	vpop (xrf1)  }
0x765: {  	v4, v5, _ =	vpop (xrf1)  }
0x766: {  	v58, v63, _ =	vpop (xrf1)  }
0x767: {  	v6 =	vperm.xlane v58, v3;
	v58 =	vsub.f32 v1, v60;
	v1 =	vld [tilespmem:$0x1F610];
	_ =	sdelay $0x1  }
0x768: {  	v25 =	vld [tilespmem:$0x1F940]  }
0x769: {  	v26 =	vld [tilespmem:$0x1F950];
	_ =	sdelay $0x1  }
0x76a: {  	v7 =	vperm.xlane v63, v3;
	v63 =	vsub.f32 v1, v61;
	v1 =	vld [tilespmem:$0x1FF20];
	_ =	sdelay $0x2  }
0x76b: {  	v8 =	vsub.f32 v25, v60;
	v30 =	vsub.f32 v26, v61;
	_ =	sdelay $0x1  }
0x76c: {  	v8 =	vmul.f32 v8, v8;
	v9 =	vmul.f32 v30, v30;
	vm5 =	veq.s32 v0, v1;
	v1 =	vld [tilespmem:$0x1FF20]  }
0x76d: {  	v46 =	vmul.f32 v58, v58;
	v52 =	vmul.f32 v63, v63  }
0x76e: {  	v9 =	vadd.f32 v9, v8;
	vm4 =	vle.f32 v4, v6  }
0x76f: {  	v4 =	vmin.f32 v4, v6;
	v5 =	vsel vm4, v5, v7;
	v30 =	vadd.f32 v52, v46  }
0x770: {  	vm6 =	veq.s32 v0, v32;
	(xrf1) =	vsort.ascd.msk.f32 $0xffff, v4, v5;
	v4 =	vsel vm5, $0x7F7FC99E, v9  }
0x771: {  	(xrf1) =	vsort.ascd.msk.f32 $0xffff, v4, v1;
	v4 =	vsel vm6, $0x7F7FC99E, v30  }
0x772: {  	(xrf1) =	vsort.ascd.msk.f32 $0xffff, v4, v32;
	_ =	sdelay $0xb  }
0x773: {  	v4, v5, _ =	vpop (xrf1)  }
0x774: {  	v46, v52, _ =	vpop (xrf1)  }
0x775: {  	v8, v9, _ =	vpop (xrf1)  }
0x776: {  	v8 =	vperm.xlane v8, v3  }
0x777: {  	v9 =	vperm.xlane v9, v3  }
0x778: {  	vm7 =	vle.f32 v46, v8  }
0x779: {  	v6 =	vmin.f32 v46, v8;
	v7 =	vsel vm7, v52, v9  }
0x77a: {  	(xrf1) =	vsort.ascd.msk.f32 $0xffff, v6, v7;
	_ =	sdelay $0x7  }
0x77b: {  	v8 =	vsub.f32 v27, v60;
	v27 =	vld [tilespmem:$0x1F960]  }
0x77c: {  	v9 =	vsub.f32 v28, v61;
	v28 =	vld [tilespmem:$0x1F970];
	_ =	sdelay $0x1  }
0x77d: {  	v1 =	vld [tilespmem:$0x1FF50];
	_ =	sdelay $0x1  }
0x77e: {  	v58 =	vsub.f32 v27, v60  }
0x77f: {  	v8 =	vmul.f32 v8, v8;
	v9 =	vmul.f32 v9, v9;
	v63 =	vsub.f32 v28, v61;
	v6, v7, _ =	vpop (xrf1)  }
0x780: {  	v46 =	vmul.f32 v58, v58;
	v6 =	vperm.xlane v6, v3  }
0x781: {  	vm10 =	veq.s32 v0, v1;
	v1 =	vld [tilespmem:$0x1FF50];
	v52 =	vmul.f32 v63, v63;
	v7 =	vperm.xlane v7, v3  }
0x782: {  	vm9 =	veq.s32 v0, v57;
	v30 =	vadd.f32 v9, v8;
	vm8 =	vle.f32 v4, v6  }
0x783: {  	v46 =	vadd.f32 v52, v46;
	v4 =	vmin.f32 v4, v6;
	v5 =	vsel vm8, v5, v7  }
0x784: {  	(xrf1) =	vsort.ascd.msk.f32 $0xffff, v4, v5;
	v4 =	vsel vm9, $0x7F7FC99E, v30  }
0x785: {  	(xrf1) =	vsort.ascd.msk.f32 $0xffff, v4, v57;
	v4 =	vsel vm10, $0x7F7FC99E, v46  }
0x786: {  	(xrf1) =	vsort.ascd.msk.f32 $0xffff, v4, v1;
	_ =	sdelay $0x4  }
0x787: {  	v1 =	vld [tilespmem:$0x1F640];
	_ =	sdelay $0x1  }
0x788: {  	v30 =	vld [tilespmem:$0x1F9A0];
	_ =	sdelay $0x1  }
0x789: {  	v46 =	vsub.f32 v29, v60;
	v29 =	vld [tilespmem:$0x1F990]  }
0x78a: {  	v52 =	vsub.f32 v1, v61;
	v1 =	vld [tilespmem:$0x1FF60];
	_ =	sdelay $0x1  }
0x78b: {  	v63 =	vsub.f32 v30, v61;
	v4, v5, _ =	vpop (xrf1)  }
0x78c: {  	v6, v7, _ =	vpop (xrf1)  }
0x78d: {  	v46 =	vmul.f32 v46, v46;
	v58 =	vsub.f32 v29, v60;
	v63 =	vmul.f32 v63, v63;
	v8, v9, _ =	vpop (xrf1)  }
0x78e: {  	v52 =	vmul.f32 v52, v52;
	vm12 =	veq.s32 v0, v1;
	v1 =	vld [tilespmem:$0x1FF60];
	v8 =	vperm.xlane v8, v3  }
0x78f: {  	v58 =	vmul.f32 v58, v58;
	v9 =	vperm.xlane v9, v3  }
0x790: {  	v52 =	vadd.f32 v52, v46;
	vm11 =	vle.f32 v6, v8  }
0x791: {  	v63 =	vadd.f32 v63, v58;
	v6 =	vmin.f32 v6, v8;
	v7 =	vsel vm11, v7, v9  }
0x792: {  	vm13 =	veq.s32 v0, v38;
	v46 =	vsel vm12, $0x7F7FC99E, v52;
	(xrf1) =	vsort.ascd.msk.f32 $0xffff, v6, v7  }
0x793: {  	v52 =	vsel vm13, $0x7F7FC99E, v63;
	(xrf1) =	vsort.ascd.msk.f32 $0xffff, v46, v1  }
0x794: {  	(xrf1) =	vsort.ascd.msk.f32 $0xffff, v52, v38;
	_ =	sdelay $0xb  }
0x795: {  	v6, v7, _ =	vpop (xrf1)  }
0x796: {  	v58, v63, _ =	vpop (xrf1)  }
0x797: {  	v46, v52, _ =	vpop (xrf1)  }
0x798: {  	v46 =	vperm.xlane v46, v3  }
0x799: {  	v52 =	vperm.xlane v52, v3  }
0x79a: {  	vm14 =	vle.f32 v58, v46  }
0x79b: {  	v8 =	vmin.f32 v58, v46;
	v9 =	vsel vm14, v63, v52  }
0x79c: {  	(xrf1) =	vsort.ascd.msk.f32 $0xffff, v8, v9;
	_ =	sdelay $0xb  }
0x79d: {  	v1 =	vld [tilespmem:$0x1F650];
	_ =	sdelay $0x1  }
0x79e: {  	v8, v9, _ =	vpop (xrf1)  }
0x79f: {  	v8 =	vperm.xlane v8, v3;
	_ =	sdelay $0x1  }
0x7a0: {  	vm15 =	vle.f32 v6, v8;
	v6 =	vmin.f32 v6, v8;
	v8 =	vsub.f32 v1, v60;
	v1 =	vld [tilespmem:$0x1F660]  }
0x7a1: {  	v9 =	vperm.xlane v9, v3;
	_ =	sdelay $0x1  }
0x7a2: {  	v7 =	vsel vm15, v7, v9  }
0x7a3: {  	(xrf1) =	vsort.ascd.msk.f32 $0xffff, v6, v7  }
0x7a4: {  	v9 =	vsub.f32 v1, v61;
	v1 =	vld [tilespmem:$0x1F670];
	_ =	sdelay $0x4  }
0x7a5: {  	v58 =	vsub.f32 v1, v60;
	v1 =	vld [tilespmem:$0x1F680];
	_ =	sdelay $0x4  }
0x7a6: {  	v63 =	vsub.f32 v1, v61;
	v1 =	vld [tilespmem:$0x1FF90];
	_ =	sdelay $0x2  }
0x7a7: {  	v8 =	vmul.f32 v8, v8;
	v9 =	vmul.f32 v9, v9;
	v6, v7, _ =	vpop (xrf1)  }
0x7a8: {  	v46 =	vmul.f32 v58, v58;
	v6 =	vperm.xlane v6, v3  }
0x7a9: {  	v7 =	vperm.xlane v7, v3;
	v52 =	vmul.f32 v63, v63;
	vm6 =	veq.s32 v0, v1;
	v1 =	vld [tilespmem:$0x1FF90]  }
0x7aa: {  	vm5 =	veq.s32 v0, v33;
	v9 =	vadd.f32 v9, v8;
	vm4 =	vle.f32 v4, v6  }
0x7ab: {  	v4 =	vmin.f32 v4, v6;
	v46 =	vadd.f32 v52, v46;
	v5 =	vsel vm4, v5, v7  }
0x7ac: {  	(xrf1) =	vsort.ascd.msk.f32 $0xffff, v4, v5;
	v4 =	vsel vm5, $0x7F7FC99E, v9  }
0x7ad: {  	(xrf1) =	vsort.ascd.msk.f32 $0xffff, v4, v33;
	v4 =	vsel vm6, $0x7F7FC99E, v46  }
0x7ae: {  	(xrf1) =	vsort.ascd.msk.f32 $0xffff, v4, v1;
	v1 =	vld [tilespmem:$0x1F690];
	_ =	sdelay $0x4  }
0x7af: {  	v46 =	vsub.f32 v1, v60;
	v1 =	vld [tilespmem:$0x1F6A0];
	_ =	sdelay $0x4  }
0x7b0: {  	v52 =	vsub.f32 v1, v61;
	v1 =	vld [tilespmem:$0x1F6B0];
	_ =	sdelay $0x4  }
0x7b1: {  	v58 =	vsub.f32 v1, v60;
	v1 =	vld [tilespmem:$0x1F6C0];
	_ =	sdelay $0x4  }
0x7b2: {  	v63 =	vsub.f32 v1, v61;
	v1 =	vld [tilespmem:$0x1FFA0];
	_ =	sdelay $0x4  }
0x7b3: {  	vm8 =	veq.s32 v0, v1;
	v1 =	vld [tilespmem:$0x1FFB0];
	_ =	sdelay $0x1  }
0x7b4: {  	v4, v5, _ =	vpop (xrf1)  }
0x7b5: {  	v6, v7, _ =	vpop (xrf1)  }
0x7b6: {  	v46 =	vmul.f32 v46, v46;
	v8, v9, _ =	vpop (xrf1)  }
0x7b7: {  	v52 =	vmul.f32 v52, v52;
	v8 =	vperm.xlane v8, v3;
	vm9 =	veq.s32 v0, v1;
	v1 =	vld [tilespmem:$0x1FFA0]  }
0x7b8: {  	v9 =	vperm.xlane v9, v3  }
0x7b9: {  	v52 =	vadd.f32 v52, v46;
	vm7 =	vle.f32 v6, v8  }
0x7ba: {  	v6 =	vmin.f32 v6, v8;
	v7 =	vsel vm7, v7, v9  }
0x7bb: {  	(xrf1) =	vsort.ascd.msk.f32 $0xffff, v6, v7;
	v46 =	vsel vm8, $0x7F7FC99E, v52  }
0x7bc: {  	v58 =	vmul.f32 v58, v58;
	v63 =	vmul.f32 v63, v63;
	(xrf1) =	vsort.ascd.msk.f32 $0xffff, v46, v1;
	v1 =	vld [tilespmem:$0x1FFB0];
	_ =	sdelay $0x1  }
0x7bd: {  	v63 =	vadd.f32 v63, v58;
	_ =	sdelay $0x1  }
0x7be: {  	v52 =	vsel vm9, $0x7F7FC99E, v63  }
0x7bf: {  	(xrf1) =	vsort.ascd.msk.f32 $0xffff, v52, v1;
	_ =	sdelay $0xb  }
0x7c0: {  	v6, v7, _ =	vpop (xrf1);
	v1 =	vld [tilespmem:$0x1F6D0]  }
0x7c1: {  	v58, v63, _ =	vpop (xrf1)  }
0x7c2: {  	v46, v52, _ =	vpop (xrf1)  }
0x7c3: {  	v46 =	vperm.xlane v46, v3;
	_ =	sdelay $0x1  }
0x7c4: {  	vm10 =	vle.f32 v58, v46;
	v8 =	vmin.f32 v58, v46;
	v46 =	vsub.f32 v1, v60;
	v1 =	vld [tilespmem:$0x1F6E0];
	_ =	sdelay $0x2  }
0x7c5: {  	v52 =	vperm.xlane v52, v3;
	_ =	sdelay $0x1  }
0x7c6: {  	v9 =	vsel vm10, v63, v52;
	v52 =	vsub.f32 v1, v61;
	v1 =	vld [tilespmem:$0x1F6F0];
	_ =	sdelay $0x4  }
0x7c7: {  	(xrf1) =	vsort.ascd.msk.f32 $0xffff, v8, v9;
	v58 =	vsub.f32 v1, v60;
	v1 =	vld [tilespmem:$0x1F700];
	_ =	sdelay $0x4  }
0x7c8: {  	v63 =	vsub.f32 v1, v61;
	v1 =	vld [tilespmem:$0x1FFC0];
	_ =	sdelay $0x4  }
0x7c9: {  	vm12 =	veq.s32 v0, v1;
	v1 =	vld [tilespmem:$0x1FFD0];
	_ =	sdelay $0x3  }
0x7ca: {  	v46 =	vmul.f32 v46, v46;
	v8, v9, _ =	vpop (xrf1)  }
0x7cb: {  	v52 =	vmul.f32 v52, v52;
	v8 =	vperm.xlane v8, v3;
	vm13 =	veq.s32 v0, v1;
	v1 =	vld [tilespmem:$0x1FFC0]  }
0x7cc: {  	v9 =	vperm.xlane v9, v3  }
0x7cd: {  	v52 =	vadd.f32 v52, v46;
	vm11 =	vle.f32 v6, v8  }
0x7ce: {  	v6 =	vmin.f32 v6, v8;
	v7 =	vsel vm11, v7, v9  }
0x7cf: {  	(xrf1) =	vsort.ascd.msk.f32 $0xffff, v6, v7;
	v46 =	vsel vm12, $0x7F7FC99E, v52  }
0x7d0: {  	v58 =	vmul.f32 v58, v58;
	v63 =	vmul.f32 v63, v63;
	(xrf1) =	vsort.ascd.msk.f32 $0xffff, v46, v1;
	v1 =	vld [tilespmem:$0x1FFD0];
	_ =	sdelay $0x1  }
0x7d1: {  	v63 =	vadd.f32 v63, v58;
	_ =	sdelay $0x1  }
0x7d2: {  	v52 =	vsel vm13, $0x7F7FC99E, v63  }
0x7d3: {  	(xrf1) =	vsort.ascd.msk.f32 $0xffff, v52, v1;
	v1 =	vld [tilespmem:$0x1F710];
	_ =	sdelay $0x4  }
0x7d4: {  	v58 =	vsub.f32 v1, v60;
	v1 =	vld [tilespmem:$0x1F720];
	_ =	sdelay $0x4  }
0x7d5: {  	v63 =	vsub.f32 v1, v61;
	v1 =	vld [tilespmem:$0x1F730];
	_ =	sdelay $0x4  }
0x7d6: {  	v60 =	vsub.f32 v1, v60;
	v1 =	vld [tilespmem:$0x1F740];
	_ =	sdelay $0x2  }
0x7d7: {  	v6, v7, _ =	vpop (xrf1)  }
0x7d8: {  	v8, v9, _ =	vpop (xrf1)  }
0x7d9: {  	v58 =	vmul.f32 v58, v58;
	v63 =	vmul.f32 v63, v63;
	v46, v52, _ =	vpop (xrf1);
	v61 =	vsub.f32 v1, v61  }
0x7da: {  	v46 =	vperm.xlane v46, v3;
	v52 =	vperm.xlane v52, v3  }
0x7db: {  	v60 =	vmul.f32 v60, v60;
	v61 =	vmul.f32 v61, v61  }
0x7dc: {  	vm15 =	veq.s32 v0, v41;
	v58 =	vadd.f32 v63, v58;
	vm14 =	vle.f32 v8, v46  }
0x7dd: {  	v8 =	vmin.f32 v8, v46;
	v9 =	vsel vm14, v9, v52;
	v61 =	vadd.f32 v61, v60  }
0x7de: {  	vm4 =	veq.s32 v0, v37;
	v63 =	vsel vm15, $0x7F7FC99E, v58;
	(xrf1) =	vsort.ascd.msk.f32 $0xffff, v8, v9  }
0x7df: {  	(xrf1) =	vsort.ascd.msk.f32 $0xffff, v63, v41;
	v46 =	vsel vm4, $0x7F7FC99E, v61  }
0x7e0: {  	(xrf1) =	vsort.ascd.msk.f32 $0xffff, v46, v37;
	_ =	sdelay $0xb  }
0x7e1: {  	v8, v9, _ =	vpop (xrf1)  }
0x7e2: {  	v46, v52, _ =	vpop (xrf1)  }
0x7e3: {  	v58, v60, _ =	vpop (xrf1)  }
0x7e4: {  	v58 =	vperm.xlane v58, v3  }
0x7e5: {  	v60 =	vperm.xlane v60, v3  }
0x7e6: {  	vm5 =	vle.f32 v46, v58  }
0x7e7: {  	v46 =	vmin.f32 v46, v58;
	v52 =	vsel vm5, v52, v60  }
0x7e8: {  	(xrf1) =	vsort.ascd.msk.f32 $0xffff, v46, v52;
	_ =	sdelay $0xd  }
0x7e9: {  	v46, v52, _ =	vpop (xrf1)  }
0x7ea: {  	v46 =	vperm.xlane v46, v3  }
0x7eb: {  	v52 =	vperm.xlane v52, v3  }
0x7ec: {  	vm6 =	vle.f32 v8, v46  }
0x7ed: {  	v8 =	vmin.f32 v8, v46;
	v9 =	vsel vm6, v9, v52  }
0x7ee: {  	(xrf1) =	vsort.ascd.msk.f32 $0xffff, v8, v9;
	_ =	sdelay $0xd  }
0x7ef: {  	v8, v9, _ =	vpop (xrf1)  }
0x7f0: {  	v8 =	vperm.xlane v8, v3  }
0x7f1: {  	v9 =	vperm.xlane v9, v3  }
0x7f2: {  	vm7 =	vle.f32 v6, v8  }
0x7f3: {  	v6 =	vmin.f32 v6, v8;
	v7 =	vsel vm7, v7, v9  }
0x7f4: {  	(xrf1) =	vsort.ascd.msk.f32 $0xffff, v6, v7;
	_ =	sdelay $0xd  }
0x7f5: {  	v6, v7, _ =	vpop (xrf1)  }
0x7f6: {  	v6 =	vperm.xlane v6, v3  }
0x7f7: {  	v7 =	vperm.xlane v7, v3  }
0x7f8: {  	vm8 =	vle.f32 v4, v6  }
0x7f9: {  	v4 =	vmin.f32 v4, v6;
	v5 =	vsel vm8, v5, v7  }
0x7fa: {  	(xrf1) =	vsort.ascd.msk.f32 $0xffff, v4, v5;
	_ =	sdelay $0x7  }
0x7fb: {  	s17 =	sadd.s32 $0x2, s18  }
0x7fc: {  	v4 =	vmov s17  }
0x7fd: {  	v60 =	vperm.xlane v36, v4;
	v63 =	vperm.xlane v53, v4;
	_ =	sdelay $0x1  }
0x7fe: {  	v52 =	vsub.f32 v40, v60;
	v53 =	vsub.f32 v62, v63  }
0x7ff: {  	v58 =	vsub.f32 v21, v60  }
0x800: {  	v61 =	vsub.f32 v39, v63;
	v21 =	vld [tilespmem:$0x1FE10];
	v6 =	vmul.f32 v52, v52;
	v7 =	vmul.f32 v53, v53;
	v4, v5, _ =	vpop (xrf1)  }
0x801: {  	s30 =	sadd.s32 $0x2, s15;
	v1 =	vlaneseq.u32;
	v8 =	vmul.f32 v58, v58;
	v4 =	vperm.xlane v4, v3  }
0x802: {  	v9 =	vmul.f32 v61, v61;
	v61 =	vmov s30;
	v5 =	vperm.xlane v5, v3  }
0x803: {  	vm10 =	veq.s32 v61, v1;
	v6 =	vadd.f32 v7, v6;
	vm9 =	vle.f32 v54, v4  }
0x804: {  	v62 =	vadd.f32 v9, v8;
	v4 =	vmin.f32 v54, v4;
	v5 =	vsel vm9, v56, v5  }
0x805: {  	vm11 =	veq.s32 v61, v21;
	(xrf1) =	vsort.ascd.msk.f32 $0xffff, v4, v5;
	v4 =	vsel vm10, $0x7F7FC99E, v6  }
0x806: {  	(xrf1) =	vsort.ascd.msk.f32 $0xffff, v4, v1;
	v4 =	vsel vm11, $0x7F7FC99E, v62  }
0x807: {  	(xrf1) =	vsort.ascd.msk.f32 $0xffff, v4, v21;
	_ =	sdelay $0xb  }
0x808: {  	_, v1, _ =	vpop (xrf1)  }
0x809: {  	v42 =	vsub.f32 v42, v60;
	v4, v5, _ =	vpop (xrf1)  }
0x80a: {  	v39 =	vsub.f32 v44, v60;
	v40 =	vsub.f32 v45, v63;
	v9, v36, _ =	vpop (xrf1)  }
0x80b: {  	v43 =	vsub.f32 v43, v63;
	v46 =	vmul.f32 v42, v42;
	v7 =	vperm.xlane v36, v3;
	v36 =	vld [tilespmem:$0x1FE20]  }
0x80c: {  	v6 =	vperm.xlane v9, v3;
	v9 =	vmul.f32 v40, v40;
	v40 =	vld [tilespmem:$0x1FE30]  }
0x80d: {  	v52 =	vmul.f32 v43, v43;
	v8 =	vmul.f32 v39, v39;
	_ =	sdelay $0x1  }
0x80e: {  	v58 =	vadd.f32 v52, v46;
	vm12 =	vle.f32 v4, v6;
	v56 =	vadd.f32 v9, v8  }
0x80f: {  	v4 =	vmin.f32 v4, v6;
	v5 =	vsel vm12, v5, v7;
	vm13 =	veq.s32 v61, v36  }
0x810: {  	(xrf1) =	vsort.ascd.msk.f32 $0xffff, v4, v5;
	vm14 =	veq.s32 v61, v40;
	v4 =	vsel vm13, $0x7F7FC99E, v56  }
0x811: {  	(xrf1) =	vsort.ascd.msk.f32 $0xffff, v4, v36;
	v4 =	vsel vm14, $0x7F7FC99E, v58  }
0x812: {  	(xrf1) =	vsort.ascd.msk.f32 $0xffff, v4, v40;
	_ =	sdelay $0xb  }
0x813: {  	v4, v5, _ =	vpop (xrf1)  }
0x814: {  	v62, v39, _ =	vpop (xrf1)  }
0x815: {  	v8, v9, _ =	vpop (xrf1)  }
0x816: {  	v8 =	vperm.xlane v8, v3  }
0x817: {  	v9 =	vperm.xlane v9, v3  }
0x818: {  	vm15 =	vle.f32 v62, v8  }
0x819: {  	v6 =	vmin.f32 v62, v8;
	v7 =	vsel vm15, v39, v9  }
0x81a: {  	(xrf1) =	vsort.ascd.msk.f32 $0xffff, v6, v7;
	_ =	sdelay $0xa  }
0x81b: {  	v42 =	vsub.f32 v50, v60  }
0x81c: {  	v48 =	vsub.f32 v48, v60;
	v43 =	vsub.f32 v51, v63  }
0x81d: {  	v50 =	vsub.f32 v49, v63;
	v8 =	vmul.f32 v42, v42;
	v42 =	vld [tilespmem:$0x1FE40]  }
0x81e: {  	v46 =	vmul.f32 v48, v48;
	v9 =	vmul.f32 v43, v43;
	v43 =	vld [tilespmem:$0x1FE50];
	v6, v7, _ =	vpop (xrf1)  }
0x81f: {  	v52 =	vmul.f32 v50, v50;
	v6 =	vperm.xlane v6, v3  }
0x820: {  	v7 =	vperm.xlane v7, v3  }
0x821: {  	v58 =	vadd.f32 v52, v46;
	v56 =	vadd.f32 v9, v8;
	vm4 =	vle.f32 v4, v6  }
0x822: {  	vm5 =	veq.s32 v61, v42;
	v4 =	vmin.f32 v4, v6;
	v5 =	vsel vm4, v5, v7  }
0x823: {  	vm6 =	veq.s32 v61, v43;
	(xrf1) =	vsort.ascd.msk.f32 $0xffff, v4, v5;
	v4 =	vsel vm5, $0x7F7FC99E, v56  }
0x824: {  	(xrf1) =	vsort.ascd.msk.f32 $0xffff, v4, v42;
	v4 =	vsel vm6, $0x7F7FC99E, v58  }
0x825: {  	(xrf1) =	vsort.ascd.msk.f32 $0xffff, v4, v43;
	_ =	sdelay $0x7  }
0x826: {  	v51 =	vld [tilespmem:$0x1F590];
	_ =	sdelay $0x3  }
0x827: {  	v49 =	vsub.f32 v47, v60;
	v48 =	vsub.f32 v2, v63;
	v2 =	vld [tilespmem:$0x1FE60];
	v4, v5, _ =	vpop (xrf1)  }
0x828: {  	v39 =	vsub.f32 v51, v60;
	v6, v62, _ =	vpop (xrf1)  }
0x829: {  	v44 =	vld [tilespmem:$0x1FE70];
	v50 =	vsub.f32 v55, v63;
	v54 =	vmul.f32 v49, v49;
	v52 =	vmul.f32 v48, v48;
	v8, v9, _ =	vpop (xrf1)  }
0x82a: {  	v46 =	vmul.f32 v39, v39;
	v8 =	vperm.xlane v8, v3  }
0x82b: {  	v56 =	vmul.f32 v50, v50;
	v9 =	vperm.xlane v9, v3  }
0x82c: {  	vm8 =	veq.s32 v61, v2;
	v52 =	vadd.f32 v52, v46;
	vm7 =	vle.f32 v6, v8  }
0x82d: {  	v53 =	vadd.f32 v56, v54;
	v6 =	vmin.f32 v6, v8;
	v7 =	vsel vm7, v62, v9  }
0x82e: {  	vm9 =	veq.s32 v61, v44;
	v54 =	vsel vm8, $0x7F7FC99E, v52;
	(xrf1) =	vsort.ascd.msk.f32 $0xffff, v6, v7  }
0x82f: {  	v55 =	vsel vm9, $0x7F7FC99E, v53;
	(xrf1) =	vsort.ascd.msk.f32 $0xffff, v54, v2  }
0x830: {  	(xrf1) =	vsort.ascd.msk.f32 $0xffff, v55, v44;
	_ =	sdelay $0xb  }
0x831: {  	v56, v7, _ =	vpop (xrf1)  }
0x832: {  	v58, v62, _ =	vpop (xrf1)  }
0x833: {  	v46, v52, _ =	vpop (xrf1)  }
0x834: {  	v46 =	vperm.xlane v46, v3  }
0x835: {  	v52 =	vperm.xlane v52, v3  }
0x836: {  	vm10 =	vle.f32 v58, v46  }
0x837: {  	v8 =	vmin.f32 v58, v46;
	v9 =	vsel vm10, v62, v52  }
0x838: {  	(xrf1) =	vsort.ascd.msk.f32 $0xffff, v8, v9;
	_ =	sdelay $0xd  }
0x839: {  	v8, v9, _ =	vpop (xrf1)  }
0x83a: {  	v8 =	vperm.xlane v8, v3  }
0x83b: {  	v9 =	vperm.xlane v9, v3  }
0x83c: {  	vm11 =	vle.f32 v56, v8  }
0x83d: {  	v6 =	vmin.f32 v56, v8;
	v7 =	vsel vm11, v7, v9  }
0x83e: {  	(xrf1) =	vsort.ascd.msk.f32 $0xffff, v6, v7;
	_ =	sdelay $0x6  }
0x83f: {  	v45 =	vld [tilespmem:$0x1F5A0];
	_ =	sdelay $0x3  }
0x840: {  	[tilespmem:$0x1F9C0] =	vst v1;
	v1 =	vld [tilespmem:$0x1FE90]  }
0x841: {  	v49 =	vsub.f32 v13, v60;
	v39 =	vsub.f32 v45, v60  }
0x842: {  	v48 =	vsub.f32 v10, v63  }
0x843: {  	v50 =	vsub.f32 v12, v63;
	v46 =	vmul.f32 v49, v49;
	v8 =	vmul.f32 v39, v39;
	v6, v7, _ =	vpop (xrf1)  }
0x844: {  	v9 =	vmul.f32 v48, v48;
	v6 =	vperm.xlane v6, v3  }
0x845: {  	vm14 =	veq.s32 v61, v1;
	v1 =	vld [tilespmem:$0x1FE90];
	v52 =	vmul.f32 v50, v50;
	v7 =	vperm.xlane v7, v3  }
0x846: {  	vm13 =	veq.s32 v61, v59;
	v56 =	vadd.f32 v9, v8;
	vm12 =	vle.f32 v4, v6  }
0x847: {  	v58 =	vadd.f32 v52, v46;
	v4 =	vmin.f32 v4, v6;
	v5 =	vsel vm12, v5, v7  }
0x848: {  	(xrf1) =	vsort.ascd.msk.f32 $0xffff, v4, v5;
	v4 =	vsel vm13, $0x7F7FC99E, v56  }
0x849: {  	(xrf1) =	vsort.ascd.msk.f32 $0xffff, v4, v59;
	v4 =	vsel vm14, $0x7F7FC99E, v58  }
0x84a: {  	(xrf1) =	vsort.ascd.msk.f32 $0xffff, v4, v1;
	_ =	sdelay $0x4  }
0x84b: {  	v1 =	vld [tilespmem:$0x1FEA0];
	_ =	sdelay $0x4  }
0x84c: {  	vm4 =	veq.s32 v61, v1;
	v1 =	vld [tilespmem:$0x1FEB0];
	_ =	sdelay $0x1  }
0x84d: {  	v12 =	vld [tilespmem:$0x1F5B0];
	v39 =	vsub.f32 v15, v60;
	v4, v5, _ =	vpop (xrf1)  }
0x84e: {  	v48 =	vsub.f32 v16, v63;
	v6, v62, _ =	vpop (xrf1)  }
0x84f: {  	v46 =	vmul.f32 v39, v39;
	v8, v9, _ =	vpop (xrf1)  }
0x850: {  	v52 =	vmul.f32 v48, v48;
	vm5 =	veq.s32 v61, v1;
	v1 =	vld [tilespmem:$0x1FEA0];
	v8 =	vperm.xlane v8, v3  }
0x851: {  	v9 =	vperm.xlane v9, v3  }
0x852: {  	v49 =	vsub.f32 v12, v60;
	v58 =	vadd.f32 v52, v46;
	vm15 =	vle.f32 v6, v8  }
0x853: {  	v50 =	vsub.f32 v14, v63;
	v6 =	vmin.f32 v6, v8;
	v7 =	vsel vm15, v62, v9  }
0x854: {  	v10 =	vsel vm4, $0x7F7FC99E, v58;
	(xrf1) =	vsort.ascd.msk.f32 $0xffff, v6, v7  }
0x855: {  	v54 =	vmul.f32 v49, v49;
	v56 =	vmul.f32 v50, v50;
	(xrf1) =	vsort.ascd.msk.f32 $0xffff, v10, v1;
	v1 =	vld [tilespmem:$0x1FEB0];
	_ =	sdelay $0x1  }
0x856: {  	v62 =	vadd.f32 v56, v54;
	_ =	sdelay $0x1  }
0x857: {  	v13 =	vsel vm5, $0x7F7FC99E, v62  }
0x858: {  	(xrf1) =	vsort.ascd.msk.f32 $0xffff, v13, v1;
	_ =	sdelay $0xb  }
0x859: {  	v14, v7, _ =	vpop (xrf1)  }
0x85a: {  	v15, v16, _ =	vpop (xrf1)  }
0x85b: {  	v46, v52, _ =	vpop (xrf1)  }
0x85c: {  	v46 =	vperm.xlane v46, v3  }
0x85d: {  	v52 =	vperm.xlane v52, v3  }
0x85e: {  	vm6 =	vle.f32 v15, v46  }
0x85f: {  	v8 =	vmin.f32 v15, v46;
	v9 =	vsel vm6, v16, v52  }
0x860: {  	(xrf1) =	vsort.ascd.msk.f32 $0xffff, v8, v9;
	_ =	sdelay $0x6  }
0x861: {  	v48 =	vld [tilespmem:$0x1F5C0]  }
0x862: {  	v49 =	vld [tilespmem:$0x1F5D0];
	_ =	sdelay $0x2  }
0x863: {  	v1 =	vld [tilespmem:$0x1FED0]  }
0x864: {  	v39 =	vsub.f32 v48, v60;
	v10 =	vsub.f32 v17, v60  }
0x865: {  	v62 =	vsub.f32 v49, v63  }
0x866: {  	v54 =	vmul.f32 v10, v10;
	v13 =	vsub.f32 v18, v63;
	v46 =	vmul.f32 v39, v39;
	v8, v9, _ =	vpop (xrf1)  }
0x867: {  	v52 =	vmul.f32 v62, v62;
	v8 =	vperm.xlane v8, v3  }
0x868: {  	v56 =	vmul.f32 v13, v13;
	vm9 =	veq.s32 v61, v1;
	v1 =	vld [tilespmem:$0x1FED0];
	v9 =	vperm.xlane v9, v3  }
0x869: {  	vm7 =	vle.f32 v14, v8;
	v6 =	vmin.f32 v14, v8;
	v14 =	vadd.f32 v52, v46  }
0x86a: {  	vm8 =	veq.s32 v61, v31;
	v15 =	vadd.f32 v56, v54;
	v7 =	vsel vm7, v7, v9  }
0x86b: {  	(xrf1) =	vsort.ascd.msk.f32 $0xffff, v6, v7;
	v16 =	vsel vm8, $0x7F7FC99E, v14  }
0x86c: {  	v17 =	vsel vm9, $0x7F7FC99E, v15;
	(xrf1) =	vsort.ascd.msk.f32 $0xffff, v16, v31  }
0x86d: {  	(xrf1) =	vsort.ascd.msk.f32 $0xffff, v17, v1;
	_ =	sdelay $0x7  }
0x86e: {  	v62 =	vld [tilespmem:$0x1F5E0];
	_ =	sdelay $0x1  }
0x86f: {  	v1 =	vld [tilespmem:$0x1FEE0];
	_ =	sdelay $0x1  }
0x870: {  	v50 =	vsub.f32 v23, v60;
	v13 =	vsub.f32 v24, v63;
	v6, v7, _ =	vpop (xrf1)  }
0x871: {  	v15 =	vsub.f32 v62, v63;
	v18, v31, _ =	vpop (xrf1)  }
0x872: {  	v54 =	vmul.f32 v50, v50;
	v56 =	vmul.f32 v13, v13;
	v14 =	vsub.f32 v22, v60;
	v46, v52, _ =	vpop (xrf1)  }
0x873: {  	v10 =	vmul.f32 v15, v15;
	vm11 =	veq.s32 v61, v1;
	v1 =	vld [tilespmem:$0x1FEE0];
	v46 =	vperm.xlane v46, v3  }
0x874: {  	v58 =	vmul.f32 v14, v14;
	v52 =	vperm.xlane v52, v3  }
0x875: {  	v16 =	vadd.f32 v56, v54;
	vm10 =	vle.f32 v18, v46  }
0x876: {  	v10 =	vadd.f32 v10, v58;
	v8 =	vmin.f32 v18, v46;
	v9 =	vsel vm10, v31, v52  }
0x877: {  	vm12 =	veq.s32 v61, v34;
	v17 =	vsel vm11, $0x7F7FC99E, v16;
	(xrf1) =	vsort.ascd.msk.f32 $0xffff, v8, v9  }
0x878: {  	v18 =	vsel vm12, $0x7F7FC99E, v10;
	(xrf1) =	vsort.ascd.msk.f32 $0xffff, v17, v1  }
0x879: {  	(xrf1) =	vsort.ascd.msk.f32 $0xffff, v18, v34;
	_ =	sdelay $0xb  }
0x87a: {  	v22, v9, _ =	vpop (xrf1)  }
0x87b: {  	v31, v24, _ =	vpop (xrf1)  }
0x87c: {  	v50, v47, _ =	vpop (xrf1)  }
0x87d: {  	v52 =	vperm.xlane v50, v3  }
0x87e: {  	v54 =	vperm.xlane v47, v3  }
0x87f: {  	vm13 =	vle.f32 v31, v52  }
0x880: {  	v10 =	vmin.f32 v31, v52;
	v46 =	vsel vm13, v24, v54  }
0x881: {  	(xrf1) =	vsort.ascd.msk.f32 $0xffff, v10, v46;
	_ =	sdelay $0xd  }
0x882: {  	v10, v46, _ =	vpop (xrf1)  }
0x883: {  	v10 =	vperm.xlane v10, v3  }
0x884: {  	v46 =	vperm.xlane v46, v3  }
0x885: {  	vm14 =	vle.f32 v22, v10  }
0x886: {  	v8 =	vmin.f32 v22, v10;
	v9 =	vsel vm14, v9, v46  }
0x887: {  	(xrf1) =	vsort.ascd.msk.f32 $0xffff, v8, v9;
	_ =	sdelay $0xd  }
0x888: {  	v8, v9, _ =	vpop (xrf1)  }
0x889: {  	v8 =	vperm.xlane v8, v3  }
0x88a: {  	v9 =	vperm.xlane v9, v3  }
0x88b: {  	vm15 =	vle.f32 v6, v8  }
0x88c: {  	v6 =	vmin.f32 v6, v8;
	v7 =	vsel vm15, v7, v9  }
0x88d: {  	(xrf1) =	vsort.ascd.msk.f32 $0xffff, v6, v7;
	_ =	sdelay $0x6  }
0x88e: {  	v47 =	vld [tilespmem:$0x1F5F0];
	_ =	sdelay $0x3  }
0x88f: {  	v1 =	vld [tilespmem:$0x1FF10]  }
0x890: {  	v23 =	vld [tilespmem:$0x1FF00];
	v14 =	vsub.f32 v19, v60;
	v58 =	vsub.f32 v47, v60  }
0x891: {  	v13 =	vsub.f32 v11, v63  }
0x892: {  	v15 =	vsub.f32 v20, v63;
	v10 =	vmul.f32 v14, v14;
	v8 =	vmul.f32 v58, v58;
	v6, v7, _ =	vpop (xrf1)  }
0x893: {  	v9 =	vmul.f32 v13, v13;
	v6 =	vperm.xlane v6, v3  }
0x894: {  	vm6 =	veq.s32 v61, v1;
	v1 =	vld [tilespmem:$0x1FF10];
	v46 =	vmul.f32 v15, v15;
	v7 =	vperm.xlane v7, v3  }
0x895: {  	vm5 =	veq.s32 v61, v23;
	v16 =	vadd.f32 v9, v8;
	vm4 =	vle.f32 v4, v6  }
0x896: {  	v17 =	vadd.f32 v46, v10;
	v4 =	vmin.f32 v4, v6;
	v5 =	vsel vm4, v5, v7  }
0x897: {  	(xrf1) =	vsort.ascd.msk.f32 $0xffff, v4, v5;
	v4 =	vsel vm5, $0x7F7FC99E, v16  }
0x898: {  	(xrf1) =	vsort.ascd.msk.f32 $0xffff, v4, v23;
	v4 =	vsel vm6, $0x7F7FC99E, v17  }
0x899: {  	(xrf1) =	vsort.ascd.msk.f32 $0xffff, v4, v1;
	_ =	sdelay $0x6  }
0x89a: {  	v20 =	vsub.f32 v25, v60;
	v25 =	vld [tilespmem:$0x1F600];
	_ =	sdelay $0x1  }
0x89b: {  	v50 =	vld [tilespmem:$0x1F610]  }
0x89c: {  	v1 =	vld [tilespmem:$0x1FF20];
	_ =	sdelay $0x1  }
0x89d: {  	v22 =	vsub.f32 v26, v63;
	v26 =	vsub.f32 v25, v60;
	v52, v54, _ =	vpop (xrf1)  }
0x89e: {  	v4, v5, _ =	vpop (xrf1)  }
0x89f: {  	v31 =	vsub.f32 v50, v63;
	v10 =	vmul.f32 v26, v26;
	v8 =	vmul.f32 v20, v20;
	v18, v19, _ =	vpop (xrf1)  }
0x8a0: {  	v9 =	vmul.f32 v22, v22;
	vm8 =	veq.s32 v61, v1;
	v1 =	vld [tilespmem:$0x1FF20];
	v6 =	vperm.xlane v18, v3  }
0x8a1: {  	v46 =	vmul.f32 v31, v31;
	v7 =	vperm.xlane v19, v3  }
0x8a2: {  	v53 =	vadd.f32 v9, v8;
	vm7 =	vle.f32 v4, v6  }
0x8a3: {  	v55 =	vadd.f32 v46, v10;
	v4 =	vmin.f32 v4, v6;
	v5 =	vsel vm7, v5, v7  }
0x8a4: {  	vm9 =	veq.s32 v61, v32;
	(xrf1) =	vsort.ascd.msk.f32 $0xffff, v4, v5;
	v4 =	vsel vm8, $0x7F7FC99E, v53  }
0x8a5: {  	(xrf1) =	vsort.ascd.msk.f32 $0xffff, v4, v1;
	v4 =	vsel vm9, $0x7F7FC99E, v55  }
0x8a6: {  	(xrf1) =	vsort.ascd.msk.f32 $0xffff, v4, v32;
	_ =	sdelay $0xb  }
0x8a7: {  	v4, v5, _ =	vpop (xrf1)  }
0x8a8: {  	v56, v58, _ =	vpop (xrf1)  }
0x8a9: {  	v8, v9, _ =	vpop (xrf1)  }
0x8aa: {  	v8 =	vperm.xlane v8, v3  }
0x8ab: {  	v9 =	vperm.xlane v9, v3  }
0x8ac: {  	vm10 =	vle.f32 v56, v8  }
0x8ad: {  	v6 =	vmin.f32 v56, v8;
	v7 =	vsel vm10, v58, v9  }
0x8ae: {  	(xrf1) =	vsort.ascd.msk.f32 $0xffff, v6, v7;
	_ =	sdelay $0x6  }
0x8af: {  	v53 =	vld [tilespmem:$0x1F620]  }
0x8b0: {  	v55 =	vld [tilespmem:$0x1F630];
	_ =	sdelay $0x2  }
0x8b1: {  	v1 =	vld [tilespmem:$0x1FF50]  }
0x8b2: {  	v15 =	vsub.f32 v27, v60;
	v13 =	vsub.f32 v53, v60  }
0x8b3: {  	v14 =	vsub.f32 v55, v63  }
0x8b4: {  	v10 =	vmul.f32 v15, v15;
	v16 =	vsub.f32 v28, v63;
	v8 =	vmul.f32 v13, v13;
	v6, v7, _ =	vpop (xrf1)  }
0x8b5: {  	v9 =	vmul.f32 v14, v14;
	v6 =	vperm.xlane v6, v3  }
0x8b6: {  	v46 =	vmul.f32 v16, v16;
	vm13 =	veq.s32 v61, v1;
	v1 =	vld [tilespmem:$0x1FF50];
	v7 =	vperm.xlane v7, v3  }
0x8b7: {  	vm12 =	veq.s32 v61, v57;
	v17 =	vadd.f32 v9, v8;
	vm11 =	vle.f32 v4, v6  }
0x8b8: {  	v18 =	vadd.f32 v46, v10;
	v4 =	vmin.f32 v4, v6;
	v5 =	vsel vm11, v5, v7  }
0x8b9: {  	(xrf1) =	vsort.ascd.msk.f32 $0xffff, v4, v5;
	v4 =	vsel vm12, $0x7F7FC99E, v17  }
0x8ba: {  	(xrf1) =	vsort.ascd.msk.f32 $0xffff, v4, v57;
	v4 =	vsel vm13, $0x7F7FC99E, v18  }
0x8bb: {  	(xrf1) =	vsort.ascd.msk.f32 $0xffff, v4, v1;
	_ =	sdelay $0x4  }
0x8bc: {  	v1 =	vld [tilespmem:$0x1F980];
	_ =	sdelay $0x1  }
0x8bd: {  	v31 =	vld [tilespmem:$0x1F640];
	_ =	sdelay $0x2  }
0x8be: {  	v22 =	vsub.f32 v1, v60;
	v1 =	vld [tilespmem:$0x1FF60];
	_ =	sdelay $0x1  }
0x8bf: {  	v26 =	vsub.f32 v29, v60;
	v24 =	vsub.f32 v31, v63;
	v4, v5, _ =	vpop (xrf1)  }
0x8c0: {  	v19, v20, _ =	vpop (xrf1)  }
0x8c1: {  	v27 =	vsub.f32 v30, v63;
	v46 =	vmul.f32 v24, v24;
	v56 =	vmul.f32 v26, v26;
	v8, v9, _ =	vpop (xrf1)  }
0x8c2: {  	v10 =	vmul.f32 v22, v22;
	vm15 =	veq.s32 v61, v1;
	v1 =	vld [tilespmem:$0x1FF60];
	v8 =	vperm.xlane v8, v3  }
0x8c3: {  	v58 =	vmul.f32 v27, v27;
	v9 =	vperm.xlane v9, v3  }
0x8c4: {  	v28 =	vadd.f32 v46, v10;
	vm14 =	vle.f32 v19, v8  }
0x8c5: {  	v29 =	vadd.f32 v58, v56;
	v6 =	vmin.f32 v19, v8;
	v7 =	vsel vm14, v20, v9  }
0x8c6: {  	vm4 =	veq.s32 v61, v38;
	v30 =	vsel vm15, $0x7F7FC99E, v28;
	(xrf1) =	vsort.ascd.msk.f32 $0xffff, v6, v7  }
0x8c7: {  	v46 =	vsel vm4, $0x7F7FC99E, v29;
	(xrf1) =	vsort.ascd.msk.f32 $0xffff, v30, v1  }
0x8c8: {  	(xrf1) =	vsort.ascd.msk.f32 $0xffff, v46, v38;
	_ =	sdelay $0xb  }
0x8c9: {  	v56, v7, _ =	vpop (xrf1)  }
0x8ca: {  	v58, v13, _ =	vpop (xrf1)  }
0x8cb: {  	v10, v46, _ =	vpop (xrf1)  }
0x8cc: {  	v10 =	vperm.xlane v10, v3  }
0x8cd: {  	v46 =	vperm.xlane v46, v3  }
0x8ce: {  	vm5 =	vle.f32 v58, v10  }
0x8cf: {  	v8 =	vmin.f32 v58, v10;
	v9 =	vsel vm5, v13, v46  }
0x8d0: {  	(xrf1) =	vsort.ascd.msk.f32 $0xffff, v8, v9;
	_ =	sdelay $0xd  }
0x8d1: {  	v8, v9, _ =	vpop (xrf1)  }
0x8d2: {  	v8 =	vperm.xlane v8, v3  }
0x8d3: {  	v9 =	vperm.xlane v9, v3  }
0x8d4: {  	vm6 =	vle.f32 v56, v8  }
0x8d5: {  	v6 =	vmin.f32 v56, v8;
	v7 =	vsel vm6, v7, v9  }
0x8d6: {  	(xrf1) =	vsort.ascd.msk.f32 $0xffff, v6, v7;
	_ =	sdelay $0x5  }
0x8d7: {  	v17 =	vld [tilespmem:$0x1F650]  }
0x8d8: {  	v30 =	vld [tilespmem:$0x1F670]  }
0x8d9: {  	v18 =	vld [tilespmem:$0x1F660]  }
0x8da: {  	v16 =	vld [tilespmem:$0x1F680];
	_ =	sdelay $0x1  }
0x8db: {  	v1 =	vld [tilespmem:$0x1FF90]  }
0x8dc: {  	v14 =	vsub.f32 v17, v60;
	v24 =	vsub.f32 v30, v60  }
0x8dd: {  	v22 =	vsub.f32 v18, v63  }
0x8de: {  	v26 =	vsub.f32 v16, v63;
	v10 =	vmul.f32 v24, v24;
	v8 =	vmul.f32 v14, v14;
	v6, v7, _ =	vpop (xrf1)  }
0x8df: {  	v9 =	vmul.f32 v22, v22;
	v6 =	vperm.xlane v6, v3  }
0x8e0: {  	vm9 =	veq.s32 v61, v1;
	v1 =	vld [tilespmem:$0x1FF90];
	v46 =	vmul.f32 v26, v26;
	v7 =	vperm.xlane v7, v3  }
0x8e1: {  	vm8 =	veq.s32 v61, v33;
	v27 =	vadd.f32 v9, v8;
	vm7 =	vle.f32 v4, v6  }
0x8e2: {  	v28 =	vadd.f32 v46, v10;
	v4 =	vmin.f32 v4, v6;
	v5 =	vsel vm7, v5, v7  }
0x8e3: {  	(xrf1) =	vsort.ascd.msk.f32 $0xffff, v4, v5;
	v4 =	vsel vm8, $0x7F7FC99E, v27  }
0x8e4: {  	(xrf1) =	vsort.ascd.msk.f32 $0xffff, v4, v33;
	v4 =	vsel vm9, $0x7F7FC99E, v28  }
0x8e5: {  	(xrf1) =	vsort.ascd.msk.f32 $0xffff, v4, v1;
	_ =	sdelay $0x4  }
0x8e6: {  	v1 =	vld [tilespmem:$0x1FFA0];
	_ =	sdelay $0x1  }
0x8e7: {  	v22 =	vld [tilespmem:$0x1F6A0]  }
0x8e8: {  	v39 =	vmov v33;
	v33 =	vld [tilespmem:$0x1F690];
	_ =	sdelay $0x1  }
0x8e9: {  	vm11 =	veq.s32 v61, v1;
	v1 =	vld [tilespmem:$0x1FFB0];
	_ =	sdelay $0x1  }
0x8ea: {  	v19 =	vld [tilespmem:$0x1F6B0];
	v15 =	vsub.f32 v22, v63;
	v4, v5, _ =	vpop (xrf1)  }
0x8eb: {  	v20 =	vld [tilespmem:$0x1F6C0];
	v14 =	vsub.f32 v33, v60;
	v29, v13, _ =	vpop (xrf1)  }
0x8ec: {  	v46 =	vmul.f32 v15, v15;
	v8, v9, _ =	vpop (xrf1)  }
0x8ed: {  	v10 =	vmul.f32 v14, v14;
	vm12 =	veq.s32 v61, v1;
	v1 =	vld [tilespmem:$0x1FFA0];
	v8 =	vperm.xlane v8, v3  }
0x8ee: {  	v9 =	vperm.xlane v9, v3  }
0x8ef: {  	v24 =	vsub.f32 v19, v60;
	v27 =	vadd.f32 v46, v10;
	vm10 =	vle.f32 v29, v8  }
0x8f0: {  	v26 =	vsub.f32 v20, v63;
	v6 =	vmin.f32 v29, v8;
	v7 =	vsel vm10, v13, v9  }
0x8f1: {  	v29 =	vsel vm11, $0x7F7FC99E, v27;
	(xrf1) =	vsort.ascd.msk.f32 $0xffff, v6, v7  }
0x8f2: {  	v58 =	vmul.f32 v26, v26;
	v56 =	vmul.f32 v24, v24;
	(xrf1) =	vsort.ascd.msk.f32 $0xffff, v29, v1;
	v1 =	vld [tilespmem:$0x1FFB0];
	_ =	sdelay $0x1  }
0x8f3: {  	v28 =	vadd.f32 v58, v56;
	_ =	sdelay $0x1  }
0x8f4: {  	v46 =	vsel vm12, $0x7F7FC99E, v28  }
0x8f5: {  	(xrf1) =	vsort.ascd.msk.f32 $0xffff, v46, v1;
	_ =	sdelay $0xb  }
0x8f6: {  	v6, v7, _ =	vpop (xrf1)  }
0x8f7: {  	v56, v58, _ =	vpop (xrf1)  }
0x8f8: {  	v10, v46, _ =	vpop (xrf1)  }
0x8f9: {  	v10 =	vperm.xlane v10, v3  }
0x8fa: {  	v46 =	vperm.xlane v46, v3  }
0x8fb: {  	vm13 =	vle.f32 v56, v10  }
0x8fc: {  	v8 =	vmin.f32 v56, v10;
	v9 =	vsel vm13, v58, v46  }
0x8fd: {  	(xrf1) =	vsort.ascd.msk.f32 $0xffff, v8, v9;
	_ =	sdelay $0x4  }
0x8fe: {  	v1 =	vld [tilespmem:$0x1FFC0]  }
0x8ff: {  	v26 =	vld [tilespmem:$0x1F6F0]  }
0x900: {  	v24 =	vld [tilespmem:$0x1F6D0]  }
0x901: {  	v28 =	vld [tilespmem:$0x1F6E0]  }
0x902: {  	v27 =	vld [tilespmem:$0x1F700]  }
0x903: {  	vm15 =	veq.s32 v61, v1;
	v1 =	vld [tilespmem:$0x1FFD0];
	_ =	sdelay $0x1  }
0x904: {  	v13 =	vsub.f32 v24, v60  }
0x905: {  	v14 =	vsub.f32 v28, v63  }
0x906: {  	v15 =	vsub.f32 v26, v60;
	v29 =	vsub.f32 v27, v63;
	v10 =	vmul.f32 v13, v13;
	v8, v9, _ =	vpop (xrf1)  }
0x907: {  	vm4 =	veq.s32 v61, v1;
	v1 =	vld [tilespmem:$0x1FFC0];
	v46 =	vmul.f32 v14, v14;
	v8 =	vperm.xlane v8, v3  }
0x908: {  	v56 =	vmul.f32 v15, v15;
	v9 =	vperm.xlane v9, v3  }
0x909: {  	v58 =	vmul.f32 v29, v29;
	v46 =	vadd.f32 v46, v10;
	vm14 =	vle.f32 v6, v8  }
0x90a: {  	v6 =	vmin.f32 v6, v8;
	v7 =	vsel vm14, v7, v9  }
0x90b: {  	v56 =	vadd.f32 v58, v56;
	v58 =	vsel vm15, $0x7F7FC99E, v46;
	(xrf1) =	vsort.ascd.msk.f32 $0xffff, v6, v7  }
0x90c: {  	(xrf1) =	vsort.ascd.msk.f32 $0xffff, v58, v1;
	v1 =	vld [tilespmem:$0x1FFD0];
	_ =	sdelay $0x3  }
0x90d: {  	v10 =	vsel vm4, $0x7F7FC99E, v56  }
0x90e: {  	(xrf1) =	vsort.ascd.msk.f32 $0xffff, v10, v1;
	_ =	sdelay $0x5  }
0x90f: {  	v15 =	vld [tilespmem:$0x1F710]  }
0x910: {  	v13 =	vld [tilespmem:$0x1F730]  }
0x911: {  	v29 =	vld [tilespmem:$0x1F720]  }
0x912: {  	v14 =	vld [tilespmem:$0x1F740];
	_ =	sdelay $0x2  }
0x913: {  	v56 =	vsub.f32 v15, v60;
	v60 =	vsub.f32 v13, v60;
	v6, v7, _ =	vpop (xrf1)  }
0x914: {  	v11 =	vsub.f32 v29, v63;
	v8, v9, _ =	vpop (xrf1)  }
0x915: {  	v63 =	vsub.f32 v14, v63;
	v56 =	vmul.f32 v56, v56;
	v60 =	vmul.f32 v60, v60;
	v10, v46, _ =	vpop (xrf1)  }
0x916: {  	v58 =	vmul.f32 v11, v11;
	v10 =	vperm.xlane v10, v3  }
0x917: {  	v63 =	vmul.f32 v63, v63;
	v46 =	vperm.xlane v46, v3  }
0x918: {  	vm6 =	veq.s32 v61, v41;
	v58 =	vadd.f32 v58, v56;
	vm5 =	vle.f32 v8, v10  }
0x919: {  	v63 =	vadd.f32 v63, v60;
	v8 =	vmin.f32 v8, v10;
	v9 =	vsel vm5, v9, v46  }
0x91a: {  	vm7 =	veq.s32 v61, v37;
	v56 =	vsel vm6, $0x7F7FC99E, v58;
	(xrf1) =	vsort.ascd.msk.f32 $0xffff, v8, v9  }
0x91b: {  	v58 =	vsel vm7, $0x7F7FC99E, v63;
	(xrf1) =	vsort.ascd.msk.f32 $0xffff, v56, v41  }
0x91c: {  	(xrf1) =	vsort.ascd.msk.f32 $0xffff, v58, v37;
	_ =	sdelay $0xb  }
0x91d: {  	v8, v9, _ =	vpop (xrf1)  }
0x91e: {  	v60, v63, _ =	vpop (xrf1)  }
0x91f: {  	v56, v58, _ =	vpop (xrf1)  }
0x920: {  	v56 =	vperm.xlane v56, v3  }
0x921: {  	v58 =	vperm.xlane v58, v3  }
0x922: {  	vm8 =	vle.f32 v60, v56  }
0x923: {  	v10 =	vmin.f32 v60, v56;
	v46 =	vsel vm8, v63, v58  }
0x924: {  	(xrf1) =	vsort.ascd.msk.f32 $0xffff, v10, v46;
	_ =	sdelay $0xd  }
0x925: {  	v10, v46, _ =	vpop (xrf1)  }
0x926: {  	v10 =	vperm.xlane v10, v3  }
0x927: {  	v46 =	vperm.xlane v46, v3  }
0x928: {  	vm9 =	vle.f32 v8, v10  }
0x929: {  	v8 =	vmin.f32 v8, v10;
	v9 =	vsel vm9, v9, v46  }
0x92a: {  	(xrf1) =	vsort.ascd.msk.f32 $0xffff, v8, v9;
	_ =	sdelay $0xd  }
0x92b: {  	v8, v9, _ =	vpop (xrf1)  }
0x92c: {  	v8 =	vperm.xlane v8, v3  }
0x92d: {  	v9 =	vperm.xlane v9, v3  }
0x92e: {  	vm10 =	vle.f32 v6, v8  }
0x92f: {  	v6 =	vmin.f32 v6, v8;
	v7 =	vsel vm10, v7, v9  }
0x930: {  	(xrf1) =	vsort.ascd.msk.f32 $0xffff, v6, v7;
	_ =	sdelay $0xd  }
0x931: {  	v6, v7, _ =	vpop (xrf1)  }
0x932: {  	v1 =	vld [tilespmem:$0x1F750];
	v6 =	vperm.xlane v6, v3  }
0x933: {  	v7 =	vperm.xlane v7, v3  }
0x934: {  	vm11 =	vle.f32 v4, v6  }
0x935: {  	s18 =	sadd.s32 $0x3, s18;
	v4 =	vmin.f32 v4, v6;
	v5 =	vsel vm11, v5, v7  }
0x936: {  	(xrf1) =	vsort.ascd.msk.f32 $0xffff, v4, v5;
	v4 =	vmov s18  }
0x937: {  	v56 =	vperm.xlane v1, v4;
	v1 =	vld [tilespmem:$0x1F760];
	_ =	sdelay $0x4  }
0x938: {  	v58 =	vperm.xlane v1, v4;
	v1 =	vld [tilespmem:$0x1F770];
	_ =	sdelay $0x4  }
0x939: {  	v6 =	vsub.f32 v1, v56;
	v1 =	vld [tilespmem:$0x1F780];
	_ =	sdelay $0x4  }
0x93a: {  	v46 =	vsub.f32 v1, v58;
	v1 =	vld [tilespmem:$0x1F790];
	_ =	sdelay $0x4  }
0x93b: {  	v60 =	vsub.f32 v1, v56;
	v1 =	vld [tilespmem:$0x1F7A0];
	_ =	sdelay $0x2  }
0x93c: {  	v4, v5, _ =	vpop (xrf1)  }
0x93d: {  	v4 =	vperm.xlane v4, v3  }
0x93e: {  	v6 =	vmul.f32 v6, v6;
	v63 =	vsub.f32 v1, v58  }
0x93f: {  	v5 =	vperm.xlane v5, v3;
	vm12 =	vle.f32 v52, v4;
	v7 =	vmul.f32 v46, v46  }
0x940: {  	s31 =	sadd.s32 $0x3, s15;
	v4 =	vmin.f32 v52, v4;
	v8 =	vmul.f32 v60, v60;
	v9 =	vmul.f32 v63, v63  }
0x941: {  	v6 =	vadd.f32 v7, v6;
	v1 =	vlaneseq.u32;
	v63 =	vmov s31  }
0x942: {  	v5 =	vsel vm12, v54, v5;
	vm13 =	veq.s32 v63, v1;
	v46 =	vadd.f32 v9, v8  }
0x943: {  	(xrf1) =	vsort.ascd.msk.f32 $0xffff, v4, v5;
	vm14 =	veq.s32 v63, v21;
	v4 =	vsel vm13, $0x7F7FC99E, v6  }
0x944: {  	(xrf1) =	vsort.ascd.msk.f32 $0xffff, v4, v1;
	v4 =	vsel vm14, $0x7F7FC99E, v46  }
0x945: {  	v1 =	vld [tilespmem:$0x1F7B0];
	(xrf1) =	vsort.ascd.msk.f32 $0xffff, v4, v21;
	_ =	sdelay $0x4  }
0x946: {  	v8 =	vsub.f32 v1, v56;
	v1 =	vld [tilespmem:$0x1F7C0];
	_ =	sdelay $0x4  }
0x947: {  	v21 =	vsub.f32 v1, v58;
	v1 =	vld [tilespmem:$0x1F7D0];
	_ =	sdelay $0x1  }
0x948: {  	_, v60, _ =	vpop (xrf1)  }
0x949: {  	v4, v5, _ =	vpop (xrf1)  }
0x94a: {  	v52, v54, _ =	vpop (xrf1)  }
0x94b: {  	v6 =	vperm.xlane v52, v3;
	v52 =	vsub.f32 v1, v56;
	v1 =	vld [tilespmem:$0x1F7E0];
	_ =	sdelay $0x4  }
0x94c: {  	v7 =	vperm.xlane v54, v3;
	v54 =	vsub.f32 v1, v58  }
0x94d: {  	v8 =	vmul.f32 v8, v8;
	v9 =	vmul.f32 v21, v21  }
0x94e: {  	v10 =	vmul.f32 v52, v52;
	v46 =	vmul.f32 v54, v54  }
0x94f: {  	vm4 =	veq.s32 v63, v36;
	v9 =	vadd.f32 v9, v8;
	vm15 =	vle.f32 v4, v6  }
0x950: {  	v4 =	vmin.f32 v4, v6;
	v5 =	vsel vm15, v5, v7;
	v11 =	vadd.f32 v46, v10  }
0x951: {  	vm5 =	veq.s32 v63, v40;
	(xrf1) =	vsort.ascd.msk.f32 $0xffff, v4, v5;
	v4 =	vsel vm4, $0x7F7FC99E, v9  }
0x952: {  	(xrf1) =	vsort.ascd.msk.f32 $0xffff, v4, v36;
	v4 =	vsel vm5, $0x7F7FC99E, v11  }
0x953: {  	(xrf1) =	vsort.ascd.msk.f32 $0xffff, v4, v40;
	_ =	sdelay $0xb  }
0x954: {  	v4, v5, _ =	vpop (xrf1)  }
0x955: {  	v1 =	vld [tilespmem:$0x1F7F0];
	v21, v36, _ =	vpop (xrf1)  }
0x956: {  	v8, v9, _ =	vpop (xrf1)  }
0x957: {  	v8 =	vperm.xlane v8, v3  }
0x958: {  	v9 =	vperm.xlane v9, v3  }
0x959: {  	vm6 =	vle.f32 v21, v8  }
0x95a: {  	v40 =	vsub.f32 v1, v56;
	v1 =	vld [tilespmem:$0x1F800];
	v6 =	vmin.f32 v21, v8;
	v7 =	vsel vm6, v36, v9  }
0x95b: {  	(xrf1) =	vsort.ascd.msk.f32 $0xffff, v6, v7;
	_ =	sdelay $0x3  }
0x95c: {  	v52 =	vsub.f32 v1, v58;
	v1 =	vld [tilespmem:$0x1F810];
	_ =	sdelay $0x4  }
0x95d: {  	v54 =	vsub.f32 v1, v56;
	v1 =	vld [tilespmem:$0x1F820];
	_ =	sdelay $0x4  }
0x95e: {  	v10 =	vmul.f32 v54, v54;
	v21 =	vsub.f32 v1, v58;
	v8 =	vmul.f32 v40, v40;
	v6, v7, _ =	vpop (xrf1)  }
0x95f: {  	v9 =	vmul.f32 v52, v52;
	v6 =	vperm.xlane v6, v3  }
0x960: {  	v46 =	vmul.f32 v21, v21;
	v7 =	vperm.xlane v7, v3  }
0x961: {  	vm8 =	veq.s32 v63, v42;
	v36 =	vadd.f32 v9, v8;
	vm7 =	vle.f32 v4, v6  }
0x962: {  	v40 =	vadd.f32 v46, v10;
	v4 =	vmin.f32 v4, v6;
	v5 =	vsel vm7, v5, v7  }
0x963: {  	vm9 =	veq.s32 v63, v43;
	(xrf1) =	vsort.ascd.msk.f32 $0xffff, v4, v5;
	v4 =	vsel vm8, $0x7F7FC99E, v36  }
0x964: {  	v1 =	vld [tilespmem:$0x1F830];
	(xrf1) =	vsort.ascd.msk.f32 $0xffff, v4, v42;
	v4 =	vsel vm9, $0x7F7FC99E, v40  }
0x965: {  	(xrf1) =	vsort.ascd.msk.f32 $0xffff, v4, v43;
	_ =	sdelay $0x3  }
0x966: {  	v36 =	vsub.f32 v1, v58;
	v1 =	vld [tilespmem:$0x1F840];
	_ =	sdelay $0x4  }
0x967: {  	v40 =	vsub.f32 v1, v56;
	v1 =	vld [tilespmem:$0x1F850];
	_ =	sdelay $0x2  }
0x968: {  	v21 =	vsub.f32 v51, v56;
	v4, v5, _ =	vpop (xrf1)  }
0x969: {  	v43, v7, _ =	vpop (xrf1)  }
0x96a: {  	v10 =	vmul.f32 v21, v21;
	v46 =	vmul.f32 v36, v36;
	v42 =	vsub.f32 v1, v58;
	v8, v9, _ =	vpop (xrf1)  }
0x96b: {  	v52 =	vmul.f32 v40, v40;
	v8 =	vperm.xlane v8, v3  }
0x96c: {  	v54 =	vmul.f32 v42, v42;
	v9 =	vperm.xlane v9, v3  }
0x96d: {  	vm10 =	vle.f32 v43, v8;
	v6 =	vmin.f32 v43, v8;
	v43 =	vadd.f32 v46, v10  }
0x96e: {  	vm11 =	veq.s32 v63, v2;
	v46 =	vadd.f32 v54, v52;
	v7 =	vsel vm10, v7, v9  }
0x96f: {  	vm12 =	veq.s32 v63, v44;
	(xrf1) =	vsort.ascd.msk.f32 $0xffff, v6, v7;
	v51 =	vsel vm11, $0x7F7FC99E, v43  }
0x970: {  	v52 =	vsel vm12, $0x7F7FC99E, v46;
	(xrf1) =	vsort.ascd.msk.f32 $0xffff, v51, v2  }
0x971: {  	(xrf1) =	vsort.ascd.msk.f32 $0xffff, v52, v44;
	_ =	sdelay $0xb  }
0x972: {  	v54, v7, _ =	vpop (xrf1)  }
0x973: {  	v21, v36, _ =	vpop (xrf1)  }
0x974: {  	v10, v46, _ =	vpop (xrf1)  }
0x975: {  	v10 =	vperm.xlane v10, v3  }
0x976: {  	v46 =	vperm.xlane v46, v3  }
0x977: {  	vm13 =	vle.f32 v21, v10  }
0x978: {  	v8 =	vmin.f32 v21, v10;
	v9 =	vsel vm13, v36, v46  }
0x979: {  	(xrf1) =	vsort.ascd.msk.f32 $0xffff, v8, v9;
	_ =	sdelay $0xd  }
0x97a: {  	v8, v9, _ =	vpop (xrf1)  }
0x97b: {  	v1 =	vld [tilespmem:$0x1F860];
	v8 =	vperm.xlane v8, v3  }
0x97c: {  	v9 =	vperm.xlane v9, v3  }
0x97d: {  	vm14 =	vle.f32 v54, v8  }
0x97e: {  	v6 =	vmin.f32 v54, v8;
	v7 =	vsel vm14, v7, v9  }
0x97f: {  	(xrf1) =	vsort.ascd.msk.f32 $0xffff, v6, v7  }
0x980: {  	v42 =	vsub.f32 v1, v58;
	v1 =	vld [tilespmem:$0x1F870];
	_ =	sdelay $0x4  }
0x981: {  	v43 =	vsub.f32 v1, v56;
	v1 =	vld [tilespmem:$0x1F880];
	_ =	sdelay $0x4  }
0x982: {  	v51 =	vsub.f32 v1, v58;
	v1 =	vld [tilespmem:$0x1FE90]  }
0x983: {  	v40 =	vsub.f32 v45, v56;
	_ =	sdelay $0x1  }
0x984: {  	v10 =	vmul.f32 v43, v43;
	v8 =	vmul.f32 v40, v40;
	v6, v7, _ =	vpop (xrf1)  }
0x985: {  	v9 =	vmul.f32 v42, v42;
	v6 =	vperm.xlane v6, v3  }
0x986: {  	vm5 =	veq.s32 v63, v1;
	v1 =	vld [tilespmem:$0x1FE90];
	v46 =	vmul.f32 v51, v51;
	v7 =	vperm.xlane v7, v3  }
0x987: {  	vm4 =	veq.s32 v63, v59;
	v52 =	vadd.f32 v9, v8;
	vm15 =	vle.f32 v4, v6  }
0x988: {  	v54 =	vadd.f32 v46, v10;
	v4 =	vmin.f32 v4, v6;
	v5 =	vsel vm15, v5, v7  }
0x989: {  	(xrf1) =	vsort.ascd.msk.f32 $0xffff, v4, v5;
	v4 =	vsel vm4, $0x7F7FC99E, v52  }
0x98a: {  	(xrf1) =	vsort.ascd.msk.f32 $0xffff, v4, v59;
	v4 =	vsel vm5, $0x7F7FC99E, v54  }
0x98b: {  	(xrf1) =	vsort.ascd.msk.f32 $0xffff, v4, v1;
	v1 =	vld [tilespmem:$0x1F890];
	_ =	sdelay $0x4  }
0x98c: {  	v36 =	vsub.f32 v1, v56;
	v1 =	vld [tilespmem:$0x1F8A0];
	_ =	sdelay $0x4  }
0x98d: {  	v40 =	vsub.f32 v1, v58;
	v1 =	vld [tilespmem:$0x1F8B0];
	_ =	sdelay $0x4  }
0x98e: {  	v43 =	vsub.f32 v1, v58;
	v1 =	vld [tilespmem:$0x1FEA0];
	_ =	sdelay $0x4  }
0x98f: {  	vm7 =	veq.s32 v63, v1;
	v1 =	vld [tilespmem:$0x1FEB0];
	_ =	sdelay $0x1  }
0x990: {  	v4, v5, _ =	vpop (xrf1)  }
0x991: {  	v59, v21, _ =	vpop (xrf1)  }
0x992: {  	v10 =	vmul.f32 v36, v36;
	v8, v9, _ =	vpop (xrf1)  }
0x993: {  	v46 =	vmul.f32 v40, v40;
	v8 =	vperm.xlane v8, v3;
	vm8 =	veq.s32 v63, v1;
	v1 =	vld [tilespmem:$0x1FEA0]  }
0x994: {  	v9 =	vperm.xlane v9, v3  }
0x995: {  	v51 =	vadd.f32 v46, v10;
	vm6 =	vle.f32 v59, v8  }
0x996: {  	v42 =	vsub.f32 v12, v56;
	v6 =	vmin.f32 v59, v8;
	v7 =	vsel vm6, v21, v9  }
0x997: {  	(xrf1) =	vsort.ascd.msk.f32 $0xffff, v6, v7;
	v12 =	vsel vm7, $0x7F7FC99E, v51  }
0x998: {  	v52 =	vmul.f32 v42, v42;
	v54 =	vmul.f32 v43, v43;
	(xrf1) =	vsort.ascd.msk.f32 $0xffff, v12, v1;
	v1 =	vld [tilespmem:$0x1FEB0];
	_ =	sdelay $0x1  }
0x999: {  	v59 =	vadd.f32 v54, v52;
	_ =	sdelay $0x1  }
0x99a: {  	v21 =	vsel vm8, $0x7F7FC99E, v59  }
0x99b: {  	(xrf1) =	vsort.ascd.msk.f32 $0xffff, v21, v1;
	_ =	sdelay $0xb  }
0x99c: {  	v36, v7, _ =	vpop (xrf1)  }
0x99d: {  	v40, v42, _ =	vpop (xrf1)  }
0x99e: {  	v1 =	vld [tilespmem:$0x1F8C0];
	v10, v46, _ =	vpop (xrf1)  }
0x99f: {  	v10 =	vperm.xlane v10, v3  }
0x9a0: {  	v46 =	vperm.xlane v46, v3  }
0x9a1: {  	vm9 =	vle.f32 v40, v10  }
0x9a2: {  	v43 =	vsub.f32 v48, v56;
	v8 =	vmin.f32 v40, v10;
	v9 =	vsel vm9, v42, v46  }
0x9a3: {  	v48 =	vsub.f32 v49, v58;
	v49 =	vsub.f32 v1, v56;
	v1 =	vld [tilespmem:$0x1F8D0];
	(xrf1) =	vsort.ascd.msk.f32 $0xffff, v8, v9;
	_ =	sdelay $0x4  }
0x9a4: {  	v59 =	vsub.f32 v1, v58;
	v1 =	vld [tilespmem:$0x1FEC0];
	_ =	sdelay $0x4  }
0x9a5: {  	vm11 =	veq.s32 v63, v1;
	v1 =	vld [tilespmem:$0x1FED0];
	_ =	sdelay $0x3  }
0x9a6: {  	v10 =	vmul.f32 v43, v43;
	v8, v9, _ =	vpop (xrf1)  }
0x9a7: {  	v46 =	vmul.f32 v48, v48;
	vm12 =	veq.s32 v63, v1;
	v1 =	vld [tilespmem:$0x1FEC0];
	v8 =	vperm.xlane v8, v3  }
0x9a8: {  	v9 =	vperm.xlane v9, v3  }
0x9a9: {  	v12 =	vadd.f32 v46, v10;
	vm10 =	vle.f32 v36, v8  }
0x9aa: {  	v6 =	vmin.f32 v36, v8;
	v7 =	vsel vm10, v7, v9  }
0x9ab: {  	v36 =	vsel vm11, $0x7F7FC99E, v12;
	(xrf1) =	vsort.ascd.msk.f32 $0xffff, v6, v7  }
0x9ac: {  	v52 =	vmul.f32 v49, v49;
	v54 =	vmul.f32 v59, v59;
	(xrf1) =	vsort.ascd.msk.f32 $0xffff, v36, v1;
	v1 =	vld [tilespmem:$0x1FED0];
	_ =	sdelay $0x1  }
0x9ad: {  	v21 =	vadd.f32 v54, v52;
	_ =	sdelay $0x1  }
0x9ae: {  	v40 =	vsel vm12, $0x7F7FC99E, v21  }
0x9af: {  	(xrf1) =	vsort.ascd.msk.f32 $0xffff, v40, v1;
	v1 =	vld [tilespmem:$0x1F8E0];
	_ =	sdelay $0x4  }
0x9b0: {  	v48 =	vsub.f32 v1, v56;
	v1 =	vld [tilespmem:$0x1F8F0];
	_ =	sdelay $0x4  }
0x9b1: {  	v49 =	vsub.f32 v1, v58;
	v1 =	vld [tilespmem:$0x1F900];
	_ =	sdelay $0x4  }
0x9b2: {  	v59 =	vsub.f32 v1, v56;
	v1 =	vld [tilespmem:$0x1FEE0];
	_ =	sdelay $0x1  }
0x9b3: {  	v62 =	vsub.f32 v62, v58;
	v6, v7, _ =	vpop (xrf1)  }
0x9b4: {  	v42, v43, _ =	vpop (xrf1)  }
0x9b5: {  	v12 =	vmul.f32 v62, v62;
	v52 =	vmul.f32 v48, v48;
	v10, v46, _ =	vpop (xrf1)  }
0x9b6: {  	v54 =	vmul.f32 v49, v49;
	v10 =	vperm.xlane v10, v3;
	vm14 =	veq.s32 v63, v1;
	v1 =	vld [tilespmem:$0x1FEE0]  }
0x9b7: {  	v46 =	vperm.xlane v46, v3;
	v11 =	vmul.f32 v59, v59  }
0x9b8: {  	v21 =	vadd.f32 v54, v52;
	vm13 =	vle.f32 v42, v10  }
0x9b9: {  	v8 =	vmin.f32 v42, v10;
	v9 =	vsel vm13, v43, v46;
	v11 =	vadd.f32 v12, v11  }
0x9ba: {  	vm15 =	veq.s32 v63, v34;
	(xrf1) =	vsort.ascd.msk.f32 $0xffff, v8, v9;
	v36 =	vsel vm14, $0x7F7FC99E, v21  }
0x9bb: {  	v40 =	vsel vm15, $0x7F7FC99E, v11;
	(xrf1) =	vsort.ascd.msk.f32 $0xffff, v36, v1  }
0x9bc: {  	(xrf1) =	vsort.ascd.msk.f32 $0xffff, v40, v34;
	_ =	sdelay $0xb  }
0x9bd: {  	v42, v9, _ =	vpop (xrf1)  }
0x9be: {  	v43, v48, _ =	vpop (xrf1)  }
0x9bf: {  	v51, v49, _ =	vpop (xrf1)  }
0x9c0: {  	v12 =	vperm.xlane v51, v3  }
0x9c1: {  	v46 =	vperm.xlane v49, v3  }
0x9c2: {  	vm4 =	vle.f32 v43, v12  }
0x9c3: {  	v10 =	vmin.f32 v43, v12;
	v11 =	vsel vm4, v48, v46  }
0x9c4: {  	(xrf1) =	vsort.ascd.msk.f32 $0xffff, v10, v11;
	_ =	sdelay $0xd  }
0x9c5: {  	v10, v11, _ =	vpop (xrf1)  }
0x9c6: {  	v10 =	vperm.xlane v10, v3  }
0x9c7: {  	v11 =	vperm.xlane v11, v3  }
0x9c8: {  	vm5 =	vle.f32 v42, v10  }
0x9c9: {  	v8 =	vmin.f32 v42, v10;
	v9 =	vsel vm5, v9, v11  }
0x9ca: {  	(xrf1) =	vsort.ascd.msk.f32 $0xffff, v8, v9;
	_ =	sdelay $0xd  }
0x9cb: {  	v8, v9, _ =	vpop (xrf1)  }
0x9cc: {  	v1 =	vld [tilespmem:$0x1F910];
	v8 =	vperm.xlane v8, v3  }
0x9cd: {  	v9 =	vperm.xlane v9, v3  }
0x9ce: {  	vm6 =	vle.f32 v6, v8  }
0x9cf: {  	v6 =	vmin.f32 v6, v8;
	v7 =	vsel vm6, v7, v9  }
0x9d0: {  	(xrf1) =	vsort.ascd.msk.f32 $0xffff, v6, v7  }
0x9d1: {  	v54 =	vsub.f32 v1, v58;
	v1 =	vld [tilespmem:$0x1F920];
	_ =	sdelay $0x4  }
0x9d2: {  	v59 =	vsub.f32 v1, v56;
	v1 =	vld [tilespmem:$0x1F930];
	_ =	sdelay $0x4  }
0x9d3: {  	v62 =	vsub.f32 v1, v58;
	v1 =	vld [tilespmem:$0x1FF10]  }
0x9d4: {  	v52 =	vsub.f32 v47, v56;
	_ =	sdelay $0x1  }
0x9d5: {  	v10 =	vmul.f32 v59, v59;
	v8 =	vmul.f32 v52, v52;
	v6, v7, _ =	vpop (xrf1)  }
0x9d6: {  	v9 =	vmul.f32 v54, v54;
	v6 =	vperm.xlane v6, v3  }
0x9d7: {  	vm9 =	veq.s32 v63, v1;
	v1 =	vld [tilespmem:$0x1FF10];
	v11 =	vmul.f32 v62, v62;
	v7 =	vperm.xlane v7, v3  }
0x9d8: {  	vm8 =	veq.s32 v63, v23;
	v12 =	vadd.f32 v9, v8;
	vm7 =	vle.f32 v4, v6  }
0x9d9: {  	v21 =	vadd.f32 v11, v10;
	v4 =	vmin.f32 v4, v6;
	v5 =	vsel vm7, v5, v7  }
0x9da: {  	(xrf1) =	vsort.ascd.msk.f32 $0xffff, v4, v5;
	v4 =	vsel vm8, $0x7F7FC99E, v12  }
0x9db: {  	(xrf1) =	vsort.ascd.msk.f32 $0xffff, v4, v23;
	v4 =	vsel vm9, $0x7F7FC99E, v21  }
0x9dc: {  	(xrf1) =	vsort.ascd.msk.f32 $0xffff, v4, v1;
	v1 =	vld [tilespmem:$0x1F940];
	_ =	sdelay $0x4  }
0x9dd: {  	v36 =	vsub.f32 v1, v56;
	v1 =	vld [tilespmem:$0x1F950];
	_ =	sdelay $0x4  }
0x9de: {  	v40 =	vsub.f32 v1, v58;
	v1 =	vld [tilespmem:$0x1FF20];
	_ =	sdelay $0x1  }
0x9df: {  	v42 =	vsub.f32 v25, v56;
	v54, v52, _ =	vpop (xrf1)  }
0x9e0: {  	v4, v5, _ =	vpop (xrf1)  }
0x9e1: {  	v43 =	vsub.f32 v50, v58;
	v10 =	vmul.f32 v42, v42;
	v8 =	vmul.f32 v36, v36;
	v23, v34, _ =	vpop (xrf1)  }
0x9e2: {  	v9 =	vmul.f32 v40, v40;
	v6 =	vperm.xlane v23, v3;
	vm11 =	veq.s32 v63, v1;
	v1 =	vld [tilespmem:$0x1FF20]  }
0x9e3: {  	v11 =	vmul.f32 v43, v43;
	v7 =	vperm.xlane v34, v3  }
0x9e4: {  	v44 =	vadd.f32 v9, v8;
	vm10 =	vle.f32 v4, v6  }
0x9e5: {  	v45 =	vadd.f32 v11, v10;
	v4 =	vmin.f32 v4, v6;
	v5 =	vsel vm10, v5, v7  }
0x9e6: {  	vm12 =	veq.s32 v63, v32;
	(xrf1) =	vsort.ascd.msk.f32 $0xffff, v4, v5;
	v4 =	vsel vm11, $0x7F7FC99E, v44  }
0x9e7: {  	(xrf1) =	vsort.ascd.msk.f32 $0xffff, v4, v1;
	v4 =	vsel vm12, $0x7F7FC99E, v45  }
0x9e8: {  	(xrf1) =	vsort.ascd.msk.f32 $0xffff, v4, v32;
	_ =	sdelay $0xb  }
0x9e9: {  	v4, v5, _ =	vpop (xrf1)  }
0x9ea: {  	v46, v47, _ =	vpop (xrf1)  }
0x9eb: {  	v8, v9, _ =	vpop (xrf1)  }
0x9ec: {  	v8 =	vperm.xlane v8, v3  }
0x9ed: {  	v9 =	vperm.xlane v9, v3  }
0x9ee: {  	vm13 =	vle.f32 v46, v8  }
0x9ef: {  	v6 =	vmin.f32 v46, v8;
	v7 =	vsel vm13, v47, v9  }
0x9f0: {  	(xrf1) =	vsort.ascd.msk.f32 $0xffff, v6, v7  }
0x9f1: {  	v1 =	vld [tilespmem:$0x1F960];
	_ =	sdelay $0x4  }
0x9f2: {  	v50 =	vsub.f32 v1, v56;
	v1 =	vld [tilespmem:$0x1F970];
	_ =	sdelay $0x4  }
0x9f3: {  	v51 =	vsub.f32 v1, v58;
	v1 =	vld [tilespmem:$0x1FF50]  }
0x9f4: {  	v48 =	vsub.f32 v53, v56  }
0x9f5: {  	v49 =	vsub.f32 v55, v58  }
0x9f6: {  	v10 =	vmul.f32 v50, v50;
	v8 =	vmul.f32 v48, v48;
	v6, v7, _ =	vpop (xrf1)  }
0x9f7: {  	v9 =	vmul.f32 v49, v49;
	v6 =	vperm.xlane v6, v3  }
0x9f8: {  	v11 =	vmul.f32 v51, v51;
	vm4 =	veq.s32 v63, v1;
	v1 =	vld [tilespmem:$0x1FF50];
	v7 =	vperm.xlane v7, v3  }
0x9f9: {  	vm15 =	veq.s32 v63, v57;
	v53 =	vadd.f32 v9, v8;
	vm14 =	vle.f32 v4, v6  }
0x9fa: {  	v55 =	vadd.f32 v11, v10;
	v4 =	vmin.f32 v4, v6;
	v5 =	vsel vm14, v5, v7  }
0x9fb: {  	(xrf1) =	vsort.ascd.msk.f32 $0xffff, v4, v5;
	v4 =	vsel vm15, $0x7F7FC99E, v53  }
0x9fc: {  	(xrf1) =	vsort.ascd.msk.f32 $0xffff, v4, v57;
	v4 =	vsel vm4, $0x7F7FC99E, v55  }
0x9fd: {  	(xrf1) =	vsort.ascd.msk.f32 $0xffff, v4, v1;
	v1 =	vld [tilespmem:$0x1F980];
	_ =	sdelay $0x4  }
0x9fe: {  	v62 =	vsub.f32 v1, v56;
	v1 =	vld [tilespmem:$0x1F990];
	_ =	sdelay $0x4  }
0x9ff: {  	v23 =	vsub.f32 v1, v56;
	v1 =	vld [tilespmem:$0x1F9A0];
	_ =	sdelay $0x4  }
0xa00: {  	v25 =	vsub.f32 v1, v58;
	v1 =	vld [tilespmem:$0x1FF60];
	_ =	sdelay $0x1  }
0xa01: {  	v21 =	vsub.f32 v31, v58;
	v4, v5, _ =	vpop (xrf1)  }
0xa02: {  	v57, v59, _ =	vpop (xrf1)  }
0xa03: {  	v11 =	vmul.f32 v21, v21;
	v10 =	vmul.f32 v62, v62;
	v8, v9, _ =	vpop (xrf1)  }
0xa04: {  	v12 =	vmul.f32 v23, v23;
	v8 =	vperm.xlane v8, v3;
	vm6 =	veq.s32 v63, v1;
	v1 =	vld [tilespmem:$0x1FF60]  }
0xa05: {  	v9 =	vperm.xlane v9, v3;
	v46 =	vmul.f32 v25, v25  }
0xa06: {  	v31 =	vadd.f32 v11, v10;
	vm5 =	vle.f32 v57, v8  }
0xa07: {  	v6 =	vmin.f32 v57, v8;
	v7 =	vsel vm5, v59, v9;
	v32 =	vadd.f32 v46, v12  }
0xa08: {  	vm7 =	veq.s32 v63, v38;
	(xrf1) =	vsort.ascd.msk.f32 $0xffff, v6, v7;
	v34 =	vsel vm6, $0x7F7FC99E, v31  }
0xa09: {  	v36 =	vsel vm7, $0x7F7FC99E, v32;
	(xrf1) =	vsort.ascd.msk.f32 $0xffff, v34, v1  }
0xa0a: {  	(xrf1) =	vsort.ascd.msk.f32 $0xffff, v36, v38;
	_ =	sdelay $0xb  }
0xa0b: {  	v40, v7, _ =	vpop (xrf1)  }
0xa0c: {  	v42, v43, _ =	vpop (xrf1)  }
0xa0d: {  	v10, v11, _ =	vpop (xrf1)  }
0xa0e: {  	v10 =	vperm.xlane v10, v3  }
0xa0f: {  	v11 =	vperm.xlane v11, v3  }
0xa10: {  	vm8 =	vle.f32 v42, v10  }
0xa11: {  	v8 =	vmin.f32 v42, v10;
	v9 =	vsel vm8, v43, v11  }
0xa12: {  	(xrf1) =	vsort.ascd.msk.f32 $0xffff, v8, v9;
	_ =	sdelay $0xd  }
0xa13: {  	v8, v9, _ =	vpop (xrf1)  }
0xa14: {  	v8 =	vperm.xlane v8, v3  }
0xa15: {  	v9 =	vperm.xlane v9, v3  }
0xa16: {  	vm9 =	vle.f32 v40, v8  }
0xa17: {  	v6 =	vmin.f32 v40, v8;
	v7 =	vsel vm9, v7, v9  }
0xa18: {  	(xrf1) =	vsort.ascd.msk.f32 $0xffff, v6, v7;
	_ =	sdelay $0xa  }
0xa19: {  	v1 =	vld [tilespmem:$0x1FF90]  }
0xa1a: {  	v2 =	vsub.f32 v16, v58;
	v44 =	vsub.f32 v17, v56  }
0xa1b: {  	v45 =	vsub.f32 v18, v58  }
0xa1c: {  	v2 =	vmul.f32 v2, v2;
	v47 =	vsub.f32 v30, v56;
	v8 =	vmul.f32 v44, v44;
	v6, v7, _ =	vpop (xrf1)  }
0xa1d: {  	v9 =	vmul.f32 v45, v45;
	v6 =	vperm.xlane v6, v3  }
0xa1e: {  	vm12 =	veq.s32 v63, v1;
	v1 =	vld [tilespmem:$0x1FF90];
	v10 =	vmul.f32 v47, v47;
	v7 =	vperm.xlane v7, v3  }
0xa1f: {  	vm11 =	veq.s32 v63, v39;
	v48 =	vadd.f32 v9, v8;
	vm10 =	vle.f32 v4, v6  }
0xa20: {  	v2 =	vadd.f32 v2, v10;
	v4 =	vmin.f32 v4, v6;
	v5 =	vsel vm10, v5, v7  }
0xa21: {  	(xrf1) =	vsort.ascd.msk.f32 $0xffff, v4, v5;
	v4 =	vsel vm11, $0x7F7FC99E, v48  }
0xa22: {  	v2 =	vsel vm12, $0x7F7FC99E, v2;
	(xrf1) =	vsort.ascd.msk.f32 $0xffff, v4, v39  }
0xa23: {  	(xrf1) =	vsort.ascd.msk.f32 $0xffff, v2, v1;
	_ =	sdelay $0x9  }
0xa24: {  	v1 =	vld [tilespmem:$0x1FFA0];
	_ =	sdelay $0x1  }
0xa25: {  	v55 =	vsub.f32 v22, v58;
	v59 =	vsub.f32 v20, v58;
	v2, v4, _ =	vpop (xrf1)  }
0xa26: {  	v53 =	vsub.f32 v33, v56;
	v5, v49, _ =	vpop (xrf1)  }
0xa27: {  	v57 =	vsub.f32 v19, v56;
	v46 =	vld [tilespmem:$0x1FFB0];
	v12 =	vmul.f32 v59, v59;
	v10 =	vmul.f32 v55, v55;
	v51, v50, _ =	vpop (xrf1)  }
0xa28: {  	v9 =	vmul.f32 v53, v53;
	vm14 =	veq.s32 v63, v1;
	v1 =	vld [tilespmem:$0x1FFA0];
	v7 =	vperm.xlane v51, v3  }
0xa29: {  	v11 =	vmul.f32 v57, v57;
	v8 =	vperm.xlane v50, v3  }
0xa2a: {  	v62 =	vadd.f32 v10, v9;
	vm13 =	vle.f32 v5, v7  }
0xa2b: {  	v16 =	vadd.f32 v12, v11;
	v5 =	vmin.f32 v5, v7;
	v6 =	vsel vm13, v49, v8  }
0xa2c: {  	vm15 =	veq.s32 v63, v46;
	(xrf1) =	vsort.ascd.msk.f32 $0xffff, v5, v6;
	v5 =	vsel vm14, $0x7F7FC99E, v62  }
0xa2d: {  	(xrf1) =	vsort.ascd.msk.f32 $0xffff, v5, v1;
	v5 =	vsel vm15, $0x7F7FC99E, v16  }
0xa2e: {  	(xrf1) =	vsort.ascd.msk.f32 $0xffff, v5, v46;
	_ =	sdelay $0xb  }
0xa2f: {  	v5, v6, _ =	vpop (xrf1)  }
0xa30: {  	v17, v18, _ =	vpop (xrf1)  }
0xa31: {  	v9, v10, _ =	vpop (xrf1)  }
0xa32: {  	v9 =	vperm.xlane v9, v3  }
0xa33: {  	v10 =	vperm.xlane v10, v3  }
0xa34: {  	vm4 =	vle.f32 v17, v9  }
0xa35: {  	v7 =	vmin.f32 v17, v9;
	v8 =	vsel vm4, v18, v10  }
0xa36: {  	(xrf1) =	vsort.ascd.msk.f32 $0xffff, v7, v8;
	_ =	sdelay $0xa  }
0xa37: {  	v21 =	vsub.f32 v26, v56  }
0xa38: {  	v22 =	vsub.f32 v27, v58;
	v19 =	vsub.f32 v24, v56  }
0xa39: {  	v20 =	vsub.f32 v28, v58;
	v11 =	vmul.f32 v21, v21;
	v45 =	vld [tilespmem:$0x1FFC0]  }
0xa3a: {  	v47 =	vld [tilespmem:$0x1FFD0];
	v12 =	vmul.f32 v22, v22;
	v9 =	vmul.f32 v19, v19;
	v7, v8, _ =	vpop (xrf1)  }
0xa3b: {  	v10 =	vmul.f32 v20, v20;
	v7 =	vperm.xlane v7, v3  }
0xa3c: {  	v8 =	vperm.xlane v8, v3  }
0xa3d: {  	v24 =	vadd.f32 v12, v11;
	v23 =	vadd.f32 v10, v9;
	vm5 =	vle.f32 v5, v7  }
0xa3e: {  	vm6 =	veq.s32 v63, v45;
	v5 =	vmin.f32 v5, v7;
	v6 =	vsel vm5, v6, v8  }
0xa3f: {  	vm7 =	veq.s32 v63, v47;
	(xrf1) =	vsort.ascd.msk.f32 $0xffff, v5, v6;
	v5 =	vsel vm6, $0x7F7FC99E, v23  }
0xa40: {  	(xrf1) =	vsort.ascd.msk.f32 $0xffff, v5, v45;
	v5 =	vsel vm7, $0x7F7FC99E, v24  }
0xa41: {  	(xrf1) =	vsort.ascd.msk.f32 $0xffff, v5, v47;
	_ =	sdelay $0xb  }
0xa42: {  	v29 =	vsub.f32 v29, v58;
	v31 =	vsub.f32 v14, v58;
	v5, v6, _ =	vpop (xrf1)  }
0xa43: {  	v27 =	vsub.f32 v15, v56;
	v25, v26, _ =	vpop (xrf1)  }
0xa44: {  	v28 =	vsub.f32 v13, v56;
	v34 =	vmul.f32 v29, v29;
	v36 =	vmul.f32 v31, v31;
	v11, v12, _ =	vpop (xrf1)  }
0xa45: {  	v9 =	vmul.f32 v27, v27;
	v11 =	vperm.xlane v11, v3  }
0xa46: {  	v10 =	vmul.f32 v28, v28;
	v12 =	vperm.xlane v12, v3  }
0xa47: {  	vm9 =	veq.s32 v63, v41;
	v9 =	vadd.f32 v34, v9;
	vm8 =	vle.f32 v25, v11  }
0xa48: {  	v10 =	vadd.f32 v36, v10;
	v7 =	vmin.f32 v25, v11;
	v8 =	vsel vm8, v26, v12  }
0xa49: {  	vm10 =	veq.s32 v63, v37;
	v40 =	vsel vm9, $0x7F7FC99E, v9;
	(xrf1) =	vsort.ascd.msk.f32 $0xffff, v7, v8  }
0xa4a: {  	(xrf1) =	vsort.ascd.msk.f32 $0xffff, v40, v41;
	v41 =	vsel vm10, $0x7F7FC99E, v10  }
0xa4b: {  	(xrf1) =	vsort.ascd.msk.f32 $0xffff, v41, v37;
	_ =	sdelay $0xb  }
0xa4c: {  	v43, v8, _ =	vpop (xrf1)  }
0xa4d: {  	v44, v48, _ =	vpop (xrf1)  }
0xa4e: {  	v49, v50, _ =	vpop (xrf1)  }
0xa4f: {  	v11 =	vperm.xlane v49, v3  }
0xa50: {  	v12 =	vperm.xlane v50, v3  }
0xa51: {  	vm11 =	vle.f32 v44, v11  }
0xa52: {  	v9 =	vmin.f32 v44, v11;
	v10 =	vsel vm11, v48, v12  }
0xa53: {  	(xrf1) =	vsort.ascd.msk.f32 $0xffff, v9, v10;
	_ =	sdelay $0xd  }
0xa54: {  	v9, v10, _ =	vpop (xrf1)  }
0xa55: {  	v9 =	vperm.xlane v9, v3  }
0xa56: {  	v10 =	vperm.xlane v10, v3  }
0xa57: {  	vm12 =	vle.f32 v43, v9  }
0xa58: {  	v7 =	vmin.f32 v43, v9;
	v8 =	vsel vm12, v8, v10  }
0xa59: {  	(xrf1) =	vsort.ascd.msk.f32 $0xffff, v7, v8;
	_ =	sdelay $0xd  }
0xa5a: {  	v7, v8, _ =	vpop (xrf1)  }
0xa5b: {  	v7 =	vperm.xlane v7, v3  }
0xa5c: {  	v8 =	vperm.xlane v8, v3  }
0xa5d: {  	vm13 =	vle.f32 v5, v7  }
0xa5e: {  	v5 =	vmin.f32 v5, v7;
	v6 =	vsel vm13, v6, v8  }
0xa5f: {  	(xrf1) =	vsort.ascd.msk.f32 $0xffff, v5, v6;
	_ =	sdelay $0xd  }
0xa60: {  	v5, v6, _ =	vpop (xrf1)  }
0xa61: {  	v5 =	vperm.xlane v5, v3  }
0xa62: {  	v6 =	vperm.xlane v6, v3  }
0xa63: {  	vm14 =	vle.f32 v2, v5  }
0xa64: {  	v2 =	vmin.f32 v2, v5;
	v4 =	vsel vm14, v4, v6  }
0xa65: {  	(xrf1) =	vsort.ascd.msk.f32 $0xffff, v2, v4;
	_ =	sdelay $0xd  }
0xa66: {  	v2, v4, _ =	vpop (xrf1)  }
0xa67: {  	v2 =	vperm.xlane v2, v3  }
0xa68: {  	v4 =	vperm.xlane v4, v3  }
0xa69: {  	vm15 =	vle.f32 v54, v2  }
0xa6a: {  	v2 =	vmin.f32 v54, v2;
	v4 =	vsel vm15, v52, v4  }
0xa6b: {  	(xrf1) =	vsort.ascd.msk.f32 $0xffff, v2, v4  }
0xa6c: {  	v1 =	vld [tilespmem:$0x1F9B0];
	_ =	sdelay $0x4  }
0xa6d: {  	v2 =	vand.u32 $0x1F, v1;
	v4 =	vshll.u32 v1, $0x4;
	v1 =	vld [tilespmem:$0x1F9C0];
	_ =	sdelay $0x1  }
0xa6e: {  	v30 =	vimm.s32 $0x1;
	v56 =	vshll.u32 v61, $0x4  }
0xa6f: {  	v59 =	vshll.u32 v63, $0x4;
	v55 =	vshll.u32 v60, $0x4;
	v51 =	vshll.u32 v35, $0x4  }
0xa70: {  	v11 =	vand.u32 $0x1E00, v56;
	v10 =	vand.u32 $0xFFFFFE00, v55;
	v4 =	vand.u32 $0xFFFFFE00, v4  }
0xa71: {  	v6 =	vand.u32 $0x1E00, v51;
	v4 =	vor.u32 s15, v4;
	v53 =	vshll.u32 v1, $0x4  }
0xa72: {  	v6 =	vor.u32 s15, v6;
	v54 =	vshll.u32 v0, $0x4;
	v8 =	vand.u32 $0xFFFFFE00, v53  }
0xa73: {  	v5 =	vand.u32 $0x1C, v35;
	v9 =	vand.u32 $0x1E00, v54;
	v8 =	vor.u32 s29, v8  }
0xa74: {  	v10 =	vor.u32 s30, v10;
	v5 =	vshll.u32 v30, v5;
	v9 =	vor.u32 s29, v9;
	_, v57, _ =	vpop (xrf1)  }
0xa75: {  	v0 =	vand.u32 $0x1D, v0;
	v2 =	vshll.u32 v30, v2;
	v58 =	vshll.u32 v57, $0x4  }
0xa76: {  	v52 =	vand.u32 $0x1F, v1;
	[tilespmem:v4+s11+$0x0] =	vst.idx.add.s32.msk $0xffff, v2;
	v2 =	vor.u32 s30, v11;
	v4 =	vand.u32 $0xFFFFFE00, v58  }
0xa77: {  	v7 =	vshll.u32 v30, v52;
	[tilespmem:v6+s11+$0x0] =	vst.idx.add.s32.msk $0x1, v5;
	v5 =	vand.u32 $0x1E00, v59;
	v4 =	vor.u32 s31, v4  }
0xa78: {  	p0 =	slt.u32 s15, $0x1FC;
	v60 =	vand.u32 $0x1F, v60;
	v0 =	vshll.u32 v30, v0;
	v5 =	vor.u32 s31, v5;
	[tilespmem:v8+s11+$0x0] =	vst.idx.add.s32.msk $0xffff, v7  }
.Ltmp3:
0xa79: {  	v61 =	vand.u32 $0x1E, v61;
	[tilespmem:v9+s11+$0x0] =	vst.idx.add.s32.msk $0x1, v0;
	v0 =	vshll.u32 v30, v60;
	(pc) =	sbr.rel @p0 .LBB2_8-.Ltmp3, $4  }
0xa7a: {  	[tilespmem:v10+s11+$0x0] =	vst.idx.add.s32.msk $0xffff, v0;
	v0 =	vshll.u32 v30, v61;
	v62 =	vand.u32 $0x1F, v57  }
0xa7b: {  	[tilespmem:v2+s11+$0x0] =	vst.idx.add.s32.msk $0x1, v0;
	v2 =	vand.u32 $0x1F, v63;
	v0 =	vshll.u32 v30, v62  }
0xa7c: {  	[tilespmem:v4+s11+$0x0] =	vst.idx.add.s32.msk $0xffff, v0;
	v0 =	vshll.u32 v30, v2  }
0xa7d: {  	s15 =	sadd.s32 $0x4, s15;
	[tilespmem:v5+s11+$0x0] =	vst.idx.add.s32.msk $0x1, v0  }
0xa7e: {  	s14 =	sadd.s32 $0x1, s14  }
0xa7f: {  	p0 =	sne.s32 s14, s9  }
.Ltmp4:
0xa80: {  	_ = 	snop;
	(pc) =	sbr.rel @p0 .LBB2_1-.Ltmp4, $4  }
0xa81: {  	[hbm4b:s8+s10] =	stream.strided.scatter [tilespmem:s11], [sflag:$0x1], $0x2000, s11, s10, $0x38;
	[tilespmem:$0x2400] =	vst v63  }
0xa82: {  	_ =	swait.ge [sflag:s12], $0x2000  }
0xa83: {  	[sflag:s12] =	ssyncset.done $0x0;
	v4 =	vld [tilespmem:$0x1FFF0]  }
0xa84: {  	v1 =	vimm.s32 $0x0;
	v31 =	vld [tilespmem:$0x1FFE0];
	[sflag:s12] =	ssyncadd.s32 $0xFFFFE000  }
0xa85: {  	_ =	sfence.sel $0x180000  }
0xa86: {  	[bflag:$0x0] =	sbarrier.arrive $0xFFFF  }
0xa87: {  	p0 =	sne.s32 s1, $0x0;
	_ =	strace $0x90000047  }
0xa88: {  	s0 =	sadd.s32 @!p0 $0x100000, s0;
	[bflag:$0x2] =	sbarrier.arrive $0xFFFF  }
0xa89: {  	[sflag:s0] =	ssyncadd.tile.s32 @!p0 $0x1;
	_ =	shalt  }
.Lfunc_end2:
_tile_overlayer_lowered:
.L_overlay_start_2:
0xa8a: {  	(tag) =	ssettag $0x2  }
0xa8b: {  	s0 =	rddreg [dreg:$0x0];
	s2 =	stileid.u32  }
0xa8c: {  	s1 =	rddreg [dreg:$0x1];
	p0 =	sne.s32 s2, $0x0  }
0xa8d: {  	s3 =	rddreg [dreg:$0x2];
	[bflag:$0x3] =	sbarrier.arrive $0xFFFF;
	s2 =	simm.s32 @!p0 $0x1C01  }
0xa8e: {  	[timem:s3], [sflag:s2] =	dma.local @!p0 [hbm:s0], s1  }
0xa8f: {  	s0 =	simm.s32 @!p0 $0x1  }
0xa90: {  	_ =	swait.ge @!p0 [sflag:s0], s1  }
0xa91: {  	s1 =	ssub.s32 @!p0 $0x0, s1;
	[sflag:s0] =	ssyncset.done @!p0 $0x0  }
0xa92: {  	[sflag:s0] =	ssyncadd.s32 @!p0 s1  }
0xa93: {  	[bflag:$0x3] =	sbarrier.arrive $0xFFFF  }
0xa94: {  	_ =	shalt  }

</sc_bundles>
